<compile_context>
chip_gen: v7x
topology: tpu7x:2x2x1
jax: 0.10.2.dev20260603
libtpu: 0.0.44.dev20260713+nightly
codegen_flags: <defaults>
</compile_context>

<pallas_src>
import jax
import jax.numpy as jnp
from jax import lax
from jax.experimental import pallas as pl
from jax.experimental.pallas import tpu as pltpu
from jax.experimental.pallas import tpu_sc as plsc

_N = 10000
_M = 5000
_P = 320000
_C1 = 128
_HEADS = 4
_CH = 32
_NCLS = 40
_NEG = 0.2

_NC = 2
_NS = 16
_NW = _NC * _NS
_K1, _GRP1, _NGRP1 = 100, 20, 5
_K2, _GRP2, _NGRP2 = 125, 80, 1

_MP = 5120
_NP = 10240
_B = 512

_D1 = 144
_D2 = 48


def _seg_sum_sc(table, gidx, sidx, n_dst_pad, D, K, grp, ngrp, nbuf=2):
    rpt = n_dst_pad // _NS
    mesh = plsc.VectorSubcoreMesh(core_axis_name="c", subcore_axis_name="s",
                                  num_cores=_NC, num_subcores=_NS)

    def body(table_hbm, gidx_hbm, sidx_hbm, out_hbm, *scr):
        gv, sv = scr[0], scr[1]
        bufs = scr[2:2 + nbuf]
        zb, acc = scr[2 + nbuf], scr[3 + nbuf]
        sems = scr[4 + nbuf:4 + 2 * nbuf]
        sem_z = scr[4 + 2 * nbuf]
        c = lax.axis_index("c")
        s = lax.axis_index("s")
        wid = c * _NS + s

        def zrow(r, carry):
            for cc in range(D // 16):
                zb[r, pl.ds(cc * 16, 16)] = jnp.zeros((16,), jnp.float32)
            return carry
        lax.fori_loop(0, 16, zrow, 0)

        def zacc(k, carry):
            pltpu.async_copy(zb, acc.at[pl.ds(s * rpt + k * 16, 16)], sem_z)
            return carry
        lax.fori_loop(0, rpt // 16, zacc, 0)

        def gstart(j, buf, sem):
            pltpu.async_copy(table_hbm.at[gv.at[j]], buf, sem)

        def gwait(j, buf, sem):
            pltpu.make_async_copy(table_hbm.at[gv.at[j]], buf, sem).wait()

        pltpu.sync_copy(gidx_hbm.at[wid, 0], gv)
        pltpu.sync_copy(sidx_hbm.at[wid, 0], sv)
        for b in range(nbuf - 1):
            gstart(b, bufs[b], sems[b])

        def zwait(k, carry):
            pltpu.make_async_copy(zb, acc.at[pl.ds(s * rpt, 16)],
                                  sem_z).wait()
            return carry
        lax.fori_loop(0, rpt // 16, zwait, 0)
        plsc.subcore_barrier()

        def group(g, carry):
            @pl.when(g > 0)
            def _():
                pltpu.sync_copy(gidx_hbm.at[wid, g], gv)
                pltpu.sync_copy(sidx_hbm.at[wid, g], sv)
                for b in range(nbuf - 1):
                    gstart(b, bufs[b], sems[b])

            def step(i, carry2):
                for b in range(nbuf):
                    j = i * nbuf + b
                    gstart(j + nbuf - 1, bufs[(b + nbuf - 1) % nbuf],
                           sems[(b + nbuf - 1) % nbuf])
                    gwait(j, bufs[b], sems[b])
                    pltpu.sync_copy(bufs[b], acc.at[sv.at[j]], add=True)
                return carry2
            lax.fori_loop(0, grp // nbuf - 1, step, 0)

            for b in range(nbuf):
                j = grp - nbuf + b
                if b == 0:
                    gstart(grp - 1, bufs[nbuf - 1], sems[nbuf - 1])
                gwait(j, bufs[b], sems[b])
                pltpu.sync_copy(bufs[b], acc.at[sv.at[j]], add=True)
            return carry
        lax.fori_loop(0, ngrp, group, 0)
        plsc.subcore_barrier()

        pltpu.sync_copy(acc.at[pl.ds(s * rpt, rpt)],
                        out_hbm.at[pl.ds(c * n_dst_pad + s * rpt, rpt)])

    fn = pl.kernel(
        body,
        out_type=jax.ShapeDtypeStruct((_NC * n_dst_pad, D), jnp.float32),
        mesh=mesh,
        scratch_types=(
            [pltpu.VMEM((grp, K), jnp.int32),
             pltpu.VMEM((grp, K), jnp.int32)]
            + [pltpu.VMEM((K, D), jnp.float32)] * nbuf
            + [pltpu.VMEM((16, D), jnp.float32),
               pltpu.VMEM_SHARED((n_dst_pad, D), jnp.float32)]
            + [pltpu.SemaphoreType.DMA] * (nbuf + 1)
        ),
        compiler_params=pltpu.CompilerParams(use_tc_tiling_on_sc=False),
    )
    return fn(table, gidx, sidx)


def _lrelu(x):
    return jnp.where(x >= 0, x, _NEG * x)


def _elu(x):
    return jnp.where(x > 0, x, jnp.exp(jnp.minimum(x, 0.0)) - 1.0)


def _xform1(X_pad, Wc, bc):
    def body(x_ref, w_ref, b_ref, o_ref):
        xt = jnp.dot(x_ref[...], w_ref[...],
                     preferred_element_type=jnp.float32) + b_ref[...][None, :]
        o_ref[:, :_C1] = xt
        ii = lax.broadcasted_iota(jnp.int32, (_B, _D1 - _C1), 1)
        o_ref[:, _C1:] = jnp.where(ii == 0, 1.0, 0.0)

    return pl.pallas_call(
        body,
        grid=(_NP // _B,),
        in_specs=[
            pl.BlockSpec((_B, _C1), lambda j: (j, 0)),
            pl.BlockSpec((_C1, _C1), lambda j: (0, 0)),
            pl.BlockSpec((_C1,), lambda j: (0,)),
        ],
        out_specs=pl.BlockSpec((_B, _D1), lambda j: (j, 0)),
        out_shape=jax.ShapeDtypeStruct((_NP, _D1), jnp.float32),
    )(X_pad, Wc, bc)


def _edge_combined1(P1, ae):
    nb = _MP // _B

    def body(p0_ref, p1_ref, ae_ref, yhat_ref, d_ref, m_ref):
        p_idx = pl.program_id(0)
        j = pl.program_id(1)

        @pl.when(jnp.logical_and(p_idx == 0, j == 0))
        def _():
            m_ref[...] = jnp.zeros((1, _HEADS), jnp.float32)

        p = p0_ref[...] + p1_ref[...]
        degc = jnp.clip(p[:, _C1], 1.0, None)
        d_ref[:, 0] = degc
        y = p[:, :_C1] / degc[:, None]
        sc = _lrelu(jnp.dot(y, ae_ref[...],
                            preferred_element_type=jnp.float32))
        m_ref[...] = jnp.maximum(m_ref[...], jnp.max(sc, axis=0)[None, :])
        om_blk = jnp.exp(sc - m_ref[...])
        for h in range(_HEADS):
            yhat_ref[:, _CH * h:_CH * (h + 1)] = (
                y[:, _CH * h:_CH * (h + 1)] * om_blk[:, h][:, None])
        ii = lax.broadcasted_iota(jnp.int32, (_B, _D1 - _C1), 1)
        pad = jnp.zeros((_B, _D1 - _C1), jnp.float32)
        for h in range(_HEADS):
            pad = jnp.where(ii == h, om_blk[:, h][:, None], pad)
        yhat_ref[:, _C1:] = pad

    return pl.pallas_call(
        body,
        grid=(2, nb),
        in_specs=[
            pl.BlockSpec((_B, _D1), lambda p, j: (j, 0)),
            pl.BlockSpec((_B, _D1), lambda p, j, nb=nb: (nb + j, 0)),
            pl.BlockSpec((_C1, _HEADS), lambda p, j: (0, 0)),
        ],
        out_specs=[
            pl.BlockSpec((_B, _D1), lambda p, j: (j, 0)),
            pl.BlockSpec((_B, 1), lambda p, j: (j, 0)),
        ],
        out_shape=[
            jax.ShapeDtypeStruct((_MP, _D1), jnp.float32),
            jax.ShapeDtypeStruct((_MP, 1), jnp.float32),
        ],
        scratch_shapes=[pltpu.VMEM((1, _HEADS), jnp.float32)],
    )(P1, P1, ae)


def _xform2(P2, Wo, bo):
    def body(p0_ref, p1_ref, w_ref, b_ref, o_ref):
        p = p0_ref[...] + p1_ref[...]
        cols = []
        for h in range(_HEADS):
            s = p[:, _C1 + h]
            u = p[:, _CH * h:_CH * (h + 1)]
            cols.append(_elu(u / (s + 1e-12)[:, None]))
        hfeat = jnp.concatenate(cols, axis=1)
        zt = jnp.dot(hfeat, w_ref[...],
                     preferred_element_type=jnp.float32) + b_ref[...][None, :]
        o_ref[:, :_NCLS] = zt
        o_ref[:, _NCLS:] = jnp.zeros((_B, _D2 - _NCLS), jnp.float32)

    nb = _NP // _B
    return pl.pallas_call(
        body,
        grid=(nb,),
        in_specs=[
            pl.BlockSpec((_B, _D1), lambda j: (j, 0)),
            pl.BlockSpec((_B, _D1), lambda j, nb=nb: (nb + j, 0)),
            pl.BlockSpec((_C1, _NCLS), lambda j: (0, 0)),
            pl.BlockSpec((_NCLS,), lambda j: (0,)),
        ],
        out_specs=pl.BlockSpec((_B, _D2), lambda j: (j, 0)),
        out_shape=jax.ShapeDtypeStruct((_NP, _D2), jnp.float32),
    )(P2, P2, Wo, bo)


def _edge_combined2(P3, degc, aeo):
    nb = _MP // _B

    def body(p0_ref, p1_ref, d_ref, ae_ref, yhat_ref, m_ref):
        p_idx = pl.program_id(0)
        j = pl.program_id(1)

        @pl.when(jnp.logical_and(p_idx == 0, j == 0))
        def _():
            m_ref[...] = jnp.zeros((1, 1), jnp.float32)

        p = p0_ref[...] + p1_ref[...]
        y = p[:, :_NCLS] / d_ref[...]
        sc = _lrelu(jnp.dot(y, ae_ref[...],
                            preferred_element_type=jnp.float32))
        m_ref[...] = jnp.maximum(m_ref[...], jnp.max(sc, axis=0)[None, :])
        om_col = jnp.exp(sc - m_ref[...])
        yhat_ref[:, :_NCLS] = y * om_col
        ii = lax.broadcasted_iota(jnp.int32, (_B, _D2 - _NCLS), 1)
        yhat_ref[:, _NCLS:] = jnp.where(ii == 0, om_col, 0.0)

    return pl.pallas_call(
        body,
        grid=(2, nb),
        in_specs=[
            pl.BlockSpec((_B, _D2), lambda p, j: (j, 0)),
            pl.BlockSpec((_B, _D2), lambda p, j, nb=nb: (nb + j, 0)),
            pl.BlockSpec((_B, 1), lambda p, j: (j, 0)),
            pl.BlockSpec((_NCLS, 1), lambda p, j: (0, 0)),
        ],
        out_specs=pl.BlockSpec((_B, _D2), lambda p, j: (j, 0)),
        out_shape=jax.ShapeDtypeStruct((_MP, _D2), jnp.float32),
        scratch_shapes=[pltpu.VMEM((1, 1), jnp.float32)],
    )(P3, P3, degc, aeo)


def _finalize(P4):
    def body(p0_ref, p1_ref, o_ref):
        p = p0_ref[...] + p1_ref[...]
        s = p[:, _NCLS]
        o_ref[...] = _elu(p[:, :_NCLS] / (s + 1e-12)[:, None])

    nb = _NP // _B
    return pl.pallas_call(
        body,
        grid=(nb,),
        in_specs=[
            pl.BlockSpec((_B, _D2), lambda j: (j, 0)),
            pl.BlockSpec((_B, _D2), lambda j, nb=nb: (nb + j, 0)),
        ],
        out_specs=pl.BlockSpec((_B, _NCLS), lambda j: (j, 0)),
        out_shape=jax.ShapeDtypeStruct((_NP, _NCLS), jnp.float32),
    )(P4, P4)


def kernel(X, W, b, ae, Wo, bo, aeo, v_ids, e_ids):
    Wc = W.transpose(1, 0, 2).reshape(_C1, _C1)
    bc = b.reshape(_C1)
    ae_mat = jnp.zeros((_C1, _HEADS), jnp.float32)
    for h in range(_HEADS):
        ae_mat = ae_mat.at[_CH * h:_CH * (h + 1), h].set(ae[h])
    aeo_mat = aeo[:, None]
    v1 = v_ids.reshape(_NW, _NGRP1, _GRP1, _K1)
    e1 = e_ids.reshape(_NW, _NGRP1, _GRP1, _K1)
    v2 = v_ids.reshape(_NW, _NGRP2, _GRP2, _K2)
    e2 = e_ids.reshape(_NW, _NGRP2, _GRP2, _K2)
    X_pad = jnp.pad(X, ((0, _NP - _N), (0, 0)))

    Xt_aug = _xform1(X_pad, Wc, bc)
    P1 = _seg_sum_sc(Xt_aug, v1, e1, _MP, _D1, _K1, _GRP1, _NGRP1)
    Yhat1, degc = _edge_combined1(P1, ae_mat)
    P2 = _seg_sum_sc(Yhat1, e1, v1, _NP, _D1, _K1, _GRP1, _NGRP1)

    Zt2_aug = _xform2(P2, Wo, bo)
    P3 = _seg_sum_sc(Zt2_aug, v2, e2, _MP, _D2, _K2, _GRP2, _NGRP2, nbuf=4)
    Yhat2 = _edge_combined2(P3, degc, aeo_mat)
    P4 = _seg_sum_sc(Yhat2, e2, v2, _NP, _D2, _K2, _GRP2, _NGRP2, nbuf=4)

    out = _finalize(P4)
    return out[:_N]

# --- scband reference (transcript-rebuilt; emitter-appended) ---
"""Pipeline reference for scband-uni-gat-21131239096594 (READ-ONLY COPY).

The authoritative reference and input builder live on the scoring server;
editing this copy changes nothing except your own understanding.
"""

import jax, jax.numpy as jnp
import numpy as np

N = 10000       # vertices
M = 5000        # hyperedges
P = 320000      # incidence pairs (vertex, hyperedge)
C_IN = 128
C_HID = 32
HEADS = 4
N_CLASSES = 40
NEG_SLOPE = 0.2


def leaky_relu(x):
    return jnp.where(x >= 0, x, NEG_SLOPE * x)


def segment_softmax(w, seg, num_segments):
    m = jax.ops.segment_max(w, seg, num_segments=num_segments)
    m = jnp.where(jnp.isfinite(m), m, 0.0)
    ex = jnp.exp(w - m[seg])
    s = jax.ops.segment_sum(ex, seg, num_segments=num_segments)
    return ex / (s[seg] + 1e-12)


def unigat_conv(X, W, b, a_e, v_ids, e_ids):
    # theta
    Xt = X @ W + b
    # hg.v2e(X, aggr='mean'): mean of member vertex features per hyperedge
    ones = jnp.ones((v_ids.shape[0],), dtype=Xt.dtype)
    deg_e = jax.ops.segment_sum(ones, e_ids, num_segments=M)
    Y = jax.ops.segment_sum(Xt[v_ids], e_ids, num_segments=M) / jnp.clip(deg_e, 1.0, None)[:, None]
    # alpha_e = atten_e(Y); gather per incidence pair by source hyperedge (hg.e2v_src)
    alpha_e = Y @ a_e                        # [M]
    score = leaky_relu(alpha_e[e_ids])       # [P]; dropout is identity in eval
    # hg.e2v(Y, aggr='softmax_then_sum', e2v_weight=score)
    attn = segment_softmax(score, v_ids, N)  # softmax over hyperedges incident to each vertex
    out = jax.ops.segment_sum(attn[:, None] * Y[e_ids], v_ids, num_segments=N)
    # is_last=False for every layer in this model (incl. out_layer) -> ELU, no BN (use_bn=False)
    return jax.nn.elu(out)


def setup_inputs(seed: int = 0) -> dict:
    key = jax.random.key(seed)
    ks = jax.random.split(key, 9)
    X = jax.random.normal(ks[0], (N, C_IN), dtype=jnp.float32)
    v_ids = jax.random.randint(ks[1], (P,), 0, N, dtype=jnp.int32)
    e_ids = jax.random.randint(ks[2], (P,), 0, M, dtype=jnp.int32)
    s1 = 1.0 / np.sqrt(C_IN)
    W = jax.random.uniform(ks[3], (HEADS, C_IN, C_HID), jnp.float32, -s1, s1)
    b = jax.random.uniform(ks[4], (HEADS, C_HID), jnp.float32, -s1, s1)
    sh = 1.0 / np.sqrt(C_HID)
    ae = jax.random.uniform(ks[5], (HEADS, C_HID), jnp.float32, -sh, sh)
    s2 = 1.0 / np.sqrt(C_HID * HEADS)
    Wo = jax.random.uniform(ks[6], (C_HID * HEADS, N_CLASSES), jnp.float32, -s2, s2)
    bo = jax.random.uniform(ks[7], (N_CLASSES,), jnp.float32, -s2, s2)
    so = 1.0 / np.sqrt(N_CLASSES)
    aeo = jax.random.uniform(ks[8], (N_CLASSES,), jnp.float32, -so, so)
    return {"X": X, "W": W, "b": b, "ae": ae, "Wo": Wo, "bo": bo, "aeo": aeo,
            "v_ids": v_ids, "e_ids": e_ids}


def reference(X, W, b, ae, Wo, bo, aeo, v_ids, e_ids):
    # drop_layer is identity in eval mode
    heads = [unigat_conv(X, W[h], b[h], ae[h], v_ids, e_ids) for h in range(HEADS)]
    H = jnp.concatenate(heads, axis=1)  # MultiHeadWrapper 'concat'
    out = unigat_conv(H, Wo, bo, aeo, v_ids, e_ids)
    return out

if __name__ == "__main__":
    import jax
    _d = setup_inputs()
    print(jax.jit(kernel)(*tuple(_d.values())))

</pallas_src>

<mosaic_0001>
#map = affine_map<(d0, d1) -> (0, 0)>
#map1 = affine_map<(d0, d1) -> (0, 0, 0, 0)>
module attributes {stable_mosaic.version = 14 : i64} {
  func.func @body(%arg0: i32, %arg1: i32, %arg2: memref<5120x144xf32, #tpu.memory_space<hbm>>, %arg3: memref<32x5x20x100xi32, #tpu.memory_space<hbm>>, %arg4: memref<32x5x20x100xi32, #tpu.memory_space<hbm>>, %arg5: memref<20480x144xf32, #tpu.memory_space<hbm>>, %arg6: memref<20x100xi32, #tpu.memory_space<vmem>>, %arg7: memref<20x100xi32, #tpu.memory_space<vmem>>, %arg8: memref<100x144xf32, #tpu.memory_space<vmem>>, %arg9: memref<100x144xf32, #tpu.memory_space<vmem>>, %arg10: memref<16x144xf32, #tpu.memory_space<vmem>>, %arg11: memref<10240x144xf32, #tpu.memory_space<vmem_shared>>, %arg12: memref<!tpu.dma_semaphore, #tpu.memory_space<semaphore_mem>>, %arg13: memref<!tpu.dma_semaphore, #tpu.memory_space<semaphore_mem>>, %arg14: memref<!tpu.dma_semaphore, #tpu.memory_space<semaphore_mem>>) attributes {dimension_semantics = [#tpu.dimension_semantics<core_parallel>, #tpu.dimension_semantics<subcore_parallel>], iteration_bounds = array<i64: 2, 16>, scalar_prefetch = 0 : i64, scratch_operands = 9 : i64, tpu.core_type = #tpu.core_type<sc_vector_subcore>, window_params = [{transform_indices = #map}, {transform_indices = #map1}, {transform_indices = #map1}, {transform_indices = #map}]} {
    %mul3A = arith.constant 16 : i32
    %mul3A_0 = arith.muli %arg0, %mul3A : i32
    %add3A = arith.addi %mul3A_0, %arg1 : i32
    %scan3A = arith.constant 0 : i32
    %scan3A_1 = arith.constant 0 : i32
    %scan3A_2 = arith.constant 16 : i32
    %scan3A_3 = arith.addi %scan3A_1, %scan3A_2 : i32
    %scan3A_4 = arith.constant 1 : i32
    scf.for %scan3A_39 = %scan3A_1 to %scan3A_3 step %scan3A_4  : i32 {
      %broadcast_in_dim3A = arith.constant 0.000000e+00 : f32
      %broadcast_in_dim3A_40 = vector.broadcast %broadcast_in_dim3A : f32 to vector<16xf32>
      %swap3A = arith.index_cast %scan3A_39 : i32 to index
      %swap3A_41 = arith.constant 0 : index
      %swap3A_42 = tpu.vector_load %arg10[%swap3A, %swap3A_41] {strides = array<i32>} : memref<16x144xf32, #tpu.memory_space<vmem>>, vector<1x16xf32>,
      %swap3A_43 = vector.shape_cast %swap3A_42 : vector<1x16xf32> to vector<16xf32>
      %swap3A_44 = vector.shape_cast %broadcast_in_dim3A_40 : vector<16xf32> to vector<1x16xf32>
      tpu.vector_store %arg10[%swap3A, %swap3A_41], %swap3A_44 {strides = array<i32>} : memref<16x144xf32, #tpu.memory_space<vmem>>, vector<1x16xf32>,
      %broadcast_in_dim3A_45 = arith.constant 0.000000e+00 : f32
      %broadcast_in_dim3A_46 = vector.broadcast %broadcast_in_dim3A_45 : f32 to vector<16xf32>
      %swap3A_47 = arith.index_cast %scan3A_39 : i32 to index
      %swap3A_48 = arith.constant 16 : index
      %swap3A_49 = tpu.vector_load %arg10[%swap3A_47, %swap3A_48] {strides = array<i32>} : memref<16x144xf32, #tpu.memory_space<vmem>>, vector<1x16xf32>,
      %swap3A_50 = vector.shape_cast %swap3A_49 : vector<1x16xf32> to vector<16xf32>
      %swap3A_51 = vector.shape_cast %broadcast_in_dim3A_46 : vector<16xf32> to vector<1x16xf32>
      tpu.vector_store %arg10[%swap3A_47, %swap3A_48], %swap3A_51 {strides = array<i32>} : memref<16x144xf32, #tpu.memory_space<vmem>>, vector<1x16xf32>,
      %broadcast_in_dim3A_52 = arith.constant 0.000000e+00 : f32
      %broadcast_in_dim3A_53 = vector.broadcast %broadcast_in_dim3A_52 : f32 to vector<16xf32>
      %swap3A_54 = arith.index_cast %scan3A_39 : i32 to index
      %swap3A_55 = arith.constant 32 : index
      %swap3A_56 = tpu.vector_load %arg10[%swap3A_54, %swap3A_55] {strides = array<i32>} : memref<16x144xf32, #tpu.memory_space<vmem>>, vector<1x16xf32>,
      %swap3A_57 = vector.shape_cast %swap3A_56 : vector<1x16xf32> to vector<16xf32>
      %swap3A_58 = vector.shape_cast %broadcast_in_dim3A_53 : vector<16xf32> to vector<1x16xf32>
      tpu.vector_store %arg10[%swap3A_54, %swap3A_55], %swap3A_58 {strides = array<i32>} : memref<16x144xf32, #tpu.memory_space<vmem>>, vector<1x16xf32>,
      %broadcast_in_dim3A_59 = arith.constant 0.000000e+00 : f32
      %broadcast_in_dim3A_60 = vector.broadcast %broadcast_in_dim3A_59 : f32 to vector<16xf32>
      %swap3A_61 = arith.index_cast %scan3A_39 : i32 to index
      %swap3A_62 = arith.constant 48 : index
      %swap3A_63 = tpu.vector_load %arg10[%swap3A_61, %swap3A_62] {strides = array<i32>} : memref<16x144xf32, #tpu.memory_space<vmem>>, vector<1x16xf32>,
      %swap3A_64 = vector.shape_cast %swap3A_63 : vector<1x16xf32> to vector<16xf32>
      %swap3A_65 = vector.shape_cast %broadcast_in_dim3A_60 : vector<16xf32> to vector<1x16xf32>
      tpu.vector_store %arg10[%swap3A_61, %swap3A_62], %swap3A_65 {strides = array<i32>} : memref<16x144xf32, #tpu.memory_space<vmem>>, vector<1x16xf32>,
      %broadcast_in_dim3A_66 = arith.constant 0.000000e+00 : f32
      %broadcast_in_dim3A_67 = vector.broadcast %broadcast_in_dim3A_66 : f32 to vector<16xf32>
      %swap3A_68 = arith.index_cast %scan3A_39 : i32 to index
      %swap3A_69 = arith.constant 64 : index
      %swap3A_70 = tpu.vector_load %arg10[%swap3A_68, %swap3A_69] {strides = array<i32>} : memref<16x144xf32, #tpu.memory_space<vmem>>, vector<1x16xf32>,
      %swap3A_71 = vector.shape_cast %swap3A_70 : vector<1x16xf32> to vector<16xf32>
      %swap3A_72 = vector.shape_cast %broadcast_in_dim3A_67 : vector<16xf32> to vector<1x16xf32>
      tpu.vector_store %arg10[%swap3A_68, %swap3A_69], %swap3A_72 {strides = array<i32>} : memref<16x144xf32, #tpu.memory_space<vmem>>, vector<1x16xf32>,
      %broadcast_in_dim3A_73 = arith.constant 0.000000e+00 : f32
      %broadcast_in_dim3A_74 = vector.broadcast %broadcast_in_dim3A_73 : f32 to vector<16xf32>
      %swap3A_75 = arith.index_cast %scan3A_39 : i32 to index
      %swap3A_76 = arith.constant 80 : index
      %swap3A_77 = tpu.vector_load %arg10[%swap3A_75, %swap3A_76] {strides = array<i32>} : memref<16x144xf32, #tpu.memory_space<vmem>>, vector<1x16xf32>,
      %swap3A_78 = vector.shape_cast %swap3A_77 : vector<1x16xf32> to vector<16xf32>
      %swap3A_79 = vector.shape_cast %broadcast_in_dim3A_74 : vector<16xf32> to vector<1x16xf32>
      tpu.vector_store %arg10[%swap3A_75, %swap3A_76], %swap3A_79 {strides = array<i32>} : memref<16x144xf32, #tpu.memory_space<vmem>>, vector<1x16xf32>,
      %broadcast_in_dim3A_80 = arith.constant 0.000000e+00 : f32
      %broadcast_in_dim3A_81 = vector.broadcast %broadcast_in_dim3A_80 : f32 to vector<16xf32>
      %swap3A_82 = arith.index_cast %scan3A_39 : i32 to index
      %swap3A_83 = arith.constant 96 : index
      %swap3A_84 = tpu.vector_load %arg10[%swap3A_82, %swap3A_83] {strides = array<i32>} : memref<16x144xf32, #tpu.memory_space<vmem>>, vector<1x16xf32>,
      %swap3A_85 = vector.shape_cast %swap3A_84 : vector<1x16xf32> to vector<16xf32>
      %swap3A_86 = vector.shape_cast %broadcast_in_dim3A_81 : vector<16xf32> to vector<1x16xf32>
      tpu.vector_store %arg10[%swap3A_82, %swap3A_83], %swap3A_86 {strides = array<i32>} : memref<16x144xf32, #tpu.memory_space<vmem>>, vector<1x16xf32>,
      %broadcast_in_dim3A_87 = arith.constant 0.000000e+00 : f32
      %broadcast_in_dim3A_88 = vector.broadcast %broadcast_in_dim3A_87 : f32 to vector<16xf32>
      %swap3A_89 = arith.index_cast %scan3A_39 : i32 to index
      %swap3A_90 = arith.constant 112 : index
      %swap3A_91 = tpu.vector_load %arg10[%swap3A_89, %swap3A_90] {strides = array<i32>} : memref<16x144xf32, #tpu.memory_space<vmem>>, vector<1x16xf32>,
      %swap3A_92 = vector.shape_cast %swap3A_91 : vector<1x16xf32> to vector<16xf32>
      %swap3A_93 = vector.shape_cast %broadcast_in_dim3A_88 : vector<16xf32> to vector<1x16xf32>
      tpu.vector_store %arg10[%swap3A_89, %swap3A_90], %swap3A_93 {strides = array<i32>} : memref<16x144xf32, #tpu.memory_space<vmem>>, vector<1x16xf32>,
      %broadcast_in_dim3A_94 = arith.constant 0.000000e+00 : f32
      %broadcast_in_dim3A_95 = vector.broadcast %broadcast_in_dim3A_94 : f32 to vector<16xf32>
      %swap3A_96 = arith.index_cast %scan3A_39 : i32 to index
      %swap3A_97 = arith.constant 128 : index
      %swap3A_98 = tpu.vector_load %arg10[%swap3A_96, %swap3A_97] {strides = array<i32>} : memref<16x144xf32, #tpu.memory_space<vmem>>, vector<1x16xf32>,
      %swap3A_99 = vector.shape_cast %swap3A_98 : vector<1x16xf32> to vector<16xf32>
      %swap3A_100 = vector.shape_cast %broadcast_in_dim3A_95 : vector<16xf32> to vector<1x16xf32>
      tpu.vector_store %arg10[%swap3A_96, %swap3A_97], %swap3A_100 {strides = array<i32>} : memref<16x144xf32, #tpu.memory_space<vmem>>, vector<1x16xf32>,
    }
    %scan3A_5 = arith.constant 16 : i32
    %scan3A_6 = arith.constant 0 : i32
    %scan3A_7 = arith.constant 0 : i32
    %scan3A_8 = arith.constant 40 : i32
    %scan3A_9 = arith.addi %scan3A_7, %scan3A_8 : i32
    %scan3A_10 = arith.constant 1 : i32
    scf.for %scan3A_39 = %scan3A_7 to %scan3A_9 step %scan3A_10  : i32 {
      %mul3A_40 = arith.constant 640 : i32
      %mul3A_41 = arith.muli %arg1, %mul3A_40 : i32
      %mul3A_42 = arith.constant 16 : i32
      %mul3A_43 = arith.muli %scan3A_39, %mul3A_42 : i32
      %add3A_44 = arith.addi %mul3A_41, %mul3A_43 : i32
      %dma_start3A_45 = arith.constant 0 : i32
      %dma_start3A_46 = tpu.memref_slice %arg11[%add3A_44, %dma_start3A_45] : memref<10240x144xf32, #tpu.memory_space<vmem_shared>> -> memref<16x144xf32, #tpu.memory_space<vmem_shared>>
      %dma_start3A_47 = arith.constant 0 : i32
      %dma_start3A_48 = tpu.memref_slice %arg11[%add3A_44, %dma_start3A_47] : memref<10240x144xf32, #tpu.memory_space<vmem_shared>> -> memref<16x144xf32, #tpu.memory_space<vmem_shared>>
      tpu.enqueue_dma source(%arg10 : memref<16x144xf32, #tpu.memory_space<vmem>>) target(%dma_start3A_48 : memref<16x144xf32, #tpu.memory_space<vmem_shared>>) target_semaphore(%arg14 : memref<!tpu.dma_semaphore, #tpu.memory_space<semaphore_mem>>)
    }
    %scan3A_11 = arith.constant 40 : i32
    %run_scoped3A = arith.constant 0 : i32
    "tpu.region"() ({
      %run_scoped3A_39 = tpu.sem_alloc : memref<!tpu.dma_semaphore, #tpu.memory_space<semaphore_mem>>
      %dma_start3A_40 = arith.constant 0 : i32
      %dma_start3A_41 = arith.constant 0 : i32
      %dma_start3A_42 = tpu.memref_slice %arg3[%add3A, %run_scoped3A, %dma_start3A_40, %dma_start3A_41] : memref<32x5x20x100xi32, #tpu.memory_space<hbm>> -> memref<1x1x20x100xi32, #tpu.memory_space<hbm>>
      %dma_start3A_43 = tpu.memref_squeeze %dma_start3A_42 : memref<1x1x20x100xi32, #tpu.memory_space<hbm>> -> memref<20x100xi32, #tpu.memory_space<hbm>>
      %dma_start3A_44 = arith.constant 0 : i32
      %dma_start3A_45 = arith.constant 0 : i32
      %dma_start3A_46 = tpu.memref_slice %arg3[%add3A, %run_scoped3A, %dma_start3A_44, %dma_start3A_45] : memref<32x5x20x100xi32, #tpu.memory_space<hbm>> -> memref<1x1x20x100xi32, #tpu.memory_space<hbm>>
      %dma_start3A_47 = tpu.memref_squeeze %dma_start3A_46 : memref<1x1x20x100xi32, #tpu.memory_space<hbm>> -> memref<20x100xi32, #tpu.memory_space<hbm>>
      tpu.enqueue_dma source(%dma_start3A_47 : memref<20x100xi32, #tpu.memory_space<hbm>>) target(%arg6 : memref<20x100xi32, #tpu.memory_space<vmem>>) target_semaphore(%run_scoped3A_39 : memref<!tpu.dma_semaphore, #tpu.memory_space<semaphore_mem>>)
      %dma_wait3A = arith.constant 0 : i32
      %dma_wait3A_48 = arith.constant 0 : i32
      %dma_wait3A_49 = tpu.memref_slice %arg3[%add3A, %run_scoped3A, %dma_wait3A, %dma_wait3A_48] : memref<32x5x20x100xi32, #tpu.memory_space<hbm>> -> memref<1x1x20x100xi32, #tpu.memory_space<hbm>>
      %dma_wait3A_50 = tpu.memref_squeeze %dma_wait3A_49 : memref<1x1x20x100xi32, #tpu.memory_space<hbm>> -> memref<20x100xi32, #tpu.memory_space<hbm>>
      %dma_wait3A_51 = arith.constant 0 : i32
      %dma_wait3A_52 = arith.constant 0 : i32
      %dma_wait3A_53 = tpu.memref_slice %arg3[%add3A, %run_scoped3A, %dma_wait3A_51, %dma_wait3A_52] : memref<32x5x20x100xi32, #tpu.memory_space<hbm>> -> memref<1x1x20x100xi32, #tpu.memory_space<hbm>>
      %dma_wait3A_54 = tpu.memref_squeeze %dma_wait3A_53 : memref<1x1x20x100xi32, #tpu.memory_space<hbm>> -> memref<20x100xi32, #tpu.memory_space<hbm>>
      tpu.wait_dma2 semaphore(%run_scoped3A_39 : memref<!tpu.dma_semaphore, #tpu.memory_space<semaphore_mem>>) src(%dma_wait3A_54 : memref<20x100xi32, #tpu.memory_space<hbm>>) dst(%arg6 : memref<20x100xi32, #tpu.memory_space<vmem>>)
      tpu.yield
    }) : () -> ()
    %run_scoped3A_12 = arith.constant 0 : i32
    "tpu.region"() ({
      %run_scoped3A_39 = tpu.sem_alloc : memref<!tpu.dma_semaphore, #tpu.memory_space<semaphore_mem>>
      %dma_start3A_40 = arith.constant 0 : i32
      %dma_start3A_41 = arith.constant 0 : i32
      %dma_start3A_42 = tpu.memref_slice %arg4[%add3A, %run_scoped3A_12, %dma_start3A_40, %dma_start3A_41] : memref<32x5x20x100xi32, #tpu.memory_space<hbm>> -> memref<1x1x20x100xi32, #tpu.memory_space<hbm>>
      %dma_start3A_43 = tpu.memref_squeeze %dma_start3A_42 : memref<1x1x20x100xi32, #tpu.memory_space<hbm>> -> memref<20x100xi32, #tpu.memory_space<hbm>>
      %dma_start3A_44 = arith.constant 0 : i32
      %dma_start3A_45 = arith.constant 0 : i32
      %dma_start3A_46 = tpu.memref_slice %arg4[%add3A, %run_scoped3A_12, %dma_start3A_44, %dma_start3A_45] : memref<32x5x20x100xi32, #tpu.memory_space<hbm>> -> memref<1x1x20x100xi32, #tpu.memory_space<hbm>>
      %dma_start3A_47 = tpu.memref_squeeze %dma_start3A_46 : memref<1x1x20x100xi32, #tpu.memory_space<hbm>> -> memref<20x100xi32, #tpu.memory_space<hbm>>
      tpu.enqueue_dma source(%dma_start3A_47 : memref<20x100xi32, #tpu.memory_space<hbm>>) target(%arg7 : memref<20x100xi32, #tpu.memory_space<vmem>>) target_semaphore(%run_scoped3A_39 : memref<!tpu.dma_semaphore, #tpu.memory_space<semaphore_mem>>)
      %dma_wait3A = arith.constant 0 : i32
      %dma_wait3A_48 = arith.constant 0 : i32
      %dma_wait3A_49 = tpu.memref_slice %arg4[%add3A, %run_scoped3A_12, %dma_wait3A, %dma_wait3A_48] : memref<32x5x20x100xi32, #tpu.memory_space<hbm>> -> memref<1x1x20x100xi32, #tpu.memory_space<hbm>>
      %dma_wait3A_50 = tpu.memref_squeeze %dma_wait3A_49 : memref<1x1x20x100xi32, #tpu.memory_space<hbm>> -> memref<20x100xi32, #tpu.memory_space<hbm>>
      %dma_wait3A_51 = arith.constant 0 : i32
      %dma_wait3A_52 = arith.constant 0 : i32
      %dma_wait3A_53 = tpu.memref_slice %arg4[%add3A, %run_scoped3A_12, %dma_wait3A_51, %dma_wait3A_52] : memref<32x5x20x100xi32, #tpu.memory_space<hbm>> -> memref<1x1x20x100xi32, #tpu.memory_space<hbm>>
      %dma_wait3A_54 = tpu.memref_squeeze %dma_wait3A_53 : memref<1x1x20x100xi32, #tpu.memory_space<hbm>> -> memref<20x100xi32, #tpu.memory_space<hbm>>
      tpu.wait_dma2 semaphore(%run_scoped3A_39 : memref<!tpu.dma_semaphore, #tpu.memory_space<semaphore_mem>>) src(%dma_wait3A_54 : memref<20x100xi32, #tpu.memory_space<hbm>>) dst(%arg7 : memref<20x100xi32, #tpu.memory_space<vmem>>)
      tpu.yield
    }) : () -> ()
    %dma_start3A = arith.constant 0 : i32
    %dma_start3A_13 = arith.constant 0 : i32
    %dma_start3A_14 = tpu.memref_slice %arg6[%dma_start3A, %dma_start3A_13] : memref<20x100xi32, #tpu.memory_space<vmem>> -> memref<1x100xi32, #tpu.memory_space<vmem>>
    %dma_start3A_15 = tpu.memref_squeeze %dma_start3A_14 : memref<1x100xi32, #tpu.memory_space<vmem>> -> memref<100xi32, #tpu.memory_space<vmem>>
    %dma_start3A_16 = arith.constant 0 : i32
    %dma_start3A_17 = arith.constant 0 : i32
    %dma_start3A_18 = tpu.memref_slice %arg2[%dma_start3A_16, %dma_start3A_17] : memref<5120x144xf32, #tpu.memory_space<hbm>> -> memref<5120x144xf32, #tpu.memory_space<hbm>>
    tpu.enqueue_indirect_dma source(%dma_start3A_18 : memref<5120x144xf32, #tpu.memory_space<hbm>>) target(%arg8 : memref<100x144xf32, #tpu.memory_space<vmem>>) offsets(%dma_start3A_15 : memref<100xi32, #tpu.memory_space<vmem>>) semaphore(%arg12 : memref<!tpu.dma_semaphore, #tpu.memory_space<semaphore_mem>>)
    %scan3A_19 = arith.constant 0 : i32
    %scan3A_20 = arith.constant 0 : i32
    %scan3A_21 = arith.constant 40 : i32
    %scan3A_22 = arith.addi %scan3A_20, %scan3A_21 : i32
    %scan3A_23 = arith.constant 1 : i32
    scf.for %scan3A_39 = %scan3A_20 to %scan3A_22 step %scan3A_23  : i32 {
      %mul3A_40 = arith.constant 640 : i32
      %mul3A_41 = arith.muli %arg1, %mul3A_40 : i32
      %dma_wait3A = arith.constant 0 : i32
      %dma_wait3A_42 = tpu.memref_slice %arg11[%mul3A_41, %dma_wait3A] : memref<10240x144xf32, #tpu.memory_space<vmem_shared>> -> memref<16x144xf32, #tpu.memory_space<vmem_shared>>
      %dma_wait3A_43 = arith.constant 0 : i32
      %dma_wait3A_44 = tpu.memref_slice %arg11[%mul3A_41, %dma_wait3A_43] : memref<10240x144xf32, #tpu.memory_space<vmem_shared>> -> memref<16x144xf32, #tpu.memory_space<vmem_shared>>
      tpu.wait_dma2 semaphore(%arg14 : memref<!tpu.dma_semaphore, #tpu.memory_space<semaphore_mem>>) src(%arg10 : memref<16x144xf32, #tpu.memory_space<vmem>>) dst(%dma_wait3A_44 : memref<16x144xf32, #tpu.memory_space<vmem_shared>>)
    }
    %scan3A_24 = arith.constant 40 : i32
    %barrier3A = arith.constant 0 : index
    tpu.barrier barrier_id(%barrier3A)
    %scan3A_25 = arith.constant 0 : i32
    %scan3A_26 = arith.constant 0 : i32
    %scan3A_27 = arith.constant 5 : i32
    %scan3A_28 = arith.addi %scan3A_26, %scan3A_27 : i32
    %scan3A_29 = arith.constant 1 : i32
    scf.for %scan3A_39 = %scan3A_26 to %scan3A_28 step %scan3A_29  : i32 {
      %gt3A = arith.constant 0 : i32
      %gt3A_40 = arith.cmpi sgt, %scan3A_39, %gt3A : i32
      %convert_element_type3A = arith.extui %gt3A_40 : i1 to i32
      %cond3A = arith.constant 0 : i32
      %cond3A_41 = arith.cmpi ne, %convert_element_type3A, %cond3A : i32
      scf.if %cond3A_41 {
        "tpu.region"() ({
          %run_scoped3A_77 = tpu.sem_alloc : memref<!tpu.dma_semaphore, #tpu.memory_space<semaphore_mem>>
          %dma_start3A_78 = arith.constant 0 : i32
          %dma_start3A_79 = arith.constant 0 : i32
          %dma_start3A_80 = tpu.memref_slice %arg3[%add3A, %scan3A_39, %dma_start3A_78, %dma_start3A_79] : memref<32x5x20x100xi32, #tpu.memory_space<hbm>> -> memref<1x1x20x100xi32, #tpu.memory_space<hbm>>
          %dma_start3A_81 = tpu.memref_squeeze %dma_start3A_80 : memref<1x1x20x100xi32, #tpu.memory_space<hbm>> -> memref<20x100xi32, #tpu.memory_space<hbm>>
          %dma_start3A_82 = arith.constant 0 : i32
          %dma_start3A_83 = arith.constant 0 : i32
          %dma_start3A_84 = tpu.memref_slice %arg3[%add3A, %scan3A_39, %dma_start3A_82, %dma_start3A_83] : memref<32x5x20x100xi32, #tpu.memory_space<hbm>> -> memref<1x1x20x100xi32, #tpu.memory_space<hbm>>
          %dma_start3A_85 = tpu.memref_squeeze %dma_start3A_84 : memref<1x1x20x100xi32, #tpu.memory_space<hbm>> -> memref<20x100xi32, #tpu.memory_space<hbm>>
          tpu.enqueue_dma source(%dma_start3A_85 : memref<20x100xi32, #tpu.memory_space<hbm>>) target(%arg6 : memref<20x100xi32, #tpu.memory_space<vmem>>) target_semaphore(%run_scoped3A_77 : memref<!tpu.dma_semaphore, #tpu.memory_space<semaphore_mem>>)
          %dma_wait3A_86 = arith.constant 0 : i32
          %dma_wait3A_87 = arith.constant 0 : i32
          %dma_wait3A_88 = tpu.memref_slice %arg3[%add3A, %scan3A_39, %dma_wait3A_86, %dma_wait3A_87] : memref<32x5x20x100xi32, #tpu.memory_space<hbm>> -> memref<1x1x20x100xi32, #tpu.memory_space<hbm>>
          %dma_wait3A_89 = tpu.memref_squeeze %dma_wait3A_88 : memref<1x1x20x100xi32, #tpu.memory_space<hbm>> -> memref<20x100xi32, #tpu.memory_space<hbm>>
          %dma_wait3A_90 = arith.constant 0 : i32
          %dma_wait3A_91 = arith.constant 0 : i32
          %dma_wait3A_92 = tpu.memref_slice %arg3[%add3A, %scan3A_39, %dma_wait3A_90, %dma_wait3A_91] : memref<32x5x20x100xi32, #tpu.memory_space<hbm>> -> memref<1x1x20x100xi32, #tpu.memory_space<hbm>>
          %dma_wait3A_93 = tpu.memref_squeeze %dma_wait3A_92 : memref<1x1x20x100xi32, #tpu.memory_space<hbm>> -> memref<20x100xi32, #tpu.memory_space<hbm>>
          tpu.wait_dma2 semaphore(%run_scoped3A_77 : memref<!tpu.dma_semaphore, #tpu.memory_space<semaphore_mem>>) src(%dma_wait3A_93 : memref<20x100xi32, #tpu.memory_space<hbm>>) dst(%arg6 : memref<20x100xi32, #tpu.memory_space<vmem>>)
          tpu.yield
        }) : () -> ()
        "tpu.region"() ({
          %run_scoped3A_77 = tpu.sem_alloc : memref<!tpu.dma_semaphore, #tpu.memory_space<semaphore_mem>>
          %dma_start3A_78 = arith.constant 0 : i32
          %dma_start3A_79 = arith.constant 0 : i32
          %dma_start3A_80 = tpu.memref_slice %arg4[%add3A, %scan3A_39, %dma_start3A_78, %dma_start3A_79] : memref<32x5x20x100xi32, #tpu.memory_space<hbm>> -> memref<1x1x20x100xi32, #tpu.memory_space<hbm>>
          %dma_start3A_81 = tpu.memref_squeeze %dma_start3A_80 : memref<1x1x20x100xi32, #tpu.memory_space<hbm>> -> memref<20x100xi32, #tpu.memory_space<hbm>>
          %dma_start3A_82 = arith.constant 0 : i32
          %dma_start3A_83 = arith.constant 0 : i32
          %dma_start3A_84 = tpu.memref_slice %arg4[%add3A, %scan3A_39, %dma_start3A_82, %dma_start3A_83] : memref<32x5x20x100xi32, #tpu.memory_space<hbm>> -> memref<1x1x20x100xi32, #tpu.memory_space<hbm>>
          %dma_start3A_85 = tpu.memref_squeeze %dma_start3A_84 : memref<1x1x20x100xi32, #tpu.memory_space<hbm>> -> memref<20x100xi32, #tpu.memory_space<hbm>>
          tpu.enqueue_dma source(%dma_start3A_85 : memref<20x100xi32, #tpu.memory_space<hbm>>) target(%arg7 : memref<20x100xi32, #tpu.memory_space<vmem>>) target_semaphore(%run_scoped3A_77 : memref<!tpu.dma_semaphore, #tpu.memory_space<semaphore_mem>>)
          %dma_wait3A_86 = arith.constant 0 : i32
          %dma_wait3A_87 = arith.constant 0 : i32
          %dma_wait3A_88 = tpu.memref_slice %arg4[%add3A, %scan3A_39, %dma_wait3A_86, %dma_wait3A_87] : memref<32x5x20x100xi32, #tpu.memory_space<hbm>> -> memref<1x1x20x100xi32, #tpu.memory_space<hbm>>
          %dma_wait3A_89 = tpu.memref_squeeze %dma_wait3A_88 : memref<1x1x20x100xi32, #tpu.memory_space<hbm>> -> memref<20x100xi32, #tpu.memory_space<hbm>>
          %dma_wait3A_90 = arith.constant 0 : i32
          %dma_wait3A_91 = arith.constant 0 : i32
          %dma_wait3A_92 = tpu.memref_slice %arg4[%add3A, %scan3A_39, %dma_wait3A_90, %dma_wait3A_91] : memref<32x5x20x100xi32, #tpu.memory_space<hbm>> -> memref<1x1x20x100xi32, #tpu.memory_space<hbm>>
          %dma_wait3A_93 = tpu.memref_squeeze %dma_wait3A_92 : memref<1x1x20x100xi32, #tpu.memory_space<hbm>> -> memref<20x100xi32, #tpu.memory_space<hbm>>
          tpu.wait_dma2 semaphore(%run_scoped3A_77 : memref<!tpu.dma_semaphore, #tpu.memory_space<semaphore_mem>>) src(%dma_wait3A_93 : memref<20x100xi32, #tpu.memory_space<hbm>>) dst(%arg7 : memref<20x100xi32, #tpu.memory_space<vmem>>)
          tpu.yield
        }) : () -> ()
        %dma_start3A_70 = arith.constant 0 : i32
        %dma_start3A_71 = arith.constant 0 : i32
        %dma_start3A_72 = tpu.memref_slice %arg6[%dma_start3A_70, %dma_start3A_71] : memref<20x100xi32, #tpu.memory_space<vmem>> -> memref<1x100xi32, #tpu.memory_space<vmem>>
        %dma_start3A_73 = tpu.memref_squeeze %dma_start3A_72 : memref<1x100xi32, #tpu.memory_space<vmem>> -> memref<100xi32, #tpu.memory_space<vmem>>
        %dma_start3A_74 = arith.constant 0 : i32
        %dma_start3A_75 = arith.constant 0 : i32
        %dma_start3A_76 = tpu.memref_slice %arg2[%dma_start3A_74, %dma_start3A_75] : memref<5120x144xf32, #tpu.memory_space<hbm>> -> memref<5120x144xf32, #tpu.memory_space<hbm>>
        tpu.enqueue_indirect_dma source(%dma_start3A_76 : memref<5120x144xf32, #tpu.memory_space<hbm>>) target(%arg8 : memref<100x144xf32, #tpu.memory_space<vmem>>) offsets(%dma_start3A_73 : memref<100xi32, #tpu.memory_space<vmem>>) semaphore(%arg12 : memref<!tpu.dma_semaphore, #tpu.memory_space<semaphore_mem>>)
      } else {
      }
      %scan3A_42 = arith.constant 0 : i32
      %scan3A_43 = arith.constant 0 : i32
      %scan3A_44 = arith.constant 9 : i32
      %scan3A_45 = arith.addi %scan3A_43, %scan3A_44 : i32
      %scan3A_46 = arith.constant 1 : i32
      scf.for %scan3A_70 = %scan3A_43 to %scan3A_45 step %scan3A_46  : i32 {
        %mul3A_71 = arith.constant 2 : i32
        %mul3A_72 = arith.muli %scan3A_70, %mul3A_71 : i32
        %add3A_73 = arith.constant 0 : i32
        %add3A_74 = arith.addi %mul3A_72, %add3A_73 : i32
        %add3A_75 = arith.constant 2 : i32
        %add3A_76 = arith.addi %add3A_74, %add3A_75 : i32
        %sub3A = arith.constant 1 : i32
        %sub3A_77 = arith.subi %add3A_76, %sub3A : i32
        %dma_start3A_78 = arith.constant 0 : i32
        %dma_start3A_79 = tpu.memref_slice %arg6[%sub3A_77, %dma_start3A_78] : memref<20x100xi32, #tpu.memory_space<vmem>> -> memref<1x100xi32, #tpu.memory_space<vmem>>
        %dma_start3A_80 = tpu.memref_squeeze %dma_start3A_79 : memref<1x100xi32, #tpu.memory_space<vmem>> -> memref<100xi32, #tpu.memory_space<vmem>>
        %dma_start3A_81 = arith.constant 0 : i32
        %dma_start3A_82 = arith.constant 0 : i32
        %dma_start3A_83 = tpu.memref_slice %arg2[%dma_start3A_81, %dma_start3A_82] : memref<5120x144xf32, #tpu.memory_space<hbm>> -> memref<5120x144xf32, #tpu.memory_space<hbm>>
        tpu.enqueue_indirect_dma source(%dma_start3A_83 : memref<5120x144xf32, #tpu.memory_space<hbm>>) target(%arg9 : memref<100x144xf32, #tpu.memory_space<vmem>>) offsets(%dma_start3A_80 : memref<100xi32, #tpu.memory_space<vmem>>) semaphore(%arg13 : memref<!tpu.dma_semaphore, #tpu.memory_space<semaphore_mem>>)
        %dma_wait3A_84 = arith.constant 0 : i32
        %dma_wait3A_85 = tpu.memref_slice %arg6[%add3A_74, %dma_wait3A_84] : memref<20x100xi32, #tpu.memory_space<vmem>> -> memref<1x100xi32, #tpu.memory_space<vmem>>
        %dma_wait3A_86 = tpu.memref_squeeze %dma_wait3A_85 : memref<1x100xi32, #tpu.memory_space<vmem>> -> memref<100xi32, #tpu.memory_space<vmem>>
        %dma_wait3A_87 = arith.constant 0 : i32
        %dma_wait3A_88 = arith.constant 0 : i32
        %dma_wait3A_89 = tpu.memref_slice %arg2[%dma_wait3A_87, %dma_wait3A_88] : memref<5120x144xf32, #tpu.memory_space<hbm>> -> memref<5120x144xf32, #tpu.memory_space<hbm>>
        tpu.wait_indirect_dma semaphore(%arg12 : memref<!tpu.dma_semaphore, #tpu.memory_space<semaphore_mem>>) src(%dma_wait3A_89 : memref<5120x144xf32, #tpu.memory_space<hbm>>) dst(%arg8 : memref<100x144xf32, #tpu.memory_space<vmem>>)
        "tpu.region"() ({
          %run_scoped3A_110 = tpu.sem_alloc : memref<!tpu.dma_semaphore, #tpu.memory_space<semaphore_mem>>
          %dma_start3A_111 = arith.constant 0 : i32
          %dma_start3A_112 = tpu.memref_slice %arg7[%add3A_74, %dma_start3A_111] : memref<20x100xi32, #tpu.memory_space<vmem>> -> memref<1x100xi32, #tpu.memory_space<vmem>>
          %dma_start3A_113 = tpu.memref_squeeze %dma_start3A_112 : memref<1x100xi32, #tpu.memory_space<vmem>> -> memref<100xi32, #tpu.memory_space<vmem>>
          %dma_start3A_114 = arith.constant 0 : i32
          %dma_start3A_115 = arith.constant 0 : i32
          %dma_start3A_116 = tpu.memref_slice %arg11[%dma_start3A_114, %dma_start3A_115] : memref<10240x144xf32, #tpu.memory_space<vmem_shared>> -> memref<10240x144xf32, #tpu.memory_space<vmem_shared>>
          tpu.enqueue_indirect_dma source(%arg8 : memref<100x144xf32, #tpu.memory_space<vmem>>) target(%dma_start3A_116 : memref<10240x144xf32, #tpu.memory_space<vmem_shared>>) offsets(%dma_start3A_113 : memref<100xi32, #tpu.memory_space<vmem>>) semaphore(%run_scoped3A_110 : memref<!tpu.dma_semaphore, #tpu.memory_space<semaphore_mem>>) {add = true}
          %dma_wait3A_117 = arith.constant 0 : i32
          %dma_wait3A_118 = tpu.memref_slice %arg7[%add3A_74, %dma_wait3A_117] : memref<20x100xi32, #tpu.memory_space<vmem>> -> memref<1x100xi32, #tpu.memory_space<vmem>>
          %dma_wait3A_119 = tpu.memref_squeeze %dma_wait3A_118 : memref<1x100xi32, #tpu.memory_space<vmem>> -> memref<100xi32, #tpu.memory_space<vmem>>
          %dma_wait3A_120 = arith.constant 0 : i32
          %dma_wait3A_121 = arith.constant 0 : i32
          %dma_wait3A_122 = tpu.memref_slice %arg11[%dma_wait3A_120, %dma_wait3A_121] : memref<10240x144xf32, #tpu.memory_space<vmem_shared>> -> memref<10240x144xf32, #tpu.memory_space<vmem_shared>>
          tpu.wait_indirect_dma semaphore(%run_scoped3A_110 : memref<!tpu.dma_semaphore, #tpu.memory_space<semaphore_mem>>) src(%arg8 : memref<100x144xf32, #tpu.memory_space<vmem>>) dst(%dma_wait3A_122 : memref<10240x144xf32, #tpu.memory_space<vmem_shared>>)
          tpu.yield
        }) : () -> ()
        %mul3A_90 = arith.constant 2 : i32
        %mul3A_91 = arith.muli %scan3A_70, %mul3A_90 : i32
        %add3A_92 = arith.constant 1 : i32
        %add3A_93 = arith.addi %mul3A_91, %add3A_92 : i32
        %add3A_94 = arith.constant 2 : i32
        %add3A_95 = arith.addi %add3A_93, %add3A_94 : i32
        %sub3A_96 = arith.constant 1 : i32
        %sub3A_97 = arith.subi %add3A_95, %sub3A_96 : i32
        %dma_start3A_98 = arith.constant 0 : i32
        %dma_start3A_99 = tpu.memref_slice %arg6[%sub3A_97, %dma_start3A_98] : memref<20x100xi32, #tpu.memory_space<vmem>> -> memref<1x100xi32, #tpu.memory_space<vmem>>
        %dma_start3A_100 = tpu.memref_squeeze %dma_start3A_99 : memref<1x100xi32, #tpu.memory_space<vmem>> -> memref<100xi32, #tpu.memory_space<vmem>>
        %dma_start3A_101 = arith.constant 0 : i32
        %dma_start3A_102 = arith.constant 0 : i32
        %dma_start3A_103 = tpu.memref_slice %arg2[%dma_start3A_101, %dma_start3A_102] : memref<5120x144xf32, #tpu.memory_space<hbm>> -> memref<5120x144xf32, #tpu.memory_space<hbm>>
        tpu.enqueue_indirect_dma source(%dma_start3A_103 : memref<5120x144xf32, #tpu.memory_space<hbm>>) target(%arg8 : memref<100x144xf32, #tpu.memory_space<vmem>>) offsets(%dma_start3A_100 : memref<100xi32, #tpu.memory_space<vmem>>) semaphore(%arg12 : memref<!tpu.dma_semaphore, #tpu.memory_space<semaphore_mem>>)
        %dma_wait3A_104 = arith.constant 0 : i32
        %dma_wait3A_105 = tpu.memref_slice %arg6[%add3A_93, %dma_wait3A_104] : memref<20x100xi32, #tpu.memory_space<vmem>> -> memref<1x100xi32, #tpu.memory_space<vmem>>
        %dma_wait3A_106 = tpu.memref_squeeze %dma_wait3A_105 : memref<1x100xi32, #tpu.memory_space<vmem>> -> memref<100xi32, #tpu.memory_space<vmem>>
        %dma_wait3A_107 = arith.constant 0 : i32
        %dma_wait3A_108 = arith.constant 0 : i32
        %dma_wait3A_109 = tpu.memref_slice %arg2[%dma_wait3A_107, %dma_wait3A_108] : memref<5120x144xf32, #tpu.memory_space<hbm>> -> memref<5120x144xf32, #tpu.memory_space<hbm>>
        tpu.wait_indirect_dma semaphore(%arg13 : memref<!tpu.dma_semaphore, #tpu.memory_space<semaphore_mem>>) src(%dma_wait3A_109 : memref<5120x144xf32, #tpu.memory_space<hbm>>) dst(%arg9 : memref<100x144xf32, #tpu.memory_space<vmem>>)
        "tpu.region"() ({
          %run_scoped3A_110 = tpu.sem_alloc : memref<!tpu.dma_semaphore, #tpu.memory_space<semaphore_mem>>
          %dma_start3A_111 = arith.constant 0 : i32
          %dma_start3A_112 = tpu.memref_slice %arg7[%add3A_93, %dma_start3A_111] : memref<20x100xi32, #tpu.memory_space<vmem>> -> memref<1x100xi32, #tpu.memory_space<vmem>>
          %dma_start3A_113 = tpu.memref_squeeze %dma_start3A_112 : memref<1x100xi32, #tpu.memory_space<vmem>> -> memref<100xi32, #tpu.memory_space<vmem>>
          %dma_start3A_114 = arith.constant 0 : i32
          %dma_start3A_115 = arith.constant 0 : i32
          %dma_start3A_116 = tpu.memref_slice %arg11[%dma_start3A_114, %dma_start3A_115] : memref<10240x144xf32, #tpu.memory_space<vmem_shared>> -> memref<10240x144xf32, #tpu.memory_space<vmem_shared>>
          tpu.enqueue_indirect_dma source(%arg9 : memref<100x144xf32, #tpu.memory_space<vmem>>) target(%dma_start3A_116 : memref<10240x144xf32, #tpu.memory_space<vmem_shared>>) offsets(%dma_start3A_113 : memref<100xi32, #tpu.memory_space<vmem>>) semaphore(%run_scoped3A_110 : memref<!tpu.dma_semaphore, #tpu.memory_space<semaphore_mem>>) {add = true}
          %dma_wait3A_117 = arith.constant 0 : i32
          %dma_wait3A_118 = tpu.memref_slice %arg7[%add3A_93, %dma_wait3A_117] : memref<20x100xi32, #tpu.memory_space<vmem>> -> memref<1x100xi32, #tpu.memory_space<vmem>>
          %dma_wait3A_119 = tpu.memref_squeeze %dma_wait3A_118 : memref<1x100xi32, #tpu.memory_space<vmem>> -> memref<100xi32, #tpu.memory_space<vmem>>
          %dma_wait3A_120 = arith.constant 0 : i32
          %dma_wait3A_121 = arith.constant 0 : i32
          %dma_wait3A_122 = tpu.memref_slice %arg11[%dma_wait3A_120, %dma_wait3A_121] : memref<10240x144xf32, #tpu.memory_space<vmem_shared>> -> memref<10240x144xf32, #tpu.memory_space<vmem_shared>>
          tpu.wait_indirect_dma semaphore(%run_scoped3A_110 : memref<!tpu.dma_semaphore, #tpu.memory_space<semaphore_mem>>) src(%arg9 : memref<100x144xf32, #tpu.memory_space<vmem>>) dst(%dma_wait3A_122 : memref<10240x144xf32, #tpu.memory_space<vmem_shared>>)
          tpu.yield
        }) : () -> ()
      }
      %scan3A_47 = arith.constant 9 : i32
      %dma_start3A_48 = arith.constant 19 : i32
      %dma_start3A_49 = arith.constant 0 : i32
      %dma_start3A_50 = tpu.memref_slice %arg6[%dma_start3A_48, %dma_start3A_49] : memref<20x100xi32, #tpu.memory_space<vmem>> -> memref<1x100xi32, #tpu.memory_space<vmem>>
      %dma_start3A_51 = tpu.memref_squeeze %dma_start3A_50 : memref<1x100xi32, #tpu.memory_space<vmem>> -> memref<100xi32, #tpu.memory_space<vmem>>
      %dma_start3A_52 = arith.constant 0 : i32
      %dma_start3A_53 = arith.constant 0 : i32
      %dma_start3A_54 = tpu.memref_slice %arg2[%dma_start3A_52, %dma_start3A_53] : memref<5120x144xf32, #tpu.memory_space<hbm>> -> memref<5120x144xf32, #tpu.memory_space<hbm>>
      tpu.enqueue_indirect_dma source(%dma_start3A_54 : memref<5120x144xf32, #tpu.memory_space<hbm>>) target(%arg9 : memref<100x144xf32, #tpu.memory_space<vmem>>) offsets(%dma_start3A_51 : memref<100xi32, #tpu.memory_space<vmem>>) semaphore(%arg13 : memref<!tpu.dma_semaphore, #tpu.memory_space<semaphore_mem>>)
      %dma_wait3A = arith.constant 18 : i32
      %dma_wait3A_55 = arith.constant 0 : i32
      %dma_wait3A_56 = tpu.memref_slice %arg6[%dma_wait3A, %dma_wait3A_55] : memref<20x100xi32, #tpu.memory_space<vmem>> -> memref<1x100xi32, #tpu.memory_space<vmem>>
      %dma_wait3A_57 = tpu.memref_squeeze %dma_wait3A_56 : memref<1x100xi32, #tpu.memory_space<vmem>> -> memref<100xi32, #tpu.memory_space<vmem>>
      %dma_wait3A_58 = arith.constant 0 : i32
      %dma_wait3A_59 = arith.constant 0 : i32
      %dma_wait3A_60 = tpu.memref_slice %arg2[%dma_wait3A_58, %dma_wait3A_59] : memref<5120x144xf32, #tpu.memory_space<hbm>> -> memref<5120x144xf32, #tpu.memory_space<hbm>>
      tpu.wait_indirect_dma semaphore(%arg12 : memref<!tpu.dma_semaphore, #tpu.memory_space<semaphore_mem>>) src(%dma_wait3A_60 : memref<5120x144xf32, #tpu.memory_space<hbm>>) dst(%arg8 : memref<100x144xf32, #tpu.memory_space<vmem>>)
      %run_scoped3A_61 = arith.constant 18 : i32
      "tpu.region"() ({
        %run_scoped3A_70 = tpu.sem_alloc : memref<!tpu.dma_semaphore, #tpu.memory_space<semaphore_mem>>
        %dma_start3A_71 = arith.constant 0 : i32
        %dma_start3A_72 = tpu.memref_slice %arg7[%run_scoped3A_61, %dma_start3A_71] : memref<20x100xi32, #tpu.memory_space<vmem>> -> memref<1x100xi32, #tpu.memory_space<vmem>>
        %dma_start3A_73 = tpu.memref_squeeze %dma_start3A_72 : memref<1x100xi32, #tpu.memory_space<vmem>> -> memref<100xi32, #tpu.memory_space<vmem>>
        %dma_start3A_74 = arith.constant 0 : i32
        %dma_start3A_75 = arith.constant 0 : i32
        %dma_start3A_76 = tpu.memref_slice %arg11[%dma_start3A_74, %dma_start3A_75] : memref<10240x144xf32, #tpu.memory_space<vmem_shared>> -> memref<10240x144xf32, #tpu.memory_space<vmem_shared>>
        tpu.enqueue_indirect_dma source(%arg8 : memref<100x144xf32, #tpu.memory_space<vmem>>) target(%dma_start3A_76 : memref<10240x144xf32, #tpu.memory_space<vmem_shared>>) offsets(%dma_start3A_73 : memref<100xi32, #tpu.memory_space<vmem>>) semaphore(%run_scoped3A_70 : memref<!tpu.dma_semaphore, #tpu.memory_space<semaphore_mem>>) {add = true}
        %dma_wait3A_77 = arith.constant 0 : i32
        %dma_wait3A_78 = tpu.memref_slice %arg7[%run_scoped3A_61, %dma_wait3A_77] : memref<20x100xi32, #tpu.memory_space<vmem>> -> memref<1x100xi32, #tpu.memory_space<vmem>>
        %dma_wait3A_79 = tpu.memref_squeeze %dma_wait3A_78 : memref<1x100xi32, #tpu.memory_space<vmem>> -> memref<100xi32, #tpu.memory_space<vmem>>
        %dma_wait3A_80 = arith.constant 0 : i32
        %dma_wait3A_81 = arith.constant 0 : i32
        %dma_wait3A_82 = tpu.memref_slice %arg11[%dma_wait3A_80, %dma_wait3A_81] : memref<10240x144xf32, #tpu.memory_space<vmem_shared>> -> memref<10240x144xf32, #tpu.memory_space<vmem_shared>>
        tpu.wait_indirect_dma semaphore(%run_scoped3A_70 : memref<!tpu.dma_semaphore, #tpu.memory_space<semaphore_mem>>) src(%arg8 : memref<100x144xf32, #tpu.memory_space<vmem>>) dst(%dma_wait3A_82 : memref<10240x144xf32, #tpu.memory_space<vmem_shared>>)
        tpu.yield
      }) : () -> ()
      %dma_wait3A_62 = arith.constant 19 : i32
      %dma_wait3A_63 = arith.constant 0 : i32
      %dma_wait3A_64 = tpu.memref_slice %arg6[%dma_wait3A_62, %dma_wait3A_63] : memref<20x100xi32, #tpu.memory_space<vmem>> -> memref<1x100xi32, #tpu.memory_space<vmem>>
      %dma_wait3A_65 = tpu.memref_squeeze %dma_wait3A_64 : memref<1x100xi32, #tpu.memory_space<vmem>> -> memref<100xi32, #tpu.memory_space<vmem>>
      %dma_wait3A_66 = arith.constant 0 : i32
      %dma_wait3A_67 = arith.constant 0 : i32
      %dma_wait3A_68 = tpu.memref_slice %arg2[%dma_wait3A_66, %dma_wait3A_67] : memref<5120x144xf32, #tpu.memory_space<hbm>> -> memref<5120x144xf32, #tpu.memory_space<hbm>>
      tpu.wait_indirect_dma semaphore(%arg13 : memref<!tpu.dma_semaphore, #tpu.memory_space<semaphore_mem>>) src(%dma_wait3A_68 : memref<5120x144xf32, #tpu.memory_space<hbm>>) dst(%arg9 : memref<100x144xf32, #tpu.memory_space<vmem>>)
      %run_scoped3A_69 = arith.constant 19 : i32
      "tpu.region"() ({
        %run_scoped3A_70 = tpu.sem_alloc : memref<!tpu.dma_semaphore, #tpu.memory_space<semaphore_mem>>
        %dma_start3A_71 = arith.constant 0 : i32
        %dma_start3A_72 = tpu.memref_slice %arg7[%run_scoped3A_69, %dma_start3A_71] : memref<20x100xi32, #tpu.memory_space<vmem>> -> memref<1x100xi32, #tpu.memory_space<vmem>>
        %dma_start3A_73 = tpu.memref_squeeze %dma_start3A_72 : memref<1x100xi32, #tpu.memory_space<vmem>> -> memref<100xi32, #tpu.memory_space<vmem>>
        %dma_start3A_74 = arith.constant 0 : i32
        %dma_start3A_75 = arith.constant 0 : i32
        %dma_start3A_76 = tpu.memref_slice %arg11[%dma_start3A_74, %dma_start3A_75] : memref<10240x144xf32, #tpu.memory_space<vmem_shared>> -> memref<10240x144xf32, #tpu.memory_space<vmem_shared>>
        tpu.enqueue_indirect_dma source(%arg9 : memref<100x144xf32, #tpu.memory_space<vmem>>) target(%dma_start3A_76 : memref<10240x144xf32, #tpu.memory_space<vmem_shared>>) offsets(%dma_start3A_73 : memref<100xi32, #tpu.memory_space<vmem>>) semaphore(%run_scoped3A_70 : memref<!tpu.dma_semaphore, #tpu.memory_space<semaphore_mem>>) {add = true}
        %dma_wait3A_77 = arith.constant 0 : i32
        %dma_wait3A_78 = tpu.memref_slice %arg7[%run_scoped3A_69, %dma_wait3A_77] : memref<20x100xi32, #tpu.memory_space<vmem>> -> memref<1x100xi32, #tpu.memory_space<vmem>>
        %dma_wait3A_79 = tpu.memref_squeeze %dma_wait3A_78 : memref<1x100xi32, #tpu.memory_space<vmem>> -> memref<100xi32, #tpu.memory_space<vmem>>
        %dma_wait3A_80 = arith.constant 0 : i32
        %dma_wait3A_81 = arith.constant 0 : i32
        %dma_wait3A_82 = tpu.memref_slice %arg11[%dma_wait3A_80, %dma_wait3A_81] : memref<10240x144xf32, #tpu.memory_space<vmem_shared>> -> memref<10240x144xf32, #tpu.memory_space<vmem_shared>>
        tpu.wait_indirect_dma semaphore(%run_scoped3A_70 : memref<!tpu.dma_semaphore, #tpu.memory_space<semaphore_mem>>) src(%arg9 : memref<100x144xf32, #tpu.memory_space<vmem>>) dst(%dma_wait3A_82 : memref<10240x144xf32, #tpu.memory_space<vmem_shared>>)
        tpu.yield
      }) : () -> ()
    }
    %scan3A_30 = arith.constant 5 : i32
    %barrier3A_31 = arith.constant 0 : index
    tpu.barrier barrier_id(%barrier3A_31)
    %mul3A_32 = arith.constant 640 : i32
    %mul3A_33 = arith.muli %arg1, %mul3A_32 : i32
    %mul3A_34 = arith.constant 10240 : i32
    %mul3A_35 = arith.muli %arg0, %mul3A_34 : i32
    %mul3A_36 = arith.constant 640 : i32
    %mul3A_37 = arith.muli %arg1, %mul3A_36 : i32
    %add3A_38 = arith.addi %mul3A_35, %mul3A_37 : i32
    "tpu.region"() ({
      %run_scoped3A_39 = tpu.sem_alloc : memref<!tpu.dma_semaphore, #tpu.memory_space<semaphore_mem>>
      %dma_start3A_40 = arith.constant 0 : i32
      %dma_start3A_41 = tpu.memref_slice %arg5[%add3A_38, %dma_start3A_40] : memref<20480x144xf32, #tpu.memory_space<hbm>> -> memref<640x144xf32, #tpu.memory_space<hbm>>
      %dma_start3A_42 = arith.constant 0 : i32
      %dma_start3A_43 = tpu.memref_slice %arg11[%mul3A_33, %dma_start3A_42] : memref<10240x144xf32, #tpu.memory_space<vmem_shared>> -> memref<640x144xf32, #tpu.memory_space<vmem_shared>>
      tpu.enqueue_dma source(%dma_start3A_43 : memref<640x144xf32, #tpu.memory_space<vmem_shared>>) target(%dma_start3A_41 : memref<640x144xf32, #tpu.memory_space<hbm>>) target_semaphore(%run_scoped3A_39 : memref<!tpu.dma_semaphore, #tpu.memory_space<semaphore_mem>>)
      %dma_wait3A = arith.constant 0 : i32
      %dma_wait3A_44 = tpu.memref_slice %arg5[%add3A_38, %dma_wait3A] : memref<20480x144xf32, #tpu.memory_space<hbm>> -> memref<640x144xf32, #tpu.memory_space<hbm>>
      %dma_wait3A_45 = arith.constant 0 : i32
      %dma_wait3A_46 = tpu.memref_slice %arg11[%mul3A_33, %dma_wait3A_45] : memref<10240x144xf32, #tpu.memory_space<vmem_shared>> -> memref<640x144xf32, #tpu.memory_space<vmem_shared>>
      tpu.wait_dma2 semaphore(%run_scoped3A_39 : memref<!tpu.dma_semaphore, #tpu.memory_space<semaphore_mem>>) src(%dma_wait3A_46 : memref<640x144xf32, #tpu.memory_space<vmem_shared>>) dst(%dma_wait3A_44 : memref<640x144xf32, #tpu.memory_space<hbm>>)
      tpu.yield
    }) : () -> ()
    return
  }
}

#map = affine_map<(d0, d1) -> (0, 0)>
#map1 = affine_map<(d0, d1) -> (0, 0, 0, 0)>
module attributes {stable_mosaic.version = 14 : i64} {
  func.func @body(%arg0: i32, %arg1: i32, %arg2: memref<10240x144xf32, #tpu.memory_space<hbm>>, %arg3: memref<32x5x20x100xi32, #tpu.memory_space<hbm>>, %arg4: memref<32x5x20x100xi32, #tpu.memory_space<hbm>>, %arg5: memref<10240x144xf32, #tpu.memory_space<hbm>>, %arg6: memref<20x100xi32, #tpu.memory_space<vmem>>, %arg7: memref<20x100xi32, #tpu.memory_space<vmem>>, %arg8: memref<100x144xf32, #tpu.memory_space<vmem>>, %arg9: memref<100x144xf32, #tpu.memory_space<vmem>>, %arg10: memref<16x144xf32, #tpu.memory_space<vmem>>, %arg11: memref<5120x144xf32, #tpu.memory_space<vmem_shared>>, %arg12: memref<!tpu.dma_semaphore, #tpu.memory_space<semaphore_mem>>, %arg13: memref<!tpu.dma_semaphore, #tpu.memory_space<semaphore_mem>>, %arg14: memref<!tpu.dma_semaphore, #tpu.memory_space<semaphore_mem>>) attributes {dimension_semantics = [#tpu.dimension_semantics<core_parallel>, #tpu.dimension_semantics<subcore_parallel>], iteration_bounds = array<i64: 2, 16>, scalar_prefetch = 0 : i64, scratch_operands = 9 : i64, tpu.core_type = #tpu.core_type<sc_vector_subcore>, window_params = [{transform_indices = #map}, {transform_indices = #map1}, {transform_indices = #map1}, {transform_indices = #map}]} {
    %mul3A = arith.constant 16 : i32
    %mul3A_0 = arith.muli %arg0, %mul3A : i32
    %add3A = arith.addi %mul3A_0, %arg1 : i32
    %scan3A = arith.constant 0 : i32
    %scan3A_1 = arith.constant 0 : i32
    %scan3A_2 = arith.constant 16 : i32
    %scan3A_3 = arith.addi %scan3A_1, %scan3A_2 : i32
    %scan3A_4 = arith.constant 1 : i32
    scf.for %scan3A_39 = %scan3A_1 to %scan3A_3 step %scan3A_4  : i32 {
      %broadcast_in_dim3A = arith.constant 0.000000e+00 : f32
      %broadcast_in_dim3A_40 = vector.broadcast %broadcast_in_dim3A : f32 to vector<16xf32>
      %swap3A = arith.index_cast %scan3A_39 : i32 to index
      %swap3A_41 = arith.constant 0 : index
      %swap3A_42 = tpu.vector_load %arg10[%swap3A, %swap3A_41] {strides = array<i32>} : memref<16x144xf32, #tpu.memory_space<vmem>>, vector<1x16xf32>,
      %swap3A_43 = vector.shape_cast %swap3A_42 : vector<1x16xf32> to vector<16xf32>
      %swap3A_44 = vector.shape_cast %broadcast_in_dim3A_40 : vector<16xf32> to vector<1x16xf32>
      tpu.vector_store %arg10[%swap3A, %swap3A_41], %swap3A_44 {strides = array<i32>} : memref<16x144xf32, #tpu.memory_space<vmem>>, vector<1x16xf32>,
      %broadcast_in_dim3A_45 = arith.constant 0.000000e+00 : f32
      %broadcast_in_dim3A_46 = vector.broadcast %broadcast_in_dim3A_45 : f32 to vector<16xf32>
      %swap3A_47 = arith.index_cast %scan3A_39 : i32 to index
      %swap3A_48 = arith.constant 16 : index
      %swap3A_49 = tpu.vector_load %arg10[%swap3A_47, %swap3A_48] {strides = array<i32>} : memref<16x144xf32, #tpu.memory_space<vmem>>, vector<1x16xf32>,
      %swap3A_50 = vector.shape_cast %swap3A_49 : vector<1x16xf32> to vector<16xf32>
      %swap3A_51 = vector.shape_cast %broadcast_in_dim3A_46 : vector<16xf32> to vector<1x16xf32>
      tpu.vector_store %arg10[%swap3A_47, %swap3A_48], %swap3A_51 {strides = array<i32>} : memref<16x144xf32, #tpu.memory_space<vmem>>, vector<1x16xf32>,
      %broadcast_in_dim3A_52 = arith.constant 0.000000e+00 : f32
      %broadcast_in_dim3A_53 = vector.broadcast %broadcast_in_dim3A_52 : f32 to vector<16xf32>
      %swap3A_54 = arith.index_cast %scan3A_39 : i32 to index
      %swap3A_55 = arith.constant 32 : index
      %swap3A_56 = tpu.vector_load %arg10[%swap3A_54, %swap3A_55] {strides = array<i32>} : memref<16x144xf32, #tpu.memory_space<vmem>>, vector<1x16xf32>,
      %swap3A_57 = vector.shape_cast %swap3A_56 : vector<1x16xf32> to vector<16xf32>
      %swap3A_58 = vector.shape_cast %broadcast_in_dim3A_53 : vector<16xf32> to vector<1x16xf32>
      tpu.vector_store %arg10[%swap3A_54, %swap3A_55], %swap3A_58 {strides = array<i32>} : memref<16x144xf32, #tpu.memory_space<vmem>>, vector<1x16xf32>,
      %broadcast_in_dim3A_59 = arith.constant 0.000000e+00 : f32
      %broadcast_in_dim3A_60 = vector.broadcast %broadcast_in_dim3A_59 : f32 to vector<16xf32>
      %swap3A_61 = arith.index_cast %scan3A_39 : i32 to index
      %swap3A_62 = arith.constant 48 : index
      %swap3A_63 = tpu.vector_load %arg10[%swap3A_61, %swap3A_62] {strides = array<i32>} : memref<16x144xf32, #tpu.memory_space<vmem>>, vector<1x16xf32>,
      %swap3A_64 = vector.shape_cast %swap3A_63 : vector<1x16xf32> to vector<16xf32>
      %swap3A_65 = vector.shape_cast %broadcast_in_dim3A_60 : vector<16xf32> to vector<1x16xf32>
      tpu.vector_store %arg10[%swap3A_61, %swap3A_62], %swap3A_65 {strides = array<i32>} : memref<16x144xf32, #tpu.memory_space<vmem>>, vector<1x16xf32>,
      %broadcast_in_dim3A_66 = arith.constant 0.000000e+00 : f32
      %broadcast_in_dim3A_67 = vector.broadcast %broadcast_in_dim3A_66 : f32 to vector<16xf32>
      %swap3A_68 = arith.index_cast %scan3A_39 : i32 to index
      %swap3A_69 = arith.constant 64 : index
      %swap3A_70 = tpu.vector_load %arg10[%swap3A_68, %swap3A_69] {strides = array<i32>} : memref<16x144xf32, #tpu.memory_space<vmem>>, vector<1x16xf32>,
      %swap3A_71 = vector.shape_cast %swap3A_70 : vector<1x16xf32> to vector<16xf32>
      %swap3A_72 = vector.shape_cast %broadcast_in_dim3A_67 : vector<16xf32> to vector<1x16xf32>
      tpu.vector_store %arg10[%swap3A_68, %swap3A_69], %swap3A_72 {strides = array<i32>} : memref<16x144xf32, #tpu.memory_space<vmem>>, vector<1x16xf32>,
      %broadcast_in_dim3A_73 = arith.constant 0.000000e+00 : f32
      %broadcast_in_dim3A_74 = vector.broadcast %broadcast_in_dim3A_73 : f32 to vector<16xf32>
      %swap3A_75 = arith.index_cast %scan3A_39 : i32 to index
      %swap3A_76 = arith.constant 80 : index
      %swap3A_77 = tpu.vector_load %arg10[%swap3A_75, %swap3A_76] {strides = array<i32>} : memref<16x144xf32, #tpu.memory_space<vmem>>, vector<1x16xf32>,
      %swap3A_78 = vector.shape_cast %swap3A_77 : vector<1x16xf32> to vector<16xf32>
      %swap3A_79 = vector.shape_cast %broadcast_in_dim3A_74 : vector<16xf32> to vector<1x16xf32>
      tpu.vector_store %arg10[%swap3A_75, %swap3A_76], %swap3A_79 {strides = array<i32>} : memref<16x144xf32, #tpu.memory_space<vmem>>, vector<1x16xf32>,
      %broadcast_in_dim3A_80 = arith.constant 0.000000e+00 : f32
      %broadcast_in_dim3A_81 = vector.broadcast %broadcast_in_dim3A_80 : f32 to vector<16xf32>
      %swap3A_82 = arith.index_cast %scan3A_39 : i32 to index
      %swap3A_83 = arith.constant 96 : index
      %swap3A_84 = tpu.vector_load %arg10[%swap3A_82, %swap3A_83] {strides = array<i32>} : memref<16x144xf32, #tpu.memory_space<vmem>>, vector<1x16xf32>,
      %swap3A_85 = vector.shape_cast %swap3A_84 : vector<1x16xf32> to vector<16xf32>
      %swap3A_86 = vector.shape_cast %broadcast_in_dim3A_81 : vector<16xf32> to vector<1x16xf32>
      tpu.vector_store %arg10[%swap3A_82, %swap3A_83], %swap3A_86 {strides = array<i32>} : memref<16x144xf32, #tpu.memory_space<vmem>>, vector<1x16xf32>,
      %broadcast_in_dim3A_87 = arith.constant 0.000000e+00 : f32
      %broadcast_in_dim3A_88 = vector.broadcast %broadcast_in_dim3A_87 : f32 to vector<16xf32>
      %swap3A_89 = arith.index_cast %scan3A_39 : i32 to index
      %swap3A_90 = arith.constant 112 : index
      %swap3A_91 = tpu.vector_load %arg10[%swap3A_89, %swap3A_90] {strides = array<i32>} : memref<16x144xf32, #tpu.memory_space<vmem>>, vector<1x16xf32>,
      %swap3A_92 = vector.shape_cast %swap3A_91 : vector<1x16xf32> to vector<16xf32>
      %swap3A_93 = vector.shape_cast %broadcast_in_dim3A_88 : vector<16xf32> to vector<1x16xf32>
      tpu.vector_store %arg10[%swap3A_89, %swap3A_90], %swap3A_93 {strides = array<i32>} : memref<16x144xf32, #tpu.memory_space<vmem>>, vector<1x16xf32>,
      %broadcast_in_dim3A_94 = arith.constant 0.000000e+00 : f32
      %broadcast_in_dim3A_95 = vector.broadcast %broadcast_in_dim3A_94 : f32 to vector<16xf32>
      %swap3A_96 = arith.index_cast %scan3A_39 : i32 to index
      %swap3A_97 = arith.constant 128 : index
      %swap3A_98 = tpu.vector_load %arg10[%swap3A_96, %swap3A_97] {strides = array<i32>} : memref<16x144xf32, #tpu.memory_space<vmem>>, vector<1x16xf32>,
      %swap3A_99 = vector.shape_cast %swap3A_98 : vector<1x16xf32> to vector<16xf32>
      %swap3A_100 = vector.shape_cast %broadcast_in_dim3A_95 : vector<16xf32> to vector<1x16xf32>
      tpu.vector_store %arg10[%swap3A_96, %swap3A_97], %swap3A_100 {strides = array<i32>} : memref<16x144xf32, #tpu.memory_space<vmem>>, vector<1x16xf32>,
    }
    %scan3A_5 = arith.constant 16 : i32
    %scan3A_6 = arith.constant 0 : i32
    %scan3A_7 = arith.constant 0 : i32
    %scan3A_8 = arith.constant 20 : i32
    %scan3A_9 = arith.addi %scan3A_7, %scan3A_8 : i32
    %scan3A_10 = arith.constant 1 : i32
    scf.for %scan3A_39 = %scan3A_7 to %scan3A_9 step %scan3A_10  : i32 {
      %mul3A_40 = arith.constant 320 : i32
      %mul3A_41 = arith.muli %arg1, %mul3A_40 : i32
      %mul3A_42 = arith.constant 16 : i32
      %mul3A_43 = arith.muli %scan3A_39, %mul3A_42 : i32
      %add3A_44 = arith.addi %mul3A_41, %mul3A_43 : i32
      %dma_start3A_45 = arith.constant 0 : i32
      %dma_start3A_46 = tpu.memref_slice %arg11[%add3A_44, %dma_start3A_45] : memref<5120x144xf32, #tpu.memory_space<vmem_shared>> -> memref<16x144xf32, #tpu.memory_space<vmem_shared>>
      %dma_start3A_47 = arith.constant 0 : i32
      %dma_start3A_48 = tpu.memref_slice %arg11[%add3A_44, %dma_start3A_47] : memref<5120x144xf32, #tpu.memory_space<vmem_shared>> -> memref<16x144xf32, #tpu.memory_space<vmem_shared>>
      tpu.enqueue_dma source(%arg10 : memref<16x144xf32, #tpu.memory_space<vmem>>) target(%dma_start3A_48 : memref<16x144xf32, #tpu.memory_space<vmem_shared>>) target_semaphore(%arg14 : memref<!tpu.dma_semaphore, #tpu.memory_space<semaphore_mem>>)
    }
    %scan3A_11 = arith.constant 20 : i32
    %run_scoped3A = arith.constant 0 : i32
    "tpu.region"() ({
      %run_scoped3A_39 = tpu.sem_alloc : memref<!tpu.dma_semaphore, #tpu.memory_space<semaphore_mem>>
      %dma_start3A_40 = arith.constant 0 : i32
      %dma_start3A_41 = arith.constant 0 : i32
      %dma_start3A_42 = tpu.memref_slice %arg3[%add3A, %run_scoped3A, %dma_start3A_40, %dma_start3A_41] : memref<32x5x20x100xi32, #tpu.memory_space<hbm>> -> memref<1x1x20x100xi32, #tpu.memory_space<hbm>>
      %dma_start3A_43 = tpu.memref_squeeze %dma_start3A_42 : memref<1x1x20x100xi32, #tpu.memory_space<hbm>> -> memref<20x100xi32, #tpu.memory_space<hbm>>
      %dma_start3A_44 = arith.constant 0 : i32
      %dma_start3A_45 = arith.constant 0 : i32
      %dma_start3A_46 = tpu.memref_slice %arg3[%add3A, %run_scoped3A, %dma_start3A_44, %dma_start3A_45] : memref<32x5x20x100xi32, #tpu.memory_space<hbm>> -> memref<1x1x20x100xi32, #tpu.memory_space<hbm>>
      %dma_start3A_47 = tpu.memref_squeeze %dma_start3A_46 : memref<1x1x20x100xi32, #tpu.memory_space<hbm>> -> memref<20x100xi32, #tpu.memory_space<hbm>>
      tpu.enqueue_dma source(%dma_start3A_47 : memref<20x100xi32, #tpu.memory_space<hbm>>) target(%arg6 : memref<20x100xi32, #tpu.memory_space<vmem>>) target_semaphore(%run_scoped3A_39 : memref<!tpu.dma_semaphore, #tpu.memory_space<semaphore_mem>>)
      %dma_wait3A = arith.constant 0 : i32
      %dma_wait3A_48 = arith.constant 0 : i32
      %dma_wait3A_49 = tpu.memref_slice %arg3[%add3A, %run_scoped3A, %dma_wait3A, %dma_wait3A_48] : memref<32x5x20x100xi32, #tpu.memory_space<hbm>> -> memref<1x1x20x100xi32, #tpu.memory_space<hbm>>
      %dma_wait3A_50 = tpu.memref_squeeze %dma_wait3A_49 : memref<1x1x20x100xi32, #tpu.memory_space<hbm>> -> memref<20x100xi32, #tpu.memory_space<hbm>>
      %dma_wait3A_51 = arith.constant 0 : i32
      %dma_wait3A_52 = arith.constant 0 : i32
      %dma_wait3A_53 = tpu.memref_slice %arg3[%add3A, %run_scoped3A, %dma_wait3A_51, %dma_wait3A_52] : memref<32x5x20x100xi32, #tpu.memory_space<hbm>> -> memref<1x1x20x100xi32, #tpu.memory_space<hbm>>
      %dma_wait3A_54 = tpu.memref_squeeze %dma_wait3A_53 : memref<1x1x20x100xi32, #tpu.memory_space<hbm>> -> memref<20x100xi32, #tpu.memory_space<hbm>>
      tpu.wait_dma2 semaphore(%run_scoped3A_39 : memref<!tpu.dma_semaphore, #tpu.memory_space<semaphore_mem>>) src(%dma_wait3A_54 : memref<20x100xi32, #tpu.memory_space<hbm>>) dst(%arg6 : memref<20x100xi32, #tpu.memory_space<vmem>>)
      tpu.yield
    }) : () -> ()
    %run_scoped3A_12 = arith.constant 0 : i32
    "tpu.region"() ({
      %run_scoped3A_39 = tpu.sem_alloc : memref<!tpu.dma_semaphore, #tpu.memory_space<semaphore_mem>>
      %dma_start3A_40 = arith.constant 0 : i32
      %dma_start3A_41 = arith.constant 0 : i32
      %dma_start3A_42 = tpu.memref_slice %arg4[%add3A, %run_scoped3A_12, %dma_start3A_40, %dma_start3A_41] : memref<32x5x20x100xi32, #tpu.memory_space<hbm>> -> memref<1x1x20x100xi32, #tpu.memory_space<hbm>>
      %dma_start3A_43 = tpu.memref_squeeze %dma_start3A_42 : memref<1x1x20x100xi32, #tpu.memory_space<hbm>> -> memref<20x100xi32, #tpu.memory_space<hbm>>
      %dma_start3A_44 = arith.constant 0 : i32
      %dma_start3A_45 = arith.constant 0 : i32
      %dma_start3A_46 = tpu.memref_slice %arg4[%add3A, %run_scoped3A_12, %dma_start3A_44, %dma_start3A_45] : memref<32x5x20x100xi32, #tpu.memory_space<hbm>> -> memref<1x1x20x100xi32, #tpu.memory_space<hbm>>
      %dma_start3A_47 = tpu.memref_squeeze %dma_start3A_46 : memref<1x1x20x100xi32, #tpu.memory_space<hbm>> -> memref<20x100xi32, #tpu.memory_space<hbm>>
      tpu.enqueue_dma source(%dma_start3A_47 : memref<20x100xi32, #tpu.memory_space<hbm>>) target(%arg7 : memref<20x100xi32, #tpu.memory_space<vmem>>) target_semaphore(%run_scoped3A_39 : memref<!tpu.dma_semaphore, #tpu.memory_space<semaphore_mem>>)
      %dma_wait3A = arith.constant 0 : i32
      %dma_wait3A_48 = arith.constant 0 : i32
      %dma_wait3A_49 = tpu.memref_slice %arg4[%add3A, %run_scoped3A_12, %dma_wait3A, %dma_wait3A_48] : memref<32x5x20x100xi32, #tpu.memory_space<hbm>> -> memref<1x1x20x100xi32, #tpu.memory_space<hbm>>
      %dma_wait3A_50 = tpu.memref_squeeze %dma_wait3A_49 : memref<1x1x20x100xi32, #tpu.memory_space<hbm>> -> memref<20x100xi32, #tpu.memory_space<hbm>>
      %dma_wait3A_51 = arith.constant 0 : i32
      %dma_wait3A_52 = arith.constant 0 : i32
      %dma_wait3A_53 = tpu.memref_slice %arg4[%add3A, %run_scoped3A_12, %dma_wait3A_51, %dma_wait3A_52] : memref<32x5x20x100xi32, #tpu.memory_space<hbm>> -> memref<1x1x20x100xi32, #tpu.memory_space<hbm>>
      %dma_wait3A_54 = tpu.memref_squeeze %dma_wait3A_53 : memref<1x1x20x100xi32, #tpu.memory_space<hbm>> -> memref<20x100xi32, #tpu.memory_space<hbm>>
      tpu.wait_dma2 semaphore(%run_scoped3A_39 : memref<!tpu.dma_semaphore, #tpu.memory_space<semaphore_mem>>) src(%dma_wait3A_54 : memref<20x100xi32, #tpu.memory_space<hbm>>) dst(%arg7 : memref<20x100xi32, #tpu.memory_space<vmem>>)
      tpu.yield
    }) : () -> ()
    %dma_start3A = arith.constant 0 : i32
    %dma_start3A_13 = arith.constant 0 : i32
    %dma_start3A_14 = tpu.memref_slice %arg6[%dma_start3A, %dma_start3A_13] : memref<20x100xi32, #tpu.memory_space<vmem>> -> memref<1x100xi32, #tpu.memory_space<vmem>>
    %dma_start3A_15 = tpu.memref_squeeze %dma_start3A_14 : memref<1x100xi32, #tpu.memory_space<vmem>> -> memref<100xi32, #tpu.memory_space<vmem>>
    %dma_start3A_16 = arith.constant 0 : i32
    %dma_start3A_17 = arith.constant 0 : i32
    %dma_start3A_18 = tpu.memref_slice %arg2[%dma_start3A_16, %dma_start3A_17] : memref<10240x144xf32, #tpu.memory_space<hbm>> -> memref<10240x144xf32, #tpu.memory_space<hbm>>
    tpu.enqueue_indirect_dma source(%dma_start3A_18 : memref<10240x144xf32, #tpu.memory_space<hbm>>) target(%arg8 : memref<100x144xf32, #tpu.memory_space<vmem>>) offsets(%dma_start3A_15 : memref<100xi32, #tpu.memory_space<vmem>>) semaphore(%arg12 : memref<!tpu.dma_semaphore, #tpu.memory_space<semaphore_mem>>)
    %scan3A_19 = arith.constant 0 : i32
    %scan3A_20 = arith.constant 0 : i32
    %scan3A_21 = arith.constant 20 : i32
    %scan3A_22 = arith.addi %scan3A_20, %scan3A_21 : i32
    %scan3A_23 = arith.constant 1 : i32
    scf.for %scan3A_39 = %scan3A_20 to %scan3A_22 step %scan3A_23  : i32 {
      %mul3A_40 = arith.constant 320 : i32
      %mul3A_41 = arith.muli %arg1, %mul3A_40 : i32
      %dma_wait3A = arith.constant 0 : i32
      %dma_wait3A_42 = tpu.memref_slice %arg11[%mul3A_41, %dma_wait3A] : memref<5120x144xf32, #tpu.memory_space<vmem_shared>> -> memref<16x144xf32, #tpu.memory_space<vmem_shared>>
      %dma_wait3A_43 = arith.constant 0 : i32
      %dma_wait3A_44 = tpu.memref_slice %arg11[%mul3A_41, %dma_wait3A_43] : memref<5120x144xf32, #tpu.memory_space<vmem_shared>> -> memref<16x144xf32, #tpu.memory_space<vmem_shared>>
      tpu.wait_dma2 semaphore(%arg14 : memref<!tpu.dma_semaphore, #tpu.memory_space<semaphore_mem>>) src(%arg10 : memref<16x144xf32, #tpu.memory_space<vmem>>) dst(%dma_wait3A_44 : memref<16x144xf32, #tpu.memory_space<vmem_shared>>)
    }
    %scan3A_24 = arith.constant 20 : i32
    %barrier3A = arith.constant 0 : index
    tpu.barrier barrier_id(%barrier3A)
    %scan3A_25 = arith.constant 0 : i32
    %scan3A_26 = arith.constant 0 : i32
    %scan3A_27 = arith.constant 5 : i32
    %scan3A_28 = arith.addi %scan3A_26, %scan3A_27 : i32
    %scan3A_29 = arith.constant 1 : i32
    scf.for %scan3A_39 = %scan3A_26 to %scan3A_28 step %scan3A_29  : i32 {
      %gt3A = arith.constant 0 : i32
      %gt3A_40 = arith.cmpi sgt, %scan3A_39, %gt3A : i32
      %convert_element_type3A = arith.extui %gt3A_40 : i1 to i32
      %cond3A = arith.constant 0 : i32
      %cond3A_41 = arith.cmpi ne, %convert_element_type3A, %cond3A : i32
      scf.if %cond3A_41 {
        "tpu.region"() ({
          %run_scoped3A_77 = tpu.sem_alloc : memref<!tpu.dma_semaphore, #tpu.memory_space<semaphore_mem>>
          %dma_start3A_78 = arith.constant 0 : i32
          %dma_start3A_79 = arith.constant 0 : i32
          %dma_start3A_80 = tpu.memref_slice %arg3[%add3A, %scan3A_39, %dma_start3A_78, %dma_start3A_79] : memref<32x5x20x100xi32, #tpu.memory_space<hbm>> -> memref<1x1x20x100xi32, #tpu.memory_space<hbm>>
          %dma_start3A_81 = tpu.memref_squeeze %dma_start3A_80 : memref<1x1x20x100xi32, #tpu.memory_space<hbm>> -> memref<20x100xi32, #tpu.memory_space<hbm>>
          %dma_start3A_82 = arith.constant 0 : i32
          %dma_start3A_83 = arith.constant 0 : i32
          %dma_start3A_84 = tpu.memref_slice %arg3[%add3A, %scan3A_39, %dma_start3A_82, %dma_start3A_83] : memref<32x5x20x100xi32, #tpu.memory_space<hbm>> -> memref<1x1x20x100xi32, #tpu.memory_space<hbm>>
          %dma_start3A_85 = tpu.memref_squeeze %dma_start3A_84 : memref<1x1x20x100xi32, #tpu.memory_space<hbm>> -> memref<20x100xi32, #tpu.memory_space<hbm>>
          tpu.enqueue_dma source(%dma_start3A_85 : memref<20x100xi32, #tpu.memory_space<hbm>>) target(%arg6 : memref<20x100xi32, #tpu.memory_space<vmem>>) target_semaphore(%run_scoped3A_77 : memref<!tpu.dma_semaphore, #tpu.memory_space<semaphore_mem>>)
          %dma_wait3A_86 = arith.constant 0 : i32
          %dma_wait3A_87 = arith.constant 0 : i32
          %dma_wait3A_88 = tpu.memref_slice %arg3[%add3A, %scan3A_39, %dma_wait3A_86, %dma_wait3A_87] : memref<32x5x20x100xi32, #tpu.memory_space<hbm>> -> memref<1x1x20x100xi32, #tpu.memory_space<hbm>>
          %dma_wait3A_89 = tpu.memref_squeeze %dma_wait3A_88 : memref<1x1x20x100xi32, #tpu.memory_space<hbm>> -> memref<20x100xi32, #tpu.memory_space<hbm>>
          %dma_wait3A_90 = arith.constant 0 : i32
          %dma_wait3A_91 = arith.constant 0 : i32
          %dma_wait3A_92 = tpu.memref_slice %arg3[%add3A, %scan3A_39, %dma_wait3A_90, %dma_wait3A_91] : memref<32x5x20x100xi32, #tpu.memory_space<hbm>> -> memref<1x1x20x100xi32, #tpu.memory_space<hbm>>
          %dma_wait3A_93 = tpu.memref_squeeze %dma_wait3A_92 : memref<1x1x20x100xi32, #tpu.memory_space<hbm>> -> memref<20x100xi32, #tpu.memory_space<hbm>>
          tpu.wait_dma2 semaphore(%run_scoped3A_77 : memref<!tpu.dma_semaphore, #tpu.memory_space<semaphore_mem>>) src(%dma_wait3A_93 : memref<20x100xi32, #tpu.memory_space<hbm>>) dst(%arg6 : memref<20x100xi32, #tpu.memory_space<vmem>>)
          tpu.yield
        }) : () -> ()
        "tpu.region"() ({
          %run_scoped3A_77 = tpu.sem_alloc : memref<!tpu.dma_semaphore, #tpu.memory_space<semaphore_mem>>
          %dma_start3A_78 = arith.constant 0 : i32
          %dma_start3A_79 = arith.constant 0 : i32
          %dma_start3A_80 = tpu.memref_slice %arg4[%add3A, %scan3A_39, %dma_start3A_78, %dma_start3A_79] : memref<32x5x20x100xi32, #tpu.memory_space<hbm>> -> memref<1x1x20x100xi32, #tpu.memory_space<hbm>>
          %dma_start3A_81 = tpu.memref_squeeze %dma_start3A_80 : memref<1x1x20x100xi32, #tpu.memory_space<hbm>> -> memref<20x100xi32, #tpu.memory_space<hbm>>
          %dma_start3A_82 = arith.constant 0 : i32
          %dma_start3A_83 = arith.constant 0 : i32
          %dma_start3A_84 = tpu.memref_slice %arg4[%add3A, %scan3A_39, %dma_start3A_82, %dma_start3A_83] : memref<32x5x20x100xi32, #tpu.memory_space<hbm>> -> memref<1x1x20x100xi32, #tpu.memory_space<hbm>>
          %dma_start3A_85 = tpu.memref_squeeze %dma_start3A_84 : memref<1x1x20x100xi32, #tpu.memory_space<hbm>> -> memref<20x100xi32, #tpu.memory_space<hbm>>
          tpu.enqueue_dma source(%dma_start3A_85 : memref<20x100xi32, #tpu.memory_space<hbm>>) target(%arg7 : memref<20x100xi32, #tpu.memory_space<vmem>>) target_semaphore(%run_scoped3A_77 : memref<!tpu.dma_semaphore, #tpu.memory_space<semaphore_mem>>)
          %dma_wait3A_86 = arith.constant 0 : i32
          %dma_wait3A_87 = arith.constant 0 : i32
          %dma_wait3A_88 = tpu.memref_slice %arg4[%add3A, %scan3A_39, %dma_wait3A_86, %dma_wait3A_87] : memref<32x5x20x100xi32, #tpu.memory_space<hbm>> -> memref<1x1x20x100xi32, #tpu.memory_space<hbm>>
          %dma_wait3A_89 = tpu.memref_squeeze %dma_wait3A_88 : memref<1x1x20x100xi32, #tpu.memory_space<hbm>> -> memref<20x100xi32, #tpu.memory_space<hbm>>
          %dma_wait3A_90 = arith.constant 0 : i32
          %dma_wait3A_91 = arith.constant 0 : i32
          %dma_wait3A_92 = tpu.memref_slice %arg4[%add3A, %scan3A_39, %dma_wait3A_90, %dma_wait3A_91] : memref<32x5x20x100xi32, #tpu.memory_space<hbm>> -> memref<1x1x20x100xi32, #tpu.memory_space<hbm>>
          %dma_wait3A_93 = tpu.memref_squeeze %dma_wait3A_92 : memref<1x1x20x100xi32, #tpu.memory_space<hbm>> -> memref<20x100xi32, #tpu.memory_space<hbm>>
          tpu.wait_dma2 semaphore(%run_scoped3A_77 : memref<!tpu.dma_semaphore, #tpu.memory_space<semaphore_mem>>) src(%dma_wait3A_93 : memref<20x100xi32, #tpu.memory_space<hbm>>) dst(%arg7 : memref<20x100xi32, #tpu.memory_space<vmem>>)
          tpu.yield
        }) : () -> ()
        %dma_start3A_70 = arith.constant 0 : i32
        %dma_start3A_71 = arith.constant 0 : i32
        %dma_start3A_72 = tpu.memref_slice %arg6[%dma_start3A_70, %dma_start3A_71] : memref<20x100xi32, #tpu.memory_space<vmem>> -> memref<1x100xi32, #tpu.memory_space<vmem>>
        %dma_start3A_73 = tpu.memref_squeeze %dma_start3A_72 : memref<1x100xi32, #tpu.memory_space<vmem>> -> memref<100xi32, #tpu.memory_space<vmem>>
        %dma_start3A_74 = arith.constant 0 : i32
        %dma_start3A_75 = arith.constant 0 : i32
        %dma_start3A_76 = tpu.memref_slice %arg2[%dma_start3A_74, %dma_start3A_75] : memref<10240x144xf32, #tpu.memory_space<hbm>> -> memref<10240x144xf32, #tpu.memory_space<hbm>>
        tpu.enqueue_indirect_dma source(%dma_start3A_76 : memref<10240x144xf32, #tpu.memory_space<hbm>>) target(%arg8 : memref<100x144xf32, #tpu.memory_space<vmem>>) offsets(%dma_start3A_73 : memref<100xi32, #tpu.memory_space<vmem>>) semaphore(%arg12 : memref<!tpu.dma_semaphore, #tpu.memory_space<semaphore_mem>>)
      } else {
      }
      %scan3A_42 = arith.constant 0 : i32
      %scan3A_43 = arith.constant 0 : i32
      %scan3A_44 = arith.constant 9 : i32
      %scan3A_45 = arith.addi %scan3A_43, %scan3A_44 : i32
      %scan3A_46 = arith.constant 1 : i32
      scf.for %scan3A_70 = %scan3A_43 to %scan3A_45 step %scan3A_46  : i32 {
        %mul3A_71 = arith.constant 2 : i32
        %mul3A_72 = arith.muli %scan3A_70, %mul3A_71 : i32
        %add3A_73 = arith.constant 0 : i32
        %add3A_74 = arith.addi %mul3A_72, %add3A_73 : i32
        %add3A_75 = arith.constant 2 : i32
        %add3A_76 = arith.addi %add3A_74, %add3A_75 : i32
        %sub3A = arith.constant 1 : i32
        %sub3A_77 = arith.subi %add3A_76, %sub3A : i32
        %dma_start3A_78 = arith.constant 0 : i32
        %dma_start3A_79 = tpu.memref_slice %arg6[%sub3A_77, %dma_start3A_78] : memref<20x100xi32, #tpu.memory_space<vmem>> -> memref<1x100xi32, #tpu.memory_space<vmem>>
        %dma_start3A_80 = tpu.memref_squeeze %dma_start3A_79 : memref<1x100xi32, #tpu.memory_space<vmem>> -> memref<100xi32, #tpu.memory_space<vmem>>
        %dma_start3A_81 = arith.constant 0 : i32
        %dma_start3A_82 = arith.constant 0 : i32
        %dma_start3A_83 = tpu.memref_slice %arg2[%dma_start3A_81, %dma_start3A_82] : memref<10240x144xf32, #tpu.memory_space<hbm>> -> memref<10240x144xf32, #tpu.memory_space<hbm>>
        tpu.enqueue_indirect_dma source(%dma_start3A_83 : memref<10240x144xf32, #tpu.memory_space<hbm>>) target(%arg9 : memref<100x144xf32, #tpu.memory_space<vmem>>) offsets(%dma_start3A_80 : memref<100xi32, #tpu.memory_space<vmem>>) semaphore(%arg13 : memref<!tpu.dma_semaphore, #tpu.memory_space<semaphore_mem>>)
        %dma_wait3A_84 = arith.constant 0 : i32
        %dma_wait3A_85 = tpu.memref_slice %arg6[%add3A_74, %dma_wait3A_84] : memref<20x100xi32, #tpu.memory_space<vmem>> -> memref<1x100xi32, #tpu.memory_space<vmem>>
        %dma_wait3A_86 = tpu.memref_squeeze %dma_wait3A_85 : memref<1x100xi32, #tpu.memory_space<vmem>> -> memref<100xi32, #tpu.memory_space<vmem>>
        %dma_wait3A_87 = arith.constant 0 : i32
        %dma_wait3A_88 = arith.constant 0 : i32
        %dma_wait3A_89 = tpu.memref_slice %arg2[%dma_wait3A_87, %dma_wait3A_88] : memref<10240x144xf32, #tpu.memory_space<hbm>> -> memref<10240x144xf32, #tpu.memory_space<hbm>>
        tpu.wait_indirect_dma semaphore(%arg12 : memref<!tpu.dma_semaphore, #tpu.memory_space<semaphore_mem>>) src(%dma_wait3A_89 : memref<10240x144xf32, #tpu.memory_space<hbm>>) dst(%arg8 : memref<100x144xf32, #tpu.memory_space<vmem>>)
        "tpu.region"() ({
          %run_scoped3A_110 = tpu.sem_alloc : memref<!tpu.dma_semaphore, #tpu.memory_space<semaphore_mem>>
          %dma_start3A_111 = arith.constant 0 : i32
          %dma_start3A_112 = tpu.memref_slice %arg7[%add3A_74, %dma_start3A_111] : memref<20x100xi32, #tpu.memory_space<vmem>> -> memref<1x100xi32, #tpu.memory_space<vmem>>
          %dma_start3A_113 = tpu.memref_squeeze %dma_start3A_112 : memref<1x100xi32, #tpu.memory_space<vmem>> -> memref<100xi32, #tpu.memory_space<vmem>>
          %dma_start3A_114 = arith.constant 0 : i32
          %dma_start3A_115 = arith.constant 0 : i32
          %dma_start3A_116 = tpu.memref_slice %arg11[%dma_start3A_114, %dma_start3A_115] : memref<5120x144xf32, #tpu.memory_space<vmem_shared>> -> memref<5120x144xf32, #tpu.memory_space<vmem_shared>>
          tpu.enqueue_indirect_dma source(%arg8 : memref<100x144xf32, #tpu.memory_space<vmem>>) target(%dma_start3A_116 : memref<5120x144xf32, #tpu.memory_space<vmem_shared>>) offsets(%dma_start3A_113 : memref<100xi32, #tpu.memory_space<vmem>>) semaphore(%run_scoped3A_110 : memref<!tpu.dma_semaphore, #tpu.memory_space<semaphore_mem>>) {add = true}
          %dma_wait3A_117 = arith.constant 0 : i32
          %dma_wait3A_118 = tpu.memref_slice %arg7[%add3A_74, %dma_wait3A_117] : memref<20x100xi32, #tpu.memory_space<vmem>> -> memref<1x100xi32, #tpu.memory_space<vmem>>
          %dma_wait3A_119 = tpu.memref_squeeze %dma_wait3A_118 : memref<1x100xi32, #tpu.memory_space<vmem>> -> memref<100xi32, #tpu.memory_space<vmem>>
          %dma_wait3A_120 = arith.constant 0 : i32
          %dma_wait3A_121 = arith.constant 0 : i32
          %dma_wait3A_122 = tpu.memref_slice %arg11[%dma_wait3A_120, %dma_wait3A_121] : memref<5120x144xf32, #tpu.memory_space<vmem_shared>> -> memref<5120x144xf32, #tpu.memory_space<vmem_shared>>
          tpu.wait_indirect_dma semaphore(%run_scoped3A_110 : memref<!tpu.dma_semaphore, #tpu.memory_space<semaphore_mem>>) src(%arg8 : memref<100x144xf32, #tpu.memory_space<vmem>>) dst(%dma_wait3A_122 : memref<5120x144xf32, #tpu.memory_space<vmem_shared>>)
          tpu.yield
        }) : () -> ()
        %mul3A_90 = arith.constant 2 : i32
        %mul3A_91 = arith.muli %scan3A_70, %mul3A_90 : i32
        %add3A_92 = arith.constant 1 : i32
        %add3A_93 = arith.addi %mul3A_91, %add3A_92 : i32
        %add3A_94 = arith.constant 2 : i32
        %add3A_95 = arith.addi %add3A_93, %add3A_94 : i32
        %sub3A_96 = arith.constant 1 : i32
        %sub3A_97 = arith.subi %add3A_95, %sub3A_96 : i32
        %dma_start3A_98 = arith.constant 0 : i32
        %dma_start3A_99 = tpu.memref_slice %arg6[%sub3A_97, %dma_start3A_98] : memref<20x100xi32, #tpu.memory_space<vmem>> -> memref<1x100xi32, #tpu.memory_space<vmem>>
        %dma_start3A_100 = tpu.memref_squeeze %dma_start3A_99 : memref<1x100xi32, #tpu.memory_space<vmem>> -> memref<100xi32, #tpu.memory_space<vmem>>
        %dma_start3A_101 = arith.constant 0 : i32
        %dma_start3A_102 = arith.constant 0 : i32
        %dma_start3A_103 = tpu.memref_slice %arg2[%dma_start3A_101, %dma_start3A_102] : memref<10240x144xf32, #tpu.memory_space<hbm>> -> memref<10240x144xf32, #tpu.memory_space<hbm>>
        tpu.enqueue_indirect_dma source(%dma_start3A_103 : memref<10240x144xf32, #tpu.memory_space<hbm>>) target(%arg8 : memref<100x144xf32, #tpu.memory_space<vmem>>) offsets(%dma_start3A_100 : memref<100xi32, #tpu.memory_space<vmem>>) semaphore(%arg12 : memref<!tpu.dma_semaphore, #tpu.memory_space<semaphore_mem>>)
        %dma_wait3A_104 = arith.constant 0 : i32
        %dma_wait3A_105 = tpu.memref_slice %arg6[%add3A_93, %dma_wait3A_104] : memref<20x100xi32, #tpu.memory_space<vmem>> -> memref<1x100xi32, #tpu.memory_space<vmem>>
        %dma_wait3A_106 = tpu.memref_squeeze %dma_wait3A_105 : memref<1x100xi32, #tpu.memory_space<vmem>> -> memref<100xi32, #tpu.memory_space<vmem>>
        %dma_wait3A_107 = arith.constant 0 : i32
        %dma_wait3A_108 = arith.constant 0 : i32
        %dma_wait3A_109 = tpu.memref_slice %arg2[%dma_wait3A_107, %dma_wait3A_108] : memref<10240x144xf32, #tpu.memory_space<hbm>> -> memref<10240x144xf32, #tpu.memory_space<hbm>>
        tpu.wait_indirect_dma semaphore(%arg13 : memref<!tpu.dma_semaphore, #tpu.memory_space<semaphore_mem>>) src(%dma_wait3A_109 : memref<10240x144xf32, #tpu.memory_space<hbm>>) dst(%arg9 : memref<100x144xf32, #tpu.memory_space<vmem>>)
        "tpu.region"() ({
          %run_scoped3A_110 = tpu.sem_alloc : memref<!tpu.dma_semaphore, #tpu.memory_space<semaphore_mem>>
          %dma_start3A_111 = arith.constant 0 : i32
          %dma_start3A_112 = tpu.memref_slice %arg7[%add3A_93, %dma_start3A_111] : memref<20x100xi32, #tpu.memory_space<vmem>> -> memref<1x100xi32, #tpu.memory_space<vmem>>
          %dma_start3A_113 = tpu.memref_squeeze %dma_start3A_112 : memref<1x100xi32, #tpu.memory_space<vmem>> -> memref<100xi32, #tpu.memory_space<vmem>>
          %dma_start3A_114 = arith.constant 0 : i32
          %dma_start3A_115 = arith.constant 0 : i32
          %dma_start3A_116 = tpu.memref_slice %arg11[%dma_start3A_114, %dma_start3A_115] : memref<5120x144xf32, #tpu.memory_space<vmem_shared>> -> memref<5120x144xf32, #tpu.memory_space<vmem_shared>>
          tpu.enqueue_indirect_dma source(%arg9 : memref<100x144xf32, #tpu.memory_space<vmem>>) target(%dma_start3A_116 : memref<5120x144xf32, #tpu.memory_space<vmem_shared>>) offsets(%dma_start3A_113 : memref<100xi32, #tpu.memory_space<vmem>>) semaphore(%run_scoped3A_110 : memref<!tpu.dma_semaphore, #tpu.memory_space<semaphore_mem>>) {add = true}
          %dma_wait3A_117 = arith.constant 0 : i32
          %dma_wait3A_118 = tpu.memref_slice %arg7[%add3A_93, %dma_wait3A_117] : memref<20x100xi32, #tpu.memory_space<vmem>> -> memref<1x100xi32, #tpu.memory_space<vmem>>
          %dma_wait3A_119 = tpu.memref_squeeze %dma_wait3A_118 : memref<1x100xi32, #tpu.memory_space<vmem>> -> memref<100xi32, #tpu.memory_space<vmem>>
          %dma_wait3A_120 = arith.constant 0 : i32
          %dma_wait3A_121 = arith.constant 0 : i32
          %dma_wait3A_122 = tpu.memref_slice %arg11[%dma_wait3A_120, %dma_wait3A_121] : memref<5120x144xf32, #tpu.memory_space<vmem_shared>> -> memref<5120x144xf32, #tpu.memory_space<vmem_shared>>
          tpu.wait_indirect_dma semaphore(%run_scoped3A_110 : memref<!tpu.dma_semaphore, #tpu.memory_space<semaphore_mem>>) src(%arg9 : memref<100x144xf32, #tpu.memory_space<vmem>>) dst(%dma_wait3A_122 : memref<5120x144xf32, #tpu.memory_space<vmem_shared>>)
          tpu.yield
        }) : () -> ()
      }
      %scan3A_47 = arith.constant 9 : i32
      %dma_start3A_48 = arith.constant 19 : i32
      %dma_start3A_49 = arith.constant 0 : i32
      %dma_start3A_50 = tpu.memref_slice %arg6[%dma_start3A_48, %dma_start3A_49] : memref<20x100xi32, #tpu.memory_space<vmem>> -> memref<1x100xi32, #tpu.memory_space<vmem>>
      %dma_start3A_51 = tpu.memref_squeeze %dma_start3A_50 : memref<1x100xi32, #tpu.memory_space<vmem>> -> memref<100xi32, #tpu.memory_space<vmem>>
      %dma_start3A_52 = arith.constant 0 : i32
      %dma_start3A_53 = arith.constant 0 : i32
      %dma_start3A_54 = tpu.memref_slice %arg2[%dma_start3A_52, %dma_start3A_53] : memref<10240x144xf32, #tpu.memory_space<hbm>> -> memref<10240x144xf32, #tpu.memory_space<hbm>>
      tpu.enqueue_indirect_dma source(%dma_start3A_54 : memref<10240x144xf32, #tpu.memory_space<hbm>>) target(%arg9 : memref<100x144xf32, #tpu.memory_space<vmem>>) offsets(%dma_start3A_51 : memref<100xi32, #tpu.memory_space<vmem>>) semaphore(%arg13 : memref<!tpu.dma_semaphore, #tpu.memory_space<semaphore_mem>>)
      %dma_wait3A = arith.constant 18 : i32
      %dma_wait3A_55 = arith.constant 0 : i32
      %dma_wait3A_56 = tpu.memref_slice %arg6[%dma_wait3A, %dma_wait3A_55] : memref<20x100xi32, #tpu.memory_space<vmem>> -> memref<1x100xi32, #tpu.memory_space<vmem>>
      %dma_wait3A_57 = tpu.memref_squeeze %dma_wait3A_56 : memref<1x100xi32, #tpu.memory_space<vmem>> -> memref<100xi32, #tpu.memory_space<vmem>>
      %dma_wait3A_58 = arith.constant 0 : i32
      %dma_wait3A_59 = arith.constant 0 : i32
      %dma_wait3A_60 = tpu.memref_slice %arg2[%dma_wait3A_58, %dma_wait3A_59] : memref<10240x144xf32, #tpu.memory_space<hbm>> -> memref<10240x144xf32, #tpu.memory_space<hbm>>
      tpu.wait_indirect_dma semaphore(%arg12 : memref<!tpu.dma_semaphore, #tpu.memory_space<semaphore_mem>>) src(%dma_wait3A_60 : memref<10240x144xf32, #tpu.memory_space<hbm>>) dst(%arg8 : memref<100x144xf32, #tpu.memory_space<vmem>>)
      %run_scoped3A_61 = arith.constant 18 : i32
      "tpu.region"() ({
        %run_scoped3A_70 = tpu.sem_alloc : memref<!tpu.dma_semaphore, #tpu.memory_space<semaphore_mem>>
        %dma_start3A_71 = arith.constant 0 : i32
        %dma_start3A_72 = tpu.memref_slice %arg7[%run_scoped3A_61, %dma_start3A_71] : memref<20x100xi32, #tpu.memory_space<vmem>> -> memref<1x100xi32, #tpu.memory_space<vmem>>
        %dma_start3A_73 = tpu.memref_squeeze %dma_start3A_72 : memref<1x100xi32, #tpu.memory_space<vmem>> -> memref<100xi32, #tpu.memory_space<vmem>>
        %dma_start3A_74 = arith.constant 0 : i32
        %dma_start3A_75 = arith.constant 0 : i32
        %dma_start3A_76 = tpu.memref_slice %arg11[%dma_start3A_74, %dma_start3A_75] : memref<5120x144xf32, #tpu.memory_space<vmem_shared>> -> memref<5120x144xf32, #tpu.memory_space<vmem_shared>>
        tpu.enqueue_indirect_dma source(%arg8 : memref<100x144xf32, #tpu.memory_space<vmem>>) target(%dma_start3A_76 : memref<5120x144xf32, #tpu.memory_space<vmem_shared>>) offsets(%dma_start3A_73 : memref<100xi32, #tpu.memory_space<vmem>>) semaphore(%run_scoped3A_70 : memref<!tpu.dma_semaphore, #tpu.memory_space<semaphore_mem>>) {add = true}
        %dma_wait3A_77 = arith.constant 0 : i32
        %dma_wait3A_78 = tpu.memref_slice %arg7[%run_scoped3A_61, %dma_wait3A_77] : memref<20x100xi32, #tpu.memory_space<vmem>> -> memref<1x100xi32, #tpu.memory_space<vmem>>
        %dma_wait3A_79 = tpu.memref_squeeze %dma_wait3A_78 : memref<1x100xi32, #tpu.memory_space<vmem>> -> memref<100xi32, #tpu.memory_space<vmem>>
        %dma_wait3A_80 = arith.constant 0 : i32
        %dma_wait3A_81 = arith.constant 0 : i32
        %dma_wait3A_82 = tpu.memref_slice %arg11[%dma_wait3A_80, %dma_wait3A_81] : memref<5120x144xf32, #tpu.memory_space<vmem_shared>> -> memref<5120x144xf32, #tpu.memory_space<vmem_shared>>
        tpu.wait_indirect_dma semaphore(%run_scoped3A_70 : memref<!tpu.dma_semaphore, #tpu.memory_space<semaphore_mem>>) src(%arg8 : memref<100x144xf32, #tpu.memory_space<vmem>>) dst(%dma_wait3A_82 : memref<5120x144xf32, #tpu.memory_space<vmem_shared>>)
        tpu.yield
      }) : () -> ()
      %dma_wait3A_62 = arith.constant 19 : i32
      %dma_wait3A_63 = arith.constant 0 : i32
      %dma_wait3A_64 = tpu.memref_slice %arg6[%dma_wait3A_62, %dma_wait3A_63] : memref<20x100xi32, #tpu.memory_space<vmem>> -> memref<1x100xi32, #tpu.memory_space<vmem>>
      %dma_wait3A_65 = tpu.memref_squeeze %dma_wait3A_64 : memref<1x100xi32, #tpu.memory_space<vmem>> -> memref<100xi32, #tpu.memory_space<vmem>>
      %dma_wait3A_66 = arith.constant 0 : i32
      %dma_wait3A_67 = arith.constant 0 : i32
      %dma_wait3A_68 = tpu.memref_slice %arg2[%dma_wait3A_66, %dma_wait3A_67] : memref<10240x144xf32, #tpu.memory_space<hbm>> -> memref<10240x144xf32, #tpu.memory_space<hbm>>
      tpu.wait_indirect_dma semaphore(%arg13 : memref<!tpu.dma_semaphore, #tpu.memory_space<semaphore_mem>>) src(%dma_wait3A_68 : memref<10240x144xf32, #tpu.memory_space<hbm>>) dst(%arg9 : memref<100x144xf32, #tpu.memory_space<vmem>>)
      %run_scoped3A_69 = arith.constant 19 : i32
      "tpu.region"() ({
        %run_scoped3A_70 = tpu.sem_alloc : memref<!tpu.dma_semaphore, #tpu.memory_space<semaphore_mem>>
        %dma_start3A_71 = arith.constant 0 : i32
        %dma_start3A_72 = tpu.memref_slice %arg7[%run_scoped3A_69, %dma_start3A_71] : memref<20x100xi32, #tpu.memory_space<vmem>> -> memref<1x100xi32, #tpu.memory_space<vmem>>
        %dma_start3A_73 = tpu.memref_squeeze %dma_start3A_72 : memref<1x100xi32, #tpu.memory_space<vmem>> -> memref<100xi32, #tpu.memory_space<vmem>>
        %dma_start3A_74 = arith.constant 0 : i32
        %dma_start3A_75 = arith.constant 0 : i32
        %dma_start3A_76 = tpu.memref_slice %arg11[%dma_start3A_74, %dma_start3A_75] : memref<5120x144xf32, #tpu.memory_space<vmem_shared>> -> memref<5120x144xf32, #tpu.memory_space<vmem_shared>>
        tpu.enqueue_indirect_dma source(%arg9 : memref<100x144xf32, #tpu.memory_space<vmem>>) target(%dma_start3A_76 : memref<5120x144xf32, #tpu.memory_space<vmem_shared>>) offsets(%dma_start3A_73 : memref<100xi32, #tpu.memory_space<vmem>>) semaphore(%run_scoped3A_70 : memref<!tpu.dma_semaphore, #tpu.memory_space<semaphore_mem>>) {add = true}
        %dma_wait3A_77 = arith.constant 0 : i32
        %dma_wait3A_78 = tpu.memref_slice %arg7[%run_scoped3A_69, %dma_wait3A_77] : memref<20x100xi32, #tpu.memory_space<vmem>> -> memref<1x100xi32, #tpu.memory_space<vmem>>
        %dma_wait3A_79 = tpu.memref_squeeze %dma_wait3A_78 : memref<1x100xi32, #tpu.memory_space<vmem>> -> memref<100xi32, #tpu.memory_space<vmem>>
        %dma_wait3A_80 = arith.constant 0 : i32
        %dma_wait3A_81 = arith.constant 0 : i32
        %dma_wait3A_82 = tpu.memref_slice %arg11[%dma_wait3A_80, %dma_wait3A_81] : memref<5120x144xf32, #tpu.memory_space<vmem_shared>> -> memref<5120x144xf32, #tpu.memory_space<vmem_shared>>
        tpu.wait_indirect_dma semaphore(%run_scoped3A_70 : memref<!tpu.dma_semaphore, #tpu.memory_space<semaphore_mem>>) src(%arg9 : memref<100x144xf32, #tpu.memory_space<vmem>>) dst(%dma_wait3A_82 : memref<5120x144xf32, #tpu.memory_space<vmem_shared>>)
        tpu.yield
      }) : () -> ()
    }
    %scan3A_30 = arith.constant 5 : i32
    %barrier3A_31 = arith.constant 0 : index
    tpu.barrier barrier_id(%barrier3A_31)
    %mul3A_32 = arith.constant 320 : i32
    %mul3A_33 = arith.muli %arg1, %mul3A_32 : i32
    %mul3A_34 = arith.constant 5120 : i32
    %mul3A_35 = arith.muli %arg0, %mul3A_34 : i32
    %mul3A_36 = arith.constant 320 : i32
    %mul3A_37 = arith.muli %arg1, %mul3A_36 : i32
    %add3A_38 = arith.addi %mul3A_35, %mul3A_37 : i32
    "tpu.region"() ({
      %run_scoped3A_39 = tpu.sem_alloc : memref<!tpu.dma_semaphore, #tpu.memory_space<semaphore_mem>>
      %dma_start3A_40 = arith.constant 0 : i32
      %dma_start3A_41 = tpu.memref_slice %arg5[%add3A_38, %dma_start3A_40] : memref<10240x144xf32, #tpu.memory_space<hbm>> -> memref<320x144xf32, #tpu.memory_space<hbm>>
      %dma_start3A_42 = arith.constant 0 : i32
      %dma_start3A_43 = tpu.memref_slice %arg11[%mul3A_33, %dma_start3A_42] : memref<5120x144xf32, #tpu.memory_space<vmem_shared>> -> memref<320x144xf32, #tpu.memory_space<vmem_shared>>
      tpu.enqueue_dma source(%dma_start3A_43 : memref<320x144xf32, #tpu.memory_space<vmem_shared>>) target(%dma_start3A_41 : memref<320x144xf32, #tpu.memory_space<hbm>>) target_semaphore(%run_scoped3A_39 : memref<!tpu.dma_semaphore, #tpu.memory_space<semaphore_mem>>)
      %dma_wait3A = arith.constant 0 : i32
      %dma_wait3A_44 = tpu.memref_slice %arg5[%add3A_38, %dma_wait3A] : memref<10240x144xf32, #tpu.memory_space<hbm>> -> memref<320x144xf32, #tpu.memory_space<hbm>>
      %dma_wait3A_45 = arith.constant 0 : i32
      %dma_wait3A_46 = tpu.memref_slice %arg11[%mul3A_33, %dma_wait3A_45] : memref<5120x144xf32, #tpu.memory_space<vmem_shared>> -> memref<320x144xf32, #tpu.memory_space<vmem_shared>>
      tpu.wait_dma2 semaphore(%run_scoped3A_39 : memref<!tpu.dma_semaphore, #tpu.memory_space<semaphore_mem>>) src(%dma_wait3A_46 : memref<320x144xf32, #tpu.memory_space<vmem_shared>>) dst(%dma_wait3A_44 : memref<320x144xf32, #tpu.memory_space<hbm>>)
      tpu.yield
    }) : () -> ()
    return
  }
}

#map = affine_map<(d0, d1) -> (0, 0)>
#map1 = affine_map<(d0, d1) -> (0, 0, 0, 0)>
module attributes {stable_mosaic.version = 14 : i64} {
  func.func @body(%arg0: i32, %arg1: i32, %arg2: memref<10240x48xf32, #tpu.memory_space<hbm>>, %arg3: memref<32x1x80x125xi32, #tpu.memory_space<hbm>>, %arg4: memref<32x1x80x125xi32, #tpu.memory_space<hbm>>, %arg5: memref<10240x48xf32, #tpu.memory_space<hbm>>, %arg6: memref<80x125xi32, #tpu.memory_space<vmem>>, %arg7: memref<80x125xi32, #tpu.memory_space<vmem>>, %arg8: memref<125x48xf32, #tpu.memory_space<vmem>>, %arg9: memref<125x48xf32, #tpu.memory_space<vmem>>, %arg10: memref<125x48xf32, #tpu.memory_space<vmem>>, %arg11: memref<125x48xf32, #tpu.memory_space<vmem>>, %arg12: memref<16x48xf32, #tpu.memory_space<vmem>>, %arg13: memref<5120x48xf32, #tpu.memory_space<vmem_shared>>, %arg14: memref<!tpu.dma_semaphore, #tpu.memory_space<semaphore_mem>>, %arg15: memref<!tpu.dma_semaphore, #tpu.memory_space<semaphore_mem>>, %arg16: memref<!tpu.dma_semaphore, #tpu.memory_space<semaphore_mem>>, %arg17: memref<!tpu.dma_semaphore, #tpu.memory_space<semaphore_mem>>, %arg18: memref<!tpu.dma_semaphore, #tpu.memory_space<semaphore_mem>>) attributes {dimension_semantics = [#tpu.dimension_semantics<core_parallel>, #tpu.dimension_semantics<subcore_parallel>], iteration_bounds = array<i64: 2, 16>, scalar_prefetch = 0 : i64, scratch_operands = 13 : i64, tpu.core_type = #tpu.core_type<sc_vector_subcore>, window_params = [{transform_indices = #map}, {transform_indices = #map1}, {transform_indices = #map1}, {transform_indices = #map}]} {
    %mul3A = arith.constant 16 : i32
    %mul3A_0 = arith.muli %arg0, %mul3A : i32
    %add3A = arith.addi %mul3A_0, %arg1 : i32
    %scan3A = arith.constant 0 : i32
    %scan3A_1 = arith.constant 0 : i32
    %scan3A_2 = arith.constant 16 : i32
    %scan3A_3 = arith.addi %scan3A_1, %scan3A_2 : i32
    %scan3A_4 = arith.constant 1 : i32
    scf.for %scan3A_96 = %scan3A_1 to %scan3A_3 step %scan3A_4  : i32 {
      %broadcast_in_dim3A = arith.constant 0.000000e+00 : f32
      %broadcast_in_dim3A_97 = vector.broadcast %broadcast_in_dim3A : f32 to vector<16xf32>
      %swap3A = arith.index_cast %scan3A_96 : i32 to index
      %swap3A_98 = arith.constant 0 : index
      %swap3A_99 = tpu.vector_load %arg12[%swap3A, %swap3A_98] {strides = array<i32>} : memref<16x48xf32, #tpu.memory_space<vmem>>, vector<1x16xf32>,
      %swap3A_100 = vector.shape_cast %swap3A_99 : vector<1x16xf32> to vector<16xf32>
      %swap3A_101 = vector.shape_cast %broadcast_in_dim3A_97 : vector<16xf32> to vector<1x16xf32>
      tpu.vector_store %arg12[%swap3A, %swap3A_98], %swap3A_101 {strides = array<i32>} : memref<16x48xf32, #tpu.memory_space<vmem>>, vector<1x16xf32>,
      %broadcast_in_dim3A_102 = arith.constant 0.000000e+00 : f32
      %broadcast_in_dim3A_103 = vector.broadcast %broadcast_in_dim3A_102 : f32 to vector<16xf32>
      %swap3A_104 = arith.index_cast %scan3A_96 : i32 to index
      %swap3A_105 = arith.constant 16 : index
      %swap3A_106 = tpu.vector_load %arg12[%swap3A_104, %swap3A_105] {strides = array<i32>} : memref<16x48xf32, #tpu.memory_space<vmem>>, vector<1x16xf32>,
      %swap3A_107 = vector.shape_cast %swap3A_106 : vector<1x16xf32> to vector<16xf32>
      %swap3A_108 = vector.shape_cast %broadcast_in_dim3A_103 : vector<16xf32> to vector<1x16xf32>
      tpu.vector_store %arg12[%swap3A_104, %swap3A_105], %swap3A_108 {strides = array<i32>} : memref<16x48xf32, #tpu.memory_space<vmem>>, vector<1x16xf32>,
      %broadcast_in_dim3A_109 = arith.constant 0.000000e+00 : f32
      %broadcast_in_dim3A_110 = vector.broadcast %broadcast_in_dim3A_109 : f32 to vector<16xf32>
      %swap3A_111 = arith.index_cast %scan3A_96 : i32 to index
      %swap3A_112 = arith.constant 32 : index
      %swap3A_113 = tpu.vector_load %arg12[%swap3A_111, %swap3A_112] {strides = array<i32>} : memref<16x48xf32, #tpu.memory_space<vmem>>, vector<1x16xf32>,
      %swap3A_114 = vector.shape_cast %swap3A_113 : vector<1x16xf32> to vector<16xf32>
      %swap3A_115 = vector.shape_cast %broadcast_in_dim3A_110 : vector<16xf32> to vector<1x16xf32>
      tpu.vector_store %arg12[%swap3A_111, %swap3A_112], %swap3A_115 {strides = array<i32>} : memref<16x48xf32, #tpu.memory_space<vmem>>, vector<1x16xf32>,
    }
    %scan3A_5 = arith.constant 16 : i32
    %scan3A_6 = arith.constant 0 : i32
    %scan3A_7 = arith.constant 0 : i32
    %scan3A_8 = arith.constant 20 : i32
    %scan3A_9 = arith.addi %scan3A_7, %scan3A_8 : i32
    %scan3A_10 = arith.constant 1 : i32
    scf.for %scan3A_96 = %scan3A_7 to %scan3A_9 step %scan3A_10  : i32 {
      %mul3A_97 = arith.constant 320 : i32
      %mul3A_98 = arith.muli %arg1, %mul3A_97 : i32
      %mul3A_99 = arith.constant 16 : i32
      %mul3A_100 = arith.muli %scan3A_96, %mul3A_99 : i32
      %add3A_101 = arith.addi %mul3A_98, %mul3A_100 : i32
      %dma_start3A_102 = arith.constant 0 : i32
      %dma_start3A_103 = tpu.memref_slice %arg13[%add3A_101, %dma_start3A_102] : memref<5120x48xf32, #tpu.memory_space<vmem_shared>> -> memref<16x48xf32, #tpu.memory_space<vmem_shared>>
      %dma_start3A_104 = arith.constant 0 : i32
      %dma_start3A_105 = tpu.memref_slice %arg13[%add3A_101, %dma_start3A_104] : memref<5120x48xf32, #tpu.memory_space<vmem_shared>> -> memref<16x48xf32, #tpu.memory_space<vmem_shared>>
      tpu.enqueue_dma source(%arg12 : memref<16x48xf32, #tpu.memory_space<vmem>>) target(%dma_start3A_105 : memref<16x48xf32, #tpu.memory_space<vmem_shared>>) target_semaphore(%arg18 : memref<!tpu.dma_semaphore, #tpu.memory_space<semaphore_mem>>)
    }
    %scan3A_11 = arith.constant 20 : i32
    %run_scoped3A = arith.constant 0 : i32
    "tpu.region"() ({
      %run_scoped3A_96 = tpu.sem_alloc : memref<!tpu.dma_semaphore, #tpu.memory_space<semaphore_mem>>
      %dma_start3A_97 = arith.constant 0 : i32
      %dma_start3A_98 = arith.constant 0 : i32
      %dma_start3A_99 = tpu.memref_slice %arg3[%add3A, %run_scoped3A, %dma_start3A_97, %dma_start3A_98] : memref<32x1x80x125xi32, #tpu.memory_space<hbm>> -> memref<1x1x80x125xi32, #tpu.memory_space<hbm>>
      %dma_start3A_100 = tpu.memref_squeeze %dma_start3A_99 : memref<1x1x80x125xi32, #tpu.memory_space<hbm>> -> memref<80x125xi32, #tpu.memory_space<hbm>>
      %dma_start3A_101 = arith.constant 0 : i32
      %dma_start3A_102 = arith.constant 0 : i32
      %dma_start3A_103 = tpu.memref_slice %arg3[%add3A, %run_scoped3A, %dma_start3A_101, %dma_start3A_102] : memref<32x1x80x125xi32, #tpu.memory_space<hbm>> -> memref<1x1x80x125xi32, #tpu.memory_space<hbm>>
      %dma_start3A_104 = tpu.memref_squeeze %dma_start3A_103 : memref<1x1x80x125xi32, #tpu.memory_space<hbm>> -> memref<80x125xi32, #tpu.memory_space<hbm>>
      tpu.enqueue_dma source(%dma_start3A_104 : memref<80x125xi32, #tpu.memory_space<hbm>>) target(%arg6 : memref<80x125xi32, #tpu.memory_space<vmem>>) target_semaphore(%run_scoped3A_96 : memref<!tpu.dma_semaphore, #tpu.memory_space<semaphore_mem>>)
      %dma_wait3A_105 = arith.constant 0 : i32
      %dma_wait3A_106 = arith.constant 0 : i32
      %dma_wait3A_107 = tpu.memref_slice %arg3[%add3A, %run_scoped3A, %dma_wait3A_105, %dma_wait3A_106] : memref<32x1x80x125xi32, #tpu.memory_space<hbm>> -> memref<1x1x80x125xi32, #tpu.memory_space<hbm>>
      %dma_wait3A_108 = tpu.memref_squeeze %dma_wait3A_107 : memref<1x1x80x125xi32, #tpu.memory_space<hbm>> -> memref<80x125xi32, #tpu.memory_space<hbm>>
      %dma_wait3A_109 = arith.constant 0 : i32
      %dma_wait3A_110 = arith.constant 0 : i32
      %dma_wait3A_111 = tpu.memref_slice %arg3[%add3A, %run_scoped3A, %dma_wait3A_109, %dma_wait3A_110] : memref<32x1x80x125xi32, #tpu.memory_space<hbm>> -> memref<1x1x80x125xi32, #tpu.memory_space<hbm>>
      %dma_wait3A_112 = tpu.memref_squeeze %dma_wait3A_111 : memref<1x1x80x125xi32, #tpu.memory_space<hbm>> -> memref<80x125xi32, #tpu.memory_space<hbm>>
      tpu.wait_dma2 semaphore(%run_scoped3A_96 : memref<!tpu.dma_semaphore, #tpu.memory_space<semaphore_mem>>) src(%dma_wait3A_112 : memref<80x125xi32, #tpu.memory_space<hbm>>) dst(%arg6 : memref<80x125xi32, #tpu.memory_space<vmem>>)
      tpu.yield
    }) : () -> ()
    %run_scoped3A_12 = arith.constant 0 : i32
    "tpu.region"() ({
      %run_scoped3A_96 = tpu.sem_alloc : memref<!tpu.dma_semaphore, #tpu.memory_space<semaphore_mem>>
      %dma_start3A_97 = arith.constant 0 : i32
      %dma_start3A_98 = arith.constant 0 : i32
      %dma_start3A_99 = tpu.memref_slice %arg4[%add3A, %run_scoped3A_12, %dma_start3A_97, %dma_start3A_98] : memref<32x1x80x125xi32, #tpu.memory_space<hbm>> -> memref<1x1x80x125xi32, #tpu.memory_space<hbm>>
      %dma_start3A_100 = tpu.memref_squeeze %dma_start3A_99 : memref<1x1x80x125xi32, #tpu.memory_space<hbm>> -> memref<80x125xi32, #tpu.memory_space<hbm>>
      %dma_start3A_101 = arith.constant 0 : i32
      %dma_start3A_102 = arith.constant 0 : i32
      %dma_start3A_103 = tpu.memref_slice %arg4[%add3A, %run_scoped3A_12, %dma_start3A_101, %dma_start3A_102] : memref<32x1x80x125xi32, #tpu.memory_space<hbm>> -> memref<1x1x80x125xi32, #tpu.memory_space<hbm>>
      %dma_start3A_104 = tpu.memref_squeeze %dma_start3A_103 : memref<1x1x80x125xi32, #tpu.memory_space<hbm>> -> memref<80x125xi32, #tpu.memory_space<hbm>>
      tpu.enqueue_dma source(%dma_start3A_104 : memref<80x125xi32, #tpu.memory_space<hbm>>) target(%arg7 : memref<80x125xi32, #tpu.memory_space<vmem>>) target_semaphore(%run_scoped3A_96 : memref<!tpu.dma_semaphore, #tpu.memory_space<semaphore_mem>>)
      %dma_wait3A_105 = arith.constant 0 : i32
      %dma_wait3A_106 = arith.constant 0 : i32
      %dma_wait3A_107 = tpu.memref_slice %arg4[%add3A, %run_scoped3A_12, %dma_wait3A_105, %dma_wait3A_106] : memref<32x1x80x125xi32, #tpu.memory_space<hbm>> -> memref<1x1x80x125xi32, #tpu.memory_space<hbm>>
      %dma_wait3A_108 = tpu.memref_squeeze %dma_wait3A_107 : memref<1x1x80x125xi32, #tpu.memory_space<hbm>> -> memref<80x125xi32, #tpu.memory_space<hbm>>
      %dma_wait3A_109 = arith.constant 0 : i32
      %dma_wait3A_110 = arith.constant 0 : i32
      %dma_wait3A_111 = tpu.memref_slice %arg4[%add3A, %run_scoped3A_12, %dma_wait3A_109, %dma_wait3A_110] : memref<32x1x80x125xi32, #tpu.memory_space<hbm>> -> memref<1x1x80x125xi32, #tpu.memory_space<hbm>>
      %dma_wait3A_112 = tpu.memref_squeeze %dma_wait3A_111 : memref<1x1x80x125xi32, #tpu.memory_space<hbm>> -> memref<80x125xi32, #tpu.memory_space<hbm>>
      tpu.wait_dma2 semaphore(%run_scoped3A_96 : memref<!tpu.dma_semaphore, #tpu.memory_space<semaphore_mem>>) src(%dma_wait3A_112 : memref<80x125xi32, #tpu.memory_space<hbm>>) dst(%arg7 : memref<80x125xi32, #tpu.memory_space<vmem>>)
      tpu.yield
    }) : () -> ()
    %dma_start3A = arith.constant 0 : i32
    %dma_start3A_13 = arith.constant 0 : i32
    %dma_start3A_14 = tpu.memref_slice %arg6[%dma_start3A, %dma_start3A_13] : memref<80x125xi32, #tpu.memory_space<vmem>> -> memref<1x125xi32, #tpu.memory_space<vmem>>
    %dma_start3A_15 = tpu.memref_squeeze %dma_start3A_14 : memref<1x125xi32, #tpu.memory_space<vmem>> -> memref<125xi32, #tpu.memory_space<vmem>>
    %dma_start3A_16 = arith.constant 0 : i32
    %dma_start3A_17 = arith.constant 0 : i32
    %dma_start3A_18 = tpu.memref_slice %arg2[%dma_start3A_16, %dma_start3A_17] : memref<10240x48xf32, #tpu.memory_space<hbm>> -> memref<10240x48xf32, #tpu.memory_space<hbm>>
    tpu.enqueue_indirect_dma source(%dma_start3A_18 : memref<10240x48xf32, #tpu.memory_space<hbm>>) target(%arg8 : memref<125x48xf32, #tpu.memory_space<vmem>>) offsets(%dma_start3A_15 : memref<125xi32, #tpu.memory_space<vmem>>) semaphore(%arg14 : memref<!tpu.dma_semaphore, #tpu.memory_space<semaphore_mem>>)
    %dma_start3A_19 = arith.constant 1 : i32
    %dma_start3A_20 = arith.constant 0 : i32
    %dma_start3A_21 = tpu.memref_slice %arg6[%dma_start3A_19, %dma_start3A_20] : memref<80x125xi32, #tpu.memory_space<vmem>> -> memref<1x125xi32, #tpu.memory_space<vmem>>
    %dma_start3A_22 = tpu.memref_squeeze %dma_start3A_21 : memref<1x125xi32, #tpu.memory_space<vmem>> -> memref<125xi32, #tpu.memory_space<vmem>>
    %dma_start3A_23 = arith.constant 0 : i32
    %dma_start3A_24 = arith.constant 0 : i32
    %dma_start3A_25 = tpu.memref_slice %arg2[%dma_start3A_23, %dma_start3A_24] : memref<10240x48xf32, #tpu.memory_space<hbm>> -> memref<10240x48xf32, #tpu.memory_space<hbm>>
    tpu.enqueue_indirect_dma source(%dma_start3A_25 : memref<10240x48xf32, #tpu.memory_space<hbm>>) target(%arg9 : memref<125x48xf32, #tpu.memory_space<vmem>>) offsets(%dma_start3A_22 : memref<125xi32, #tpu.memory_space<vmem>>) semaphore(%arg15 : memref<!tpu.dma_semaphore, #tpu.memory_space<semaphore_mem>>)
    %dma_start3A_26 = arith.constant 2 : i32
    %dma_start3A_27 = arith.constant 0 : i32
    %dma_start3A_28 = tpu.memref_slice %arg6[%dma_start3A_26, %dma_start3A_27] : memref<80x125xi32, #tpu.memory_space<vmem>> -> memref<1x125xi32, #tpu.memory_space<vmem>>
    %dma_start3A_29 = tpu.memref_squeeze %dma_start3A_28 : memref<1x125xi32, #tpu.memory_space<vmem>> -> memref<125xi32, #tpu.memory_space<vmem>>
    %dma_start3A_30 = arith.constant 0 : i32
    %dma_start3A_31 = arith.constant 0 : i32
    %dma_start3A_32 = tpu.memref_slice %arg2[%dma_start3A_30, %dma_start3A_31] : memref<10240x48xf32, #tpu.memory_space<hbm>> -> memref<10240x48xf32, #tpu.memory_space<hbm>>
    tpu.enqueue_indirect_dma source(%dma_start3A_32 : memref<10240x48xf32, #tpu.memory_space<hbm>>) target(%arg10 : memref<125x48xf32, #tpu.memory_space<vmem>>) offsets(%dma_start3A_29 : memref<125xi32, #tpu.memory_space<vmem>>) semaphore(%arg16 : memref<!tpu.dma_semaphore, #tpu.memory_space<semaphore_mem>>)
    %scan3A_33 = arith.constant 0 : i32
    %scan3A_34 = arith.constant 0 : i32
    %scan3A_35 = arith.constant 20 : i32
    %scan3A_36 = arith.addi %scan3A_34, %scan3A_35 : i32
    %scan3A_37 = arith.constant 1 : i32
    scf.for %scan3A_96 = %scan3A_34 to %scan3A_36 step %scan3A_37  : i32 {
      %mul3A_97 = arith.constant 320 : i32
      %mul3A_98 = arith.muli %arg1, %mul3A_97 : i32
      %dma_wait3A_99 = arith.constant 0 : i32
      %dma_wait3A_100 = tpu.memref_slice %arg13[%mul3A_98, %dma_wait3A_99] : memref<5120x48xf32, #tpu.memory_space<vmem_shared>> -> memref<16x48xf32, #tpu.memory_space<vmem_shared>>
      %dma_wait3A_101 = arith.constant 0 : i32
      %dma_wait3A_102 = tpu.memref_slice %arg13[%mul3A_98, %dma_wait3A_101] : memref<5120x48xf32, #tpu.memory_space<vmem_shared>> -> memref<16x48xf32, #tpu.memory_space<vmem_shared>>
      tpu.wait_dma2 semaphore(%arg18 : memref<!tpu.dma_semaphore, #tpu.memory_space<semaphore_mem>>) src(%arg12 : memref<16x48xf32, #tpu.memory_space<vmem>>) dst(%dma_wait3A_102 : memref<16x48xf32, #tpu.memory_space<vmem_shared>>)
    }
    %scan3A_38 = arith.constant 20 : i32
    %barrier3A = arith.constant 0 : index
    tpu.barrier barrier_id(%barrier3A)
    %scan3A_39 = arith.constant 0 : i32
    %scan3A_40 = arith.constant 0 : i32
    %gt3A = arith.constant 0 : i32
    %gt3A_41 = arith.cmpi sgt, %scan3A_40, %gt3A : i32
    %convert_element_type3A = arith.extui %gt3A_41 : i1 to i32
    %cond3A = arith.constant 0 : i32
    %cond3A_42 = arith.cmpi ne, %convert_element_type3A, %cond3A : i32
    scf.if %cond3A_42 {
      "tpu.region"() ({
        %run_scoped3A_117 = tpu.sem_alloc : memref<!tpu.dma_semaphore, #tpu.memory_space<semaphore_mem>>
        %dma_start3A_118 = arith.constant 0 : i32
        %dma_start3A_119 = arith.constant 0 : i32
        %dma_start3A_120 = tpu.memref_slice %arg3[%add3A, %scan3A_40, %dma_start3A_118, %dma_start3A_119] : memref<32x1x80x125xi32, #tpu.memory_space<hbm>> -> memref<1x1x80x125xi32, #tpu.memory_space<hbm>>
        %dma_start3A_121 = tpu.memref_squeeze %dma_start3A_120 : memref<1x1x80x125xi32, #tpu.memory_space<hbm>> -> memref<80x125xi32, #tpu.memory_space<hbm>>
        %dma_start3A_122 = arith.constant 0 : i32
        %dma_start3A_123 = arith.constant 0 : i32
        %dma_start3A_124 = tpu.memref_slice %arg3[%add3A, %scan3A_40, %dma_start3A_122, %dma_start3A_123] : memref<32x1x80x125xi32, #tpu.memory_space<hbm>> -> memref<1x1x80x125xi32, #tpu.memory_space<hbm>>
        %dma_start3A_125 = tpu.memref_squeeze %dma_start3A_124 : memref<1x1x80x125xi32, #tpu.memory_space<hbm>> -> memref<80x125xi32, #tpu.memory_space<hbm>>
        tpu.enqueue_dma source(%dma_start3A_125 : memref<80x125xi32, #tpu.memory_space<hbm>>) target(%arg6 : memref<80x125xi32, #tpu.memory_space<vmem>>) target_semaphore(%run_scoped3A_117 : memref<!tpu.dma_semaphore, #tpu.memory_space<semaphore_mem>>)
        %dma_wait3A_126 = arith.constant 0 : i32
        %dma_wait3A_127 = arith.constant 0 : i32
        %dma_wait3A_128 = tpu.memref_slice %arg3[%add3A, %scan3A_40, %dma_wait3A_126, %dma_wait3A_127] : memref<32x1x80x125xi32, #tpu.memory_space<hbm>> -> memref<1x1x80x125xi32, #tpu.memory_space<hbm>>
        %dma_wait3A_129 = tpu.memref_squeeze %dma_wait3A_128 : memref<1x1x80x125xi32, #tpu.memory_space<hbm>> -> memref<80x125xi32, #tpu.memory_space<hbm>>
        %dma_wait3A_130 = arith.constant 0 : i32
        %dma_wait3A_131 = arith.constant 0 : i32
        %dma_wait3A_132 = tpu.memref_slice %arg3[%add3A, %scan3A_40, %dma_wait3A_130, %dma_wait3A_131] : memref<32x1x80x125xi32, #tpu.memory_space<hbm>> -> memref<1x1x80x125xi32, #tpu.memory_space<hbm>>
        %dma_wait3A_133 = tpu.memref_squeeze %dma_wait3A_132 : memref<1x1x80x125xi32, #tpu.memory_space<hbm>> -> memref<80x125xi32, #tpu.memory_space<hbm>>
        tpu.wait_dma2 semaphore(%run_scoped3A_117 : memref<!tpu.dma_semaphore, #tpu.memory_space<semaphore_mem>>) src(%dma_wait3A_133 : memref<80x125xi32, #tpu.memory_space<hbm>>) dst(%arg6 : memref<80x125xi32, #tpu.memory_space<vmem>>)
        tpu.yield
      }) : () -> ()
      "tpu.region"() ({
        %run_scoped3A_117 = tpu.sem_alloc : memref<!tpu.dma_semaphore, #tpu.memory_space<semaphore_mem>>
        %dma_start3A_118 = arith.constant 0 : i32
        %dma_start3A_119 = arith.constant 0 : i32
        %dma_start3A_120 = tpu.memref_slice %arg4[%add3A, %scan3A_40, %dma_start3A_118, %dma_start3A_119] : memref<32x1x80x125xi32, #tpu.memory_space<hbm>> -> memref<1x1x80x125xi32, #tpu.memory_space<hbm>>
        %dma_start3A_121 = tpu.memref_squeeze %dma_start3A_120 : memref<1x1x80x125xi32, #tpu.memory_space<hbm>> -> memref<80x125xi32, #tpu.memory_space<hbm>>
        %dma_start3A_122 = arith.constant 0 : i32
        %dma_start3A_123 = arith.constant 0 : i32
        %dma_start3A_124 = tpu.memref_slice %arg4[%add3A, %scan3A_40, %dma_start3A_122, %dma_start3A_123] : memref<32x1x80x125xi32, #tpu.memory_space<hbm>> -> memref<1x1x80x125xi32, #tpu.memory_space<hbm>>
        %dma_start3A_125 = tpu.memref_squeeze %dma_start3A_124 : memref<1x1x80x125xi32, #tpu.memory_space<hbm>> -> memref<80x125xi32, #tpu.memory_space<hbm>>
        tpu.enqueue_dma source(%dma_start3A_125 : memref<80x125xi32, #tpu.memory_space<hbm>>) target(%arg7 : memref<80x125xi32, #tpu.memory_space<vmem>>) target_semaphore(%run_scoped3A_117 : memref<!tpu.dma_semaphore, #tpu.memory_space<semaphore_mem>>)
        %dma_wait3A_126 = arith.constant 0 : i32
        %dma_wait3A_127 = arith.constant 0 : i32
        %dma_wait3A_128 = tpu.memref_slice %arg4[%add3A, %scan3A_40, %dma_wait3A_126, %dma_wait3A_127] : memref<32x1x80x125xi32, #tpu.memory_space<hbm>> -> memref<1x1x80x125xi32, #tpu.memory_space<hbm>>
        %dma_wait3A_129 = tpu.memref_squeeze %dma_wait3A_128 : memref<1x1x80x125xi32, #tpu.memory_space<hbm>> -> memref<80x125xi32, #tpu.memory_space<hbm>>
        %dma_wait3A_130 = arith.constant 0 : i32
        %dma_wait3A_131 = arith.constant 0 : i32
        %dma_wait3A_132 = tpu.memref_slice %arg4[%add3A, %scan3A_40, %dma_wait3A_130, %dma_wait3A_131] : memref<32x1x80x125xi32, #tpu.memory_space<hbm>> -> memref<1x1x80x125xi32, #tpu.memory_space<hbm>>
        %dma_wait3A_133 = tpu.memref_squeeze %dma_wait3A_132 : memref<1x1x80x125xi32, #tpu.memory_space<hbm>> -> memref<80x125xi32, #tpu.memory_space<hbm>>
        tpu.wait_dma2 semaphore(%run_scoped3A_117 : memref<!tpu.dma_semaphore, #tpu.memory_space<semaphore_mem>>) src(%dma_wait3A_133 : memref<80x125xi32, #tpu.memory_space<hbm>>) dst(%arg7 : memref<80x125xi32, #tpu.memory_space<vmem>>)
        tpu.yield
      }) : () -> ()
      %dma_start3A_96 = arith.constant 0 : i32
      %dma_start3A_97 = arith.constant 0 : i32
      %dma_start3A_98 = tpu.memref_slice %arg6[%dma_start3A_96, %dma_start3A_97] : memref<80x125xi32, #tpu.memory_space<vmem>> -> memref<1x125xi32, #tpu.memory_space<vmem>>
      %dma_start3A_99 = tpu.memref_squeeze %dma_start3A_98 : memref<1x125xi32, #tpu.memory_space<vmem>> -> memref<125xi32, #tpu.memory_space<vmem>>
      %dma_start3A_100 = arith.constant 0 : i32
      %dma_start3A_101 = arith.constant 0 : i32
      %dma_start3A_102 = tpu.memref_slice %arg2[%dma_start3A_100, %dma_start3A_101] : memref<10240x48xf32, #tpu.memory_space<hbm>> -> memref<10240x48xf32, #tpu.memory_space<hbm>>
      tpu.enqueue_indirect_dma source(%dma_start3A_102 : memref<10240x48xf32, #tpu.memory_space<hbm>>) target(%arg8 : memref<125x48xf32, #tpu.memory_space<vmem>>) offsets(%dma_start3A_99 : memref<125xi32, #tpu.memory_space<vmem>>) semaphore(%arg14 : memref<!tpu.dma_semaphore, #tpu.memory_space<semaphore_mem>>)
      %dma_start3A_103 = arith.constant 1 : i32
      %dma_start3A_104 = arith.constant 0 : i32
      %dma_start3A_105 = tpu.memref_slice %arg6[%dma_start3A_103, %dma_start3A_104] : memref<80x125xi32, #tpu.memory_space<vmem>> -> memref<1x125xi32, #tpu.memory_space<vmem>>
      %dma_start3A_106 = tpu.memref_squeeze %dma_start3A_105 : memref<1x125xi32, #tpu.memory_space<vmem>> -> memref<125xi32, #tpu.memory_space<vmem>>
      %dma_start3A_107 = arith.constant 0 : i32
      %dma_start3A_108 = arith.constant 0 : i32
      %dma_start3A_109 = tpu.memref_slice %arg2[%dma_start3A_107, %dma_start3A_108] : memref<10240x48xf32, #tpu.memory_space<hbm>> -> memref<10240x48xf32, #tpu.memory_space<hbm>>
      tpu.enqueue_indirect_dma source(%dma_start3A_109 : memref<10240x48xf32, #tpu.memory_space<hbm>>) target(%arg9 : memref<125x48xf32, #tpu.memory_space<vmem>>) offsets(%dma_start3A_106 : memref<125xi32, #tpu.memory_space<vmem>>) semaphore(%arg15 : memref<!tpu.dma_semaphore, #tpu.memory_space<semaphore_mem>>)
      %dma_start3A_110 = arith.constant 2 : i32
      %dma_start3A_111 = arith.constant 0 : i32
      %dma_start3A_112 = tpu.memref_slice %arg6[%dma_start3A_110, %dma_start3A_111] : memref<80x125xi32, #tpu.memory_space<vmem>> -> memref<1x125xi32, #tpu.memory_space<vmem>>
      %dma_start3A_113 = tpu.memref_squeeze %dma_start3A_112 : memref<1x125xi32, #tpu.memory_space<vmem>> -> memref<125xi32, #tpu.memory_space<vmem>>
      %dma_start3A_114 = arith.constant 0 : i32
      %dma_start3A_115 = arith.constant 0 : i32
      %dma_start3A_116 = tpu.memref_slice %arg2[%dma_start3A_114, %dma_start3A_115] : memref<10240x48xf32, #tpu.memory_space<hbm>> -> memref<10240x48xf32, #tpu.memory_space<hbm>>
      tpu.enqueue_indirect_dma source(%dma_start3A_116 : memref<10240x48xf32, #tpu.memory_space<hbm>>) target(%arg10 : memref<125x48xf32, #tpu.memory_space<vmem>>) offsets(%dma_start3A_113 : memref<125xi32, #tpu.memory_space<vmem>>) semaphore(%arg16 : memref<!tpu.dma_semaphore, #tpu.memory_space<semaphore_mem>>)
    } else {
    }
    %scan3A_43 = arith.constant 0 : i32
    %scan3A_44 = arith.constant 0 : i32
    %scan3A_45 = arith.constant 19 : i32
    %scan3A_46 = arith.addi %scan3A_44, %scan3A_45 : i32
    %scan3A_47 = arith.constant 1 : i32
    scf.for %scan3A_96 = %scan3A_44 to %scan3A_46 step %scan3A_47  : i32 {
      %mul3A_97 = arith.constant 4 : i32
      %mul3A_98 = arith.muli %scan3A_96, %mul3A_97 : i32
      %add3A_99 = arith.constant 0 : i32
      %add3A_100 = arith.addi %mul3A_98, %add3A_99 : i32
      %add3A_101 = arith.constant 4 : i32
      %add3A_102 = arith.addi %add3A_100, %add3A_101 : i32
      %sub3A = arith.constant 1 : i32
      %sub3A_103 = arith.subi %add3A_102, %sub3A : i32
      %dma_start3A_104 = arith.constant 0 : i32
      %dma_start3A_105 = tpu.memref_slice %arg6[%sub3A_103, %dma_start3A_104] : memref<80x125xi32, #tpu.memory_space<vmem>> -> memref<1x125xi32, #tpu.memory_space<vmem>>
      %dma_start3A_106 = tpu.memref_squeeze %dma_start3A_105 : memref<1x125xi32, #tpu.memory_space<vmem>> -> memref<125xi32, #tpu.memory_space<vmem>>
      %dma_start3A_107 = arith.constant 0 : i32
      %dma_start3A_108 = arith.constant 0 : i32
      %dma_start3A_109 = tpu.memref_slice %arg2[%dma_start3A_107, %dma_start3A_108] : memref<10240x48xf32, #tpu.memory_space<hbm>> -> memref<10240x48xf32, #tpu.memory_space<hbm>>
      tpu.enqueue_indirect_dma source(%dma_start3A_109 : memref<10240x48xf32, #tpu.memory_space<hbm>>) target(%arg11 : memref<125x48xf32, #tpu.memory_space<vmem>>) offsets(%dma_start3A_106 : memref<125xi32, #tpu.memory_space<vmem>>) semaphore(%arg17 : memref<!tpu.dma_semaphore, #tpu.memory_space<semaphore_mem>>)
      %dma_wait3A_110 = arith.constant 0 : i32
      %dma_wait3A_111 = tpu.memref_slice %arg6[%add3A_100, %dma_wait3A_110] : memref<80x125xi32, #tpu.memory_space<vmem>> -> memref<1x125xi32, #tpu.memory_space<vmem>>
      %dma_wait3A_112 = tpu.memref_squeeze %dma_wait3A_111 : memref<1x125xi32, #tpu.memory_space<vmem>> -> memref<125xi32, #tpu.memory_space<vmem>>
      %dma_wait3A_113 = arith.constant 0 : i32
      %dma_wait3A_114 = arith.constant 0 : i32
      %dma_wait3A_115 = tpu.memref_slice %arg2[%dma_wait3A_113, %dma_wait3A_114] : memref<10240x48xf32, #tpu.memory_space<hbm>> -> memref<10240x48xf32, #tpu.memory_space<hbm>>
      tpu.wait_indirect_dma semaphore(%arg14 : memref<!tpu.dma_semaphore, #tpu.memory_space<semaphore_mem>>) src(%dma_wait3A_115 : memref<10240x48xf32, #tpu.memory_space<hbm>>) dst(%arg8 : memref<125x48xf32, #tpu.memory_space<vmem>>)
      "tpu.region"() ({
        %run_scoped3A_176 = tpu.sem_alloc : memref<!tpu.dma_semaphore, #tpu.memory_space<semaphore_mem>>
        %dma_start3A_177 = arith.constant 0 : i32
        %dma_start3A_178 = tpu.memref_slice %arg7[%add3A_100, %dma_start3A_177] : memref<80x125xi32, #tpu.memory_space<vmem>> -> memref<1x125xi32, #tpu.memory_space<vmem>>
        %dma_start3A_179 = tpu.memref_squeeze %dma_start3A_178 : memref<1x125xi32, #tpu.memory_space<vmem>> -> memref<125xi32, #tpu.memory_space<vmem>>
        %dma_start3A_180 = arith.constant 0 : i32
        %dma_start3A_181 = arith.constant 0 : i32
        %dma_start3A_182 = tpu.memref_slice %arg13[%dma_start3A_180, %dma_start3A_181] : memref<5120x48xf32, #tpu.memory_space<vmem_shared>> -> memref<5120x48xf32, #tpu.memory_space<vmem_shared>>
        tpu.enqueue_indirect_dma source(%arg8 : memref<125x48xf32, #tpu.memory_space<vmem>>) target(%dma_start3A_182 : memref<5120x48xf32, #tpu.memory_space<vmem_shared>>) offsets(%dma_start3A_179 : memref<125xi32, #tpu.memory_space<vmem>>) semaphore(%run_scoped3A_176 : memref<!tpu.dma_semaphore, #tpu.memory_space<semaphore_mem>>) {add = true}
        %dma_wait3A_183 = arith.constant 0 : i32
        %dma_wait3A_184 = tpu.memref_slice %arg7[%add3A_100, %dma_wait3A_183] : memref<80x125xi32, #tpu.memory_space<vmem>> -> memref<1x125xi32, #tpu.memory_space<vmem>>
        %dma_wait3A_185 = tpu.memref_squeeze %dma_wait3A_184 : memref<1x125xi32, #tpu.memory_space<vmem>> -> memref<125xi32, #tpu.memory_space<vmem>>
        %dma_wait3A_186 = arith.constant 0 : i32
        %dma_wait3A_187 = arith.constant 0 : i32
        %dma_wait3A_188 = tpu.memref_slice %arg13[%dma_wait3A_186, %dma_wait3A_187] : memref<5120x48xf32, #tpu.memory_space<vmem_shared>> -> memref<5120x48xf32, #tpu.memory_space<vmem_shared>>
        tpu.wait_indirect_dma semaphore(%run_scoped3A_176 : memref<!tpu.dma_semaphore, #tpu.memory_space<semaphore_mem>>) src(%arg8 : memref<125x48xf32, #tpu.memory_space<vmem>>) dst(%dma_wait3A_188 : memref<5120x48xf32, #tpu.memory_space<vmem_shared>>)
        tpu.yield
      }) : () -> ()
      %mul3A_116 = arith.constant 4 : i32
      %mul3A_117 = arith.muli %scan3A_96, %mul3A_116 : i32
      %add3A_118 = arith.constant 1 : i32
      %add3A_119 = arith.addi %mul3A_117, %add3A_118 : i32
      %add3A_120 = arith.constant 4 : i32
      %add3A_121 = arith.addi %add3A_119, %add3A_120 : i32
      %sub3A_122 = arith.constant 1 : i32
      %sub3A_123 = arith.subi %add3A_121, %sub3A_122 : i32
      %dma_start3A_124 = arith.constant 0 : i32
      %dma_start3A_125 = tpu.memref_slice %arg6[%sub3A_123, %dma_start3A_124] : memref<80x125xi32, #tpu.memory_space<vmem>> -> memref<1x125xi32, #tpu.memory_space<vmem>>
      %dma_start3A_126 = tpu.memref_squeeze %dma_start3A_125 : memref<1x125xi32, #tpu.memory_space<vmem>> -> memref<125xi32, #tpu.memory_space<vmem>>
      %dma_start3A_127 = arith.constant 0 : i32
      %dma_start3A_128 = arith.constant 0 : i32
      %dma_start3A_129 = tpu.memref_slice %arg2[%dma_start3A_127, %dma_start3A_128] : memref<10240x48xf32, #tpu.memory_space<hbm>> -> memref<10240x48xf32, #tpu.memory_space<hbm>>
      tpu.enqueue_indirect_dma source(%dma_start3A_129 : memref<10240x48xf32, #tpu.memory_space<hbm>>) target(%arg8 : memref<125x48xf32, #tpu.memory_space<vmem>>) offsets(%dma_start3A_126 : memref<125xi32, #tpu.memory_space<vmem>>) semaphore(%arg14 : memref<!tpu.dma_semaphore, #tpu.memory_space<semaphore_mem>>)
      %dma_wait3A_130 = arith.constant 0 : i32
      %dma_wait3A_131 = tpu.memref_slice %arg6[%add3A_119, %dma_wait3A_130] : memref<80x125xi32, #tpu.memory_space<vmem>> -> memref<1x125xi32, #tpu.memory_space<vmem>>
      %dma_wait3A_132 = tpu.memref_squeeze %dma_wait3A_131 : memref<1x125xi32, #tpu.memory_space<vmem>> -> memref<125xi32, #tpu.memory_space<vmem>>
      %dma_wait3A_133 = arith.constant 0 : i32
      %dma_wait3A_134 = arith.constant 0 : i32
      %dma_wait3A_135 = tpu.memref_slice %arg2[%dma_wait3A_133, %dma_wait3A_134] : memref<10240x48xf32, #tpu.memory_space<hbm>> -> memref<10240x48xf32, #tpu.memory_space<hbm>>
      tpu.wait_indirect_dma semaphore(%arg15 : memref<!tpu.dma_semaphore, #tpu.memory_space<semaphore_mem>>) src(%dma_wait3A_135 : memref<10240x48xf32, #tpu.memory_space<hbm>>) dst(%arg9 : memref<125x48xf32, #tpu.memory_space<vmem>>)
      "tpu.region"() ({
        %run_scoped3A_176 = tpu.sem_alloc : memref<!tpu.dma_semaphore, #tpu.memory_space<semaphore_mem>>
        %dma_start3A_177 = arith.constant 0 : i32
        %dma_start3A_178 = tpu.memref_slice %arg7[%add3A_119, %dma_start3A_177] : memref<80x125xi32, #tpu.memory_space<vmem>> -> memref<1x125xi32, #tpu.memory_space<vmem>>
        %dma_start3A_179 = tpu.memref_squeeze %dma_start3A_178 : memref<1x125xi32, #tpu.memory_space<vmem>> -> memref<125xi32, #tpu.memory_space<vmem>>
        %dma_start3A_180 = arith.constant 0 : i32
        %dma_start3A_181 = arith.constant 0 : i32
        %dma_start3A_182 = tpu.memref_slice %arg13[%dma_start3A_180, %dma_start3A_181] : memref<5120x48xf32, #tpu.memory_space<vmem_shared>> -> memref<5120x48xf32, #tpu.memory_space<vmem_shared>>
        tpu.enqueue_indirect_dma source(%arg9 : memref<125x48xf32, #tpu.memory_space<vmem>>) target(%dma_start3A_182 : memref<5120x48xf32, #tpu.memory_space<vmem_shared>>) offsets(%dma_start3A_179 : memref<125xi32, #tpu.memory_space<vmem>>) semaphore(%run_scoped3A_176 : memref<!tpu.dma_semaphore, #tpu.memory_space<semaphore_mem>>) {add = true}
        %dma_wait3A_183 = arith.constant 0 : i32
        %dma_wait3A_184 = tpu.memref_slice %arg7[%add3A_119, %dma_wait3A_183] : memref<80x125xi32, #tpu.memory_space<vmem>> -> memref<1x125xi32, #tpu.memory_space<vmem>>
        %dma_wait3A_185 = tpu.memref_squeeze %dma_wait3A_184 : memref<1x125xi32, #tpu.memory_space<vmem>> -> memref<125xi32, #tpu.memory_space<vmem>>
        %dma_wait3A_186 = arith.constant 0 : i32
        %dma_wait3A_187 = arith.constant 0 : i32
        %dma_wait3A_188 = tpu.memref_slice %arg13[%dma_wait3A_186, %dma_wait3A_187] : memref<5120x48xf32, #tpu.memory_space<vmem_shared>> -> memref<5120x48xf32, #tpu.memory_space<vmem_shared>>
        tpu.wait_indirect_dma semaphore(%run_scoped3A_176 : memref<!tpu.dma_semaphore, #tpu.memory_space<semaphore_mem>>) src(%arg9 : memref<125x48xf32, #tpu.memory_space<vmem>>) dst(%dma_wait3A_188 : memref<5120x48xf32, #tpu.memory_space<vmem_shared>>)
        tpu.yield
      }) : () -> ()
      %mul3A_136 = arith.constant 4 : i32
      %mul3A_137 = arith.muli %scan3A_96, %mul3A_136 : i32
      %add3A_138 = arith.constant 2 : i32
      %add3A_139 = arith.addi %mul3A_137, %add3A_138 : i32
      %add3A_140 = arith.constant 4 : i32
      %add3A_141 = arith.addi %add3A_139, %add3A_140 : i32
      %sub3A_142 = arith.constant 1 : i32
      %sub3A_143 = arith.subi %add3A_141, %sub3A_142 : i32
      %dma_start3A_144 = arith.constant 0 : i32
      %dma_start3A_145 = tpu.memref_slice %arg6[%sub3A_143, %dma_start3A_144] : memref<80x125xi32, #tpu.memory_space<vmem>> -> memref<1x125xi32, #tpu.memory_space<vmem>>
      %dma_start3A_146 = tpu.memref_squeeze %dma_start3A_145 : memref<1x125xi32, #tpu.memory_space<vmem>> -> memref<125xi32, #tpu.memory_space<vmem>>
      %dma_start3A_147 = arith.constant 0 : i32
      %dma_start3A_148 = arith.constant 0 : i32
      %dma_start3A_149 = tpu.memref_slice %arg2[%dma_start3A_147, %dma_start3A_148] : memref<10240x48xf32, #tpu.memory_space<hbm>> -> memref<10240x48xf32, #tpu.memory_space<hbm>>
      tpu.enqueue_indirect_dma source(%dma_start3A_149 : memref<10240x48xf32, #tpu.memory_space<hbm>>) target(%arg9 : memref<125x48xf32, #tpu.memory_space<vmem>>) offsets(%dma_start3A_146 : memref<125xi32, #tpu.memory_space<vmem>>) semaphore(%arg15 : memref<!tpu.dma_semaphore, #tpu.memory_space<semaphore_mem>>)
      %dma_wait3A_150 = arith.constant 0 : i32
      %dma_wait3A_151 = tpu.memref_slice %arg6[%add3A_139, %dma_wait3A_150] : memref<80x125xi32, #tpu.memory_space<vmem>> -> memref<1x125xi32, #tpu.memory_space<vmem>>
      %dma_wait3A_152 = tpu.memref_squeeze %dma_wait3A_151 : memref<1x125xi32, #tpu.memory_space<vmem>> -> memref<125xi32, #tpu.memory_space<vmem>>
      %dma_wait3A_153 = arith.constant 0 : i32
      %dma_wait3A_154 = arith.constant 0 : i32
      %dma_wait3A_155 = tpu.memref_slice %arg2[%dma_wait3A_153, %dma_wait3A_154] : memref<10240x48xf32, #tpu.memory_space<hbm>> -> memref<10240x48xf32, #tpu.memory_space<hbm>>
      tpu.wait_indirect_dma semaphore(%arg16 : memref<!tpu.dma_semaphore, #tpu.memory_space<semaphore_mem>>) src(%dma_wait3A_155 : memref<10240x48xf32, #tpu.memory_space<hbm>>) dst(%arg10 : memref<125x48xf32, #tpu.memory_space<vmem>>)
      "tpu.region"() ({
        %run_scoped3A_176 = tpu.sem_alloc : memref<!tpu.dma_semaphore, #tpu.memory_space<semaphore_mem>>
        %dma_start3A_177 = arith.constant 0 : i32
        %dma_start3A_178 = tpu.memref_slice %arg7[%add3A_139, %dma_start3A_177] : memref<80x125xi32, #tpu.memory_space<vmem>> -> memref<1x125xi32, #tpu.memory_space<vmem>>
        %dma_start3A_179 = tpu.memref_squeeze %dma_start3A_178 : memref<1x125xi32, #tpu.memory_space<vmem>> -> memref<125xi32, #tpu.memory_space<vmem>>
        %dma_start3A_180 = arith.constant 0 : i32
        %dma_start3A_181 = arith.constant 0 : i32
        %dma_start3A_182 = tpu.memref_slice %arg13[%dma_start3A_180, %dma_start3A_181] : memref<5120x48xf32, #tpu.memory_space<vmem_shared>> -> memref<5120x48xf32, #tpu.memory_space<vmem_shared>>
        tpu.enqueue_indirect_dma source(%arg10 : memref<125x48xf32, #tpu.memory_space<vmem>>) target(%dma_start3A_182 : memref<5120x48xf32, #tpu.memory_space<vmem_shared>>) offsets(%dma_start3A_179 : memref<125xi32, #tpu.memory_space<vmem>>) semaphore(%run_scoped3A_176 : memref<!tpu.dma_semaphore, #tpu.memory_space<semaphore_mem>>) {add = true}
        %dma_wait3A_183 = arith.constant 0 : i32
        %dma_wait3A_184 = tpu.memref_slice %arg7[%add3A_139, %dma_wait3A_183] : memref<80x125xi32, #tpu.memory_space<vmem>> -> memref<1x125xi32, #tpu.memory_space<vmem>>
        %dma_wait3A_185 = tpu.memref_squeeze %dma_wait3A_184 : memref<1x125xi32, #tpu.memory_space<vmem>> -> memref<125xi32, #tpu.memory_space<vmem>>
        %dma_wait3A_186 = arith.constant 0 : i32
        %dma_wait3A_187 = arith.constant 0 : i32
        %dma_wait3A_188 = tpu.memref_slice %arg13[%dma_wait3A_186, %dma_wait3A_187] : memref<5120x48xf32, #tpu.memory_space<vmem_shared>> -> memref<5120x48xf32, #tpu.memory_space<vmem_shared>>
        tpu.wait_indirect_dma semaphore(%run_scoped3A_176 : memref<!tpu.dma_semaphore, #tpu.memory_space<semaphore_mem>>) src(%arg10 : memref<125x48xf32, #tpu.memory_space<vmem>>) dst(%dma_wait3A_188 : memref<5120x48xf32, #tpu.memory_space<vmem_shared>>)
        tpu.yield
      }) : () -> ()
      %mul3A_156 = arith.constant 4 : i32
      %mul3A_157 = arith.muli %scan3A_96, %mul3A_156 : i32
      %add3A_158 = arith.constant 3 : i32
      %add3A_159 = arith.addi %mul3A_157, %add3A_158 : i32
      %add3A_160 = arith.constant 4 : i32
      %add3A_161 = arith.addi %add3A_159, %add3A_160 : i32
      %sub3A_162 = arith.constant 1 : i32
      %sub3A_163 = arith.subi %add3A_161, %sub3A_162 : i32
      %dma_start3A_164 = arith.constant 0 : i32
      %dma_start3A_165 = tpu.memref_slice %arg6[%sub3A_163, %dma_start3A_164] : memref<80x125xi32, #tpu.memory_space<vmem>> -> memref<1x125xi32, #tpu.memory_space<vmem>>
      %dma_start3A_166 = tpu.memref_squeeze %dma_start3A_165 : memref<1x125xi32, #tpu.memory_space<vmem>> -> memref<125xi32, #tpu.memory_space<vmem>>
      %dma_start3A_167 = arith.constant 0 : i32
      %dma_start3A_168 = arith.constant 0 : i32
      %dma_start3A_169 = tpu.memref_slice %arg2[%dma_start3A_167, %dma_start3A_168] : memref<10240x48xf32, #tpu.memory_space<hbm>> -> memref<10240x48xf32, #tpu.memory_space<hbm>>
      tpu.enqueue_indirect_dma source(%dma_start3A_169 : memref<10240x48xf32, #tpu.memory_space<hbm>>) target(%arg10 : memref<125x48xf32, #tpu.memory_space<vmem>>) offsets(%dma_start3A_166 : memref<125xi32, #tpu.memory_space<vmem>>) semaphore(%arg16 : memref<!tpu.dma_semaphore, #tpu.memory_space<semaphore_mem>>)
      %dma_wait3A_170 = arith.constant 0 : i32
      %dma_wait3A_171 = tpu.memref_slice %arg6[%add3A_159, %dma_wait3A_170] : memref<80x125xi32, #tpu.memory_space<vmem>> -> memref<1x125xi32, #tpu.memory_space<vmem>>
      %dma_wait3A_172 = tpu.memref_squeeze %dma_wait3A_171 : memref<1x125xi32, #tpu.memory_space<vmem>> -> memref<125xi32, #tpu.memory_space<vmem>>
      %dma_wait3A_173 = arith.constant 0 : i32
      %dma_wait3A_174 = arith.constant 0 : i32
      %dma_wait3A_175 = tpu.memref_slice %arg2[%dma_wait3A_173, %dma_wait3A_174] : memref<10240x48xf32, #tpu.memory_space<hbm>> -> memref<10240x48xf32, #tpu.memory_space<hbm>>
      tpu.wait_indirect_dma semaphore(%arg17 : memref<!tpu.dma_semaphore, #tpu.memory_space<semaphore_mem>>) src(%dma_wait3A_175 : memref<10240x48xf32, #tpu.memory_space<hbm>>) dst(%arg11 : memref<125x48xf32, #tpu.memory_space<vmem>>)
      "tpu.region"() ({
        %run_scoped3A_176 = tpu.sem_alloc : memref<!tpu.dma_semaphore, #tpu.memory_space<semaphore_mem>>
        %dma_start3A_177 = arith.constant 0 : i32
        %dma_start3A_178 = tpu.memref_slice %arg7[%add3A_159, %dma_start3A_177] : memref<80x125xi32, #tpu.memory_space<vmem>> -> memref<1x125xi32, #tpu.memory_space<vmem>>
        %dma_start3A_179 = tpu.memref_squeeze %dma_start3A_178 : memref<1x125xi32, #tpu.memory_space<vmem>> -> memref<125xi32, #tpu.memory_space<vmem>>
        %dma_start3A_180 = arith.constant 0 : i32
        %dma_start3A_181 = arith.constant 0 : i32
        %dma_start3A_182 = tpu.memref_slice %arg13[%dma_start3A_180, %dma_start3A_181] : memref<5120x48xf32, #tpu.memory_space<vmem_shared>> -> memref<5120x48xf32, #tpu.memory_space<vmem_shared>>
        tpu.enqueue_indirect_dma source(%arg11 : memref<125x48xf32, #tpu.memory_space<vmem>>) target(%dma_start3A_182 : memref<5120x48xf32, #tpu.memory_space<vmem_shared>>) offsets(%dma_start3A_179 : memref<125xi32, #tpu.memory_space<vmem>>) semaphore(%run_scoped3A_176 : memref<!tpu.dma_semaphore, #tpu.memory_space<semaphore_mem>>) {add = true}
        %dma_wait3A_183 = arith.constant 0 : i32
        %dma_wait3A_184 = tpu.memref_slice %arg7[%add3A_159, %dma_wait3A_183] : memref<80x125xi32, #tpu.memory_space<vmem>> -> memref<1x125xi32, #tpu.memory_space<vmem>>
        %dma_wait3A_185 = tpu.memref_squeeze %dma_wait3A_184 : memref<1x125xi32, #tpu.memory_space<vmem>> -> memref<125xi32, #tpu.memory_space<vmem>>
        %dma_wait3A_186 = arith.constant 0 : i32
        %dma_wait3A_187 = arith.constant 0 : i32
        %dma_wait3A_188 = tpu.memref_slice %arg13[%dma_wait3A_186, %dma_wait3A_187] : memref<5120x48xf32, #tpu.memory_space<vmem_shared>> -> memref<5120x48xf32, #tpu.memory_space<vmem_shared>>
        tpu.wait_indirect_dma semaphore(%run_scoped3A_176 : memref<!tpu.dma_semaphore, #tpu.memory_space<semaphore_mem>>) src(%arg11 : memref<125x48xf32, #tpu.memory_space<vmem>>) dst(%dma_wait3A_188 : memref<5120x48xf32, #tpu.memory_space<vmem_shared>>)
        tpu.yield
      }) : () -> ()
    }
    %scan3A_48 = arith.constant 19 : i32
    %dma_start3A_49 = arith.constant 79 : i32
    %dma_start3A_50 = arith.constant 0 : i32
    %dma_start3A_51 = tpu.memref_slice %arg6[%dma_start3A_49, %dma_start3A_50] : memref<80x125xi32, #tpu.memory_space<vmem>> -> memref<1x125xi32, #tpu.memory_space<vmem>>
    %dma_start3A_52 = tpu.memref_squeeze %dma_start3A_51 : memref<1x125xi32, #tpu.memory_space<vmem>> -> memref<125xi32, #tpu.memory_space<vmem>>
    %dma_start3A_53 = arith.constant 0 : i32
    %dma_start3A_54 = arith.constant 0 : i32
    %dma_start3A_55 = tpu.memref_slice %arg2[%dma_start3A_53, %dma_start3A_54] : memref<10240x48xf32, #tpu.memory_space<hbm>> -> memref<10240x48xf32, #tpu.memory_space<hbm>>
    tpu.enqueue_indirect_dma source(%dma_start3A_55 : memref<10240x48xf32, #tpu.memory_space<hbm>>) target(%arg11 : memref<125x48xf32, #tpu.memory_space<vmem>>) offsets(%dma_start3A_52 : memref<125xi32, #tpu.memory_space<vmem>>) semaphore(%arg17 : memref<!tpu.dma_semaphore, #tpu.memory_space<semaphore_mem>>)
    %dma_wait3A = arith.constant 76 : i32
    %dma_wait3A_56 = arith.constant 0 : i32
    %dma_wait3A_57 = tpu.memref_slice %arg6[%dma_wait3A, %dma_wait3A_56] : memref<80x125xi32, #tpu.memory_space<vmem>> -> memref<1x125xi32, #tpu.memory_space<vmem>>
    %dma_wait3A_58 = tpu.memref_squeeze %dma_wait3A_57 : memref<1x125xi32, #tpu.memory_space<vmem>> -> memref<125xi32, #tpu.memory_space<vmem>>
    %dma_wait3A_59 = arith.constant 0 : i32
    %dma_wait3A_60 = arith.constant 0 : i32
    %dma_wait3A_61 = tpu.memref_slice %arg2[%dma_wait3A_59, %dma_wait3A_60] : memref<10240x48xf32, #tpu.memory_space<hbm>> -> memref<10240x48xf32, #tpu.memory_space<hbm>>
    tpu.wait_indirect_dma semaphore(%arg14 : memref<!tpu.dma_semaphore, #tpu.memory_space<semaphore_mem>>) src(%dma_wait3A_61 : memref<10240x48xf32, #tpu.memory_space<hbm>>) dst(%arg8 : memref<125x48xf32, #tpu.memory_space<vmem>>)
    %run_scoped3A_62 = arith.constant 76 : i32
    "tpu.region"() ({
      %run_scoped3A_96 = tpu.sem_alloc : memref<!tpu.dma_semaphore, #tpu.memory_space<semaphore_mem>>
      %dma_start3A_97 = arith.constant 0 : i32
      %dma_start3A_98 = tpu.memref_slice %arg7[%run_scoped3A_62, %dma_start3A_97] : memref<80x125xi32, #tpu.memory_space<vmem>> -> memref<1x125xi32, #tpu.memory_space<vmem>>
      %dma_start3A_99 = tpu.memref_squeeze %dma_start3A_98 : memref<1x125xi32, #tpu.memory_space<vmem>> -> memref<125xi32, #tpu.memory_space<vmem>>
      %dma_start3A_100 = arith.constant 0 : i32
      %dma_start3A_101 = arith.constant 0 : i32
      %dma_start3A_102 = tpu.memref_slice %arg13[%dma_start3A_100, %dma_start3A_101] : memref<5120x48xf32, #tpu.memory_space<vmem_shared>> -> memref<5120x48xf32, #tpu.memory_space<vmem_shared>>
      tpu.enqueue_indirect_dma source(%arg8 : memref<125x48xf32, #tpu.memory_space<vmem>>) target(%dma_start3A_102 : memref<5120x48xf32, #tpu.memory_space<vmem_shared>>) offsets(%dma_start3A_99 : memref<125xi32, #tpu.memory_space<vmem>>) semaphore(%run_scoped3A_96 : memref<!tpu.dma_semaphore, #tpu.memory_space<semaphore_mem>>) {add = true}
      %dma_wait3A_103 = arith.constant 0 : i32
      %dma_wait3A_104 = tpu.memref_slice %arg7[%run_scoped3A_62, %dma_wait3A_103] : memref<80x125xi32, #tpu.memory_space<vmem>> -> memref<1x125xi32, #tpu.memory_space<vmem>>
      %dma_wait3A_105 = tpu.memref_squeeze %dma_wait3A_104 : memref<1x125xi32, #tpu.memory_space<vmem>> -> memref<125xi32, #tpu.memory_space<vmem>>
      %dma_wait3A_106 = arith.constant 0 : i32
      %dma_wait3A_107 = arith.constant 0 : i32
      %dma_wait3A_108 = tpu.memref_slice %arg13[%dma_wait3A_106, %dma_wait3A_107] : memref<5120x48xf32, #tpu.memory_space<vmem_shared>> -> memref<5120x48xf32, #tpu.memory_space<vmem_shared>>
      tpu.wait_indirect_dma semaphore(%run_scoped3A_96 : memref<!tpu.dma_semaphore, #tpu.memory_space<semaphore_mem>>) src(%arg8 : memref<125x48xf32, #tpu.memory_space<vmem>>) dst(%dma_wait3A_108 : memref<5120x48xf32, #tpu.memory_space<vmem_shared>>)
      tpu.yield
    }) : () -> ()
    %dma_wait3A_63 = arith.constant 77 : i32
    %dma_wait3A_64 = arith.constant 0 : i32
    %dma_wait3A_65 = tpu.memref_slice %arg6[%dma_wait3A_63, %dma_wait3A_64] : memref<80x125xi32, #tpu.memory_space<vmem>> -> memref<1x125xi32, #tpu.memory_space<vmem>>
    %dma_wait3A_66 = tpu.memref_squeeze %dma_wait3A_65 : memref<1x125xi32, #tpu.memory_space<vmem>> -> memref<125xi32, #tpu.memory_space<vmem>>
    %dma_wait3A_67 = arith.constant 0 : i32
    %dma_wait3A_68 = arith.constant 0 : i32
    %dma_wait3A_69 = tpu.memref_slice %arg2[%dma_wait3A_67, %dma_wait3A_68] : memref<10240x48xf32, #tpu.memory_space<hbm>> -> memref<10240x48xf32, #tpu.memory_space<hbm>>
    tpu.wait_indirect_dma semaphore(%arg15 : memref<!tpu.dma_semaphore, #tpu.memory_space<semaphore_mem>>) src(%dma_wait3A_69 : memref<10240x48xf32, #tpu.memory_space<hbm>>) dst(%arg9 : memref<125x48xf32, #tpu.memory_space<vmem>>)
    %run_scoped3A_70 = arith.constant 77 : i32
    "tpu.region"() ({
      %run_scoped3A_96 = tpu.sem_alloc : memref<!tpu.dma_semaphore, #tpu.memory_space<semaphore_mem>>
      %dma_start3A_97 = arith.constant 0 : i32
      %dma_start3A_98 = tpu.memref_slice %arg7[%run_scoped3A_70, %dma_start3A_97] : memref<80x125xi32, #tpu.memory_space<vmem>> -> memref<1x125xi32, #tpu.memory_space<vmem>>
      %dma_start3A_99 = tpu.memref_squeeze %dma_start3A_98 : memref<1x125xi32, #tpu.memory_space<vmem>> -> memref<125xi32, #tpu.memory_space<vmem>>
      %dma_start3A_100 = arith.constant 0 : i32
      %dma_start3A_101 = arith.constant 0 : i32
      %dma_start3A_102 = tpu.memref_slice %arg13[%dma_start3A_100, %dma_start3A_101] : memref<5120x48xf32, #tpu.memory_space<vmem_shared>> -> memref<5120x48xf32, #tpu.memory_space<vmem_shared>>
      tpu.enqueue_indirect_dma source(%arg9 : memref<125x48xf32, #tpu.memory_space<vmem>>) target(%dma_start3A_102 : memref<5120x48xf32, #tpu.memory_space<vmem_shared>>) offsets(%dma_start3A_99 : memref<125xi32, #tpu.memory_space<vmem>>) semaphore(%run_scoped3A_96 : memref<!tpu.dma_semaphore, #tpu.memory_space<semaphore_mem>>) {add = true}
      %dma_wait3A_103 = arith.constant 0 : i32
      %dma_wait3A_104 = tpu.memref_slice %arg7[%run_scoped3A_70, %dma_wait3A_103] : memref<80x125xi32, #tpu.memory_space<vmem>> -> memref<1x125xi32, #tpu.memory_space<vmem>>
      %dma_wait3A_105 = tpu.memref_squeeze %dma_wait3A_104 : memref<1x125xi32, #tpu.memory_space<vmem>> -> memref<125xi32, #tpu.memory_space<vmem>>
      %dma_wait3A_106 = arith.constant 0 : i32
      %dma_wait3A_107 = arith.constant 0 : i32
      %dma_wait3A_108 = tpu.memref_slice %arg13[%dma_wait3A_106, %dma_wait3A_107] : memref<5120x48xf32, #tpu.memory_space<vmem_shared>> -> memref<5120x48xf32, #tpu.memory_space<vmem_shared>>
      tpu.wait_indirect_dma semaphore(%run_scoped3A_96 : memref<!tpu.dma_semaphore, #tpu.memory_space<semaphore_mem>>) src(%arg9 : memref<125x48xf32, #tpu.memory_space<vmem>>) dst(%dma_wait3A_108 : memref<5120x48xf32, #tpu.memory_space<vmem_shared>>)
      tpu.yield
    }) : () -> ()
    %dma_wait3A_71 = arith.constant 78 : i32
    %dma_wait3A_72 = arith.constant 0 : i32
    %dma_wait3A_73 = tpu.memref_slice %arg6[%dma_wait3A_71, %dma_wait3A_72] : memref<80x125xi32, #tpu.memory_space<vmem>> -> memref<1x125xi32, #tpu.memory_space<vmem>>
    %dma_wait3A_74 = tpu.memref_squeeze %dma_wait3A_73 : memref<1x125xi32, #tpu.memory_space<vmem>> -> memref<125xi32, #tpu.memory_space<vmem>>
    %dma_wait3A_75 = arith.constant 0 : i32
    %dma_wait3A_76 = arith.constant 0 : i32
    %dma_wait3A_77 = tpu.memref_slice %arg2[%dma_wait3A_75, %dma_wait3A_76] : memref<10240x48xf32, #tpu.memory_space<hbm>> -> memref<10240x48xf32, #tpu.memory_space<hbm>>
    tpu.wait_indirect_dma semaphore(%arg16 : memref<!tpu.dma_semaphore, #tpu.memory_space<semaphore_mem>>) src(%dma_wait3A_77 : memref<10240x48xf32, #tpu.memory_space<hbm>>) dst(%arg10 : memref<125x48xf32, #tpu.memory_space<vmem>>)
    %run_scoped3A_78 = arith.constant 78 : i32
    "tpu.region"() ({
      %run_scoped3A_96 = tpu.sem_alloc : memref<!tpu.dma_semaphore, #tpu.memory_space<semaphore_mem>>
      %dma_start3A_97 = arith.constant 0 : i32
      %dma_start3A_98 = tpu.memref_slice %arg7[%run_scoped3A_78, %dma_start3A_97] : memref<80x125xi32, #tpu.memory_space<vmem>> -> memref<1x125xi32, #tpu.memory_space<vmem>>
      %dma_start3A_99 = tpu.memref_squeeze %dma_start3A_98 : memref<1x125xi32, #tpu.memory_space<vmem>> -> memref<125xi32, #tpu.memory_space<vmem>>
      %dma_start3A_100 = arith.constant 0 : i32
      %dma_start3A_101 = arith.constant 0 : i32
      %dma_start3A_102 = tpu.memref_slice %arg13[%dma_start3A_100, %dma_start3A_101] : memref<5120x48xf32, #tpu.memory_space<vmem_shared>> -> memref<5120x48xf32, #tpu.memory_space<vmem_shared>>
      tpu.enqueue_indirect_dma source(%arg10 : memref<125x48xf32, #tpu.memory_space<vmem>>) target(%dma_start3A_102 : memref<5120x48xf32, #tpu.memory_space<vmem_shared>>) offsets(%dma_start3A_99 : memref<125xi32, #tpu.memory_space<vmem>>) semaphore(%run_scoped3A_96 : memref<!tpu.dma_semaphore, #tpu.memory_space<semaphore_mem>>) {add = true}
      %dma_wait3A_103 = arith.constant 0 : i32
      %dma_wait3A_104 = tpu.memref_slice %arg7[%run_scoped3A_78, %dma_wait3A_103] : memref<80x125xi32, #tpu.memory_space<vmem>> -> memref<1x125xi32, #tpu.memory_space<vmem>>
      %dma_wait3A_105 = tpu.memref_squeeze %dma_wait3A_104 : memref<1x125xi32, #tpu.memory_space<vmem>> -> memref<125xi32, #tpu.memory_space<vmem>>
      %dma_wait3A_106 = arith.constant 0 : i32
      %dma_wait3A_107 = arith.constant 0 : i32
      %dma_wait3A_108 = tpu.memref_slice %arg13[%dma_wait3A_106, %dma_wait3A_107] : memref<5120x48xf32, #tpu.memory_space<vmem_shared>> -> memref<5120x48xf32, #tpu.memory_space<vmem_shared>>
      tpu.wait_indirect_dma semaphore(%run_scoped3A_96 : memref<!tpu.dma_semaphore, #tpu.memory_space<semaphore_mem>>) src(%arg10 : memref<125x48xf32, #tpu.memory_space<vmem>>) dst(%dma_wait3A_108 : memref<5120x48xf32, #tpu.memory_space<vmem_shared>>)
      tpu.yield
    }) : () -> ()
    %dma_wait3A_79 = arith.constant 79 : i32
    %dma_wait3A_80 = arith.constant 0 : i32
    %dma_wait3A_81 = tpu.memref_slice %arg6[%dma_wait3A_79, %dma_wait3A_80] : memref<80x125xi32, #tpu.memory_space<vmem>> -> memref<1x125xi32, #tpu.memory_space<vmem>>
    %dma_wait3A_82 = tpu.memref_squeeze %dma_wait3A_81 : memref<1x125xi32, #tpu.memory_space<vmem>> -> memref<125xi32, #tpu.memory_space<vmem>>
    %dma_wait3A_83 = arith.constant 0 : i32
    %dma_wait3A_84 = arith.constant 0 : i32
    %dma_wait3A_85 = tpu.memref_slice %arg2[%dma_wait3A_83, %dma_wait3A_84] : memref<10240x48xf32, #tpu.memory_space<hbm>> -> memref<10240x48xf32, #tpu.memory_space<hbm>>
    tpu.wait_indirect_dma semaphore(%arg17 : memref<!tpu.dma_semaphore, #tpu.memory_space<semaphore_mem>>) src(%dma_wait3A_85 : memref<10240x48xf32, #tpu.memory_space<hbm>>) dst(%arg11 : memref<125x48xf32, #tpu.memory_space<vmem>>)
    %run_scoped3A_86 = arith.constant 79 : i32
    "tpu.region"() ({
      %run_scoped3A_96 = tpu.sem_alloc : memref<!tpu.dma_semaphore, #tpu.memory_space<semaphore_mem>>
      %dma_start3A_97 = arith.constant 0 : i32
      %dma_start3A_98 = tpu.memref_slice %arg7[%run_scoped3A_86, %dma_start3A_97] : memref<80x125xi32, #tpu.memory_space<vmem>> -> memref<1x125xi32, #tpu.memory_space<vmem>>
      %dma_start3A_99 = tpu.memref_squeeze %dma_start3A_98 : memref<1x125xi32, #tpu.memory_space<vmem>> -> memref<125xi32, #tpu.memory_space<vmem>>
      %dma_start3A_100 = arith.constant 0 : i32
      %dma_start3A_101 = arith.constant 0 : i32
      %dma_start3A_102 = tpu.memref_slice %arg13[%dma_start3A_100, %dma_start3A_101] : memref<5120x48xf32, #tpu.memory_space<vmem_shared>> -> memref<5120x48xf32, #tpu.memory_space<vmem_shared>>
      tpu.enqueue_indirect_dma source(%arg11 : memref<125x48xf32, #tpu.memory_space<vmem>>) target(%dma_start3A_102 : memref<5120x48xf32, #tpu.memory_space<vmem_shared>>) offsets(%dma_start3A_99 : memref<125xi32, #tpu.memory_space<vmem>>) semaphore(%run_scoped3A_96 : memref<!tpu.dma_semaphore, #tpu.memory_space<semaphore_mem>>) {add = true}
      %dma_wait3A_103 = arith.constant 0 : i32
      %dma_wait3A_104 = tpu.memref_slice %arg7[%run_scoped3A_86, %dma_wait3A_103] : memref<80x125xi32, #tpu.memory_space<vmem>> -> memref<1x125xi32, #tpu.memory_space<vmem>>
      %dma_wait3A_105 = tpu.memref_squeeze %dma_wait3A_104 : memref<1x125xi32, #tpu.memory_space<vmem>> -> memref<125xi32, #tpu.memory_space<vmem>>
      %dma_wait3A_106 = arith.constant 0 : i32
      %dma_wait3A_107 = arith.constant 0 : i32
      %dma_wait3A_108 = tpu.memref_slice %arg13[%dma_wait3A_106, %dma_wait3A_107] : memref<5120x48xf32, #tpu.memory_space<vmem_shared>> -> memref<5120x48xf32, #tpu.memory_space<vmem_shared>>
      tpu.wait_indirect_dma semaphore(%run_scoped3A_96 : memref<!tpu.dma_semaphore, #tpu.memory_space<semaphore_mem>>) src(%arg11 : memref<125x48xf32, #tpu.memory_space<vmem>>) dst(%dma_wait3A_108 : memref<5120x48xf32, #tpu.memory_space<vmem_shared>>)
      tpu.yield
    }) : () -> ()
    %scan3A_87 = arith.constant 1 : i32
    %barrier3A_88 = arith.constant 0 : index
    tpu.barrier barrier_id(%barrier3A_88)
    %mul3A_89 = arith.constant 320 : i32
    %mul3A_90 = arith.muli %arg1, %mul3A_89 : i32
    %mul3A_91 = arith.constant 5120 : i32
    %mul3A_92 = arith.muli %arg0, %mul3A_91 : i32
    %mul3A_93 = arith.constant 320 : i32
    %mul3A_94 = arith.muli %arg1, %mul3A_93 : i32
    %add3A_95 = arith.addi %mul3A_92, %mul3A_94 : i32
    "tpu.region"() ({
      %run_scoped3A_96 = tpu.sem_alloc : memref<!tpu.dma_semaphore, #tpu.memory_space<semaphore_mem>>
      %dma_start3A_97 = arith.constant 0 : i32
      %dma_start3A_98 = tpu.memref_slice %arg5[%add3A_95, %dma_start3A_97] : memref<10240x48xf32, #tpu.memory_space<hbm>> -> memref<320x48xf32, #tpu.memory_space<hbm>>
      %dma_start3A_99 = arith.constant 0 : i32
      %dma_start3A_100 = tpu.memref_slice %arg13[%mul3A_90, %dma_start3A_99] : memref<5120x48xf32, #tpu.memory_space<vmem_shared>> -> memref<320x48xf32, #tpu.memory_space<vmem_shared>>
      tpu.enqueue_dma source(%dma_start3A_100 : memref<320x48xf32, #tpu.memory_space<vmem_shared>>) target(%dma_start3A_98 : memref<320x48xf32, #tpu.memory_space<hbm>>) target_semaphore(%run_scoped3A_96 : memref<!tpu.dma_semaphore, #tpu.memory_space<semaphore_mem>>)
      %dma_wait3A_101 = arith.constant 0 : i32
      %dma_wait3A_102 = tpu.memref_slice %arg5[%add3A_95, %dma_wait3A_101] : memref<10240x48xf32, #tpu.memory_space<hbm>> -> memref<320x48xf32, #tpu.memory_space<hbm>>
      %dma_wait3A_103 = arith.constant 0 : i32
      %dma_wait3A_104 = tpu.memref_slice %arg13[%mul3A_90, %dma_wait3A_103] : memref<5120x48xf32, #tpu.memory_space<vmem_shared>> -> memref<320x48xf32, #tpu.memory_space<vmem_shared>>
      tpu.wait_dma2 semaphore(%run_scoped3A_96 : memref<!tpu.dma_semaphore, #tpu.memory_space<semaphore_mem>>) src(%dma_wait3A_104 : memref<320x48xf32, #tpu.memory_space<vmem_shared>>) dst(%dma_wait3A_102 : memref<320x48xf32, #tpu.memory_space<hbm>>)
      tpu.yield
    }) : () -> ()
    return
  }
}

#map = affine_map<(d0, d1) -> (0, 0)>
#map1 = affine_map<(d0, d1) -> (0, 0, 0, 0)>
module attributes {stable_mosaic.version = 14 : i64} {
  func.func @body(%arg0: i32, %arg1: i32, %arg2: memref<5120x48xf32, #tpu.memory_space<hbm>>, %arg3: memref<32x1x80x125xi32, #tpu.memory_space<hbm>>, %arg4: memref<32x1x80x125xi32, #tpu.memory_space<hbm>>, %arg5: memref<20480x48xf32, #tpu.memory_space<hbm>>, %arg6: memref<80x125xi32, #tpu.memory_space<vmem>>, %arg7: memref<80x125xi32, #tpu.memory_space<vmem>>, %arg8: memref<125x48xf32, #tpu.memory_space<vmem>>, %arg9: memref<125x48xf32, #tpu.memory_space<vmem>>, %arg10: memref<125x48xf32, #tpu.memory_space<vmem>>, %arg11: memref<125x48xf32, #tpu.memory_space<vmem>>, %arg12: memref<16x48xf32, #tpu.memory_space<vmem>>, %arg13: memref<10240x48xf32, #tpu.memory_space<vmem_shared>>, %arg14: memref<!tpu.dma_semaphore, #tpu.memory_space<semaphore_mem>>, %arg15: memref<!tpu.dma_semaphore, #tpu.memory_space<semaphore_mem>>, %arg16: memref<!tpu.dma_semaphore, #tpu.memory_space<semaphore_mem>>, %arg17: memref<!tpu.dma_semaphore, #tpu.memory_space<semaphore_mem>>, %arg18: memref<!tpu.dma_semaphore, #tpu.memory_space<semaphore_mem>>) attributes {dimension_semantics = [#tpu.dimension_semantics<core_parallel>, #tpu.dimension_semantics<subcore_parallel>], iteration_bounds = array<i64: 2, 16>, scalar_prefetch = 0 : i64, scratch_operands = 13 : i64, tpu.core_type = #tpu.core_type<sc_vector_subcore>, window_params = [{transform_indices = #map}, {transform_indices = #map1}, {transform_indices = #map1}, {transform_indices = #map}]} {
    %mul3A = arith.constant 16 : i32
    %mul3A_0 = arith.muli %arg0, %mul3A : i32
    %add3A = arith.addi %mul3A_0, %arg1 : i32
    %scan3A = arith.constant 0 : i32
    %scan3A_1 = arith.constant 0 : i32
    %scan3A_2 = arith.constant 16 : i32
    %scan3A_3 = arith.addi %scan3A_1, %scan3A_2 : i32
    %scan3A_4 = arith.constant 1 : i32
    scf.for %scan3A_96 = %scan3A_1 to %scan3A_3 step %scan3A_4  : i32 {
      %broadcast_in_dim3A = arith.constant 0.000000e+00 : f32
      %broadcast_in_dim3A_97 = vector.broadcast %broadcast_in_dim3A : f32 to vector<16xf32>
      %swap3A = arith.index_cast %scan3A_96 : i32 to index
      %swap3A_98 = arith.constant 0 : index
      %swap3A_99 = tpu.vector_load %arg12[%swap3A, %swap3A_98] {strides = array<i32>} : memref<16x48xf32, #tpu.memory_space<vmem>>, vector<1x16xf32>,
      %swap3A_100 = vector.shape_cast %swap3A_99 : vector<1x16xf32> to vector<16xf32>
      %swap3A_101 = vector.shape_cast %broadcast_in_dim3A_97 : vector<16xf32> to vector<1x16xf32>
      tpu.vector_store %arg12[%swap3A, %swap3A_98], %swap3A_101 {strides = array<i32>} : memref<16x48xf32, #tpu.memory_space<vmem>>, vector<1x16xf32>,
      %broadcast_in_dim3A_102 = arith.constant 0.000000e+00 : f32
      %broadcast_in_dim3A_103 = vector.broadcast %broadcast_in_dim3A_102 : f32 to vector<16xf32>
      %swap3A_104 = arith.index_cast %scan3A_96 : i32 to index
      %swap3A_105 = arith.constant 16 : index
      %swap3A_106 = tpu.vector_load %arg12[%swap3A_104, %swap3A_105] {strides = array<i32>} : memref<16x48xf32, #tpu.memory_space<vmem>>, vector<1x16xf32>,
      %swap3A_107 = vector.shape_cast %swap3A_106 : vector<1x16xf32> to vector<16xf32>
      %swap3A_108 = vector.shape_cast %broadcast_in_dim3A_103 : vector<16xf32> to vector<1x16xf32>
      tpu.vector_store %arg12[%swap3A_104, %swap3A_105], %swap3A_108 {strides = array<i32>} : memref<16x48xf32, #tpu.memory_space<vmem>>, vector<1x16xf32>,
      %broadcast_in_dim3A_109 = arith.constant 0.000000e+00 : f32
      %broadcast_in_dim3A_110 = vector.broadcast %broadcast_in_dim3A_109 : f32 to vector<16xf32>
      %swap3A_111 = arith.index_cast %scan3A_96 : i32 to index
      %swap3A_112 = arith.constant 32 : index
      %swap3A_113 = tpu.vector_load %arg12[%swap3A_111, %swap3A_112] {strides = array<i32>} : memref<16x48xf32, #tpu.memory_space<vmem>>, vector<1x16xf32>,
      %swap3A_114 = vector.shape_cast %swap3A_113 : vector<1x16xf32> to vector<16xf32>
      %swap3A_115 = vector.shape_cast %broadcast_in_dim3A_110 : vector<16xf32> to vector<1x16xf32>
      tpu.vector_store %arg12[%swap3A_111, %swap3A_112], %swap3A_115 {strides = array<i32>} : memref<16x48xf32, #tpu.memory_space<vmem>>, vector<1x16xf32>,
    }
    %scan3A_5 = arith.constant 16 : i32
    %scan3A_6 = arith.constant 0 : i32
    %scan3A_7 = arith.constant 0 : i32
    %scan3A_8 = arith.constant 40 : i32
    %scan3A_9 = arith.addi %scan3A_7, %scan3A_8 : i32
    %scan3A_10 = arith.constant 1 : i32
    scf.for %scan3A_96 = %scan3A_7 to %scan3A_9 step %scan3A_10  : i32 {
      %mul3A_97 = arith.constant 640 : i32
      %mul3A_98 = arith.muli %arg1, %mul3A_97 : i32
      %mul3A_99 = arith.constant 16 : i32
      %mul3A_100 = arith.muli %scan3A_96, %mul3A_99 : i32
      %add3A_101 = arith.addi %mul3A_98, %mul3A_100 : i32
      %dma_start3A_102 = arith.constant 0 : i32
      %dma_start3A_103 = tpu.memref_slice %arg13[%add3A_101, %dma_start3A_102] : memref<10240x48xf32, #tpu.memory_space<vmem_shared>> -> memref<16x48xf32, #tpu.memory_space<vmem_shared>>
      %dma_start3A_104 = arith.constant 0 : i32
      %dma_start3A_105 = tpu.memref_slice %arg13[%add3A_101, %dma_start3A_104] : memref<10240x48xf32, #tpu.memory_space<vmem_shared>> -> memref<16x48xf32, #tpu.memory_space<vmem_shared>>
      tpu.enqueue_dma source(%arg12 : memref<16x48xf32, #tpu.memory_space<vmem>>) target(%dma_start3A_105 : memref<16x48xf32, #tpu.memory_space<vmem_shared>>) target_semaphore(%arg18 : memref<!tpu.dma_semaphore, #tpu.memory_space<semaphore_mem>>)
    }
    %scan3A_11 = arith.constant 40 : i32
    %run_scoped3A = arith.constant 0 : i32
    "tpu.region"() ({
      %run_scoped3A_96 = tpu.sem_alloc : memref<!tpu.dma_semaphore, #tpu.memory_space<semaphore_mem>>
      %dma_start3A_97 = arith.constant 0 : i32
      %dma_start3A_98 = arith.constant 0 : i32
      %dma_start3A_99 = tpu.memref_slice %arg3[%add3A, %run_scoped3A, %dma_start3A_97, %dma_start3A_98] : memref<32x1x80x125xi32, #tpu.memory_space<hbm>> -> memref<1x1x80x125xi32, #tpu.memory_space<hbm>>
      %dma_start3A_100 = tpu.memref_squeeze %dma_start3A_99 : memref<1x1x80x125xi32, #tpu.memory_space<hbm>> -> memref<80x125xi32, #tpu.memory_space<hbm>>
      %dma_start3A_101 = arith.constant 0 : i32
      %dma_start3A_102 = arith.constant 0 : i32
      %dma_start3A_103 = tpu.memref_slice %arg3[%add3A, %run_scoped3A, %dma_start3A_101, %dma_start3A_102] : memref<32x1x80x125xi32, #tpu.memory_space<hbm>> -> memref<1x1x80x125xi32, #tpu.memory_space<hbm>>
      %dma_start3A_104 = tpu.memref_squeeze %dma_start3A_103 : memref<1x1x80x125xi32, #tpu.memory_space<hbm>> -> memref<80x125xi32, #tpu.memory_space<hbm>>
      tpu.enqueue_dma source(%dma_start3A_104 : memref<80x125xi32, #tpu.memory_space<hbm>>) target(%arg6 : memref<80x125xi32, #tpu.memory_space<vmem>>) target_semaphore(%run_scoped3A_96 : memref<!tpu.dma_semaphore, #tpu.memory_space<semaphore_mem>>)
      %dma_wait3A_105 = arith.constant 0 : i32
      %dma_wait3A_106 = arith.constant 0 : i32
      %dma_wait3A_107 = tpu.memref_slice %arg3[%add3A, %run_scoped3A, %dma_wait3A_105, %dma_wait3A_106] : memref<32x1x80x125xi32, #tpu.memory_space<hbm>> -> memref<1x1x80x125xi32, #tpu.memory_space<hbm>>
      %dma_wait3A_108 = tpu.memref_squeeze %dma_wait3A_107 : memref<1x1x80x125xi32, #tpu.memory_space<hbm>> -> memref<80x125xi32, #tpu.memory_space<hbm>>
      %dma_wait3A_109 = arith.constant 0 : i32
      %dma_wait3A_110 = arith.constant 0 : i32
      %dma_wait3A_111 = tpu.memref_slice %arg3[%add3A, %run_scoped3A, %dma_wait3A_109, %dma_wait3A_110] : memref<32x1x80x125xi32, #tpu.memory_space<hbm>> -> memref<1x1x80x125xi32, #tpu.memory_space<hbm>>
      %dma_wait3A_112 = tpu.memref_squeeze %dma_wait3A_111 : memref<1x1x80x125xi32, #tpu.memory_space<hbm>> -> memref<80x125xi32, #tpu.memory_space<hbm>>
      tpu.wait_dma2 semaphore(%run_scoped3A_96 : memref<!tpu.dma_semaphore, #tpu.memory_space<semaphore_mem>>) src(%dma_wait3A_112 : memref<80x125xi32, #tpu.memory_space<hbm>>) dst(%arg6 : memref<80x125xi32, #tpu.memory_space<vmem>>)
      tpu.yield
    }) : () -> ()
    %run_scoped3A_12 = arith.constant 0 : i32
    "tpu.region"() ({
      %run_scoped3A_96 = tpu.sem_alloc : memref<!tpu.dma_semaphore, #tpu.memory_space<semaphore_mem>>
      %dma_start3A_97 = arith.constant 0 : i32
      %dma_start3A_98 = arith.constant 0 : i32
      %dma_start3A_99 = tpu.memref_slice %arg4[%add3A, %run_scoped3A_12, %dma_start3A_97, %dma_start3A_98] : memref<32x1x80x125xi32, #tpu.memory_space<hbm>> -> memref<1x1x80x125xi32, #tpu.memory_space<hbm>>
      %dma_start3A_100 = tpu.memref_squeeze %dma_start3A_99 : memref<1x1x80x125xi32, #tpu.memory_space<hbm>> -> memref<80x125xi32, #tpu.memory_space<hbm>>
      %dma_start3A_101 = arith.constant 0 : i32
      %dma_start3A_102 = arith.constant 0 : i32
      %dma_start3A_103 = tpu.memref_slice %arg4[%add3A, %run_scoped3A_12, %dma_start3A_101, %dma_start3A_102] : memref<32x1x80x125xi32, #tpu.memory_space<hbm>> -> memref<1x1x80x125xi32, #tpu.memory_space<hbm>>
      %dma_start3A_104 = tpu.memref_squeeze %dma_start3A_103 : memref<1x1x80x125xi32, #tpu.memory_space<hbm>> -> memref<80x125xi32, #tpu.memory_space<hbm>>
      tpu.enqueue_dma source(%dma_start3A_104 : memref<80x125xi32, #tpu.memory_space<hbm>>) target(%arg7 : memref<80x125xi32, #tpu.memory_space<vmem>>) target_semaphore(%run_scoped3A_96 : memref<!tpu.dma_semaphore, #tpu.memory_space<semaphore_mem>>)
      %dma_wait3A_105 = arith.constant 0 : i32
      %dma_wait3A_106 = arith.constant 0 : i32
      %dma_wait3A_107 = tpu.memref_slice %arg4[%add3A, %run_scoped3A_12, %dma_wait3A_105, %dma_wait3A_106] : memref<32x1x80x125xi32, #tpu.memory_space<hbm>> -> memref<1x1x80x125xi32, #tpu.memory_space<hbm>>
      %dma_wait3A_108 = tpu.memref_squeeze %dma_wait3A_107 : memref<1x1x80x125xi32, #tpu.memory_space<hbm>> -> memref<80x125xi32, #tpu.memory_space<hbm>>
      %dma_wait3A_109 = arith.constant 0 : i32
      %dma_wait3A_110 = arith.constant 0 : i32
      %dma_wait3A_111 = tpu.memref_slice %arg4[%add3A, %run_scoped3A_12, %dma_wait3A_109, %dma_wait3A_110] : memref<32x1x80x125xi32, #tpu.memory_space<hbm>> -> memref<1x1x80x125xi32, #tpu.memory_space<hbm>>
      %dma_wait3A_112 = tpu.memref_squeeze %dma_wait3A_111 : memref<1x1x80x125xi32, #tpu.memory_space<hbm>> -> memref<80x125xi32, #tpu.memory_space<hbm>>
      tpu.wait_dma2 semaphore(%run_scoped3A_96 : memref<!tpu.dma_semaphore, #tpu.memory_space<semaphore_mem>>) src(%dma_wait3A_112 : memref<80x125xi32, #tpu.memory_space<hbm>>) dst(%arg7 : memref<80x125xi32, #tpu.memory_space<vmem>>)
      tpu.yield
    }) : () -> ()
    %dma_start3A = arith.constant 0 : i32
    %dma_start3A_13 = arith.constant 0 : i32
    %dma_start3A_14 = tpu.memref_slice %arg6[%dma_start3A, %dma_start3A_13] : memref<80x125xi32, #tpu.memory_space<vmem>> -> memref<1x125xi32, #tpu.memory_space<vmem>>
    %dma_start3A_15 = tpu.memref_squeeze %dma_start3A_14 : memref<1x125xi32, #tpu.memory_space<vmem>> -> memref<125xi32, #tpu.memory_space<vmem>>
    %dma_start3A_16 = arith.constant 0 : i32
    %dma_start3A_17 = arith.constant 0 : i32
    %dma_start3A_18 = tpu.memref_slice %arg2[%dma_start3A_16, %dma_start3A_17] : memref<5120x48xf32, #tpu.memory_space<hbm>> -> memref<5120x48xf32, #tpu.memory_space<hbm>>
    tpu.enqueue_indirect_dma source(%dma_start3A_18 : memref<5120x48xf32, #tpu.memory_space<hbm>>) target(%arg8 : memref<125x48xf32, #tpu.memory_space<vmem>>) offsets(%dma_start3A_15 : memref<125xi32, #tpu.memory_space<vmem>>) semaphore(%arg14 : memref<!tpu.dma_semaphore, #tpu.memory_space<semaphore_mem>>)
    %dma_start3A_19 = arith.constant 1 : i32
    %dma_start3A_20 = arith.constant 0 : i32
    %dma_start3A_21 = tpu.memref_slice %arg6[%dma_start3A_19, %dma_start3A_20] : memref<80x125xi32, #tpu.memory_space<vmem>> -> memref<1x125xi32, #tpu.memory_space<vmem>>
    %dma_start3A_22 = tpu.memref_squeeze %dma_start3A_21 : memref<1x125xi32, #tpu.memory_space<vmem>> -> memref<125xi32, #tpu.memory_space<vmem>>
    %dma_start3A_23 = arith.constant 0 : i32
    %dma_start3A_24 = arith.constant 0 : i32
    %dma_start3A_25 = tpu.memref_slice %arg2[%dma_start3A_23, %dma_start3A_24] : memref<5120x48xf32, #tpu.memory_space<hbm>> -> memref<5120x48xf32, #tpu.memory_space<hbm>>
    tpu.enqueue_indirect_dma source(%dma_start3A_25 : memref<5120x48xf32, #tpu.memory_space<hbm>>) target(%arg9 : memref<125x48xf32, #tpu.memory_space<vmem>>) offsets(%dma_start3A_22 : memref<125xi32, #tpu.memory_space<vmem>>) semaphore(%arg15 : memref<!tpu.dma_semaphore, #tpu.memory_space<semaphore_mem>>)
    %dma_start3A_26 = arith.constant 2 : i32
    %dma_start3A_27 = arith.constant 0 : i32
    %dma_start3A_28 = tpu.memref_slice %arg6[%dma_start3A_26, %dma_start3A_27] : memref<80x125xi32, #tpu.memory_space<vmem>> -> memref<1x125xi32, #tpu.memory_space<vmem>>
    %dma_start3A_29 = tpu.memref_squeeze %dma_start3A_28 : memref<1x125xi32, #tpu.memory_space<vmem>> -> memref<125xi32, #tpu.memory_space<vmem>>
    %dma_start3A_30 = arith.constant 0 : i32
    %dma_start3A_31 = arith.constant 0 : i32
    %dma_start3A_32 = tpu.memref_slice %arg2[%dma_start3A_30, %dma_start3A_31] : memref<5120x48xf32, #tpu.memory_space<hbm>> -> memref<5120x48xf32, #tpu.memory_space<hbm>>
    tpu.enqueue_indirect_dma source(%dma_start3A_32 : memref<5120x48xf32, #tpu.memory_space<hbm>>) target(%arg10 : memref<125x48xf32, #tpu.memory_space<vmem>>) offsets(%dma_start3A_29 : memref<125xi32, #tpu.memory_space<vmem>>) semaphore(%arg16 : memref<!tpu.dma_semaphore, #tpu.memory_space<semaphore_mem>>)
    %scan3A_33 = arith.constant 0 : i32
    %scan3A_34 = arith.constant 0 : i32
    %scan3A_35 = arith.constant 40 : i32
    %scan3A_36 = arith.addi %scan3A_34, %scan3A_35 : i32
    %scan3A_37 = arith.constant 1 : i32
    scf.for %scan3A_96 = %scan3A_34 to %scan3A_36 step %scan3A_37  : i32 {
      %mul3A_97 = arith.constant 640 : i32
      %mul3A_98 = arith.muli %arg1, %mul3A_97 : i32
      %dma_wait3A_99 = arith.constant 0 : i32
      %dma_wait3A_100 = tpu.memref_slice %arg13[%mul3A_98, %dma_wait3A_99] : memref<10240x48xf32, #tpu.memory_space<vmem_shared>> -> memref<16x48xf32, #tpu.memory_space<vmem_shared>>
      %dma_wait3A_101 = arith.constant 0 : i32
      %dma_wait3A_102 = tpu.memref_slice %arg13[%mul3A_98, %dma_wait3A_101] : memref<10240x48xf32, #tpu.memory_space<vmem_shared>> -> memref<16x48xf32, #tpu.memory_space<vmem_shared>>
      tpu.wait_dma2 semaphore(%arg18 : memref<!tpu.dma_semaphore, #tpu.memory_space<semaphore_mem>>) src(%arg12 : memref<16x48xf32, #tpu.memory_space<vmem>>) dst(%dma_wait3A_102 : memref<16x48xf32, #tpu.memory_space<vmem_shared>>)
    }
    %scan3A_38 = arith.constant 40 : i32
    %barrier3A = arith.constant 0 : index
    tpu.barrier barrier_id(%barrier3A)
    %scan3A_39 = arith.constant 0 : i32
    %scan3A_40 = arith.constant 0 : i32
    %gt3A = arith.constant 0 : i32
    %gt3A_41 = arith.cmpi sgt, %scan3A_40, %gt3A : i32
    %convert_element_type3A = arith.extui %gt3A_41 : i1 to i32
    %cond3A = arith.constant 0 : i32
    %cond3A_42 = arith.cmpi ne, %convert_element_type3A, %cond3A : i32
    scf.if %cond3A_42 {
      "tpu.region"() ({
        %run_scoped3A_117 = tpu.sem_alloc : memref<!tpu.dma_semaphore, #tpu.memory_space<semaphore_mem>>
        %dma_start3A_118 = arith.constant 0 : i32
        %dma_start3A_119 = arith.constant 0 : i32
        %dma_start3A_120 = tpu.memref_slice %arg3[%add3A, %scan3A_40, %dma_start3A_118, %dma_start3A_119] : memref<32x1x80x125xi32, #tpu.memory_space<hbm>> -> memref<1x1x80x125xi32, #tpu.memory_space<hbm>>
        %dma_start3A_121 = tpu.memref_squeeze %dma_start3A_120 : memref<1x1x80x125xi32, #tpu.memory_space<hbm>> -> memref<80x125xi32, #tpu.memory_space<hbm>>
        %dma_start3A_122 = arith.constant 0 : i32
        %dma_start3A_123 = arith.constant 0 : i32
        %dma_start3A_124 = tpu.memref_slice %arg3[%add3A, %scan3A_40, %dma_start3A_122, %dma_start3A_123] : memref<32x1x80x125xi32, #tpu.memory_space<hbm>> -> memref<1x1x80x125xi32, #tpu.memory_space<hbm>>
        %dma_start3A_125 = tpu.memref_squeeze %dma_start3A_124 : memref<1x1x80x125xi32, #tpu.memory_space<hbm>> -> memref<80x125xi32, #tpu.memory_space<hbm>>
        tpu.enqueue_dma source(%dma_start3A_125 : memref<80x125xi32, #tpu.memory_space<hbm>>) target(%arg6 : memref<80x125xi32, #tpu.memory_space<vmem>>) target_semaphore(%run_scoped3A_117 : memref<!tpu.dma_semaphore, #tpu.memory_space<semaphore_mem>>)
        %dma_wait3A_126 = arith.constant 0 : i32
        %dma_wait3A_127 = arith.constant 0 : i32
        %dma_wait3A_128 = tpu.memref_slice %arg3[%add3A, %scan3A_40, %dma_wait3A_126, %dma_wait3A_127] : memref<32x1x80x125xi32, #tpu.memory_space<hbm>> -> memref<1x1x80x125xi32, #tpu.memory_space<hbm>>
        %dma_wait3A_129 = tpu.memref_squeeze %dma_wait3A_128 : memref<1x1x80x125xi32, #tpu.memory_space<hbm>> -> memref<80x125xi32, #tpu.memory_space<hbm>>
        %dma_wait3A_130 = arith.constant 0 : i32
        %dma_wait3A_131 = arith.constant 0 : i32
        %dma_wait3A_132 = tpu.memref_slice %arg3[%add3A, %scan3A_40, %dma_wait3A_130, %dma_wait3A_131] : memref<32x1x80x125xi32, #tpu.memory_space<hbm>> -> memref<1x1x80x125xi32, #tpu.memory_space<hbm>>
        %dma_wait3A_133 = tpu.memref_squeeze %dma_wait3A_132 : memref<1x1x80x125xi32, #tpu.memory_space<hbm>> -> memref<80x125xi32, #tpu.memory_space<hbm>>
        tpu.wait_dma2 semaphore(%run_scoped3A_117 : memref<!tpu.dma_semaphore, #tpu.memory_space<semaphore_mem>>) src(%dma_wait3A_133 : memref<80x125xi32, #tpu.memory_space<hbm>>) dst(%arg6 : memref<80x125xi32, #tpu.memory_space<vmem>>)
        tpu.yield
      }) : () -> ()
      "tpu.region"() ({
        %run_scoped3A_117 = tpu.sem_alloc : memref<!tpu.dma_semaphore, #tpu.memory_space<semaphore_mem>>
        %dma_start3A_118 = arith.constant 0 : i32
        %dma_start3A_119 = arith.constant 0 : i32
        %dma_start3A_120 = tpu.memref_slice %arg4[%add3A, %scan3A_40, %dma_start3A_118, %dma_start3A_119] : memref<32x1x80x125xi32, #tpu.memory_space<hbm>> -> memref<1x1x80x125xi32, #tpu.memory_space<hbm>>
        %dma_start3A_121 = tpu.memref_squeeze %dma_start3A_120 : memref<1x1x80x125xi32, #tpu.memory_space<hbm>> -> memref<80x125xi32, #tpu.memory_space<hbm>>
        %dma_start3A_122 = arith.constant 0 : i32
        %dma_start3A_123 = arith.constant 0 : i32
        %dma_start3A_124 = tpu.memref_slice %arg4[%add3A, %scan3A_40, %dma_start3A_122, %dma_start3A_123] : memref<32x1x80x125xi32, #tpu.memory_space<hbm>> -> memref<1x1x80x125xi32, #tpu.memory_space<hbm>>
        %dma_start3A_125 = tpu.memref_squeeze %dma_start3A_124 : memref<1x1x80x125xi32, #tpu.memory_space<hbm>> -> memref<80x125xi32, #tpu.memory_space<hbm>>
        tpu.enqueue_dma source(%dma_start3A_125 : memref<80x125xi32, #tpu.memory_space<hbm>>) target(%arg7 : memref<80x125xi32, #tpu.memory_space<vmem>>) target_semaphore(%run_scoped3A_117 : memref<!tpu.dma_semaphore, #tpu.memory_space<semaphore_mem>>)
        %dma_wait3A_126 = arith.constant 0 : i32
        %dma_wait3A_127 = arith.constant 0 : i32
        %dma_wait3A_128 = tpu.memref_slice %arg4[%add3A, %scan3A_40, %dma_wait3A_126, %dma_wait3A_127] : memref<32x1x80x125xi32, #tpu.memory_space<hbm>> -> memref<1x1x80x125xi32, #tpu.memory_space<hbm>>
        %dma_wait3A_129 = tpu.memref_squeeze %dma_wait3A_128 : memref<1x1x80x125xi32, #tpu.memory_space<hbm>> -> memref<80x125xi32, #tpu.memory_space<hbm>>
        %dma_wait3A_130 = arith.constant 0 : i32
        %dma_wait3A_131 = arith.constant 0 : i32
        %dma_wait3A_132 = tpu.memref_slice %arg4[%add3A, %scan3A_40, %dma_wait3A_130, %dma_wait3A_131] : memref<32x1x80x125xi32, #tpu.memory_space<hbm>> -> memref<1x1x80x125xi32, #tpu.memory_space<hbm>>
        %dma_wait3A_133 = tpu.memref_squeeze %dma_wait3A_132 : memref<1x1x80x125xi32, #tpu.memory_space<hbm>> -> memref<80x125xi32, #tpu.memory_space<hbm>>
        tpu.wait_dma2 semaphore(%run_scoped3A_117 : memref<!tpu.dma_semaphore, #tpu.memory_space<semaphore_mem>>) src(%dma_wait3A_133 : memref<80x125xi32, #tpu.memory_space<hbm>>) dst(%arg7 : memref<80x125xi32, #tpu.memory_space<vmem>>)
        tpu.yield
      }) : () -> ()
      %dma_start3A_96 = arith.constant 0 : i32
      %dma_start3A_97 = arith.constant 0 : i32
      %dma_start3A_98 = tpu.memref_slice %arg6[%dma_start3A_96, %dma_start3A_97] : memref<80x125xi32, #tpu.memory_space<vmem>> -> memref<1x125xi32, #tpu.memory_space<vmem>>
      %dma_start3A_99 = tpu.memref_squeeze %dma_start3A_98 : memref<1x125xi32, #tpu.memory_space<vmem>> -> memref<125xi32, #tpu.memory_space<vmem>>
      %dma_start3A_100 = arith.constant 0 : i32
      %dma_start3A_101 = arith.constant 0 : i32
      %dma_start3A_102 = tpu.memref_slice %arg2[%dma_start3A_100, %dma_start3A_101] : memref<5120x48xf32, #tpu.memory_space<hbm>> -> memref<5120x48xf32, #tpu.memory_space<hbm>>
      tpu.enqueue_indirect_dma source(%dma_start3A_102 : memref<5120x48xf32, #tpu.memory_space<hbm>>) target(%arg8 : memref<125x48xf32, #tpu.memory_space<vmem>>) offsets(%dma_start3A_99 : memref<125xi32, #tpu.memory_space<vmem>>) semaphore(%arg14 : memref<!tpu.dma_semaphore, #tpu.memory_space<semaphore_mem>>)
      %dma_start3A_103 = arith.constant 1 : i32
      %dma_start3A_104 = arith.constant 0 : i32
      %dma_start3A_105 = tpu.memref_slice %arg6[%dma_start3A_103, %dma_start3A_104] : memref<80x125xi32, #tpu.memory_space<vmem>> -> memref<1x125xi32, #tpu.memory_space<vmem>>
      %dma_start3A_106 = tpu.memref_squeeze %dma_start3A_105 : memref<1x125xi32, #tpu.memory_space<vmem>> -> memref<125xi32, #tpu.memory_space<vmem>>
      %dma_start3A_107 = arith.constant 0 : i32
      %dma_start3A_108 = arith.constant 0 : i32
      %dma_start3A_109 = tpu.memref_slice %arg2[%dma_start3A_107, %dma_start3A_108] : memref<5120x48xf32, #tpu.memory_space<hbm>> -> memref<5120x48xf32, #tpu.memory_space<hbm>>
      tpu.enqueue_indirect_dma source(%dma_start3A_109 : memref<5120x48xf32, #tpu.memory_space<hbm>>) target(%arg9 : memref<125x48xf32, #tpu.memory_space<vmem>>) offsets(%dma_start3A_106 : memref<125xi32, #tpu.memory_space<vmem>>) semaphore(%arg15 : memref<!tpu.dma_semaphore, #tpu.memory_space<semaphore_mem>>)
      %dma_start3A_110 = arith.constant 2 : i32
      %dma_start3A_111 = arith.constant 0 : i32
      %dma_start3A_112 = tpu.memref_slice %arg6[%dma_start3A_110, %dma_start3A_111] : memref<80x125xi32, #tpu.memory_space<vmem>> -> memref<1x125xi32, #tpu.memory_space<vmem>>
      %dma_start3A_113 = tpu.memref_squeeze %dma_start3A_112 : memref<1x125xi32, #tpu.memory_space<vmem>> -> memref<125xi32, #tpu.memory_space<vmem>>
      %dma_start3A_114 = arith.constant 0 : i32
      %dma_start3A_115 = arith.constant 0 : i32
      %dma_start3A_116 = tpu.memref_slice %arg2[%dma_start3A_114, %dma_start3A_115] : memref<5120x48xf32, #tpu.memory_space<hbm>> -> memref<5120x48xf32, #tpu.memory_space<hbm>>
      tpu.enqueue_indirect_dma source(%dma_start3A_116 : memref<5120x48xf32, #tpu.memory_space<hbm>>) target(%arg10 : memref<125x48xf32, #tpu.memory_space<vmem>>) offsets(%dma_start3A_113 : memref<125xi32, #tpu.memory_space<vmem>>) semaphore(%arg16 : memref<!tpu.dma_semaphore, #tpu.memory_space<semaphore_mem>>)
    } else {
    }
    %scan3A_43 = arith.constant 0 : i32
    %scan3A_44 = arith.constant 0 : i32
    %scan3A_45 = arith.constant 19 : i32
    %scan3A_46 = arith.addi %scan3A_44, %scan3A_45 : i32
    %scan3A_47 = arith.constant 1 : i32
    scf.for %scan3A_96 = %scan3A_44 to %scan3A_46 step %scan3A_47  : i32 {
      %mul3A_97 = arith.constant 4 : i32
      %mul3A_98 = arith.muli %scan3A_96, %mul3A_97 : i32
      %add3A_99 = arith.constant 0 : i32
      %add3A_100 = arith.addi %mul3A_98, %add3A_99 : i32
      %add3A_101 = arith.constant 4 : i32
      %add3A_102 = arith.addi %add3A_100, %add3A_101 : i32
      %sub3A = arith.constant 1 : i32
      %sub3A_103 = arith.subi %add3A_102, %sub3A : i32
      %dma_start3A_104 = arith.constant 0 : i32
      %dma_start3A_105 = tpu.memref_slice %arg6[%sub3A_103, %dma_start3A_104] : memref<80x125xi32, #tpu.memory_space<vmem>> -> memref<1x125xi32, #tpu.memory_space<vmem>>
      %dma_start3A_106 = tpu.memref_squeeze %dma_start3A_105 : memref<1x125xi32, #tpu.memory_space<vmem>> -> memref<125xi32, #tpu.memory_space<vmem>>
      %dma_start3A_107 = arith.constant 0 : i32
      %dma_start3A_108 = arith.constant 0 : i32
      %dma_start3A_109 = tpu.memref_slice %arg2[%dma_start3A_107, %dma_start3A_108] : memref<5120x48xf32, #tpu.memory_space<hbm>> -> memref<5120x48xf32, #tpu.memory_space<hbm>>
      tpu.enqueue_indirect_dma source(%dma_start3A_109 : memref<5120x48xf32, #tpu.memory_space<hbm>>) target(%arg11 : memref<125x48xf32, #tpu.memory_space<vmem>>) offsets(%dma_start3A_106 : memref<125xi32, #tpu.memory_space<vmem>>) semaphore(%arg17 : memref<!tpu.dma_semaphore, #tpu.memory_space<semaphore_mem>>)
      %dma_wait3A_110 = arith.constant 0 : i32
      %dma_wait3A_111 = tpu.memref_slice %arg6[%add3A_100, %dma_wait3A_110] : memref<80x125xi32, #tpu.memory_space<vmem>> -> memref<1x125xi32, #tpu.memory_space<vmem>>
      %dma_wait3A_112 = tpu.memref_squeeze %dma_wait3A_111 : memref<1x125xi32, #tpu.memory_space<vmem>> -> memref<125xi32, #tpu.memory_space<vmem>>
      %dma_wait3A_113 = arith.constant 0 : i32
      %dma_wait3A_114 = arith.constant 0 : i32
      %dma_wait3A_115 = tpu.memref_slice %arg2[%dma_wait3A_113, %dma_wait3A_114] : memref<5120x48xf32, #tpu.memory_space<hbm>> -> memref<5120x48xf32, #tpu.memory_space<hbm>>
      tpu.wait_indirect_dma semaphore(%arg14 : memref<!tpu.dma_semaphore, #tpu.memory_space<semaphore_mem>>) src(%dma_wait3A_115 : memref<5120x48xf32, #tpu.memory_space<hbm>>) dst(%arg8 : memref<125x48xf32, #tpu.memory_space<vmem>>)
      "tpu.region"() ({
        %run_scoped3A_176 = tpu.sem_alloc : memref<!tpu.dma_semaphore, #tpu.memory_space<semaphore_mem>>
        %dma_start3A_177 = arith.constant 0 : i32
        %dma_start3A_178 = tpu.memref_slice %arg7[%add3A_100, %dma_start3A_177] : memref<80x125xi32, #tpu.memory_space<vmem>> -> memref<1x125xi32, #tpu.memory_space<vmem>>
        %dma_start3A_179 = tpu.memref_squeeze %dma_start3A_178 : memref<1x125xi32, #tpu.memory_space<vmem>> -> memref<125xi32, #tpu.memory_space<vmem>>
        %dma_start3A_180 = arith.constant 0 : i32
        %dma_start3A_181 = arith.constant 0 : i32
        %dma_start3A_182 = tpu.memref_slice %arg13[%dma_start3A_180, %dma_start3A_181] : memref<10240x48xf32, #tpu.memory_space<vmem_shared>> -> memref<10240x48xf32, #tpu.memory_space<vmem_shared>>
        tpu.enqueue_indirect_dma source(%arg8 : memref<125x48xf32, #tpu.memory_space<vmem>>) target(%dma_start3A_182 : memref<10240x48xf32, #tpu.memory_space<vmem_shared>>) offsets(%dma_start3A_179 : memref<125xi32, #tpu.memory_space<vmem>>) semaphore(%run_scoped3A_176 : memref<!tpu.dma_semaphore, #tpu.memory_space<semaphore_mem>>) {add = true}
        %dma_wait3A_183 = arith.constant 0 : i32
        %dma_wait3A_184 = tpu.memref_slice %arg7[%add3A_100, %dma_wait3A_183] : memref<80x125xi32, #tpu.memory_space<vmem>> -> memref<1x125xi32, #tpu.memory_space<vmem>>
        %dma_wait3A_185 = tpu.memref_squeeze %dma_wait3A_184 : memref<1x125xi32, #tpu.memory_space<vmem>> -> memref<125xi32, #tpu.memory_space<vmem>>
        %dma_wait3A_186 = arith.constant 0 : i32
        %dma_wait3A_187 = arith.constant 0 : i32
        %dma_wait3A_188 = tpu.memref_slice %arg13[%dma_wait3A_186, %dma_wait3A_187] : memref<10240x48xf32, #tpu.memory_space<vmem_shared>> -> memref<10240x48xf32, #tpu.memory_space<vmem_shared>>
        tpu.wait_indirect_dma semaphore(%run_scoped3A_176 : memref<!tpu.dma_semaphore, #tpu.memory_space<semaphore_mem>>) src(%arg8 : memref<125x48xf32, #tpu.memory_space<vmem>>) dst(%dma_wait3A_188 : memref<10240x48xf32, #tpu.memory_space<vmem_shared>>)
        tpu.yield
      }) : () -> ()
      %mul3A_116 = arith.constant 4 : i32
      %mul3A_117 = arith.muli %scan3A_96, %mul3A_116 : i32
      %add3A_118 = arith.constant 1 : i32
      %add3A_119 = arith.addi %mul3A_117, %add3A_118 : i32
      %add3A_120 = arith.constant 4 : i32
      %add3A_121 = arith.addi %add3A_119, %add3A_120 : i32
      %sub3A_122 = arith.constant 1 : i32
      %sub3A_123 = arith.subi %add3A_121, %sub3A_122 : i32
      %dma_start3A_124 = arith.constant 0 : i32
      %dma_start3A_125 = tpu.memref_slice %arg6[%sub3A_123, %dma_start3A_124] : memref<80x125xi32, #tpu.memory_space<vmem>> -> memref<1x125xi32, #tpu.memory_space<vmem>>
      %dma_start3A_126 = tpu.memref_squeeze %dma_start3A_125 : memref<1x125xi32, #tpu.memory_space<vmem>> -> memref<125xi32, #tpu.memory_space<vmem>>
      %dma_start3A_127 = arith.constant 0 : i32
      %dma_start3A_128 = arith.constant 0 : i32
      %dma_start3A_129 = tpu.memref_slice %arg2[%dma_start3A_127, %dma_start3A_128] : memref<5120x48xf32, #tpu.memory_space<hbm>> -> memref<5120x48xf32, #tpu.memory_space<hbm>>
      tpu.enqueue_indirect_dma source(%dma_start3A_129 : memref<5120x48xf32, #tpu.memory_space<hbm>>) target(%arg8 : memref<125x48xf32, #tpu.memory_space<vmem>>) offsets(%dma_start3A_126 : memref<125xi32, #tpu.memory_space<vmem>>) semaphore(%arg14 : memref<!tpu.dma_semaphore, #tpu.memory_space<semaphore_mem>>)
      %dma_wait3A_130 = arith.constant 0 : i32
      %dma_wait3A_131 = tpu.memref_slice %arg6[%add3A_119, %dma_wait3A_130] : memref<80x125xi32, #tpu.memory_space<vmem>> -> memref<1x125xi32, #tpu.memory_space<vmem>>
      %dma_wait3A_132 = tpu.memref_squeeze %dma_wait3A_131 : memref<1x125xi32, #tpu.memory_space<vmem>> -> memref<125xi32, #tpu.memory_space<vmem>>
      %dma_wait3A_133 = arith.constant 0 : i32
      %dma_wait3A_134 = arith.constant 0 : i32
      %dma_wait3A_135 = tpu.memref_slice %arg2[%dma_wait3A_133, %dma_wait3A_134] : memref<5120x48xf32, #tpu.memory_space<hbm>> -> memref<5120x48xf32, #tpu.memory_space<hbm>>
      tpu.wait_indirect_dma semaphore(%arg15 : memref<!tpu.dma_semaphore, #tpu.memory_space<semaphore_mem>>) src(%dma_wait3A_135 : memref<5120x48xf32, #tpu.memory_space<hbm>>) dst(%arg9 : memref<125x48xf32, #tpu.memory_space<vmem>>)
      "tpu.region"() ({
        %run_scoped3A_176 = tpu.sem_alloc : memref<!tpu.dma_semaphore, #tpu.memory_space<semaphore_mem>>
        %dma_start3A_177 = arith.constant 0 : i32
        %dma_start3A_178 = tpu.memref_slice %arg7[%add3A_119, %dma_start3A_177] : memref<80x125xi32, #tpu.memory_space<vmem>> -> memref<1x125xi32, #tpu.memory_space<vmem>>
        %dma_start3A_179 = tpu.memref_squeeze %dma_start3A_178 : memref<1x125xi32, #tpu.memory_space<vmem>> -> memref<125xi32, #tpu.memory_space<vmem>>
        %dma_start3A_180 = arith.constant 0 : i32
        %dma_start3A_181 = arith.constant 0 : i32
        %dma_start3A_182 = tpu.memref_slice %arg13[%dma_start3A_180, %dma_start3A_181] : memref<10240x48xf32, #tpu.memory_space<vmem_shared>> -> memref<10240x48xf32, #tpu.memory_space<vmem_shared>>
        tpu.enqueue_indirect_dma source(%arg9 : memref<125x48xf32, #tpu.memory_space<vmem>>) target(%dma_start3A_182 : memref<10240x48xf32, #tpu.memory_space<vmem_shared>>) offsets(%dma_start3A_179 : memref<125xi32, #tpu.memory_space<vmem>>) semaphore(%run_scoped3A_176 : memref<!tpu.dma_semaphore, #tpu.memory_space<semaphore_mem>>) {add = true}
        %dma_wait3A_183 = arith.constant 0 : i32
        %dma_wait3A_184 = tpu.memref_slice %arg7[%add3A_119, %dma_wait3A_183] : memref<80x125xi32, #tpu.memory_space<vmem>> -> memref<1x125xi32, #tpu.memory_space<vmem>>
        %dma_wait3A_185 = tpu.memref_squeeze %dma_wait3A_184 : memref<1x125xi32, #tpu.memory_space<vmem>> -> memref<125xi32, #tpu.memory_space<vmem>>
        %dma_wait3A_186 = arith.constant 0 : i32
        %dma_wait3A_187 = arith.constant 0 : i32
        %dma_wait3A_188 = tpu.memref_slice %arg13[%dma_wait3A_186, %dma_wait3A_187] : memref<10240x48xf32, #tpu.memory_space<vmem_shared>> -> memref<10240x48xf32, #tpu.memory_space<vmem_shared>>
        tpu.wait_indirect_dma semaphore(%run_scoped3A_176 : memref<!tpu.dma_semaphore, #tpu.memory_space<semaphore_mem>>) src(%arg9 : memref<125x48xf32, #tpu.memory_space<vmem>>) dst(%dma_wait3A_188 : memref<10240x48xf32, #tpu.memory_space<vmem_shared>>)
        tpu.yield
      }) : () -> ()
      %mul3A_136 = arith.constant 4 : i32
      %mul3A_137 = arith.muli %scan3A_96, %mul3A_136 : i32
      %add3A_138 = arith.constant 2 : i32
      %add3A_139 = arith.addi %mul3A_137, %add3A_138 : i32
      %add3A_140 = arith.constant 4 : i32
      %add3A_141 = arith.addi %add3A_139, %add3A_140 : i32
      %sub3A_142 = arith.constant 1 : i32
      %sub3A_143 = arith.subi %add3A_141, %sub3A_142 : i32
      %dma_start3A_144 = arith.constant 0 : i32
      %dma_start3A_145 = tpu.memref_slice %arg6[%sub3A_143, %dma_start3A_144] : memref<80x125xi32, #tpu.memory_space<vmem>> -> memref<1x125xi32, #tpu.memory_space<vmem>>
      %dma_start3A_146 = tpu.memref_squeeze %dma_start3A_145 : memref<1x125xi32, #tpu.memory_space<vmem>> -> memref<125xi32, #tpu.memory_space<vmem>>
      %dma_start3A_147 = arith.constant 0 : i32
      %dma_start3A_148 = arith.constant 0 : i32
      %dma_start3A_149 = tpu.memref_slice %arg2[%dma_start3A_147, %dma_start3A_148] : memref<5120x48xf32, #tpu.memory_space<hbm>> -> memref<5120x48xf32, #tpu.memory_space<hbm>>
      tpu.enqueue_indirect_dma source(%dma_start3A_149 : memref<5120x48xf32, #tpu.memory_space<hbm>>) target(%arg9 : memref<125x48xf32, #tpu.memory_space<vmem>>) offsets(%dma_start3A_146 : memref<125xi32, #tpu.memory_space<vmem>>) semaphore(%arg15 : memref<!tpu.dma_semaphore, #tpu.memory_space<semaphore_mem>>)
      %dma_wait3A_150 = arith.constant 0 : i32
      %dma_wait3A_151 = tpu.memref_slice %arg6[%add3A_139, %dma_wait3A_150] : memref<80x125xi32, #tpu.memory_space<vmem>> -> memref<1x125xi32, #tpu.memory_space<vmem>>
      %dma_wait3A_152 = tpu.memref_squeeze %dma_wait3A_151 : memref<1x125xi32, #tpu.memory_space<vmem>> -> memref<125xi32, #tpu.memory_space<vmem>>
      %dma_wait3A_153 = arith.constant 0 : i32
      %dma_wait3A_154 = arith.constant 0 : i32
      %dma_wait3A_155 = tpu.memref_slice %arg2[%dma_wait3A_153, %dma_wait3A_154] : memref<5120x48xf32, #tpu.memory_space<hbm>> -> memref<5120x48xf32, #tpu.memory_space<hbm>>
      tpu.wait_indirect_dma semaphore(%arg16 : memref<!tpu.dma_semaphore, #tpu.memory_space<semaphore_mem>>) src(%dma_wait3A_155 : memref<5120x48xf32, #tpu.memory_space<hbm>>) dst(%arg10 : memref<125x48xf32, #tpu.memory_space<vmem>>)
      "tpu.region"() ({
        %run_scoped3A_176 = tpu.sem_alloc : memref<!tpu.dma_semaphore, #tpu.memory_space<semaphore_mem>>
        %dma_start3A_177 = arith.constant 0 : i32
        %dma_start3A_178 = tpu.memref_slice %arg7[%add3A_139, %dma_start3A_177] : memref<80x125xi32, #tpu.memory_space<vmem>> -> memref<1x125xi32, #tpu.memory_space<vmem>>
        %dma_start3A_179 = tpu.memref_squeeze %dma_start3A_178 : memref<1x125xi32, #tpu.memory_space<vmem>> -> memref<125xi32, #tpu.memory_space<vmem>>
        %dma_start3A_180 = arith.constant 0 : i32
        %dma_start3A_181 = arith.constant 0 : i32
        %dma_start3A_182 = tpu.memref_slice %arg13[%dma_start3A_180, %dma_start3A_181] : memref<10240x48xf32, #tpu.memory_space<vmem_shared>> -> memref<10240x48xf32, #tpu.memory_space<vmem_shared>>
        tpu.enqueue_indirect_dma source(%arg10 : memref<125x48xf32, #tpu.memory_space<vmem>>) target(%dma_start3A_182 : memref<10240x48xf32, #tpu.memory_space<vmem_shared>>) offsets(%dma_start3A_179 : memref<125xi32, #tpu.memory_space<vmem>>) semaphore(%run_scoped3A_176 : memref<!tpu.dma_semaphore, #tpu.memory_space<semaphore_mem>>) {add = true}
        %dma_wait3A_183 = arith.constant 0 : i32
        %dma_wait3A_184 = tpu.memref_slice %arg7[%add3A_139, %dma_wait3A_183] : memref<80x125xi32, #tpu.memory_space<vmem>> -> memref<1x125xi32, #tpu.memory_space<vmem>>
        %dma_wait3A_185 = tpu.memref_squeeze %dma_wait3A_184 : memref<1x125xi32, #tpu.memory_space<vmem>> -> memref<125xi32, #tpu.memory_space<vmem>>
        %dma_wait3A_186 = arith.constant 0 : i32
        %dma_wait3A_187 = arith.constant 0 : i32
        %dma_wait3A_188 = tpu.memref_slice %arg13[%dma_wait3A_186, %dma_wait3A_187] : memref<10240x48xf32, #tpu.memory_space<vmem_shared>> -> memref<10240x48xf32, #tpu.memory_space<vmem_shared>>
        tpu.wait_indirect_dma semaphore(%run_scoped3A_176 : memref<!tpu.dma_semaphore, #tpu.memory_space<semaphore_mem>>) src(%arg10 : memref<125x48xf32, #tpu.memory_space<vmem>>) dst(%dma_wait3A_188 : memref<10240x48xf32, #tpu.memory_space<vmem_shared>>)
        tpu.yield
      }) : () -> ()
      %mul3A_156 = arith.constant 4 : i32
      %mul3A_157 = arith.muli %scan3A_96, %mul3A_156 : i32
      %add3A_158 = arith.constant 3 : i32
      %add3A_159 = arith.addi %mul3A_157, %add3A_158 : i32
      %add3A_160 = arith.constant 4 : i32
      %add3A_161 = arith.addi %add3A_159, %add3A_160 : i32
      %sub3A_162 = arith.constant 1 : i32
      %sub3A_163 = arith.subi %add3A_161, %sub3A_162 : i32
      %dma_start3A_164 = arith.constant 0 : i32
      %dma_start3A_165 = tpu.memref_slice %arg6[%sub3A_163, %dma_start3A_164] : memref<80x125xi32, #tpu.memory_space<vmem>> -> memref<1x125xi32, #tpu.memory_space<vmem>>
      %dma_start3A_166 = tpu.memref_squeeze %dma_start3A_165 : memref<1x125xi32, #tpu.memory_space<vmem>> -> memref<125xi32, #tpu.memory_space<vmem>>
      %dma_start3A_167 = arith.constant 0 : i32
      %dma_start3A_168 = arith.constant 0 : i32
      %dma_start3A_169 = tpu.memref_slice %arg2[%dma_start3A_167, %dma_start3A_168] : memref<5120x48xf32, #tpu.memory_space<hbm>> -> memref<5120x48xf32, #tpu.memory_space<hbm>>
      tpu.enqueue_indirect_dma source(%dma_start3A_169 : memref<5120x48xf32, #tpu.memory_space<hbm>>) target(%arg10 : memref<125x48xf32, #tpu.memory_space<vmem>>) offsets(%dma_start3A_166 : memref<125xi32, #tpu.memory_space<vmem>>) semaphore(%arg16 : memref<!tpu.dma_semaphore, #tpu.memory_space<semaphore_mem>>)
      %dma_wait3A_170 = arith.constant 0 : i32
      %dma_wait3A_171 = tpu.memref_slice %arg6[%add3A_159, %dma_wait3A_170] : memref<80x125xi32, #tpu.memory_space<vmem>> -> memref<1x125xi32, #tpu.memory_space<vmem>>
      %dma_wait3A_172 = tpu.memref_squeeze %dma_wait3A_171 : memref<1x125xi32, #tpu.memory_space<vmem>> -> memref<125xi32, #tpu.memory_space<vmem>>
      %dma_wait3A_173 = arith.constant 0 : i32
      %dma_wait3A_174 = arith.constant 0 : i32
      %dma_wait3A_175 = tpu.memref_slice %arg2[%dma_wait3A_173, %dma_wait3A_174] : memref<5120x48xf32, #tpu.memory_space<hbm>> -> memref<5120x48xf32, #tpu.memory_space<hbm>>
      tpu.wait_indirect_dma semaphore(%arg17 : memref<!tpu.dma_semaphore, #tpu.memory_space<semaphore_mem>>) src(%dma_wait3A_175 : memref<5120x48xf32, #tpu.memory_space<hbm>>) dst(%arg11 : memref<125x48xf32, #tpu.memory_space<vmem>>)
      "tpu.region"() ({
        %run_scoped3A_176 = tpu.sem_alloc : memref<!tpu.dma_semaphore, #tpu.memory_space<semaphore_mem>>
        %dma_start3A_177 = arith.constant 0 : i32
        %dma_start3A_178 = tpu.memref_slice %arg7[%add3A_159, %dma_start3A_177] : memref<80x125xi32, #tpu.memory_space<vmem>> -> memref<1x125xi32, #tpu.memory_space<vmem>>
        %dma_start3A_179 = tpu.memref_squeeze %dma_start3A_178 : memref<1x125xi32, #tpu.memory_space<vmem>> -> memref<125xi32, #tpu.memory_space<vmem>>
        %dma_start3A_180 = arith.constant 0 : i32
        %dma_start3A_181 = arith.constant 0 : i32
        %dma_start3A_182 = tpu.memref_slice %arg13[%dma_start3A_180, %dma_start3A_181] : memref<10240x48xf32, #tpu.memory_space<vmem_shared>> -> memref<10240x48xf32, #tpu.memory_space<vmem_shared>>
        tpu.enqueue_indirect_dma source(%arg11 : memref<125x48xf32, #tpu.memory_space<vmem>>) target(%dma_start3A_182 : memref<10240x48xf32, #tpu.memory_space<vmem_shared>>) offsets(%dma_start3A_179 : memref<125xi32, #tpu.memory_space<vmem>>) semaphore(%run_scoped3A_176 : memref<!tpu.dma_semaphore, #tpu.memory_space<semaphore_mem>>) {add = true}
        %dma_wait3A_183 = arith.constant 0 : i32
        %dma_wait3A_184 = tpu.memref_slice %arg7[%add3A_159, %dma_wait3A_183] : memref<80x125xi32, #tpu.memory_space<vmem>> -> memref<1x125xi32, #tpu.memory_space<vmem>>
        %dma_wait3A_185 = tpu.memref_squeeze %dma_wait3A_184 : memref<1x125xi32, #tpu.memory_space<vmem>> -> memref<125xi32, #tpu.memory_space<vmem>>
        %dma_wait3A_186 = arith.constant 0 : i32
        %dma_wait3A_187 = arith.constant 0 : i32
        %dma_wait3A_188 = tpu.memref_slice %arg13[%dma_wait3A_186, %dma_wait3A_187] : memref<10240x48xf32, #tpu.memory_space<vmem_shared>> -> memref<10240x48xf32, #tpu.memory_space<vmem_shared>>
        tpu.wait_indirect_dma semaphore(%run_scoped3A_176 : memref<!tpu.dma_semaphore, #tpu.memory_space<semaphore_mem>>) src(%arg11 : memref<125x48xf32, #tpu.memory_space<vmem>>) dst(%dma_wait3A_188 : memref<10240x48xf32, #tpu.memory_space<vmem_shared>>)
        tpu.yield
      }) : () -> ()
    }
    %scan3A_48 = arith.constant 19 : i32
    %dma_start3A_49 = arith.constant 79 : i32
    %dma_start3A_50 = arith.constant 0 : i32
    %dma_start3A_51 = tpu.memref_slice %arg6[%dma_start3A_49, %dma_start3A_50] : memref<80x125xi32, #tpu.memory_space<vmem>> -> memref<1x125xi32, #tpu.memory_space<vmem>>
    %dma_start3A_52 = tpu.memref_squeeze %dma_start3A_51 : memref<1x125xi32, #tpu.memory_space<vmem>> -> memref<125xi32, #tpu.memory_space<vmem>>
    %dma_start3A_53 = arith.constant 0 : i32
    %dma_start3A_54 = arith.constant 0 : i32
    %dma_start3A_55 = tpu.memref_slice %arg2[%dma_start3A_53, %dma_start3A_54] : memref<5120x48xf32, #tpu.memory_space<hbm>> -> memref<5120x48xf32, #tpu.memory_space<hbm>>
    tpu.enqueue_indirect_dma source(%dma_start3A_55 : memref<5120x48xf32, #tpu.memory_space<hbm>>) target(%arg11 : memref<125x48xf32, #tpu.memory_space<vmem>>) offsets(%dma_start3A_52 : memref<125xi32, #tpu.memory_space<vmem>>) semaphore(%arg17 : memref<!tpu.dma_semaphore, #tpu.memory_space<semaphore_mem>>)
    %dma_wait3A = arith.constant 76 : i32
    %dma_wait3A_56 = arith.constant 0 : i32
    %dma_wait3A_57 = tpu.memref_slice %arg6[%dma_wait3A, %dma_wait3A_56] : memref<80x125xi32, #tpu.memory_space<vmem>> -> memref<1x125xi32, #tpu.memory_space<vmem>>
    %dma_wait3A_58 = tpu.memref_squeeze %dma_wait3A_57 : memref<1x125xi32, #tpu.memory_space<vmem>> -> memref<125xi32, #tpu.memory_space<vmem>>
    %dma_wait3A_59 = arith.constant 0 : i32
    %dma_wait3A_60 = arith.constant 0 : i32
    %dma_wait3A_61 = tpu.memref_slice %arg2[%dma_wait3A_59, %dma_wait3A_60] : memref<5120x48xf32, #tpu.memory_space<hbm>> -> memref<5120x48xf32, #tpu.memory_space<hbm>>
    tpu.wait_indirect_dma semaphore(%arg14 : memref<!tpu.dma_semaphore, #tpu.memory_space<semaphore_mem>>) src(%dma_wait3A_61 : memref<5120x48xf32, #tpu.memory_space<hbm>>) dst(%arg8 : memref<125x48xf32, #tpu.memory_space<vmem>>)
    %run_scoped3A_62 = arith.constant 76 : i32
    "tpu.region"() ({
      %run_scoped3A_96 = tpu.sem_alloc : memref<!tpu.dma_semaphore, #tpu.memory_space<semaphore_mem>>
      %dma_start3A_97 = arith.constant 0 : i32
      %dma_start3A_98 = tpu.memref_slice %arg7[%run_scoped3A_62, %dma_start3A_97] : memref<80x125xi32, #tpu.memory_space<vmem>> -> memref<1x125xi32, #tpu.memory_space<vmem>>
      %dma_start3A_99 = tpu.memref_squeeze %dma_start3A_98 : memref<1x125xi32, #tpu.memory_space<vmem>> -> memref<125xi32, #tpu.memory_space<vmem>>
      %dma_start3A_100 = arith.constant 0 : i32
      %dma_start3A_101 = arith.constant 0 : i32
      %dma_start3A_102 = tpu.memref_slice %arg13[%dma_start3A_100, %dma_start3A_101] : memref<10240x48xf32, #tpu.memory_space<vmem_shared>> -> memref<10240x48xf32, #tpu.memory_space<vmem_shared>>
      tpu.enqueue_indirect_dma source(%arg8 : memref<125x48xf32, #tpu.memory_space<vmem>>) target(%dma_start3A_102 : memref<10240x48xf32, #tpu.memory_space<vmem_shared>>) offsets(%dma_start3A_99 : memref<125xi32, #tpu.memory_space<vmem>>) semaphore(%run_scoped3A_96 : memref<!tpu.dma_semaphore, #tpu.memory_space<semaphore_mem>>) {add = true}
      %dma_wait3A_103 = arith.constant 0 : i32
      %dma_wait3A_104 = tpu.memref_slice %arg7[%run_scoped3A_62, %dma_wait3A_103] : memref<80x125xi32, #tpu.memory_space<vmem>> -> memref<1x125xi32, #tpu.memory_space<vmem>>
      %dma_wait3A_105 = tpu.memref_squeeze %dma_wait3A_104 : memref<1x125xi32, #tpu.memory_space<vmem>> -> memref<125xi32, #tpu.memory_space<vmem>>
      %dma_wait3A_106 = arith.constant 0 : i32
      %dma_wait3A_107 = arith.constant 0 : i32
      %dma_wait3A_108 = tpu.memref_slice %arg13[%dma_wait3A_106, %dma_wait3A_107] : memref<10240x48xf32, #tpu.memory_space<vmem_shared>> -> memref<10240x48xf32, #tpu.memory_space<vmem_shared>>
      tpu.wait_indirect_dma semaphore(%run_scoped3A_96 : memref<!tpu.dma_semaphore, #tpu.memory_space<semaphore_mem>>) src(%arg8 : memref<125x48xf32, #tpu.memory_space<vmem>>) dst(%dma_wait3A_108 : memref<10240x48xf32, #tpu.memory_space<vmem_shared>>)
      tpu.yield
    }) : () -> ()
    %dma_wait3A_63 = arith.constant 77 : i32
    %dma_wait3A_64 = arith.constant 0 : i32
    %dma_wait3A_65 = tpu.memref_slice %arg6[%dma_wait3A_63, %dma_wait3A_64] : memref<80x125xi32, #tpu.memory_space<vmem>> -> memref<1x125xi32, #tpu.memory_space<vmem>>
    %dma_wait3A_66 = tpu.memref_squeeze %dma_wait3A_65 : memref<1x125xi32, #tpu.memory_space<vmem>> -> memref<125xi32, #tpu.memory_space<vmem>>
    %dma_wait3A_67 = arith.constant 0 : i32
    %dma_wait3A_68 = arith.constant 0 : i32
    %dma_wait3A_69 = tpu.memref_slice %arg2[%dma_wait3A_67, %dma_wait3A_68] : memref<5120x48xf32, #tpu.memory_space<hbm>> -> memref<5120x48xf32, #tpu.memory_space<hbm>>
    tpu.wait_indirect_dma semaphore(%arg15 : memref<!tpu.dma_semaphore, #tpu.memory_space<semaphore_mem>>) src(%dma_wait3A_69 : memref<5120x48xf32, #tpu.memory_space<hbm>>) dst(%arg9 : memref<125x48xf32, #tpu.memory_space<vmem>>)
    %run_scoped3A_70 = arith.constant 77 : i32
    "tpu.region"() ({
      %run_scoped3A_96 = tpu.sem_alloc : memref<!tpu.dma_semaphore, #tpu.memory_space<semaphore_mem>>
      %dma_start3A_97 = arith.constant 0 : i32
      %dma_start3A_98 = tpu.memref_slice %arg7[%run_scoped3A_70, %dma_start3A_97] : memref<80x125xi32, #tpu.memory_space<vmem>> -> memref<1x125xi32, #tpu.memory_space<vmem>>
      %dma_start3A_99 = tpu.memref_squeeze %dma_start3A_98 : memref<1x125xi32, #tpu.memory_space<vmem>> -> memref<125xi32, #tpu.memory_space<vmem>>
      %dma_start3A_100 = arith.constant 0 : i32
      %dma_start3A_101 = arith.constant 0 : i32
      %dma_start3A_102 = tpu.memref_slice %arg13[%dma_start3A_100, %dma_start3A_101] : memref<10240x48xf32, #tpu.memory_space<vmem_shared>> -> memref<10240x48xf32, #tpu.memory_space<vmem_shared>>
      tpu.enqueue_indirect_dma source(%arg9 : memref<125x48xf32, #tpu.memory_space<vmem>>) target(%dma_start3A_102 : memref<10240x48xf32, #tpu.memory_space<vmem_shared>>) offsets(%dma_start3A_99 : memref<125xi32, #tpu.memory_space<vmem>>) semaphore(%run_scoped3A_96 : memref<!tpu.dma_semaphore, #tpu.memory_space<semaphore_mem>>) {add = true}
      %dma_wait3A_103 = arith.constant 0 : i32
      %dma_wait3A_104 = tpu.memref_slice %arg7[%run_scoped3A_70, %dma_wait3A_103] : memref<80x125xi32, #tpu.memory_space<vmem>> -> memref<1x125xi32, #tpu.memory_space<vmem>>
      %dma_wait3A_105 = tpu.memref_squeeze %dma_wait3A_104 : memref<1x125xi32, #tpu.memory_space<vmem>> -> memref<125xi32, #tpu.memory_space<vmem>>
      %dma_wait3A_106 = arith.constant 0 : i32
      %dma_wait3A_107 = arith.constant 0 : i32
      %dma_wait3A_108 = tpu.memref_slice %arg13[%dma_wait3A_106, %dma_wait3A_107] : memref<10240x48xf32, #tpu.memory_space<vmem_shared>> -> memref<10240x48xf32, #tpu.memory_space<vmem_shared>>
      tpu.wait_indirect_dma semaphore(%run_scoped3A_96 : memref<!tpu.dma_semaphore, #tpu.memory_space<semaphore_mem>>) src(%arg9 : memref<125x48xf32, #tpu.memory_space<vmem>>) dst(%dma_wait3A_108 : memref<10240x48xf32, #tpu.memory_space<vmem_shared>>)
      tpu.yield
    }) : () -> ()
    %dma_wait3A_71 = arith.constant 78 : i32
    %dma_wait3A_72 = arith.constant 0 : i32
    %dma_wait3A_73 = tpu.memref_slice %arg6[%dma_wait3A_71, %dma_wait3A_72] : memref<80x125xi32, #tpu.memory_space<vmem>> -> memref<1x125xi32, #tpu.memory_space<vmem>>
    %dma_wait3A_74 = tpu.memref_squeeze %dma_wait3A_73 : memref<1x125xi32, #tpu.memory_space<vmem>> -> memref<125xi32, #tpu.memory_space<vmem>>
    %dma_wait3A_75 = arith.constant 0 : i32
    %dma_wait3A_76 = arith.constant 0 : i32
    %dma_wait3A_77 = tpu.memref_slice %arg2[%dma_wait3A_75, %dma_wait3A_76] : memref<5120x48xf32, #tpu.memory_space<hbm>> -> memref<5120x48xf32, #tpu.memory_space<hbm>>
    tpu.wait_indirect_dma semaphore(%arg16 : memref<!tpu.dma_semaphore, #tpu.memory_space<semaphore_mem>>) src(%dma_wait3A_77 : memref<5120x48xf32, #tpu.memory_space<hbm>>) dst(%arg10 : memref<125x48xf32, #tpu.memory_space<vmem>>)
    %run_scoped3A_78 = arith.constant 78 : i32
    "tpu.region"() ({
      %run_scoped3A_96 = tpu.sem_alloc : memref<!tpu.dma_semaphore, #tpu.memory_space<semaphore_mem>>
      %dma_start3A_97 = arith.constant 0 : i32
      %dma_start3A_98 = tpu.memref_slice %arg7[%run_scoped3A_78, %dma_start3A_97] : memref<80x125xi32, #tpu.memory_space<vmem>> -> memref<1x125xi32, #tpu.memory_space<vmem>>
      %dma_start3A_99 = tpu.memref_squeeze %dma_start3A_98 : memref<1x125xi32, #tpu.memory_space<vmem>> -> memref<125xi32, #tpu.memory_space<vmem>>
      %dma_start3A_100 = arith.constant 0 : i32
      %dma_start3A_101 = arith.constant 0 : i32
      %dma_start3A_102 = tpu.memref_slice %arg13[%dma_start3A_100, %dma_start3A_101] : memref<10240x48xf32, #tpu.memory_space<vmem_shared>> -> memref<10240x48xf32, #tpu.memory_space<vmem_shared>>
      tpu.enqueue_indirect_dma source(%arg10 : memref<125x48xf32, #tpu.memory_space<vmem>>) target(%dma_start3A_102 : memref<10240x48xf32, #tpu.memory_space<vmem_shared>>) offsets(%dma_start3A_99 : memref<125xi32, #tpu.memory_space<vmem>>) semaphore(%run_scoped3A_96 : memref<!tpu.dma_semaphore, #tpu.memory_space<semaphore_mem>>) {add = true}
      %dma_wait3A_103 = arith.constant 0 : i32
      %dma_wait3A_104 = tpu.memref_slice %arg7[%run_scoped3A_78, %dma_wait3A_103] : memref<80x125xi32, #tpu.memory_space<vmem>> -> memref<1x125xi32, #tpu.memory_space<vmem>>
      %dma_wait3A_105 = tpu.memref_squeeze %dma_wait3A_104 : memref<1x125xi32, #tpu.memory_space<vmem>> -> memref<125xi32, #tpu.memory_space<vmem>>
      %dma_wait3A_106 = arith.constant 0 : i32
      %dma_wait3A_107 = arith.constant 0 : i32
      %dma_wait3A_108 = tpu.memref_slice %arg13[%dma_wait3A_106, %dma_wait3A_107] : memref<10240x48xf32, #tpu.memory_space<vmem_shared>> -> memref<10240x48xf32, #tpu.memory_space<vmem_shared>>
      tpu.wait_indirect_dma semaphore(%run_scoped3A_96 : memref<!tpu.dma_semaphore, #tpu.memory_space<semaphore_mem>>) src(%arg10 : memref<125x48xf32, #tpu.memory_space<vmem>>) dst(%dma_wait3A_108 : memref<10240x48xf32, #tpu.memory_space<vmem_shared>>)
      tpu.yield
    }) : () -> ()
    %dma_wait3A_79 = arith.constant 79 : i32
    %dma_wait3A_80 = arith.constant 0 : i32
    %dma_wait3A_81 = tpu.memref_slice %arg6[%dma_wait3A_79, %dma_wait3A_80] : memref<80x125xi32, #tpu.memory_space<vmem>> -> memref<1x125xi32, #tpu.memory_space<vmem>>
    %dma_wait3A_82 = tpu.memref_squeeze %dma_wait3A_81 : memref<1x125xi32, #tpu.memory_space<vmem>> -> memref<125xi32, #tpu.memory_space<vmem>>
    %dma_wait3A_83 = arith.constant 0 : i32
    %dma_wait3A_84 = arith.constant 0 : i32
    %dma_wait3A_85 = tpu.memref_slice %arg2[%dma_wait3A_83, %dma_wait3A_84] : memref<5120x48xf32, #tpu.memory_space<hbm>> -> memref<5120x48xf32, #tpu.memory_space<hbm>>
    tpu.wait_indirect_dma semaphore(%arg17 : memref<!tpu.dma_semaphore, #tpu.memory_space<semaphore_mem>>) src(%dma_wait3A_85 : memref<5120x48xf32, #tpu.memory_space<hbm>>) dst(%arg11 : memref<125x48xf32, #tpu.memory_space<vmem>>)
    %run_scoped3A_86 = arith.constant 79 : i32
    "tpu.region"() ({
      %run_scoped3A_96 = tpu.sem_alloc : memref<!tpu.dma_semaphore, #tpu.memory_space<semaphore_mem>>
      %dma_start3A_97 = arith.constant 0 : i32
      %dma_start3A_98 = tpu.memref_slice %arg7[%run_scoped3A_86, %dma_start3A_97] : memref<80x125xi32, #tpu.memory_space<vmem>> -> memref<1x125xi32, #tpu.memory_space<vmem>>
      %dma_start3A_99 = tpu.memref_squeeze %dma_start3A_98 : memref<1x125xi32, #tpu.memory_space<vmem>> -> memref<125xi32, #tpu.memory_space<vmem>>
      %dma_start3A_100 = arith.constant 0 : i32
      %dma_start3A_101 = arith.constant 0 : i32
      %dma_start3A_102 = tpu.memref_slice %arg13[%dma_start3A_100, %dma_start3A_101] : memref<10240x48xf32, #tpu.memory_space<vmem_shared>> -> memref<10240x48xf32, #tpu.memory_space<vmem_shared>>
      tpu.enqueue_indirect_dma source(%arg11 : memref<125x48xf32, #tpu.memory_space<vmem>>) target(%dma_start3A_102 : memref<10240x48xf32, #tpu.memory_space<vmem_shared>>) offsets(%dma_start3A_99 : memref<125xi32, #tpu.memory_space<vmem>>) semaphore(%run_scoped3A_96 : memref<!tpu.dma_semaphore, #tpu.memory_space<semaphore_mem>>) {add = true}
      %dma_wait3A_103 = arith.constant 0 : i32
      %dma_wait3A_104 = tpu.memref_slice %arg7[%run_scoped3A_86, %dma_wait3A_103] : memref<80x125xi32, #tpu.memory_space<vmem>> -> memref<1x125xi32, #tpu.memory_space<vmem>>
      %dma_wait3A_105 = tpu.memref_squeeze %dma_wait3A_104 : memref<1x125xi32, #tpu.memory_space<vmem>> -> memref<125xi32, #tpu.memory_space<vmem>>
      %dma_wait3A_106 = arith.constant 0 : i32
      %dma_wait3A_107 = arith.constant 0 : i32
      %dma_wait3A_108 = tpu.memref_slice %arg13[%dma_wait3A_106, %dma_wait3A_107] : memref<10240x48xf32, #tpu.memory_space<vmem_shared>> -> memref<10240x48xf32, #tpu.memory_space<vmem_shared>>
      tpu.wait_indirect_dma semaphore(%run_scoped3A_96 : memref<!tpu.dma_semaphore, #tpu.memory_space<semaphore_mem>>) src(%arg11 : memref<125x48xf32, #tpu.memory_space<vmem>>) dst(%dma_wait3A_108 : memref<10240x48xf32, #tpu.memory_space<vmem_shared>>)
      tpu.yield
    }) : () -> ()
    %scan3A_87 = arith.constant 1 : i32
    %barrier3A_88 = arith.constant 0 : index
    tpu.barrier barrier_id(%barrier3A_88)
    %mul3A_89 = arith.constant 640 : i32
    %mul3A_90 = arith.muli %arg1, %mul3A_89 : i32
    %mul3A_91 = arith.constant 10240 : i32
    %mul3A_92 = arith.muli %arg0, %mul3A_91 : i32
    %mul3A_93 = arith.constant 640 : i32
    %mul3A_94 = arith.muli %arg1, %mul3A_93 : i32
    %add3A_95 = arith.addi %mul3A_92, %mul3A_94 : i32
    "tpu.region"() ({
      %run_scoped3A_96 = tpu.sem_alloc : memref<!tpu.dma_semaphore, #tpu.memory_space<semaphore_mem>>
      %dma_start3A_97 = arith.constant 0 : i32
      %dma_start3A_98 = tpu.memref_slice %arg5[%add3A_95, %dma_start3A_97] : memref<20480x48xf32, #tpu.memory_space<hbm>> -> memref<640x48xf32, #tpu.memory_space<hbm>>
      %dma_start3A_99 = arith.constant 0 : i32
      %dma_start3A_100 = tpu.memref_slice %arg13[%mul3A_90, %dma_start3A_99] : memref<10240x48xf32, #tpu.memory_space<vmem_shared>> -> memref<640x48xf32, #tpu.memory_space<vmem_shared>>
      tpu.enqueue_dma source(%dma_start3A_100 : memref<640x48xf32, #tpu.memory_space<vmem_shared>>) target(%dma_start3A_98 : memref<640x48xf32, #tpu.memory_space<hbm>>) target_semaphore(%run_scoped3A_96 : memref<!tpu.dma_semaphore, #tpu.memory_space<semaphore_mem>>)
      %dma_wait3A_101 = arith.constant 0 : i32
      %dma_wait3A_102 = tpu.memref_slice %arg5[%add3A_95, %dma_wait3A_101] : memref<20480x48xf32, #tpu.memory_space<hbm>> -> memref<640x48xf32, #tpu.memory_space<hbm>>
      %dma_wait3A_103 = arith.constant 0 : i32
      %dma_wait3A_104 = tpu.memref_slice %arg13[%mul3A_90, %dma_wait3A_103] : memref<10240x48xf32, #tpu.memory_space<vmem_shared>> -> memref<640x48xf32, #tpu.memory_space<vmem_shared>>
      tpu.wait_dma2 semaphore(%run_scoped3A_96 : memref<!tpu.dma_semaphore, #tpu.memory_space<semaphore_mem>>) src(%dma_wait3A_104 : memref<640x48xf32, #tpu.memory_space<vmem_shared>>) dst(%dma_wait3A_102 : memref<640x48xf32, #tpu.memory_space<hbm>>)
      tpu.yield
    }) : () -> ()
    return
  }
}

module attributes {stable_mosaic.version = 14 : i64} {
  func.func @body(%arg0: i32, %arg1: memref<512x128xf32, #tpu.memory_space<vmem>>, %arg2: memref<128x128xf32, #tpu.memory_space<vmem>>, %arg3: memref<128xf32, #tpu.memory_space<vmem>>, %arg4: memref<512x144xf32, #tpu.memory_space<vmem>>) attributes {dimension_semantics = [#tpu.dimension_semantics<arbitrary>], iteration_bounds = array<i64: 20>, scalar_prefetch = 0 : i64, scratch_operands = 0 : i64, tpu.core_type = #tpu.core_type<tc>, window_params = [{transform_indices = @transform_0, window_bounds = array<i64: 512, 128>}, {pipeline_mode = #tpu.pipeline_mode<synchronous>, transform_indices = @transform_1, window_bounds = array<i64: 128, 128>}, {pipeline_mode = #tpu.pipeline_mode<synchronous>, transform_indices = @transform_2, window_bounds = array<i64: 128>}, {transform_indices = @transform_3, window_bounds = array<i64: 512, 144>}]} {
    %get3A = arith.constant 0 : index
    %get3A_0 = arith.constant 0 : index
    %get3A_1 = vector.load %arg1[%get3A, %get3A_0] : memref<512x128xf32, #tpu.memory_space<vmem>>, vector<512x128xf32>
    %get3A_2 = arith.constant 0 : index
    %get3A_3 = arith.constant 0 : index
    %get3A_4 = vector.load %arg2[%get3A_2, %get3A_3] : memref<128x128xf32, #tpu.memory_space<vmem>>, vector<128x128xf32>
    %dot_general3A = arith.constant dense<0.000000e+00> : vector<512x128xf32>
    %dot_general3A_5 = tpu.matmul %get3A_1, %get3A_4, %dot_general3A {dimension_numbers = #tpu.dot_dimension_numbers<[1], [0], [0], [1], [0, 0, 1, 1], [], []>, transpose_lhs_hint = false} : vector<512x128xf32>, vector<128x128xf32>, vector<512x128xf32> -> vector<512x128xf32>
    %get3A_6 = arith.constant 0 : index
    %get3A_7 = vector.load %arg3[%get3A_6] : memref<128xf32, #tpu.memory_space<vmem>>, vector<128xf32>
    %broadcast_in_dim3A = vector.shape_cast %get3A_7 : vector<128xf32> to vector<1x128xf32>
    %add3A = vector.broadcast %broadcast_in_dim3A : vector<1x128xf32> to vector<512x128xf32>
    %add3A_8 = arith.addf %dot_general3A_5, %add3A : vector<512x128xf32>
    %swap3A = arith.constant 0 : index
    %swap3A_9 = arith.constant 0 : index
    %swap3A_10 = vector.load %arg4[%swap3A, %swap3A_9] : memref<512x144xf32, #tpu.memory_space<vmem>>, vector<512x128xf32>
    tpu.vector_store %arg4[%swap3A, %swap3A_9], %add3A_8 {strides = array<i32>} : memref<512x144xf32, #tpu.memory_space<vmem>>, vector<512x128xf32>,
    %iota3A = tpu.iota {dimensions = array<i32: 1>} : vector<512x16xi32>
    %eq3A = arith.constant 0 : i32
    %eq3A_11 = vector.broadcast %eq3A : i32 to vector<512x16xi32>
    %eq3A_12 = arith.cmpi eq, %iota3A, %eq3A_11 : vector<512x16xi32>
    %jit3A = arith.constant 1.000000e+00 : f32
    %jit3A_13 = arith.constant 0.000000e+00 : f32
    %broadcast_in_dim3A_14 = vector.broadcast %jit3A : f32 to vector<512x16xf32>
    %broadcast_in_dim3A_15 = vector.broadcast %jit3A_13 : f32 to vector<512x16xf32>
    %select_n3A = arith.select %eq3A_12, %broadcast_in_dim3A_14, %broadcast_in_dim3A_15 : vector<512x16xi1>, vector<512x16xf32>
    %swap3A_16 = arith.constant 0 : index
    %swap3A_17 = arith.constant 128 : index
    %swap3A_18 = vector.load %arg4[%swap3A_16, %swap3A_17] : memref<512x144xf32, #tpu.memory_space<vmem>>, vector<512x16xf32>
    tpu.vector_store %arg4[%swap3A_16, %swap3A_17], %select_n3A {strides = array<i32>} : memref<512x144xf32, #tpu.memory_space<vmem>>, vector<512x16xf32>,
    return
  }
  func.func @transform_0(%arg0: i32) -> (i32, i32) {
    %c0_i32 = arith.constant 0 : i32
    %c0_i32_0 = arith.constant 0 : i32
    return %arg0, %c0_i32 : i32, i32
  }
  func.func @transform_1(%arg0: i32) -> (i32, i32) {
    %c0_i32 = arith.constant 0 : i32
    %c0_i32_0 = arith.constant 0 : i32
    %c0_i32_1 = arith.constant 0 : i32
    return %c0_i32, %c0_i32_0 : i32, i32
  }
  func.func @transform_2(%arg0: i32) -> i32 {
    %c0_i32 = arith.constant 0 : i32
    %c0_i32_0 = arith.constant 0 : i32
    return %c0_i32 : i32
  }
  func.func @transform_3(%arg0: i32) -> (i32, i32) {
    %c0_i32 = arith.constant 0 : i32
    %c0_i32_0 = arith.constant 0 : i32
    return %arg0, %c0_i32 : i32, i32
  }
}

module attributes {stable_mosaic.version = 14 : i64} {
  func.func @body(%arg0: i32, %arg1: i32, %arg2: memref<512x144xf32, #tpu.memory_space<vmem>>, %arg3: memref<512x144xf32, #tpu.memory_space<vmem>>, %arg4: memref<128x4xf32, #tpu.memory_space<vmem>>, %arg5: memref<512x144xf32, #tpu.memory_space<vmem>>, %arg6: memref<512x1xf32, #tpu.memory_space<vmem>>, %arg7: memref<1x4xf32, #tpu.memory_space<vmem>>) attributes {dimension_semantics = [#tpu.dimension_semantics<arbitrary>, #tpu.dimension_semantics<arbitrary>], iteration_bounds = array<i64: 2, 10>, scalar_prefetch = 0 : i64, scratch_operands = 1 : i64, tpu.core_type = #tpu.core_type<tc>, window_params = [{transform_indices = @transform_0, window_bounds = array<i64: 512, 144>}, {transform_indices = @transform_1, window_bounds = array<i64: 512, 144>}, {pipeline_mode = #tpu.pipeline_mode<synchronous>, transform_indices = @transform_2, window_bounds = array<i64: 128, 4>}, {transform_indices = @transform_3, window_bounds = array<i64: 512, 144>}, {transform_indices = @transform_4, window_bounds = array<i64: 512, 1>}]} {
    %eq3A = arith.constant 0 : i32
    %eq3A_0 = arith.cmpi eq, %arg0, %eq3A : i32
    %eq3A_1 = arith.constant 0 : i32
    %eq3A_2 = arith.cmpi eq, %arg1, %eq3A_1 : i32
    %and3A = arith.andi %eq3A_0, %eq3A_2 : i1
    %convert_element_type3A = arith.extui %and3A : i1 to i32
    %cond3A = arith.constant 0 : i32
    %cond3A_3 = arith.cmpi ne, %convert_element_type3A, %cond3A : i32
    scf.if %cond3A_3 {
      %broadcast_in_dim3A_114 = arith.constant 0.000000e+00 : f32
      %broadcast_in_dim3A_115 = vector.broadcast %broadcast_in_dim3A_114 : f32 to vector<1x4xf32>
      %swap3A_116 = arith.constant 0 : index
      %swap3A_117 = arith.constant 0 : index
      %swap3A_118 = vector.load %arg7[%swap3A_116, %swap3A_117] : memref<1x4xf32, #tpu.memory_space<vmem>>, vector<1x4xf32>
      tpu.vector_store %arg7[%swap3A_116, %swap3A_117], %broadcast_in_dim3A_115 {strides = array<i32>} : memref<1x4xf32, #tpu.memory_space<vmem>>, vector<1x4xf32>,
    } else {
    }
    %get3A = arith.constant 0 : index
    %get3A_4 = arith.constant 0 : index
    %get3A_5 = vector.load %arg2[%get3A, %get3A_4] : memref<512x144xf32, #tpu.memory_space<vmem>>, vector<512x144xf32>
    %get3A_6 = arith.constant 0 : index
    %get3A_7 = arith.constant 0 : index
    %get3A_8 = vector.load %arg3[%get3A_6, %get3A_7] : memref<512x144xf32, #tpu.memory_space<vmem>>, vector<512x144xf32>
    %add3A = arith.addf %get3A_5, %get3A_8 : vector<512x144xf32>
    %slice3A = vector.extract_strided_slice %add3A {offsets = [0, 128], sizes = [512, 1], strides = [1, 1]} : vector<512x144xf32> to vector<512x1xf32>
    %squeeze3A = vector.shape_cast %slice3A : vector<512x1xf32> to vector<512xf32>
    %jit3A = arith.constant 1.000000e+00 : f32
    %max3A = vector.broadcast %jit3A : f32 to vector<512xf32>
    %max3A_9 = arith.maximumf %max3A, %squeeze3A : vector<512xf32>
    %swap3A = arith.constant 0 : index
    %swap3A_10 = arith.constant 0 : index
    %swap3A_11 = vector.load %arg6[%swap3A, %swap3A_10] : memref<512x1xf32, #tpu.memory_space<vmem>>, vector<512x1xf32>
    %swap3A_12 = vector.shape_cast %swap3A_11 : vector<512x1xf32> to vector<512xf32>
    %swap3A_13 = vector.shape_cast %max3A_9 : vector<512xf32> to vector<512x1xf32>
    tpu.vector_store %arg6[%swap3A, %swap3A_10], %swap3A_13 {strides = array<i32>} : memref<512x1xf32, #tpu.memory_space<vmem>>, vector<512x1xf32>,
    %slice3A_14 = vector.extract_strided_slice %add3A {offsets = [0, 0], sizes = [512, 128], strides = [1, 1]} : vector<512x144xf32> to vector<512x128xf32>
    %broadcast_in_dim3A = vector.shape_cast %max3A_9 : vector<512xf32> to vector<512x1xf32>
    %div3A = vector.broadcast %broadcast_in_dim3A : vector<512x1xf32> to vector<512x128xf32>
    %div3A_15 = arith.divf %slice3A_14, %div3A : vector<512x128xf32>
    %get3A_16 = arith.constant 0 : index
    %get3A_17 = arith.constant 0 : index
    %get3A_18 = vector.load %arg4[%get3A_16, %get3A_17] : memref<128x4xf32, #tpu.memory_space<vmem>>, vector<128x4xf32>
    %dot_general3A = arith.constant dense<0.000000e+00> : vector<512x4xf32>
    %dot_general3A_19 = tpu.matmul %div3A_15, %get3A_18, %dot_general3A {dimension_numbers = #tpu.dot_dimension_numbers<[1], [0], [0], [1], [0, 0, 1, 1], [], []>, transpose_lhs_hint = false} : vector<512x128xf32>, vector<128x4xf32>, vector<512x4xf32> -> vector<512x4xf32>
    %ge3A = arith.constant 0.000000e+00 : f32
    %ge3A_20 = vector.broadcast %ge3A : f32 to vector<512x4xf32>
    %ge3A_21 = arith.cmpf oge, %dot_general3A_19, %ge3A_20 : vector<512x4xf32>
    %mul3A = arith.constant 2.000000e-01 : f32
    %mul3A_22 = vector.broadcast %mul3A : f32 to vector<512x4xf32>
    %mul3A_23 = arith.mulf %mul3A_22, %dot_general3A_19 : vector<512x4xf32>
    %select_n3A = arith.select %ge3A_21, %dot_general3A_19, %mul3A_23 : vector<512x4xi1>, vector<512x4xf32>
    %get3A_24 = arith.constant 0 : index
    %get3A_25 = arith.constant 0 : index
    %get3A_26 = vector.load %arg7[%get3A_24, %get3A_25] : memref<1x4xf32, #tpu.memory_space<vmem>>, vector<1x4xf32>
    %reduce_max3A = arith.constant dense<0xFF800000> : vector<4xf32>
    %reduce_max3A_27 = vector.multi_reduction <maximumf>, %select_n3A, %reduce_max3A [0] : vector<512x4xf32> to vector<4xf32>
    %broadcast_in_dim3A_28 = vector.shape_cast %reduce_max3A_27 : vector<4xf32> to vector<1x4xf32>
    %max3A_29 = arith.maximumf %get3A_26, %broadcast_in_dim3A_28 : vector<1x4xf32>
    %swap3A_30 = arith.constant 0 : index
    %swap3A_31 = arith.constant 0 : index
    %swap3A_32 = vector.load %arg7[%swap3A_30, %swap3A_31] : memref<1x4xf32, #tpu.memory_space<vmem>>, vector<1x4xf32>
    tpu.vector_store %arg7[%swap3A_30, %swap3A_31], %max3A_29 {strides = array<i32>} : memref<1x4xf32, #tpu.memory_space<vmem>>, vector<1x4xf32>,
    %get3A_33 = arith.constant 0 : index
    %get3A_34 = arith.constant 0 : index
    %get3A_35 = vector.load %arg7[%get3A_33, %get3A_34] : memref<1x4xf32, #tpu.memory_space<vmem>>, vector<1x4xf32>
    %sub3A = vector.broadcast %get3A_35 : vector<1x4xf32> to vector<512x4xf32>
    %sub3A_36 = arith.subf %select_n3A, %sub3A : vector<512x4xf32>
    %exp3A = math.exp %sub3A_36 : vector<512x4xf32>
    %slice3A_37 = vector.extract_strided_slice %div3A_15 {offsets = [0, 0], sizes = [512, 32], strides = [1, 1]} : vector<512x128xf32> to vector<512x32xf32>
    %slice3A_38 = vector.extract_strided_slice %exp3A {offsets = [0, 0], sizes = [512, 1], strides = [1, 1]} : vector<512x4xf32> to vector<512x1xf32>
    %squeeze3A_39 = vector.shape_cast %slice3A_38 : vector<512x1xf32> to vector<512xf32>
    %broadcast_in_dim3A_40 = vector.shape_cast %squeeze3A_39 : vector<512xf32> to vector<512x1xf32>
    %mul3A_41 = vector.broadcast %broadcast_in_dim3A_40 : vector<512x1xf32> to vector<512x32xf32>
    %mul3A_42 = arith.mulf %slice3A_37, %mul3A_41 : vector<512x32xf32>
    %swap3A_43 = arith.constant 0 : index
    %swap3A_44 = arith.constant 0 : index
    %swap3A_45 = vector.load %arg5[%swap3A_43, %swap3A_44] : memref<512x144xf32, #tpu.memory_space<vmem>>, vector<512x32xf32>
    tpu.vector_store %arg5[%swap3A_43, %swap3A_44], %mul3A_42 {strides = array<i32>} : memref<512x144xf32, #tpu.memory_space<vmem>>, vector<512x32xf32>,
    %slice3A_46 = vector.extract_strided_slice %div3A_15 {offsets = [0, 32], sizes = [512, 32], strides = [1, 1]} : vector<512x128xf32> to vector<512x32xf32>
    %slice3A_47 = vector.extract_strided_slice %exp3A {offsets = [0, 1], sizes = [512, 1], strides = [1, 1]} : vector<512x4xf32> to vector<512x1xf32>
    %squeeze3A_48 = vector.shape_cast %slice3A_47 : vector<512x1xf32> to vector<512xf32>
    %broadcast_in_dim3A_49 = vector.shape_cast %squeeze3A_48 : vector<512xf32> to vector<512x1xf32>
    %mul3A_50 = vector.broadcast %broadcast_in_dim3A_49 : vector<512x1xf32> to vector<512x32xf32>
    %mul3A_51 = arith.mulf %slice3A_46, %mul3A_50 : vector<512x32xf32>
    %swap3A_52 = arith.constant 0 : index
    %swap3A_53 = arith.constant 32 : index
    %swap3A_54 = vector.load %arg5[%swap3A_52, %swap3A_53] : memref<512x144xf32, #tpu.memory_space<vmem>>, vector<512x32xf32>
    tpu.vector_store %arg5[%swap3A_52, %swap3A_53], %mul3A_51 {strides = array<i32>} : memref<512x144xf32, #tpu.memory_space<vmem>>, vector<512x32xf32>,
    %slice3A_55 = vector.extract_strided_slice %div3A_15 {offsets = [0, 64], sizes = [512, 32], strides = [1, 1]} : vector<512x128xf32> to vector<512x32xf32>
    %slice3A_56 = vector.extract_strided_slice %exp3A {offsets = [0, 2], sizes = [512, 1], strides = [1, 1]} : vector<512x4xf32> to vector<512x1xf32>
    %squeeze3A_57 = vector.shape_cast %slice3A_56 : vector<512x1xf32> to vector<512xf32>
    %broadcast_in_dim3A_58 = vector.shape_cast %squeeze3A_57 : vector<512xf32> to vector<512x1xf32>
    %mul3A_59 = vector.broadcast %broadcast_in_dim3A_58 : vector<512x1xf32> to vector<512x32xf32>
    %mul3A_60 = arith.mulf %slice3A_55, %mul3A_59 : vector<512x32xf32>
    %swap3A_61 = arith.constant 0 : index
    %swap3A_62 = arith.constant 64 : index
    %swap3A_63 = vector.load %arg5[%swap3A_61, %swap3A_62] : memref<512x144xf32, #tpu.memory_space<vmem>>, vector<512x32xf32>
    tpu.vector_store %arg5[%swap3A_61, %swap3A_62], %mul3A_60 {strides = array<i32>} : memref<512x144xf32, #tpu.memory_space<vmem>>, vector<512x32xf32>,
    %slice3A_64 = vector.extract_strided_slice %div3A_15 {offsets = [0, 96], sizes = [512, 32], strides = [1, 1]} : vector<512x128xf32> to vector<512x32xf32>
    %slice3A_65 = vector.extract_strided_slice %exp3A {offsets = [0, 3], sizes = [512, 1], strides = [1, 1]} : vector<512x4xf32> to vector<512x1xf32>
    %squeeze3A_66 = vector.shape_cast %slice3A_65 : vector<512x1xf32> to vector<512xf32>
    %broadcast_in_dim3A_67 = vector.shape_cast %squeeze3A_66 : vector<512xf32> to vector<512x1xf32>
    %mul3A_68 = vector.broadcast %broadcast_in_dim3A_67 : vector<512x1xf32> to vector<512x32xf32>
    %mul3A_69 = arith.mulf %slice3A_64, %mul3A_68 : vector<512x32xf32>
    %swap3A_70 = arith.constant 0 : index
    %swap3A_71 = arith.constant 96 : index
    %swap3A_72 = vector.load %arg5[%swap3A_70, %swap3A_71] : memref<512x144xf32, #tpu.memory_space<vmem>>, vector<512x32xf32>
    tpu.vector_store %arg5[%swap3A_70, %swap3A_71], %mul3A_69 {strides = array<i32>} : memref<512x144xf32, #tpu.memory_space<vmem>>, vector<512x32xf32>,
    %iota3A = tpu.iota {dimensions = array<i32: 1>} : vector<512x16xi32>
    %broadcast_in_dim3A_73 = arith.constant 0.000000e+00 : f32
    %broadcast_in_dim3A_74 = vector.broadcast %broadcast_in_dim3A_73 : f32 to vector<512x16xf32>
    %eq3A_75 = arith.constant 0 : i32
    %eq3A_76 = vector.broadcast %eq3A_75 : i32 to vector<512x16xi32>
    %eq3A_77 = arith.cmpi eq, %iota3A, %eq3A_76 : vector<512x16xi32>
    %slice3A_78 = vector.extract_strided_slice %exp3A {offsets = [0, 0], sizes = [512, 1], strides = [1, 1]} : vector<512x4xf32> to vector<512x1xf32>
    %squeeze3A_79 = vector.shape_cast %slice3A_78 : vector<512x1xf32> to vector<512xf32>
    %broadcast_in_dim3A_80 = vector.shape_cast %squeeze3A_79 : vector<512xf32> to vector<512x1xf32>
    %broadcast_in_dim3A_81 = vector.shape_cast %broadcast_in_dim3A_80 : vector<512x1xf32> to vector<512x1xf32>
    %broadcast_in_dim3A_82 = vector.broadcast %broadcast_in_dim3A_81 : vector<512x1xf32> to vector<512x16xf32>
    %select_n3A_83 = arith.select %eq3A_77, %broadcast_in_dim3A_82, %broadcast_in_dim3A_74 : vector<512x16xi1>, vector<512x16xf32>
    %eq3A_84 = arith.constant 1 : i32
    %eq3A_85 = vector.broadcast %eq3A_84 : i32 to vector<512x16xi32>
    %eq3A_86 = arith.cmpi eq, %iota3A, %eq3A_85 : vector<512x16xi32>
    %slice3A_87 = vector.extract_strided_slice %exp3A {offsets = [0, 1], sizes = [512, 1], strides = [1, 1]} : vector<512x4xf32> to vector<512x1xf32>
    %squeeze3A_88 = vector.shape_cast %slice3A_87 : vector<512x1xf32> to vector<512xf32>
    %broadcast_in_dim3A_89 = vector.shape_cast %squeeze3A_88 : vector<512xf32> to vector<512x1xf32>
    %broadcast_in_dim3A_90 = vector.shape_cast %broadcast_in_dim3A_89 : vector<512x1xf32> to vector<512x1xf32>
    %broadcast_in_dim3A_91 = vector.broadcast %broadcast_in_dim3A_90 : vector<512x1xf32> to vector<512x16xf32>
    %select_n3A_92 = arith.select %eq3A_86, %broadcast_in_dim3A_91, %select_n3A_83 : vector<512x16xi1>, vector<512x16xf32>
    %eq3A_93 = arith.constant 2 : i32
    %eq3A_94 = vector.broadcast %eq3A_93 : i32 to vector<512x16xi32>
    %eq3A_95 = arith.cmpi eq, %iota3A, %eq3A_94 : vector<512x16xi32>
    %slice3A_96 = vector.extract_strided_slice %exp3A {offsets = [0, 2], sizes = [512, 1], strides = [1, 1]} : vector<512x4xf32> to vector<512x1xf32>
    %squeeze3A_97 = vector.shape_cast %slice3A_96 : vector<512x1xf32> to vector<512xf32>
    %broadcast_in_dim3A_98 = vector.shape_cast %squeeze3A_97 : vector<512xf32> to vector<512x1xf32>
    %broadcast_in_dim3A_99 = vector.shape_cast %broadcast_in_dim3A_98 : vector<512x1xf32> to vector<512x1xf32>
    %broadcast_in_dim3A_100 = vector.broadcast %broadcast_in_dim3A_99 : vector<512x1xf32> to vector<512x16xf32>
    %select_n3A_101 = arith.select %eq3A_95, %broadcast_in_dim3A_100, %select_n3A_92 : vector<512x16xi1>, vector<512x16xf32>
    %eq3A_102 = arith.constant 3 : i32
    %eq3A_103 = vector.broadcast %eq3A_102 : i32 to vector<512x16xi32>
    %eq3A_104 = arith.cmpi eq, %iota3A, %eq3A_103 : vector<512x16xi32>
    %slice3A_105 = vector.extract_strided_slice %exp3A {offsets = [0, 3], sizes = [512, 1], strides = [1, 1]} : vector<512x4xf32> to vector<512x1xf32>
    %squeeze3A_106 = vector.shape_cast %slice3A_105 : vector<512x1xf32> to vector<512xf32>
    %broadcast_in_dim3A_107 = vector.shape_cast %squeeze3A_106 : vector<512xf32> to vector<512x1xf32>
    %broadcast_in_dim3A_108 = vector.shape_cast %broadcast_in_dim3A_107 : vector<512x1xf32> to vector<512x1xf32>
    %broadcast_in_dim3A_109 = vector.broadcast %broadcast_in_dim3A_108 : vector<512x1xf32> to vector<512x16xf32>
    %select_n3A_110 = arith.select %eq3A_104, %broadcast_in_dim3A_109, %select_n3A_101 : vector<512x16xi1>, vector<512x16xf32>
    %swap3A_111 = arith.constant 0 : index
    %swap3A_112 = arith.constant 128 : index
    %swap3A_113 = vector.load %arg5[%swap3A_111, %swap3A_112] : memref<512x144xf32, #tpu.memory_space<vmem>>, vector<512x16xf32>
    tpu.vector_store %arg5[%swap3A_111, %swap3A_112], %select_n3A_110 {strides = array<i32>} : memref<512x144xf32, #tpu.memory_space<vmem>>, vector<512x16xf32>,
    return
  }
  func.func @transform_0(%arg0: i32, %arg1: i32) -> (i32, i32) {
    %c0_i32 = arith.constant 0 : i32
    %c0_i32_0 = arith.constant 0 : i32
    return %arg1, %c0_i32 : i32, i32
  }
  func.func @transform_1(%arg0: i32, %arg1: i32) -> (i32, i32) {
    %add3A = arith.constant 10 : i32
    %add3A_0 = arith.addi %add3A, %arg1 : i32
    %c0_i32 = arith.constant 0 : i32
    %c0_i32_1 = arith.constant 0 : i32
    return %add3A_0, %c0_i32 : i32, i32
  }
  func.func @transform_2(%arg0: i32, %arg1: i32) -> (i32, i32) {
    %c0_i32 = arith.constant 0 : i32
    %c0_i32_0 = arith.constant 0 : i32
    %c0_i32_1 = arith.constant 0 : i32
    return %c0_i32, %c0_i32_0 : i32, i32
  }
  func.func @transform_3(%arg0: i32, %arg1: i32) -> (i32, i32) {
    %c0_i32 = arith.constant 0 : i32
    %c0_i32_0 = arith.constant 0 : i32
    return %arg1, %c0_i32 : i32, i32
  }
  func.func @transform_4(%arg0: i32, %arg1: i32) -> (i32, i32) {
    %c0_i32 = arith.constant 0 : i32
    %c0_i32_0 = arith.constant 0 : i32
    return %arg1, %c0_i32 : i32, i32
  }
}

module attributes {stable_mosaic.version = 14 : i64} {
  func.func @body(%arg0: i32, %arg1: memref<512x144xf32, #tpu.memory_space<vmem>>, %arg2: memref<512x144xf32, #tpu.memory_space<vmem>>, %arg3: memref<128x40xf32, #tpu.memory_space<vmem>>, %arg4: memref<40xf32, #tpu.memory_space<vmem>>, %arg5: memref<512x48xf32, #tpu.memory_space<vmem>>) attributes {dimension_semantics = [#tpu.dimension_semantics<arbitrary>], iteration_bounds = array<i64: 20>, scalar_prefetch = 0 : i64, scratch_operands = 0 : i64, tpu.core_type = #tpu.core_type<tc>, window_params = [{transform_indices = @transform_0, window_bounds = array<i64: 512, 144>}, {transform_indices = @transform_1, window_bounds = array<i64: 512, 144>}, {pipeline_mode = #tpu.pipeline_mode<synchronous>, transform_indices = @transform_2, window_bounds = array<i64: 128, 40>}, {pipeline_mode = #tpu.pipeline_mode<synchronous>, transform_indices = @transform_3, window_bounds = array<i64: 40>}, {transform_indices = @transform_4, window_bounds = array<i64: 512, 48>}]} {
    %get3A = arith.constant 0 : index
    %get3A_0 = arith.constant 0 : index
    %get3A_1 = vector.load %arg1[%get3A, %get3A_0] : memref<512x144xf32, #tpu.memory_space<vmem>>, vector<512x144xf32>
    %get3A_2 = arith.constant 0 : index
    %get3A_3 = arith.constant 0 : index
    %get3A_4 = vector.load %arg2[%get3A_2, %get3A_3] : memref<512x144xf32, #tpu.memory_space<vmem>>, vector<512x144xf32>
    %add3A = arith.addf %get3A_1, %get3A_4 : vector<512x144xf32>
    %slice3A = vector.extract_strided_slice %add3A {offsets = [0, 128], sizes = [512, 1], strides = [1, 1]} : vector<512x144xf32> to vector<512x1xf32>
    %squeeze3A = vector.shape_cast %slice3A : vector<512x1xf32> to vector<512xf32>
    %slice3A_5 = vector.extract_strided_slice %add3A {offsets = [0, 0], sizes = [512, 32], strides = [1, 1]} : vector<512x144xf32> to vector<512x32xf32>
    %add3A_6 = arith.constant 9.99999996E-13 : f32
    %add3A_7 = vector.broadcast %add3A_6 : f32 to vector<512xf32>
    %add3A_8 = arith.addf %squeeze3A, %add3A_7 : vector<512xf32>
    %broadcast_in_dim3A = vector.shape_cast %add3A_8 : vector<512xf32> to vector<512x1xf32>
    %div3A = vector.broadcast %broadcast_in_dim3A : vector<512x1xf32> to vector<512x32xf32>
    %div3A_9 = arith.divf %slice3A_5, %div3A : vector<512x32xf32>
    %gt3A = arith.constant 0.000000e+00 : f32
    %gt3A_10 = vector.broadcast %gt3A : f32 to vector<512x32xf32>
    %gt3A_11 = arith.cmpf ogt, %div3A_9, %gt3A_10 : vector<512x32xf32>
    %min3A = arith.constant 0.000000e+00 : f32
    %min3A_12 = vector.broadcast %min3A : f32 to vector<512x32xf32>
    %min3A_13 = arith.minimumf %div3A_9, %min3A_12 : vector<512x32xf32>
    %exp3A = math.exp %min3A_13 : vector<512x32xf32>
    %sub3A = arith.constant 1.000000e+00 : f32
    %sub3A_14 = vector.broadcast %sub3A : f32 to vector<512x32xf32>
    %sub3A_15 = arith.subf %exp3A, %sub3A_14 : vector<512x32xf32>
    %select_n3A = arith.select %gt3A_11, %div3A_9, %sub3A_15 : vector<512x32xi1>, vector<512x32xf32>
    %slice3A_16 = vector.extract_strided_slice %add3A {offsets = [0, 129], sizes = [512, 1], strides = [1, 1]} : vector<512x144xf32> to vector<512x1xf32>
    %squeeze3A_17 = vector.shape_cast %slice3A_16 : vector<512x1xf32> to vector<512xf32>
    %slice3A_18 = vector.extract_strided_slice %add3A {offsets = [0, 32], sizes = [512, 32], strides = [1, 1]} : vector<512x144xf32> to vector<512x32xf32>
    %add3A_19 = arith.constant 9.99999996E-13 : f32
    %add3A_20 = vector.broadcast %add3A_19 : f32 to vector<512xf32>
    %add3A_21 = arith.addf %squeeze3A_17, %add3A_20 : vector<512xf32>
    %broadcast_in_dim3A_22 = vector.shape_cast %add3A_21 : vector<512xf32> to vector<512x1xf32>
    %div3A_23 = vector.broadcast %broadcast_in_dim3A_22 : vector<512x1xf32> to vector<512x32xf32>
    %div3A_24 = arith.divf %slice3A_18, %div3A_23 : vector<512x32xf32>
    %gt3A_25 = arith.constant 0.000000e+00 : f32
    %gt3A_26 = vector.broadcast %gt3A_25 : f32 to vector<512x32xf32>
    %gt3A_27 = arith.cmpf ogt, %div3A_24, %gt3A_26 : vector<512x32xf32>
    %min3A_28 = arith.constant 0.000000e+00 : f32
    %min3A_29 = vector.broadcast %min3A_28 : f32 to vector<512x32xf32>
    %min3A_30 = arith.minimumf %div3A_24, %min3A_29 : vector<512x32xf32>
    %exp3A_31 = math.exp %min3A_30 : vector<512x32xf32>
    %sub3A_32 = arith.constant 1.000000e+00 : f32
    %sub3A_33 = vector.broadcast %sub3A_32 : f32 to vector<512x32xf32>
    %sub3A_34 = arith.subf %exp3A_31, %sub3A_33 : vector<512x32xf32>
    %select_n3A_35 = arith.select %gt3A_27, %div3A_24, %sub3A_34 : vector<512x32xi1>, vector<512x32xf32>
    %slice3A_36 = vector.extract_strided_slice %add3A {offsets = [0, 130], sizes = [512, 1], strides = [1, 1]} : vector<512x144xf32> to vector<512x1xf32>
    %squeeze3A_37 = vector.shape_cast %slice3A_36 : vector<512x1xf32> to vector<512xf32>
    %slice3A_38 = vector.extract_strided_slice %add3A {offsets = [0, 64], sizes = [512, 32], strides = [1, 1]} : vector<512x144xf32> to vector<512x32xf32>
    %add3A_39 = arith.constant 9.99999996E-13 : f32
    %add3A_40 = vector.broadcast %add3A_39 : f32 to vector<512xf32>
    %add3A_41 = arith.addf %squeeze3A_37, %add3A_40 : vector<512xf32>
    %broadcast_in_dim3A_42 = vector.shape_cast %add3A_41 : vector<512xf32> to vector<512x1xf32>
    %div3A_43 = vector.broadcast %broadcast_in_dim3A_42 : vector<512x1xf32> to vector<512x32xf32>
    %div3A_44 = arith.divf %slice3A_38, %div3A_43 : vector<512x32xf32>
    %gt3A_45 = arith.constant 0.000000e+00 : f32
    %gt3A_46 = vector.broadcast %gt3A_45 : f32 to vector<512x32xf32>
    %gt3A_47 = arith.cmpf ogt, %div3A_44, %gt3A_46 : vector<512x32xf32>
    %min3A_48 = arith.constant 0.000000e+00 : f32
    %min3A_49 = vector.broadcast %min3A_48 : f32 to vector<512x32xf32>
    %min3A_50 = arith.minimumf %div3A_44, %min3A_49 : vector<512x32xf32>
    %exp3A_51 = math.exp %min3A_50 : vector<512x32xf32>
    %sub3A_52 = arith.constant 1.000000e+00 : f32
    %sub3A_53 = vector.broadcast %sub3A_52 : f32 to vector<512x32xf32>
    %sub3A_54 = arith.subf %exp3A_51, %sub3A_53 : vector<512x32xf32>
    %select_n3A_55 = arith.select %gt3A_47, %div3A_44, %sub3A_54 : vector<512x32xi1>, vector<512x32xf32>
    %slice3A_56 = vector.extract_strided_slice %add3A {offsets = [0, 131], sizes = [512, 1], strides = [1, 1]} : vector<512x144xf32> to vector<512x1xf32>
    %squeeze3A_57 = vector.shape_cast %slice3A_56 : vector<512x1xf32> to vector<512xf32>
    %slice3A_58 = vector.extract_strided_slice %add3A {offsets = [0, 96], sizes = [512, 32], strides = [1, 1]} : vector<512x144xf32> to vector<512x32xf32>
    %add3A_59 = arith.constant 9.99999996E-13 : f32
    %add3A_60 = vector.broadcast %add3A_59 : f32 to vector<512xf32>
    %add3A_61 = arith.addf %squeeze3A_57, %add3A_60 : vector<512xf32>
    %broadcast_in_dim3A_62 = vector.shape_cast %add3A_61 : vector<512xf32> to vector<512x1xf32>
    %div3A_63 = vector.broadcast %broadcast_in_dim3A_62 : vector<512x1xf32> to vector<512x32xf32>
    %div3A_64 = arith.divf %slice3A_58, %div3A_63 : vector<512x32xf32>
    %gt3A_65 = arith.constant 0.000000e+00 : f32
    %gt3A_66 = vector.broadcast %gt3A_65 : f32 to vector<512x32xf32>
    %gt3A_67 = arith.cmpf ogt, %div3A_64, %gt3A_66 : vector<512x32xf32>
    %min3A_68 = arith.constant 0.000000e+00 : f32
    %min3A_69 = vector.broadcast %min3A_68 : f32 to vector<512x32xf32>
    %min3A_70 = arith.minimumf %div3A_64, %min3A_69 : vector<512x32xf32>
    %exp3A_71 = math.exp %min3A_70 : vector<512x32xf32>
    %sub3A_72 = arith.constant 1.000000e+00 : f32
    %sub3A_73 = vector.broadcast %sub3A_72 : f32 to vector<512x32xf32>
    %sub3A_74 = arith.subf %exp3A_71, %sub3A_73 : vector<512x32xf32>
    %select_n3A_75 = arith.select %gt3A_67, %div3A_64, %sub3A_74 : vector<512x32xi1>, vector<512x32xf32>
    %concatenate3A = tpu.concatenate %select_n3A, %select_n3A_35, %select_n3A_55, %select_n3A_75 in 1 : vector<512x32xf32>, vector<512x32xf32>, vector<512x32xf32>, vector<512x32xf32> -> vector<512x128xf32>
    %get3A_76 = arith.constant 0 : index
    %get3A_77 = arith.constant 0 : index
    %get3A_78 = vector.load %arg3[%get3A_76, %get3A_77] : memref<128x40xf32, #tpu.memory_space<vmem>>, vector<128x40xf32>
    %dot_general3A = arith.constant dense<0.000000e+00> : vector<512x40xf32>
    %dot_general3A_79 = tpu.matmul %concatenate3A, %get3A_78, %dot_general3A {dimension_numbers = #tpu.dot_dimension_numbers<[1], [0], [0], [1], [0, 0, 1, 1], [], []>, transpose_lhs_hint = false} : vector<512x128xf32>, vector<128x40xf32>, vector<512x40xf32> -> vector<512x40xf32>
    %get3A_80 = arith.constant 0 : index
    %get3A_81 = vector.load %arg4[%get3A_80] : memref<40xf32, #tpu.memory_space<vmem>>, vector<40xf32>
    %broadcast_in_dim3A_82 = vector.shape_cast %get3A_81 : vector<40xf32> to vector<1x40xf32>
    %add3A_83 = vector.broadcast %broadcast_in_dim3A_82 : vector<1x40xf32> to vector<512x40xf32>
    %add3A_84 = arith.addf %dot_general3A_79, %add3A_83 : vector<512x40xf32>
    %swap3A = arith.constant 0 : index
    %swap3A_85 = arith.constant 0 : index
    %swap3A_86 = vector.load %arg5[%swap3A, %swap3A_85] : memref<512x48xf32, #tpu.memory_space<vmem>>, vector<512x40xf32>
    tpu.vector_store %arg5[%swap3A, %swap3A_85], %add3A_84 {strides = array<i32>} : memref<512x48xf32, #tpu.memory_space<vmem>>, vector<512x40xf32>,
    %broadcast_in_dim3A_87 = arith.constant 0.000000e+00 : f32
    %broadcast_in_dim3A_88 = vector.broadcast %broadcast_in_dim3A_87 : f32 to vector<512x8xf32>
    %swap3A_89 = arith.constant 0 : index
    %swap3A_90 = arith.constant 40 : index
    %swap3A_91 = vector.load %arg5[%swap3A_89, %swap3A_90] : memref<512x48xf32, #tpu.memory_space<vmem>>, vector<512x8xf32>
    tpu.vector_store %arg5[%swap3A_89, %swap3A_90], %broadcast_in_dim3A_88 {strides = array<i32>} : memref<512x48xf32, #tpu.memory_space<vmem>>, vector<512x8xf32>,
    return
  }
  func.func @transform_0(%arg0: i32) -> (i32, i32) {
    %c0_i32 = arith.constant 0 : i32
    %c0_i32_0 = arith.constant 0 : i32
    return %arg0, %c0_i32 : i32, i32
  }
  func.func @transform_1(%arg0: i32) -> (i32, i32) {
    %add3A = arith.constant 20 : i32
    %add3A_0 = arith.addi %add3A, %arg0 : i32
    %c0_i32 = arith.constant 0 : i32
    %c0_i32_1 = arith.constant 0 : i32
    return %add3A_0, %c0_i32 : i32, i32
  }
  func.func @transform_2(%arg0: i32) -> (i32, i32) {
    %c0_i32 = arith.constant 0 : i32
    %c0_i32_0 = arith.constant 0 : i32
    %c0_i32_1 = arith.constant 0 : i32
    return %c0_i32, %c0_i32_0 : i32, i32
  }
  func.func @transform_3(%arg0: i32) -> i32 {
    %c0_i32 = arith.constant 0 : i32
    %c0_i32_0 = arith.constant 0 : i32
    return %c0_i32 : i32
  }
  func.func @transform_4(%arg0: i32) -> (i32, i32) {
    %c0_i32 = arith.constant 0 : i32
    %c0_i32_0 = arith.constant 0 : i32
    return %arg0, %c0_i32 : i32, i32
  }
}

module attributes {stable_mosaic.version = 14 : i64} {
  func.func @body(%arg0: i32, %arg1: i32, %arg2: memref<512x48xf32, #tpu.memory_space<vmem>>, %arg3: memref<512x48xf32, #tpu.memory_space<vmem>>, %arg4: memref<512x1xf32, #tpu.memory_space<vmem>>, %arg5: memref<40x1xf32, #tpu.memory_space<vmem>>, %arg6: memref<512x48xf32, #tpu.memory_space<vmem>>, %arg7: memref<1x1xf32, #tpu.memory_space<vmem>>) attributes {dimension_semantics = [#tpu.dimension_semantics<arbitrary>, #tpu.dimension_semantics<arbitrary>], iteration_bounds = array<i64: 2, 10>, scalar_prefetch = 0 : i64, scratch_operands = 1 : i64, tpu.core_type = #tpu.core_type<tc>, window_params = [{transform_indices = @transform_0, window_bounds = array<i64: 512, 48>}, {transform_indices = @transform_1, window_bounds = array<i64: 512, 48>}, {transform_indices = @transform_2, window_bounds = array<i64: 512, 1>}, {pipeline_mode = #tpu.pipeline_mode<synchronous>, transform_indices = @transform_3, window_bounds = array<i64: 40, 1>}, {transform_indices = @transform_4, window_bounds = array<i64: 512, 48>}]} {
    %eq3A = arith.constant 0 : i32
    %eq3A_0 = arith.cmpi eq, %arg0, %eq3A : i32
    %eq3A_1 = arith.constant 0 : i32
    %eq3A_2 = arith.cmpi eq, %arg1, %eq3A_1 : i32
    %and3A = arith.andi %eq3A_0, %eq3A_2 : i1
    %convert_element_type3A = arith.extui %and3A : i1 to i32
    %cond3A = arith.constant 0 : i32
    %cond3A_3 = arith.cmpi ne, %convert_element_type3A, %cond3A : i32
    scf.if %cond3A_3 {
      %broadcast_in_dim3A_46 = arith.constant 0.000000e+00 : f32
      %broadcast_in_dim3A_47 = vector.broadcast %broadcast_in_dim3A_46 : f32 to vector<1x1xf32>
      %swap3A_48 = arith.constant 0 : index
      %swap3A_49 = arith.constant 0 : index
      %swap3A_50 = vector.load %arg7[%swap3A_48, %swap3A_49] : memref<1x1xf32, #tpu.memory_space<vmem>>, vector<1x1xf32>
      tpu.vector_store %arg7[%swap3A_48, %swap3A_49], %broadcast_in_dim3A_47 {strides = array<i32>} : memref<1x1xf32, #tpu.memory_space<vmem>>, vector<1x1xf32>,
    } else {
    }
    %get3A = arith.constant 0 : index
    %get3A_4 = arith.constant 0 : index
    %get3A_5 = vector.load %arg2[%get3A, %get3A_4] : memref<512x48xf32, #tpu.memory_space<vmem>>, vector<512x48xf32>
    %get3A_6 = arith.constant 0 : index
    %get3A_7 = arith.constant 0 : index
    %get3A_8 = vector.load %arg3[%get3A_6, %get3A_7] : memref<512x48xf32, #tpu.memory_space<vmem>>, vector<512x48xf32>
    %add3A = arith.addf %get3A_5, %get3A_8 : vector<512x48xf32>
    %slice3A = vector.extract_strided_slice %add3A {offsets = [0, 0], sizes = [512, 40], strides = [1, 1]} : vector<512x48xf32> to vector<512x40xf32>
    %get3A_9 = arith.constant 0 : index
    %get3A_10 = arith.constant 0 : index
    %get3A_11 = vector.load %arg4[%get3A_9, %get3A_10] : memref<512x1xf32, #tpu.memory_space<vmem>>, vector<512x1xf32>
    %div3A = vector.broadcast %get3A_11 : vector<512x1xf32> to vector<512x40xf32>
    %div3A_12 = arith.divf %slice3A, %div3A : vector<512x40xf32>
    %get3A_13 = arith.constant 0 : index
    %get3A_14 = arith.constant 0 : index
    %get3A_15 = vector.load %arg5[%get3A_13, %get3A_14] : memref<40x1xf32, #tpu.memory_space<vmem>>, vector<40x1xf32>
    %dot_general3A = arith.constant dense<0.000000e+00> : vector<512x1xf32>
    %dot_general3A_16 = tpu.matmul %div3A_12, %get3A_15, %dot_general3A {dimension_numbers = #tpu.dot_dimension_numbers<[1], [0], [0], [1], [0, 0, 1, 1], [], []>, transpose_lhs_hint = false} : vector<512x40xf32>, vector<40x1xf32>, vector<512x1xf32> -> vector<512x1xf32>
    %ge3A = arith.constant 0.000000e+00 : f32
    %ge3A_17 = vector.broadcast %ge3A : f32 to vector<512x1xf32>
    %ge3A_18 = arith.cmpf oge, %dot_general3A_16, %ge3A_17 : vector<512x1xf32>
    %mul3A = arith.constant 2.000000e-01 : f32
    %mul3A_19 = vector.broadcast %mul3A : f32 to vector<512x1xf32>
    %mul3A_20 = arith.mulf %mul3A_19, %dot_general3A_16 : vector<512x1xf32>
    %select_n3A = arith.select %ge3A_18, %dot_general3A_16, %mul3A_20 : vector<512x1xi1>, vector<512x1xf32>
    %get3A_21 = arith.constant 0 : index
    %get3A_22 = arith.constant 0 : index
    %get3A_23 = vector.load %arg7[%get3A_21, %get3A_22] : memref<1x1xf32, #tpu.memory_space<vmem>>, vector<1x1xf32>
    %reduce_max3A = arith.constant dense<0xFF800000> : vector<1xf32>
    %reduce_max3A_24 = vector.multi_reduction <maximumf>, %select_n3A, %reduce_max3A [0] : vector<512x1xf32> to vector<1xf32>
    %broadcast_in_dim3A = vector.shape_cast %reduce_max3A_24 : vector<1xf32> to vector<1x1xf32>
    %max3A = arith.maximumf %get3A_23, %broadcast_in_dim3A : vector<1x1xf32>
    %swap3A = arith.constant 0 : index
    %swap3A_25 = arith.constant 0 : index
    %swap3A_26 = vector.load %arg7[%swap3A, %swap3A_25] : memref<1x1xf32, #tpu.memory_space<vmem>>, vector<1x1xf32>
    tpu.vector_store %arg7[%swap3A, %swap3A_25], %max3A {strides = array<i32>} : memref<1x1xf32, #tpu.memory_space<vmem>>, vector<1x1xf32>,
    %get3A_27 = arith.constant 0 : index
    %get3A_28 = arith.constant 0 : index
    %get3A_29 = vector.load %arg7[%get3A_27, %get3A_28] : memref<1x1xf32, #tpu.memory_space<vmem>>, vector<1x1xf32>
    %sub3A = vector.broadcast %get3A_29 : vector<1x1xf32> to vector<512x1xf32>
    %sub3A_30 = arith.subf %select_n3A, %sub3A : vector<512x1xf32>
    %exp3A = math.exp %sub3A_30 : vector<512x1xf32>
    %mul3A_31 = vector.broadcast %exp3A : vector<512x1xf32> to vector<512x40xf32>
    %mul3A_32 = arith.mulf %div3A_12, %mul3A_31 : vector<512x40xf32>
    %swap3A_33 = arith.constant 0 : index
    %swap3A_34 = arith.constant 0 : index
    %swap3A_35 = vector.load %arg6[%swap3A_33, %swap3A_34] : memref<512x48xf32, #tpu.memory_space<vmem>>, vector<512x40xf32>
    tpu.vector_store %arg6[%swap3A_33, %swap3A_34], %mul3A_32 {strides = array<i32>} : memref<512x48xf32, #tpu.memory_space<vmem>>, vector<512x40xf32>,
    %iota3A = tpu.iota {dimensions = array<i32: 1>} : vector<512x8xi32>
    %eq3A_36 = arith.constant 0 : i32
    %eq3A_37 = vector.broadcast %eq3A_36 : i32 to vector<512x8xi32>
    %eq3A_38 = arith.cmpi eq, %iota3A, %eq3A_37 : vector<512x8xi32>
    %jit3A = arith.constant 0.000000e+00 : f32
    %broadcast_in_dim3A_39 = vector.shape_cast %exp3A : vector<512x1xf32> to vector<512x1xf32>
    %broadcast_in_dim3A_40 = vector.broadcast %broadcast_in_dim3A_39 : vector<512x1xf32> to vector<512x8xf32>
    %broadcast_in_dim3A_41 = vector.broadcast %jit3A : f32 to vector<512x8xf32>
    %select_n3A_42 = arith.select %eq3A_38, %broadcast_in_dim3A_40, %broadcast_in_dim3A_41 : vector<512x8xi1>, vector<512x8xf32>
    %swap3A_43 = arith.constant 0 : index
    %swap3A_44 = arith.constant 40 : index
    %swap3A_45 = vector.load %arg6[%swap3A_43, %swap3A_44] : memref<512x48xf32, #tpu.memory_space<vmem>>, vector<512x8xf32>
    tpu.vector_store %arg6[%swap3A_43, %swap3A_44], %select_n3A_42 {strides = array<i32>} : memref<512x48xf32, #tpu.memory_space<vmem>>, vector<512x8xf32>,
    return
  }
  func.func @transform_0(%arg0: i32, %arg1: i32) -> (i32, i32) {
    %c0_i32 = arith.constant 0 : i32
    %c0_i32_0 = arith.constant 0 : i32
    return %arg1, %c0_i32 : i32, i32
  }
  func.func @transform_1(%arg0: i32, %arg1: i32) -> (i32, i32) {
    %add3A = arith.constant 10 : i32
    %add3A_0 = arith.addi %add3A, %arg1 : i32
    %c0_i32 = arith.constant 0 : i32
    %c0_i32_1 = arith.constant 0 : i32
    return %add3A_0, %c0_i32 : i32, i32
  }
  func.func @transform_2(%arg0: i32, %arg1: i32) -> (i32, i32) {
    %c0_i32 = arith.constant 0 : i32
    %c0_i32_0 = arith.constant 0 : i32
    return %arg1, %c0_i32 : i32, i32
  }
  func.func @transform_3(%arg0: i32, %arg1: i32) -> (i32, i32) {
    %c0_i32 = arith.constant 0 : i32
    %c0_i32_0 = arith.constant 0 : i32
    %c0_i32_1 = arith.constant 0 : i32
    return %c0_i32, %c0_i32_0 : i32, i32
  }
  func.func @transform_4(%arg0: i32, %arg1: i32) -> (i32, i32) {
    %c0_i32 = arith.constant 0 : i32
    %c0_i32_0 = arith.constant 0 : i32
    return %arg1, %c0_i32 : i32, i32
  }
}

module attributes {stable_mosaic.version = 14 : i64} {
  func.func @body(%arg0: i32, %arg1: memref<512x48xf32, #tpu.memory_space<vmem>>, %arg2: memref<512x48xf32, #tpu.memory_space<vmem>>, %arg3: memref<512x40xf32, #tpu.memory_space<vmem>>) attributes {dimension_semantics = [#tpu.dimension_semantics<arbitrary>], iteration_bounds = array<i64: 20>, scalar_prefetch = 0 : i64, scratch_operands = 0 : i64, tpu.core_type = #tpu.core_type<tc>, window_params = [{transform_indices = @transform_0, window_bounds = array<i64: 512, 48>}, {transform_indices = @transform_1, window_bounds = array<i64: 512, 48>}, {transform_indices = @transform_2, window_bounds = array<i64: 512, 40>}]} {
    %get3A = arith.constant 0 : index
    %get3A_0 = arith.constant 0 : index
    %get3A_1 = vector.load %arg1[%get3A, %get3A_0] : memref<512x48xf32, #tpu.memory_space<vmem>>, vector<512x48xf32>
    %get3A_2 = arith.constant 0 : index
    %get3A_3 = arith.constant 0 : index
    %get3A_4 = vector.load %arg2[%get3A_2, %get3A_3] : memref<512x48xf32, #tpu.memory_space<vmem>>, vector<512x48xf32>
    %add3A = arith.addf %get3A_1, %get3A_4 : vector<512x48xf32>
    %slice3A = vector.extract_strided_slice %add3A {offsets = [0, 40], sizes = [512, 1], strides = [1, 1]} : vector<512x48xf32> to vector<512x1xf32>
    %squeeze3A = vector.shape_cast %slice3A : vector<512x1xf32> to vector<512xf32>
    %slice3A_5 = vector.extract_strided_slice %add3A {offsets = [0, 0], sizes = [512, 40], strides = [1, 1]} : vector<512x48xf32> to vector<512x40xf32>
    %add3A_6 = arith.constant 9.99999996E-13 : f32
    %add3A_7 = vector.broadcast %add3A_6 : f32 to vector<512xf32>
    %add3A_8 = arith.addf %squeeze3A, %add3A_7 : vector<512xf32>
    %broadcast_in_dim3A = vector.shape_cast %add3A_8 : vector<512xf32> to vector<512x1xf32>
    %div3A = vector.broadcast %broadcast_in_dim3A : vector<512x1xf32> to vector<512x40xf32>
    %div3A_9 = arith.divf %slice3A_5, %div3A : vector<512x40xf32>
    %gt3A = arith.constant 0.000000e+00 : f32
    %gt3A_10 = vector.broadcast %gt3A : f32 to vector<512x40xf32>
    %gt3A_11 = arith.cmpf ogt, %div3A_9, %gt3A_10 : vector<512x40xf32>
    %min3A = arith.constant 0.000000e+00 : f32
    %min3A_12 = vector.broadcast %min3A : f32 to vector<512x40xf32>
    %min3A_13 = arith.minimumf %div3A_9, %min3A_12 : vector<512x40xf32>
    %exp3A = math.exp %min3A_13 : vector<512x40xf32>
    %sub3A = arith.constant 1.000000e+00 : f32
    %sub3A_14 = vector.broadcast %sub3A : f32 to vector<512x40xf32>
    %sub3A_15 = arith.subf %exp3A, %sub3A_14 : vector<512x40xf32>
    %select_n3A = arith.select %gt3A_11, %div3A_9, %sub3A_15 : vector<512x40xi1>, vector<512x40xf32>
    %swap3A = arith.constant 0 : index
    %swap3A_16 = arith.constant 0 : index
    %swap3A_17 = vector.load %arg3[%swap3A, %swap3A_16] : memref<512x40xf32, #tpu.memory_space<vmem>>, vector<512x40xf32>
    tpu.vector_store %arg3[%swap3A, %swap3A_16], %select_n3A {strides = array<i32>} : memref<512x40xf32, #tpu.memory_space<vmem>>, vector<512x40xf32>,
    return
  }
  func.func @transform_0(%arg0: i32) -> (i32, i32) {
    %c0_i32 = arith.constant 0 : i32
    %c0_i32_0 = arith.constant 0 : i32
    return %arg0, %c0_i32 : i32, i32
  }
  func.func @transform_1(%arg0: i32) -> (i32, i32) {
    %add3A = arith.constant 20 : i32
    %add3A_0 = arith.addi %add3A, %arg0 : i32
    %c0_i32 = arith.constant 0 : i32
    %c0_i32_1 = arith.constant 0 : i32
    return %add3A_0, %c0_i32 : i32, i32
  }
  func.func @transform_2(%arg0: i32) -> (i32, i32) {
    %c0_i32 = arith.constant 0 : i32
    %c0_i32_0 = arith.constant 0 : i32
    return %arg0, %c0_i32 : i32, i32
  }
}

</mosaic_0001>

<sc_bundles>
// kernel: kernel.11.cloned.1.call-start
scs
__scs_entry_jumppad:
0x0: {  	(pc) =	sbr.rel $0x88, $3  }
0x1: {  	(tag) =	ssettag $0x0;
	lr =	simm.s32 $0x1  }
0x2: {  	[smem:$0x3F98] =	sst lr;
	_ =	strace $0xD0000000  }
0x3: {  	_ = 	snop  }
0x4: {  	_ = 	snop  }
0x5: {  	_ = 	snop  }
0x6: {  	_ = 	snop  }
0x7: {  	_ = 	snop  }
__scs_overlays_trampoline_lowered:
0x8: {  	[smem:$0x3FA7] =	sst s0  }
0x9: {  	[smem:$0x3FA8] =	sst s1  }
0xa: {  	[smem:$0x3FA9] =	sst s2  }
0xb: {  	[smem:$0x3FAA] =	sst s3  }
0xc: {  	[smem:$0x3FAB] =	sst s4  }
0xd: {  	[smem:$0x3FAC] =	sst s5  }
0xe: {  	[smem:$0x3FAD] =	sst s6  }
0xf: {  	[smem:$0x3FAE] =	sst s7  }
0x10: {  	[smem:$0x3FAF] =	sst s8  }
0x11: {  	[smem:$0x3FB0] =	sst s9;
	s0 =	simm.s32 @!p0 $0x0  }
0x12: {  	s1 =	sld [smem:$0x3F96];
	s0 =	simm.s32 @p0 $0x1  }
0x13: {  	[smem:$0x3FB1] =	sst s0;
	s0 =	simm.s32 @!p1 $0x0  }
0x14: {  	s2 =	sld [smem:$0x3F95];
	s0 =	simm.s32 @p1 $0x1  }
0x15: {  	[smem:$0x3FB2] =	sst s0;
	s0 =	simm.s32 @!p2 $0x0  }
0x16: {  	s3 =	sld [smem:$0x3FDB];
	s0 =	simm.s32 @p2 $0x1  }
0x17: {  	s4 =	simm.s32 $0x1BF5;
	[smem:$0x3FB4] =	sst s0  }
0x18: {  	s0 =	sld [smem:$0x3F97];
	_ =	swait.ge [sflag:s4], $0x0  }
0x19: {  	s7 =	sld [smem:$0x3F98]  }
0x1a: {  	s8 =	sadd.s32 $0xFFFFE003, lr  }
0x1b: {  	s9 =	sadd.s32 $0xFFFFFEF7, lr;
	s5 =	simm.s32 $0xFFFFFFFF;
	p2 =	slt.u32 s8, $0xFFFFF086  }
0x1c: {  	p1 =	slt.u32 s9, $0xF7A;
	s5 =	simm.s32 @!p2 $0x0  }
0x1d: {  	s5 =	simm.s32 @p1 $0x1;
	p0 =	seq.s32 s7, s2  }
0x1e: {  	s7 =	smul.u32 @!p0 $0xF7A, s2;
	p2 =	seq.s32 @!p0 s5, $0x0  }
0x1f: {  	s9 =	smul.u32 $0xF7A, s1;
	s8 =	simm.s32 @!p0 $0x1BF5;
	p2 =	por !p2, p0  }
0x20: {  	[sflag:s8] =	ssyncset.s32 @!p0 $0xFFFFF086;
	s6 =	sadd.s32 @!p0 s3, s7;
	s7 =	simm.s32 @!p0 $0x108  }
0x21: {  	s3 =	sadd.s32 s3, s9;
	s6 =	sadd.s32 @!p0 $0x88, s6;
	s7 =	simm.s32 @p2 $0x1082  }
0x22: {  	[simem:s7], [sflag:s8] =	dma.local @!p0 [hbm:s6], $0xF7A  }
0x23: {  	s9 =	sor.u32 $0xD0000000, s2;
	s6 =	simm.s32 $0x108;
	_ =	swait.ge @!p0 [sflag:s8], $0x0  }
0x24: {  	s3 =	sadd.s32 $0x88, s3;
	s6 =	simm.s32 @!p1 $0x1082;
	[sflag:s4] =	ssyncset.s32 $0xFFFFF086  }
0x25: {  	[simem:s6], [sflag:s4] =	dma.local [hbm:s3], $0xF7A  }
0x26: {  	[smem:$0x3F98] =	sst s1;
	(tag) =	ssettag s2;
	_ =	strace s9  }
0x27: {  	s1 =	sld [smem:$0x3FA8]  }
0x28: {  	s2 =	sld [smem:$0x3FA9]  }
0x29: {  	s4 =	sld [smem:$0x3FAB]  }
0x2a: {  	p0 =	seq.s32 s5, $0x0;
	s5 =	sld [smem:$0x3FAC]  }
0x2b: {  	s6 =	sld [smem:$0x3FAD]  }
0x2c: {  	s7 =	sld [smem:$0x3FAE]  }
0x2d: {  	s3 =	simm.s32 $0x108;
	s8 =	sld [smem:$0x3FAF]  }
0x2e: {  	s3 =	simm.s32 @!p0 $0x1082;
	s9 =	sld [smem:$0x3FB0]  }
0x2f: {  	lr =	sadd.s32 s0, s3;
	s0 =	sld [smem:$0x3FA7]  }
0x30: {  	s3 =	sld [smem:$0x3FAA]  }
0x31: {  	[smem:$0x3FB3] =	sst s10  }
0x32: {  	s10 =	sld [smem:$0x3FB1];
	_ =	sdelay $0x3  }
0x33: {  	p0 =	seq.s32 s10, $0x1;
	s10 =	sld [smem:$0x3FB3];
	_ =	sdelay $0x3  }
0x34: {  	[smem:$0x3FB3] =	sst s10  }
0x35: {  	s10 =	sld [smem:$0x3FB2];
	_ =	sdelay $0x3  }
0x36: {  	p1 =	seq.s32 s10, $0x1;
	s10 =	sld [smem:$0x3FB3];
	_ =	sdelay $0x3  }
0x37: {  	[smem:$0x3FB3] =	sst s10  }
0x38: {  	s10 =	sld [smem:$0x3FB4]  }
0x39: {  	_ = 	snop;
	(pc) =	sbr.ind lr, $3  }
0x3a: {  	_ = 	snop  }
0x3b: {  	_ = 	snop  }
0x3c: {  	p2 =	seq.s32 s10, $0x1;
	s10 =	sld [smem:$0x3FB3]  }
0x3d: {  	_ =	shalt  }
0x3e: {  	_ =	shalt  }
0x3f: {  	_ =	shalt  }
0x40: {  	_ =	shalt  }
0x41: {  	_ =	shalt  }
0x42: {  	_ =	shalt  }
0x43: {  	_ =	shalt  }
0x44: {  	_ =	shalt  }
0x45: {  	_ =	shalt  }
0x46: {  	_ =	shalt  }
0x47: {  	_ =	shalt  }
0x48: {  	_ =	shalt  }
0x49: {  	_ =	shalt  }
0x4a: {  	_ =	shalt  }
0x4b: {  	_ =	shalt  }
0x4c: {  	_ =	shalt  }
0x4d: {  	_ =	shalt  }
0x4e: {  	_ =	shalt  }
0x4f: {  	_ =	shalt  }
0x50: {  	_ =	shalt  }
0x51: {  	_ =	shalt  }
0x52: {  	_ =	shalt  }
0x53: {  	_ =	shalt  }
0x54: {  	_ =	shalt  }
0x55: {  	_ =	shalt  }
0x56: {  	_ =	shalt  }
0x57: {  	_ =	shalt  }
0x58: {  	_ =	shalt  }
0x59: {  	_ =	shalt  }
0x5a: {  	_ =	shalt  }
0x5b: {  	_ =	shalt  }
0x5c: {  	_ =	shalt  }
0x5d: {  	_ =	shalt  }
0x5e: {  	_ =	shalt  }
0x5f: {  	_ =	shalt  }
0x60: {  	_ =	shalt  }
0x61: {  	_ =	shalt  }
0x62: {  	_ =	shalt  }
0x63: {  	_ =	shalt  }
0x64: {  	_ =	shalt  }
0x65: {  	_ =	shalt  }
0x66: {  	_ =	shalt  }
0x67: {  	_ =	shalt  }
0x68: {  	_ =	shalt  }
0x69: {  	_ =	shalt  }
0x6a: {  	_ =	shalt  }
0x6b: {  	_ =	shalt  }
0x6c: {  	_ =	shalt  }
0x6d: {  	_ =	shalt  }
0x6e: {  	_ =	shalt  }
0x6f: {  	_ =	shalt  }
0x70: {  	_ =	shalt  }
0x71: {  	_ =	shalt  }
0x72: {  	_ =	shalt  }
0x73: {  	_ =	shalt  }
0x74: {  	_ =	shalt  }
0x75: {  	_ =	shalt  }
0x76: {  	_ =	shalt  }
0x77: {  	_ =	shalt  }
0x78: {  	_ =	shalt  }
0x79: {  	_ =	shalt  }
0x7a: {  	_ =	shalt  }
0x7b: {  	_ =	shalt  }
0x7c: {  	_ =	shalt  }
0x7d: {  	_ =	shalt  }
0x7e: {  	_ =	shalt  }
0x7f: {  	_ =	shalt  }
0x80: {  	_ =	shalt  }
0x81: {  	_ =	shalt  }
0x82: {  	_ =	shalt  }
0x83: {  	_ =	shalt  }
0x84: {  	_ =	shalt  }
0x85: {  	_ =	shalt  }
0x86: {  	_ =	shalt  }
0x87: {  	_ =	shalt  }
.Lfunc_end0:
.L_simem_size_0:
called_computation_lowered:
.L_overlay_start_0:
0x88: {  	s2 =	sld [smem:$0x3FD9]  }
0x89: {  	s3 =	sld [smem:$0x3FFE];
	_ =	sdelay $0x1  }
0x8a: {  	s1 =	srdreg.scid  }
0x8b: {  	s0 =	sand.u32 $0x1, s1  }
0x8c: {  	s17 =	sshll.u32 s0, $0xA;
	s2 =	sadd.s32 s3, s2  }
0x8d: {  	s2 =	sadd.s32 s2, s17  }
0x8e: {  	[smem:$0x3FBF] =	sst s2  }
0x8f: {  	_ = 	snop  }
0x90: {  	s2 =	sld [smem:$0x3FD0];
	(tm) =	ssettm $0x1  }
0x91: {  	s18 =	sld [smem:$0x3FFB];
	_ =	sdelay $0x3  }
0x92: {  	_ =	strace s18  }
0x93: {  	s3 =	sld [smem:$0x3FFC];
	_ =	sdelay $0x3  }
0x94: {  	_ =	strace s3  }
0x95: {  	s3 =	sld [smem:$0x3FFD];
	_ =	sdelay $0x3  }
0x96: {  	_ =	strace s3  }
0x97: {  	_ =	strace $0x8FFFFFFF  }
0x98: {  	s19 =	sld [smem:$0x3FDB];
	_ =	sdelay $0x1  }
0x99: {  	s4 =	simm.s32 $_scs_section_size  }
0x9a: {  	s5 =	simm.s32 $_size__tile_overlayer_lowered;
	s6 =	simm.s32 $_tile_overlayer_lowered  }
0x9b: {  	s22 =	simm.s32 $0x1BFF;
	s21 =	sshll.u32 s6, $0x1;
	s3 =	sadd.s32 s4, s19  }
0x9c: {  	s7 =	simm.s32 $0x0;
	s20 =	sshll.u32 s5, $0x1;
	s5 =	sadd.s32 s21, s3  }
0x9d: {  	[timem:s7], [sflag:s22] =	dma.local [hbm:s5], s20  }
0x9e: {  	_ =	swait.ge [sflag:s22], s20  }
0x9f: {  	s4 =	ssub.s32 $0x0, s20;
	[sflag:s22] =	ssyncset.done $0x0  }
0xa0: {  	[sflag:s22] =	ssyncadd.s32 s4;
	_ =	sdelay $0x1  }
0xa1: {  	s23 =	simm.s32 $0x1B8B  }
0xa2: {  	_ =	swait.ge [sflag:s23], $0x1  }
0xa3: {  	[sflag:s23] =	ssyncset.done $0x0  }
0xa4: {  	s25 =	simm.s32 $0x1B8E;
	s24 =	sld [smem:$0x3FFE];
	[sflag:s23] =	ssyncadd.s32 $0xFFFFFFFF  }
0xa5: {  	s26 =	simm.s32 $execute0_lowered;
	[smem:$0x3FD2] =	sst s25  }
0xa6: {  	s5 =	sshll.u32 s26, $0x1;
	_ =	strace $0x80000046;
	[dreg:$0x1] =	wrdreg $0xFFFFFFFF  }
0xa7: {  	s28 =	simm.s32 $_size_execute0_lowered;
	s3 =	sadd.s32 s3, s5;
	[dreg:$0x0] =	wrdreg $0x0  }
0xa8: {  	s5 =	sshll.u32 s28, $0x1;
	[dreg:$0x2] =	wrdreg s3  }
0xa9: {  	[dreg:$0x3] =	wrdreg s5  }
0xaa: {  	[dreg:$0x4] =	wrdreg $0xC0  }
0xab: {  	_ =	task [dreg:s7], $0x5FFFF  }
0xac: {  	[dreg:$0x1] =	wrdreg $0xFFFFFFFF  }
0xad: {  	[dreg:$0x0] =	wrdreg $0x60  }
0xae: {  	[dreg:$0x2] =	wrdreg s24  }
0xaf: {  	[dreg:$0x3] =	wrdreg s2  }
0xb0: {  	[dreg:$0x4] =	wrdreg $0x89C00  }
0xb1: {  	[dreg:$0x5] =	wrdreg $0x9  }
0xb2: {  	_ =	task.clear_ibuf [dreg:s7], $0x6FFFF;
	_ =	strace $0x90000046  }
0xb3: {  	s29 =	simm.s32 $0x9;
	_ =	strace $0x80000048  }
0xb4: {  	_ =	swait.ge [sflag:s29], $0x1  }
0xb5: {  	[sflag:s29] =	ssyncadd.s32 $0xFFFFFFFF  }
0xb6: {  	_ =	strace $0x90000048  }
0xb7: {  	_ =	sfence  }
0xb8: {  	s30 =	sld [smem:$0x0];
	_ =	sdelay $0x2  }
0xb9: {  	s31 =	sshll.u32 s1, $0xD;
	s1 =	sshrl.u32 s1, $0x2  }
0xba: {  	s3 =	sand.u32 $0x4000, s31;
	s1 =	sadd.s32 s1, s30  }
0xbb: {  	s0 =	sor.u32 s3, s0;
	s1 =	sshll.u32 s1, $0x11  }
0xbc: {  	s0 =	sor.u32 s1, s0  }
0xbd: {  	s0 =	sadd.s32 $0x8F2B, s0  }
0xbe: {  	[sflag:s0] =	ssyncadd.remote.s32 $0x1  }
0xbf: {  	_ =	sfence.sel $0xFFFF  }
0xc0: {  	[dreg:$0x0] =	wrdreg $0xFFFFFFFF;
	(pc) =	sbr.abs _section_cstart, $3  }
0xc1: {  	[dreg:$0x1] =	wrdreg $0xFFFFFFFF  }
0xc2: {  	_ =	task.clear_ibuf [dreg:s7], $0x2FFFF;
	_ =	strace $0x9FFFFFFF  }
0xc3: {  	(tm) =	ssettm $0x7FFFFFFF  }
tec
execute0_lowered:
.L_overlay_start_1:
0x0: {  	(tag) =	ssettag $0x1  }
0x1: {  	s0 =	rddreg [dreg:$0x0]  }
0x2: {  	s2 =	rddreg [dreg:$0x1]  }
0x3: {  	s1 =	rddreg [dreg:$0x2];
	s25 =	simm.s32 $0x0  }
0x4: {  	s23 =	simm.s32 $0x68;
	[smem:$0x7FF] =	sst s25  }
0x5: {  	s24 =	simm.s32 $0xD0;
	_ =	strace $0x80000047;
	[dreg:$0x6] =	wrdreg s23  }
0x6: {  	s26 =	simm.s32 $0x888;
	[dreg:$0x7] =	wrdreg s24  }
0x7: {  	s29 =	simm.s32 $0x138;
	[dreg:$0x8] =	wrdreg s26  }
0x8: {  	s11 =	simm.s32 $0x958;
	[dreg:$0x9] =	wrdreg s29  }
0x9: {  	s3 =	srdreg.scid;
	s12 =	simm.s32 $0x208;
	[dreg:$0xc] =	wrdreg s11  }
0xa: {  	s19 =	stileid.u32;
	s14 =	simm.s32 $0x9C0;
	[dreg:$0xd] =	wrdreg s12  }
0xb: {  	s15 =	simm.s32 $0x270;
	s17 =	simm.s32 $0xA28;
	[dreg:$0xe] =	wrdreg s14  }
0xc: {  	s5 =	sand.u32 $0x1, s3;
	s8 =	smul.u32 $0x28A0, s19;
	[dreg:$0xf] =	wrdreg s15  }
0xd: {  	s9 =	smul.u32 $0x1680, s19;
	s3 =	simm.s32 $0x3A8;
	[dreg:$0x10] =	wrdreg s17  }
0xe: {  	s4 =	sadd.s32 $0xD000, s0;
	s23 =	simm.s32 $0x340;
	[dreg:$0x15] =	wrdreg s3  }
0xf: {  	s6 =	smul.u32 $0x16800, s5;
	s26 =	simm.s32 $0xAF8;
	[dreg:$0x13] =	wrdreg s23  }
0x10: {  	s7 =	smul.u32 $0x28A00, s5;
	s12 =	simm.s32 $0x478;
	[dreg:$0x14] =	wrdreg s26  }
0x11: {  	s20 =	ssub.s32 $0x2, s5;
	s14 =	simm.s32 $0xC30;
	[dreg:$0x19] =	wrdreg s12  }
0x12: {  	s10 =	sadd.s32 $0x2C00, s0;
	s21 =	sshrl.u32 s20, $0x1;
	[dreg:$0x1a] =	wrdreg s14  }
0x13: {  	s7 =	sadd.s32 s8, s7;
	s6 =	sadd.s32 s9, s6;
	s8 =	simm.s32 $0x8F0  }
0x14: {  	s9 =	simm.s32 $0x1A0;
	s0 =	sadd.s32 s6, s0;
	[dreg:$0xa] =	wrdreg s8  }
0x15: {  	s6 =	ssub.s32 s20, s21;
	[dreg:$0xb] =	wrdreg s9;
	s21 =	simm.s32 $0xA90  }
0x16: {  	s7 =	sshrl.u32 s7, $0x3;
	s8 =	simm.s32 $0x410;
	[dreg:$0x12] =	wrdreg s21  }
0x17: {  	s5 =	sshll.u32 s5, $0x4;
	s22 =	sadd.s32 s7, s10;
	[dreg:$0x17] =	wrdreg s8  }
0x18: {  	s5 =	sor.u32 s19, s5;
	s7 =	sadd.s32 s7, s2;
	[dreg:$0x4] =	wrdreg s22  }
0x19: {  	s5 =	smul.u32 $0x28A0, s5;
	s0 =	sadd.s32 $0x3A000, s0;
	[dreg:$0x5] =	wrdreg s7  }
0x1a: {  	s16 =	smax.u32 s6, $0x1;
	[smem:$0x7E8] =	sst s0  }
0x1b: {  	s5 =	sshrl.u32 s5, $0x3;
	s6 =	simm.s32 $0xB60;
	[smem:$0x7E9] =	sst s16  }
0x1c: {  	s2 =	sadd.s32 s2, s5;
	[dreg:$0x16] =	wrdreg s6  }
0x1d: {  	s5 =	sadd.s32 s10, s5;
	[dreg:$0x1f] =	wrdreg s2  }
0x1e: {  	s10 =	smul.u32 $0x2D000, s19;
	s19 =	simm.s32 $0x2D8;
	[smem:$0x7E7] =	sst s5  }
0x1f: {  	s16 =	simm.s32 $0x4E0;
	[dreg:$0x11] =	wrdreg s19  }
0x20: {  	[dreg:$0x1b] =	wrdreg s16;
	s13 =	sshrl.u32 s10, $0x2;
	s10 =	simm.s32 $0xBC8  }
0x21: {  	s28 =	sadd.s32 s13, s1;
	[dreg:$0x18] =	wrdreg s10  }
0x22: {  	s18 =	sadd.s32 $0x900, s28;
	[smem:$0x7FD] =	sst s28  }
0x23: {  	s20 =	sadd.s32 $0x1200, s28;
	[smem:$0x7EA] =	sst s18  }
0x24: {  	s22 =	sadd.s32 $0x1B00, s28;
	[smem:$0x7EB] =	sst s20  }
0x25: {  	s30 =	simm.s32 $0x80C0;
	s24 =	sadd.s32 $0x2400, s28;
	[smem:$0x7EC] =	sst s22  }
0x26: {  	s31 =	simm.s32 $0x4;
	s29 =	sadd.s32 $0x2D00, s28;
	[smem:$0x7ED] =	sst s24  }
0x27: {  	s12 =	simm.s32 $0x5B0;
	s5 =	sadd.s32 $0x3600, s28;
	[smem:$0x7EE] =	sst s29  }
0x28: {  	s14 =	simm.s32 $0x618;
	s7 =	sadd.s32 $0x3F00, s28;
	[smem:$0x7EF] =	sst s5  }
0x29: {  	s0 =	simm.s32 $0x820;
	s9 =	sadd.s32 $0x4800, s28;
	[smem:$0x7F0] =	sst s7  }
0x2a: {  	s6 =	simm.s32 $0x3;
	s11 =	sadd.s32 $0x5100, s28;
	[smem:$0x7F1] =	sst s9  }
0x2b: {  	s2 =	simm.s32 $0x64;
	s13 =	sadd.s32 $0x5A00, s28;
	[smem:$0x7F2] =	sst s11  }
0x2c: {  	s16 =	simm.s32 $0x680;
	s15 =	sadd.s32 $0x6300, s28;
	[smem:$0x7F3] =	sst s13  }
0x2d: {  	s10 =	simm.s32 $0x2;
	s17 =	sadd.s32 $0x6C00, s28;
	[smem:$0x7F4] =	sst s15  }
0x2e: {  	s19 =	sadd.s32 $0x7500, s28;
	s21 =	sadd.s32 $0x7E00, s28;
	[smem:$0x7F5] =	sst s17  }
0x2f: {  	s23 =	sadd.s32 $0x9000, s28;
	s26 =	sadd.s32 $0xA200, s28;
	[smem:$0x7F6] =	sst s19  }
0x30: {  	s18 =	simm.s32 $0xC98;
	s20 =	simm.s32 $0x548;
	[smem:$0x7F7] =	sst s21  }
0x31: {  	s22 =	sadd.s32 $0x8700, s28;
	[smem:$0x7F9] =	sst s23;
	s24 =	sadd.s32 $0x9900, s28  }
0x32: {  	[smem:$0x7FB] =	sst s26;
	s29 =	sadd.s32 $0xAB00, s28;
	s5 =	simm.s32 $0x1040  }
0x33: {  	s7 =	simm.s32 $0x4880;
	s9 =	simm.s32 $0x1;
	[dreg:$0x1c] =	wrdreg s18  }
0x34: {  	s11 =	simm.s32 $0xD00;
	s13 =	simm.s32 $0xD68;
	[smem:$0x7F8] =	sst s22  }
0x35: {  	s15 =	simm.s32 $0xDD0;
	s17 =	simm.s32 $0xE38;
	[dreg:$0x1d] =	wrdreg s20  }
0x36: {  	s19 =	simm.s32 $0xEA0;
	s21 =	simm.s32 $0xF08;
	[smem:$0x7FA] =	sst s24  }
0x37: {  	s23 =	simm.s32 $0xF70;
	[smem:$0x7FC] =	sst s29;
	s18 =	simm.s32 $0x6E8  }
0x38: {  	v0 =	vimm.f32 $0.0e+00;
	s20 =	simm.s32 $0x750;
	s22 =	simm.s32 $0x7B8;
	s24 =	simm.s32 $0xFD8  }
.LBB2_1:
0x39: {  	[dreg:$0x1e] =	wrdreg s25;
	s25 =	simm.s32 $0x0;
	s26 =	simm.s32 $0x240  }
.LBB2_2:
0x3a: {  	p0 =	sne.s32 s26, $0x21C0;
	[tilespmem:s25+$0x8140] =	vst v0  }
0x3b: {  	[tilespmem:s25+$0x80C0] =	vst v0  }
0x3c: {  	[tilespmem:s25+$0x80D0] =	vst v0  }
0x3d: {  	[tilespmem:s25+$0x80E0] =	vst v0  }
.Ltmp0:
0x3e: {  	[tilespmem:s25+$0x80F0] =	vst v0;
	(pc) =	sbr.rel @p0 .LBB2_2-.Ltmp0, $4  }
0x3f: {  	[tilespmem:s25+$0x8100] =	vst v0  }
0x40: {  	[tilespmem:s25+$0x8110] =	vst v0  }
0x41: {  	[tilespmem:s25+$0x8120] =	vst v0  }
0x42: {  	[tilespmem:s25+$0x8130] =	vst v0;
	s25 =	sshra.s32 s26, $0x2;
	s26 =	sadd.s32 $0x240, s26  }
0x43: {  	[tilespmem:s25+$0x8140] =	vst v0  }
0x44: {  	[tilespmem:s25+$0x80C0] =	vst v0  }
0x45: {  	[tilespmem:s25+$0x80D0] =	vst v0  }
0x46: {  	[tilespmem:s25+$0x80E0] =	vst v0  }
0x47: {  	[tilespmem:s25+$0x80F0] =	vst v0  }
0x48: {  	[tilespmem:s25+$0x8100] =	vst v0  }
0x49: {  	[tilespmem:s25+$0x8110] =	vst v0  }
0x4a: {  	[tilespmem:s25+$0x8120] =	vst v0  }
0x4b: {  	[tilespmem:s25+$0x8130] =	vst v0;
	s3 =	sld [smem:$0x7EA]  }
0x4c: {  	[spmem:s28] =	stream.linear.scatter [tilespmem:s30], [sflag:$0x3], $0x900, $0x38;
	[tilespmem:$0x13DC0] =	vst v63  }
0x4d: {  	s26 =	sld [smem:$0x7EB]  }
0x4e: {  	[spmem:s3] =	stream.linear.scatter [tilespmem:s30], [sflag:$0x3], $0x900, $0x38;
	[tilespmem:$0x13DC0] =	vst v63  }
0x4f: {  	s29 =	sld [smem:$0x7EC]  }
0x50: {  	[spmem:s26] =	stream.linear.scatter [tilespmem:s30], [sflag:$0x3], $0x900, $0x38;
	[tilespmem:$0x13DC0] =	vst v63  }
0x51: {  	s8 =	sld [smem:$0x7ED]  }
0x52: {  	[spmem:s29] =	stream.linear.scatter [tilespmem:s30], [sflag:$0x3], $0x900, $0x38;
	[tilespmem:$0x13DC0] =	vst v63  }
0x53: {  	s25 =	sld [smem:$0x7EE]  }
0x54: {  	[spmem:s8] =	stream.linear.scatter [tilespmem:s30], [sflag:$0x3], $0x900, $0x38;
	[tilespmem:$0x13DC0] =	vst v63  }
0x55: {  	s26 =	sld [smem:$0x7EF]  }
0x56: {  	[spmem:s25] =	stream.linear.scatter [tilespmem:s30], [sflag:$0x3], $0x900, $0x38;
	[tilespmem:$0x13DC0] =	vst v63  }
0x57: {  	s29 =	sld [smem:$0x7F0]  }
0x58: {  	[spmem:s26] =	stream.linear.scatter [tilespmem:s30], [sflag:$0x3], $0x900, $0x38;
	[tilespmem:$0x13DC0] =	vst v63  }
0x59: {  	s8 =	sld [smem:$0x7F1]  }
0x5a: {  	[spmem:s29] =	stream.linear.scatter [tilespmem:s30], [sflag:$0x3], $0x900, $0x38;
	[tilespmem:$0x13DC0] =	vst v63  }
0x5b: {  	s25 =	sld [smem:$0x7F2]  }
0x5c: {  	[spmem:s8] =	stream.linear.scatter [tilespmem:s30], [sflag:$0x3], $0x900, $0x38;
	[tilespmem:$0x13DC0] =	vst v63  }
0x5d: {  	s26 =	sld [smem:$0x7F3]  }
0x5e: {  	[spmem:s25] =	stream.linear.scatter [tilespmem:s30], [sflag:$0x3], $0x900, $0x38;
	[tilespmem:$0x13DC0] =	vst v63  }
0x5f: {  	s29 =	sld [smem:$0x7F4]  }
0x60: {  	[spmem:s26] =	stream.linear.scatter [tilespmem:s30], [sflag:$0x3], $0x900, $0x38;
	[tilespmem:$0x13DC0] =	vst v63  }
0x61: {  	s8 =	sld [smem:$0x7F5]  }
0x62: {  	[spmem:s29] =	stream.linear.scatter [tilespmem:s30], [sflag:$0x3], $0x900, $0x38;
	[tilespmem:$0x13DC0] =	vst v63  }
0x63: {  	s25 =	sld [smem:$0x7F6]  }
0x64: {  	[spmem:s8] =	stream.linear.scatter [tilespmem:s30], [sflag:$0x3], $0x900, $0x38;
	[tilespmem:$0x13DC0] =	vst v63  }
0x65: {  	s26 =	sld [smem:$0x7F7]  }
0x66: {  	[spmem:s25] =	stream.linear.scatter [tilespmem:s30], [sflag:$0x3], $0x900, $0x38;
	[tilespmem:$0x13DC0] =	vst v63  }
0x67: {  	s29 =	sld [smem:$0x7F8]  }
0x68: {  	[spmem:s26] =	stream.linear.scatter [tilespmem:s30], [sflag:$0x3], $0x900, $0x38;
	[tilespmem:$0x13DC0] =	vst v63  }
0x69: {  	s8 =	sld [smem:$0x7F9]  }
0x6a: {  	[spmem:s29] =	stream.linear.scatter [tilespmem:s30], [sflag:$0x3], $0x900, $0x38;
	[tilespmem:$0x13DC0] =	vst v63  }
0x6b: {  	s25 =	sld [smem:$0x7FA]  }
0x6c: {  	[spmem:s8] =	stream.linear.scatter [tilespmem:s30], [sflag:$0x3], $0x900, $0x38;
	[tilespmem:$0x13DC0] =	vst v63  }
0x6d: {  	s26 =	sld [smem:$0x7FB]  }
0x6e: {  	[spmem:s25] =	stream.linear.scatter [tilespmem:s30], [sflag:$0x3], $0x900, $0x38;
	[tilespmem:$0x13DC0] =	vst v63  }
0x6f: {  	s29 =	sld [smem:$0x7FC]  }
0x70: {  	[spmem:s26] =	stream.linear.scatter [tilespmem:s30], [sflag:$0x3], $0x900, $0x38;
	[tilespmem:$0x13DC0] =	vst v63  }
0x71: {  	_ = 	snop  }
0x72: {  	[spmem:s29] =	stream.linear.scatter [tilespmem:s30], [sflag:$0x3], $0x900, $0x38;
	[tilespmem:$0x13DC0] =	vst v63  }
0x73: {  	s8 =	simm.s32 $0x0;
	s26 =	rddreg [dreg:$0x1f]  }
0x74: {  	[tilespmem:s8], [sflag:$0x4] =	stream.linear.gather [hbm4b:s26+s8], $0x820, $0x38;
	[tilespmem:$0x13DC0] =	vst v63  }
0x75: {  	_ =	swait.ge [sflag:s31], $0x820  }
0x76: {  	s29 =	sld [smem:$0x7E7]  }
0x77: {  	[sflag:s31] =	ssyncset.done $0x0  }
0x78: {  	[sflag:s31] =	ssyncadd.s32 $0xFFFFF7E0  }
0x79: {  	[tilespmem:s0], [sflag:$0x4] =	stream.linear.gather [hbm4b:s29+s8], $0x820, $0x38;
	[tilespmem:$0x13DC0] =	vst v63  }
0x7a: {  	_ =	swait.ge [sflag:s31], $0x820  }
0x7b: {  	[sflag:s31] =	ssyncset.done $0x0  }
0x7c: {  	[sflag:s31] =	ssyncadd.s32 $0xFFFFF7E0  }
0x7d: {  	[tilespmem:s5], [sflag:$0x1] =	stream.indirect.gather [hbm4b:s4+s2], $0x90, s8, s2, $0xb8;
	[tilespmem:$0x13DC0] =	vst v63  }
0x7e: {  	_ =	swait.ge [sflag:s6], $0x900  }
0x7f: {  	[sflag:s6] =	ssyncset.done $0x0  }
0x80: {  	[sflag:s6] =	ssyncadd.s32 $0xFFFFF700  }
0x81: {  	_ =	swait.ge [sflag:s6], $0x900  }
0x82: {  	[sflag:s6] =	ssyncset.done $0x0  }
0x83: {  	[sflag:s6] =	ssyncadd.s32 $0xFFFFF700  }
0x84: {  	_ =	swait.ge [sflag:s6], $0x900  }
0x85: {  	[sflag:s6] =	ssyncset.done $0x0  }
0x86: {  	[sflag:s6] =	ssyncadd.s32 $0xFFFFF700  }
0x87: {  	_ =	swait.ge [sflag:s6], $0x900  }
0x88: {  	[sflag:s6] =	ssyncset.done $0x0  }
0x89: {  	[sflag:s6] =	ssyncadd.s32 $0xFFFFF700  }
0x8a: {  	_ =	swait.ge [sflag:s6], $0x900  }
0x8b: {  	[sflag:s6] =	ssyncset.done $0x0  }
0x8c: {  	[sflag:s6] =	ssyncadd.s32 $0xFFFFF700  }
0x8d: {  	_ =	swait.ge [sflag:s6], $0x900  }
0x8e: {  	[sflag:s6] =	ssyncset.done $0x0  }
0x8f: {  	[sflag:s6] =	ssyncadd.s32 $0xFFFFF700  }
0x90: {  	_ =	swait.ge [sflag:s6], $0x900  }
0x91: {  	[sflag:s6] =	ssyncset.done $0x0  }
0x92: {  	[sflag:s6] =	ssyncadd.s32 $0xFFFFF700  }
0x93: {  	_ =	swait.ge [sflag:s6], $0x900  }
0x94: {  	[sflag:s6] =	ssyncset.done $0x0  }
0x95: {  	[sflag:s6] =	ssyncadd.s32 $0xFFFFF700  }
0x96: {  	_ =	swait.ge [sflag:s6], $0x900  }
0x97: {  	[sflag:s6] =	ssyncset.done $0x0  }
0x98: {  	[sflag:s6] =	ssyncadd.s32 $0xFFFFF700  }
0x99: {  	_ =	swait.ge [sflag:s6], $0x900  }
0x9a: {  	[sflag:s6] =	ssyncset.done $0x0  }
0x9b: {  	[sflag:s6] =	ssyncadd.s32 $0xFFFFF700  }
0x9c: {  	_ =	swait.ge [sflag:s6], $0x900  }
0x9d: {  	[sflag:s6] =	ssyncset.done $0x0  }
0x9e: {  	[sflag:s6] =	ssyncadd.s32 $0xFFFFF700  }
0x9f: {  	_ =	swait.ge [sflag:s6], $0x900  }
0xa0: {  	[sflag:s6] =	ssyncset.done $0x0  }
0xa1: {  	[sflag:s6] =	ssyncadd.s32 $0xFFFFF700  }
0xa2: {  	_ =	swait.ge [sflag:s6], $0x900  }
0xa3: {  	[sflag:s6] =	ssyncset.done $0x0  }
0xa4: {  	[sflag:s6] =	ssyncadd.s32 $0xFFFFF700  }
0xa5: {  	_ =	swait.ge [sflag:s6], $0x900  }
0xa6: {  	[sflag:s6] =	ssyncset.done $0x0  }
0xa7: {  	[sflag:s6] =	ssyncadd.s32 $0xFFFFF700  }
0xa8: {  	_ =	swait.ge [sflag:s6], $0x900  }
0xa9: {  	[sflag:s6] =	ssyncset.done $0x0  }
0xaa: {  	[sflag:s6] =	ssyncadd.s32 $0xFFFFF700  }
0xab: {  	_ =	swait.ge [sflag:s6], $0x900  }
0xac: {  	[sflag:s6] =	ssyncset.done $0x0  }
0xad: {  	[sflag:s6] =	ssyncadd.s32 $0xFFFFF700  }
0xae: {  	_ =	swait.ge [sflag:s6], $0x900  }
0xaf: {  	[sflag:s6] =	ssyncset.done $0x0  }
0xb0: {  	[sflag:s6] =	ssyncadd.s32 $0xFFFFF700  }
0xb1: {  	_ =	swait.ge [sflag:s6], $0x900  }
0xb2: {  	[sflag:s6] =	ssyncset.done $0x0  }
0xb3: {  	[sflag:s6] =	ssyncadd.s32 $0xFFFFF700  }
0xb4: {  	_ =	swait.ge [sflag:s6], $0x900  }
0xb5: {  	[sflag:s6] =	ssyncset.done $0x0  }
0xb6: {  	[sflag:s6] =	ssyncadd.s32 $0xFFFFF700  }
0xb7: {  	_ =	swait.ge [sflag:s6], $0x900  }
0xb8: {  	[sflag:s6] =	ssyncset.done $0x0  }
0xb9: {  	[sflag:s6] =	ssyncadd.s32 $0xFFFFF700  }
0xba: {  	[bflag:$0x0] =	sbarrier.arrive $0xFFFF  }
0xbb: {  	p0 =	por $0x1, $0x1;
	s25 =	rddreg [dreg:$0x5]  }
0xbc: {  	s28 =	simm.s32 @!p0 $0x4;
	s26 =	simm.s32 @!p0 $0x0;
	s25 =	sadd.s32 @!p0 $0x0, s25  }
0xbd: {  	[tilespmem:s26], [sflag:$0x4] =	stream.linear.gather @!p0 [hbm4b:s25+s26], $0x820, $0x38;
	[tilespmem:$0x13DC0] =	vst v63  }
0xbe: {  	_ =	swait.ge @!p0 [sflag:s28], $0x820  }
0xbf: {  	s25 =	rddreg [dreg:$0x4];
	[sflag:s28] =	ssyncset.done @!p0 $0x0  }
0xc0: {  	s29 =	simm.s32 @!p0 $0x820;
	[sflag:s28] =	ssyncadd.s32 @!p0 $0xFFFFF7E0;
	s25 =	sadd.s32 @!p0 $0x0, s25  }
0xc1: {  	[tilespmem:s29], [sflag:$0x4] =	stream.linear.gather @!p0 [hbm4b:s25+s26], $0x820, $0x38;
	[tilespmem:$0x13DC0] =	vst v63  }
0xc2: {  	_ =	swait.ge @!p0 [sflag:s28], $0x820  }
0xc3: {  	[sflag:s28] =	ssyncset.done @!p0 $0x0  }
0xc4: {  	s25 =	simm.s32 @!p0 $0x1040;
	[sflag:s28] =	ssyncadd.s32 @!p0 $0xFFFFF7E0;
	s28 =	simm.s32 @!p0 $0x64  }
0xc5: {  	[tilespmem:s25], [sflag:$0x1] =	stream.indirect.gather @!p0 [hbm4b:s4+s28], $0x90, s26, s28, $0xb8;
	[tilespmem:$0x13DC0] =	vst v63  }
0xc6: {  	s3 =	rddreg [dreg:$0x6]  }
0xc7: {  	[tilespmem:s7], [sflag:$0x2] =	stream.indirect.gather [hbm4b:s4+s2], $0x90, s3, s2, $0xb8;
	[tilespmem:$0x13DC0] =	vst v63  }
0xc8: {  	_ =	swait.ge [sflag:s9], $0x3840  }
0xc9: {  	[sflag:s9] =	ssyncset.done $0x0  }
0xca: {  	[sflag:s9] =	ssyncadd.s32 $0xFFFFC7C0  }
0xcb: {  	[spmem:s1] =	stream.indirect.scatter.add.f32 [tilespmem:s5], [sflag:$0x4], $0x90, s0, s2, $0xb8;
	[tilespmem:$0x13DC0] =	vst v63  }
0xcc: {  	_ =	swait.ge [sflag:s31], $0x3840  }
0xcd: {  	[sflag:s31] =	ssyncset.done $0x0  }
0xce: {  	s8 =	rddreg [dreg:$0x7];
	[sflag:s31] =	ssyncadd.s32 $0xFFFFC7C0  }
0xcf: {  	[tilespmem:s5], [sflag:$0x1] =	stream.indirect.gather [hbm4b:s4+s2], $0x90, s8, s2, $0xb8;
	[tilespmem:$0x13DC0] =	vst v63  }
0xd0: {  	_ =	swait.ge [sflag:s10], $0x3840  }
0xd1: {  	[sflag:s10] =	ssyncset.done $0x0  }
0xd2: {  	s26 =	rddreg [dreg:$0x8];
	[sflag:s10] =	ssyncadd.s32 $0xFFFFC7C0  }
0xd3: {  	[spmem:s1] =	stream.indirect.scatter.add.f32 [tilespmem:s7], [sflag:$0x4], $0x90, s26, s2, $0xb8;
	[tilespmem:$0x13DC0] =	vst v63  }
0xd4: {  	_ =	swait.ge [sflag:s31], $0x3840  }
0xd5: {  	[sflag:s31] =	ssyncset.done $0x0  }
0xd6: {  	s29 =	rddreg [dreg:$0x9];
	[sflag:s31] =	ssyncadd.s32 $0xFFFFC7C0  }
0xd7: {  	[tilespmem:s7], [sflag:$0x2] =	stream.indirect.gather [hbm4b:s4+s2], $0x90, s29, s2, $0xb8;
	[tilespmem:$0x13DC0] =	vst v63  }
0xd8: {  	_ =	swait.ge [sflag:s9], $0x3840  }
0xd9: {  	[sflag:s9] =	ssyncset.done $0x0  }
0xda: {  	s3 =	rddreg [dreg:$0xa];
	[sflag:s9] =	ssyncadd.s32 $0xFFFFC7C0  }
0xdb: {  	[spmem:s1] =	stream.indirect.scatter.add.f32 [tilespmem:s5], [sflag:$0x4], $0x90, s3, s2, $0xb8;
	[tilespmem:$0x13DC0] =	vst v63  }
0xdc: {  	_ =	swait.ge [sflag:s31], $0x3840  }
0xdd: {  	[sflag:s31] =	ssyncset.done $0x0  }
0xde: {  	s8 =	rddreg [dreg:$0xb];
	[sflag:s31] =	ssyncadd.s32 $0xFFFFC7C0  }
0xdf: {  	[tilespmem:s5], [sflag:$0x1] =	stream.indirect.gather [hbm4b:s4+s2], $0x90, s8, s2, $0xb8;
	[tilespmem:$0x13DC0] =	vst v63  }
0xe0: {  	_ =	swait.ge [sflag:s10], $0x3840  }
0xe1: {  	[sflag:s10] =	ssyncset.done $0x0  }
0xe2: {  	s26 =	rddreg [dreg:$0xc];
	[sflag:s10] =	ssyncadd.s32 $0xFFFFC7C0  }
0xe3: {  	[spmem:s1] =	stream.indirect.scatter.add.f32 [tilespmem:s7], [sflag:$0x4], $0x90, s26, s2, $0xb8;
	[tilespmem:$0x13DC0] =	vst v63  }
0xe4: {  	_ =	swait.ge [sflag:s31], $0x3840  }
0xe5: {  	[sflag:s31] =	ssyncset.done $0x0  }
0xe6: {  	s29 =	rddreg [dreg:$0xd];
	[sflag:s31] =	ssyncadd.s32 $0xFFFFC7C0  }
0xe7: {  	[tilespmem:s7], [sflag:$0x2] =	stream.indirect.gather [hbm4b:s4+s2], $0x90, s29, s2, $0xb8;
	[tilespmem:$0x13DC0] =	vst v63  }
0xe8: {  	_ =	swait.ge [sflag:s9], $0x3840  }
0xe9: {  	[sflag:s9] =	ssyncset.done $0x0  }
0xea: {  	s3 =	rddreg [dreg:$0xe];
	[sflag:s9] =	ssyncadd.s32 $0xFFFFC7C0  }
0xeb: {  	[spmem:s1] =	stream.indirect.scatter.add.f32 [tilespmem:s5], [sflag:$0x4], $0x90, s3, s2, $0xb8;
	[tilespmem:$0x13DC0] =	vst v63  }
0xec: {  	_ =	swait.ge [sflag:s31], $0x3840  }
0xed: {  	[sflag:s31] =	ssyncset.done $0x0  }
0xee: {  	s8 =	rddreg [dreg:$0xf];
	[sflag:s31] =	ssyncadd.s32 $0xFFFFC7C0  }
0xef: {  	[tilespmem:s5], [sflag:$0x1] =	stream.indirect.gather [hbm4b:s4+s2], $0x90, s8, s2, $0xb8;
	[tilespmem:$0x13DC0] =	vst v63  }
0xf0: {  	_ =	swait.ge [sflag:s10], $0x3840  }
0xf1: {  	[sflag:s10] =	ssyncset.done $0x0  }
0xf2: {  	s26 =	rddreg [dreg:$0x10];
	[sflag:s10] =	ssyncadd.s32 $0xFFFFC7C0  }
0xf3: {  	[spmem:s1] =	stream.indirect.scatter.add.f32 [tilespmem:s7], [sflag:$0x4], $0x90, s26, s2, $0xb8;
	[tilespmem:$0x13DC0] =	vst v63  }
0xf4: {  	_ =	swait.ge [sflag:s31], $0x3840  }
0xf5: {  	[sflag:s31] =	ssyncset.done $0x0  }
0xf6: {  	s29 =	rddreg [dreg:$0x11];
	[sflag:s31] =	ssyncadd.s32 $0xFFFFC7C0  }
0xf7: {  	[tilespmem:s7], [sflag:$0x2] =	stream.indirect.gather [hbm4b:s4+s2], $0x90, s29, s2, $0xb8;
	[tilespmem:$0x13DC0] =	vst v63  }
0xf8: {  	_ =	swait.ge [sflag:s9], $0x3840  }
0xf9: {  	[sflag:s9] =	ssyncset.done $0x0  }
0xfa: {  	s3 =	rddreg [dreg:$0x12];
	[sflag:s9] =	ssyncadd.s32 $0xFFFFC7C0  }
0xfb: {  	[spmem:s1] =	stream.indirect.scatter.add.f32 [tilespmem:s5], [sflag:$0x4], $0x90, s3, s2, $0xb8;
	[tilespmem:$0x13DC0] =	vst v63  }
0xfc: {  	_ =	swait.ge [sflag:s31], $0x3840  }
0xfd: {  	[sflag:s31] =	ssyncset.done $0x0  }
0xfe: {  	s8 =	rddreg [dreg:$0x13];
	[sflag:s31] =	ssyncadd.s32 $0xFFFFC7C0  }
0xff: {  	[tilespmem:s5], [sflag:$0x1] =	stream.indirect.gather [hbm4b:s4+s2], $0x90, s8, s2, $0xb8;
	[tilespmem:$0x13DC0] =	vst v63  }
0x100: {  	_ =	swait.ge [sflag:s10], $0x3840  }
0x101: {  	[sflag:s10] =	ssyncset.done $0x0  }
0x102: {  	s26 =	rddreg [dreg:$0x14];
	[sflag:s10] =	ssyncadd.s32 $0xFFFFC7C0  }
0x103: {  	[spmem:s1] =	stream.indirect.scatter.add.f32 [tilespmem:s7], [sflag:$0x4], $0x90, s26, s2, $0xb8;
	[tilespmem:$0x13DC0] =	vst v63  }
0x104: {  	_ =	swait.ge [sflag:s31], $0x3840  }
0x105: {  	[sflag:s31] =	ssyncset.done $0x0  }
0x106: {  	s29 =	rddreg [dreg:$0x15];
	[sflag:s31] =	ssyncadd.s32 $0xFFFFC7C0  }
0x107: {  	[tilespmem:s7], [sflag:$0x2] =	stream.indirect.gather [hbm4b:s4+s2], $0x90, s29, s2, $0xb8;
	[tilespmem:$0x13DC0] =	vst v63  }
0x108: {  	_ =	swait.ge [sflag:s9], $0x3840  }
0x109: {  	[sflag:s9] =	ssyncset.done $0x0  }
0x10a: {  	s3 =	rddreg [dreg:$0x16];
	[sflag:s9] =	ssyncadd.s32 $0xFFFFC7C0  }
0x10b: {  	[spmem:s1] =	stream.indirect.scatter.add.f32 [tilespmem:s5], [sflag:$0x4], $0x90, s3, s2, $0xb8;
	[tilespmem:$0x13DC0] =	vst v63  }
0x10c: {  	_ =	swait.ge [sflag:s31], $0x3840  }
0x10d: {  	[sflag:s31] =	ssyncset.done $0x0  }
0x10e: {  	s8 =	rddreg [dreg:$0x17];
	[sflag:s31] =	ssyncadd.s32 $0xFFFFC7C0  }
0x10f: {  	[tilespmem:s5], [sflag:$0x1] =	stream.indirect.gather [hbm4b:s4+s2], $0x90, s8, s2, $0xb8;
	[tilespmem:$0x13DC0] =	vst v63  }
0x110: {  	_ =	swait.ge [sflag:s10], $0x3840  }
0x111: {  	[sflag:s10] =	ssyncset.done $0x0  }
0x112: {  	s26 =	rddreg [dreg:$0x18];
	[sflag:s10] =	ssyncadd.s32 $0xFFFFC7C0  }
0x113: {  	[spmem:s1] =	stream.indirect.scatter.add.f32 [tilespmem:s7], [sflag:$0x4], $0x90, s26, s2, $0xb8;
	[tilespmem:$0x13DC0] =	vst v63  }
0x114: {  	_ =	swait.ge [sflag:s31], $0x3840  }
0x115: {  	[sflag:s31] =	ssyncset.done $0x0  }
0x116: {  	s29 =	rddreg [dreg:$0x19];
	[sflag:s31] =	ssyncadd.s32 $0xFFFFC7C0  }
0x117: {  	[tilespmem:s7], [sflag:$0x2] =	stream.indirect.gather [hbm4b:s4+s2], $0x90, s29, s2, $0xb8;
	[tilespmem:$0x13DC0] =	vst v63  }
0x118: {  	_ =	swait.ge [sflag:s9], $0x3840  }
0x119: {  	[sflag:s9] =	ssyncset.done $0x0  }
0x11a: {  	s3 =	rddreg [dreg:$0x1a];
	[sflag:s9] =	ssyncadd.s32 $0xFFFFC7C0  }
0x11b: {  	[spmem:s1] =	stream.indirect.scatter.add.f32 [tilespmem:s5], [sflag:$0x4], $0x90, s3, s2, $0xb8;
	[tilespmem:$0x13DC0] =	vst v63  }
0x11c: {  	_ =	swait.ge [sflag:s31], $0x3840  }
0x11d: {  	[sflag:s31] =	ssyncset.done $0x0  }
0x11e: {  	s8 =	rddreg [dreg:$0x1b];
	[sflag:s31] =	ssyncadd.s32 $0xFFFFC7C0  }
0x11f: {  	[tilespmem:s5], [sflag:$0x1] =	stream.indirect.gather [hbm4b:s4+s2], $0x90, s8, s2, $0xb8;
	[tilespmem:$0x13DC0] =	vst v63  }
0x120: {  	_ =	swait.ge [sflag:s10], $0x3840  }
0x121: {  	[sflag:s10] =	ssyncset.done $0x0  }
0x122: {  	s26 =	rddreg [dreg:$0x1c];
	[sflag:s10] =	ssyncadd.s32 $0xFFFFC7C0  }
0x123: {  	[spmem:s1] =	stream.indirect.scatter.add.f32 [tilespmem:s7], [sflag:$0x4], $0x90, s26, s2, $0xb8;
	[tilespmem:$0x13DC0] =	vst v63  }
0x124: {  	_ =	swait.ge [sflag:s31], $0x3840  }
0x125: {  	[sflag:s31] =	ssyncset.done $0x0  }
0x126: {  	s29 =	rddreg [dreg:$0x1d];
	[sflag:s31] =	ssyncadd.s32 $0xFFFFC7C0  }
0x127: {  	[tilespmem:s7], [sflag:$0x2] =	stream.indirect.gather [hbm4b:s4+s2], $0x90, s29, s2, $0xb8;
	[tilespmem:$0x13DC0] =	vst v63  }
0x128: {  	_ =	swait.ge [sflag:s9], $0x3840  }
0x129: {  	[sflag:s9] =	ssyncset.done $0x0  }
0x12a: {  	[sflag:s9] =	ssyncadd.s32 $0xFFFFC7C0  }
0x12b: {  	[spmem:s1] =	stream.indirect.scatter.add.f32 [tilespmem:s5], [sflag:$0x4], $0x90, s11, s2, $0xb8;
	[tilespmem:$0x13DC0] =	vst v63  }
0x12c: {  	_ =	swait.ge [sflag:s31], $0x3840  }
0x12d: {  	[sflag:s31] =	ssyncset.done $0x0  }
0x12e: {  	[sflag:s31] =	ssyncadd.s32 $0xFFFFC7C0  }
0x12f: {  	[tilespmem:s5], [sflag:$0x1] =	stream.indirect.gather [hbm4b:s4+s2], $0x90, s12, s2, $0xb8;
	[tilespmem:$0x13DC0] =	vst v63  }
0x130: {  	_ =	swait.ge [sflag:s10], $0x3840  }
0x131: {  	[sflag:s10] =	ssyncset.done $0x0  }
0x132: {  	[sflag:s10] =	ssyncadd.s32 $0xFFFFC7C0  }
0x133: {  	[spmem:s1] =	stream.indirect.scatter.add.f32 [tilespmem:s7], [sflag:$0x4], $0x90, s13, s2, $0xb8;
	[tilespmem:$0x13DC0] =	vst v63  }
0x134: {  	_ =	swait.ge [sflag:s31], $0x3840  }
0x135: {  	[sflag:s31] =	ssyncset.done $0x0  }
0x136: {  	[sflag:s31] =	ssyncadd.s32 $0xFFFFC7C0  }
0x137: {  	[tilespmem:s7], [sflag:$0x2] =	stream.indirect.gather [hbm4b:s4+s2], $0x90, s14, s2, $0xb8;
	[tilespmem:$0x13DC0] =	vst v63  }
0x138: {  	_ =	swait.ge [sflag:s9], $0x3840  }
0x139: {  	[sflag:s9] =	ssyncset.done $0x0  }
0x13a: {  	[sflag:s9] =	ssyncadd.s32 $0xFFFFC7C0  }
0x13b: {  	[spmem:s1] =	stream.indirect.scatter.add.f32 [tilespmem:s5], [sflag:$0x4], $0x90, s15, s2, $0xb8;
	[tilespmem:$0x13DC0] =	vst v63  }
0x13c: {  	_ =	swait.ge [sflag:s31], $0x3840  }
0x13d: {  	[sflag:s31] =	ssyncset.done $0x0  }
0x13e: {  	[sflag:s31] =	ssyncadd.s32 $0xFFFFC7C0  }
0x13f: {  	[tilespmem:s5], [sflag:$0x1] =	stream.indirect.gather [hbm4b:s4+s2], $0x90, s16, s2, $0xb8;
	[tilespmem:$0x13DC0] =	vst v63  }
0x140: {  	_ =	swait.ge [sflag:s10], $0x3840  }
0x141: {  	[sflag:s10] =	ssyncset.done $0x0  }
0x142: {  	[sflag:s10] =	ssyncadd.s32 $0xFFFFC7C0  }
0x143: {  	[spmem:s1] =	stream.indirect.scatter.add.f32 [tilespmem:s7], [sflag:$0x4], $0x90, s17, s2, $0xb8;
	[tilespmem:$0x13DC0] =	vst v63  }
0x144: {  	_ =	swait.ge [sflag:s31], $0x3840  }
0x145: {  	[sflag:s31] =	ssyncset.done $0x0  }
0x146: {  	[sflag:s31] =	ssyncadd.s32 $0xFFFFC7C0  }
0x147: {  	[tilespmem:s7], [sflag:$0x2] =	stream.indirect.gather [hbm4b:s4+s2], $0x90, s18, s2, $0xb8;
	[tilespmem:$0x13DC0] =	vst v63  }
0x148: {  	_ =	swait.ge [sflag:s9], $0x3840  }
0x149: {  	[sflag:s9] =	ssyncset.done $0x0  }
0x14a: {  	[sflag:s9] =	ssyncadd.s32 $0xFFFFC7C0  }
0x14b: {  	[spmem:s1] =	stream.indirect.scatter.add.f32 [tilespmem:s5], [sflag:$0x4], $0x90, s19, s2, $0xb8;
	[tilespmem:$0x13DC0] =	vst v63  }
0x14c: {  	_ =	swait.ge [sflag:s31], $0x3840  }
0x14d: {  	[sflag:s31] =	ssyncset.done $0x0  }
0x14e: {  	[sflag:s31] =	ssyncadd.s32 $0xFFFFC7C0  }
0x14f: {  	[tilespmem:s5], [sflag:$0x1] =	stream.indirect.gather [hbm4b:s4+s2], $0x90, s20, s2, $0xb8;
	[tilespmem:$0x13DC0] =	vst v63  }
0x150: {  	_ =	swait.ge [sflag:s10], $0x3840  }
0x151: {  	[sflag:s10] =	ssyncset.done $0x0  }
0x152: {  	[sflag:s10] =	ssyncadd.s32 $0xFFFFC7C0  }
0x153: {  	[spmem:s1] =	stream.indirect.scatter.add.f32 [tilespmem:s7], [sflag:$0x4], $0x90, s21, s2, $0xb8;
	[tilespmem:$0x13DC0] =	vst v63  }
0x154: {  	_ =	swait.ge [sflag:s31], $0x3840  }
0x155: {  	[sflag:s31] =	ssyncset.done $0x0  }
0x156: {  	[sflag:s31] =	ssyncadd.s32 $0xFFFFC7C0  }
0x157: {  	[tilespmem:s7], [sflag:$0x2] =	stream.indirect.gather [hbm4b:s4+s2], $0x90, s22, s2, $0xb8;
	[tilespmem:$0x13DC0] =	vst v63  }
0x158: {  	_ =	swait.ge [sflag:s9], $0x3840  }
0x159: {  	[sflag:s9] =	ssyncset.done $0x0  }
0x15a: {  	[sflag:s9] =	ssyncadd.s32 $0xFFFFC7C0  }
0x15b: {  	[spmem:s1] =	stream.indirect.scatter.add.f32 [tilespmem:s5], [sflag:$0x4], $0x90, s23, s2, $0xb8;
	[tilespmem:$0x13DC0] =	vst v63  }
0x15c: {  	_ =	swait.ge [sflag:s31], $0x3840  }
0x15d: {  	[sflag:s31] =	ssyncset.done $0x0  }
0x15e: {  	[sflag:s31] =	ssyncadd.s32 $0xFFFFC7C0  }
0x15f: {  	_ =	swait.ge [sflag:s10], $0x3840  }
0x160: {  	[sflag:s10] =	ssyncset.done $0x0  }
0x161: {  	[sflag:s10] =	ssyncadd.s32 $0xFFFFC7C0  }
0x162: {  	[spmem:s1] =	stream.indirect.scatter.add.f32 [tilespmem:s7], [sflag:$0x4], $0x90, s24, s2, $0xb8;
	[tilespmem:$0x13DC0] =	vst v63  }
0x163: {  	s25 =	simm.s32 $0x104;
	_ =	swait.ge [sflag:s31], $0x3840  }
0x164: {  	s26 =	simm.s32 $0x208;
	s28 =	rddreg [dreg:$0x5];
	[sflag:s31] =	ssyncset.done $0x0  }
.LBB2_4:
0x165: {  	[sflag:s31] =	ssyncadd.s32 $0xFFFFC7C0;
	p1 =	seq.s32 s25, $0x0  }
0x166: {  	s28 =	sadd.s32 @!p1 s25, s28;
	s8 =	simm.s32 @!p1 $0x0;
	s3 =	simm.s32 @!p1 $0x4  }
0x167: {  	[tilespmem:s8], [sflag:$0x4] =	stream.linear.gather @!p1 [hbm4b:s28+s8], $0x820, $0x38;
	[tilespmem:$0x13DC0] =	vst v63  }
0x168: {  	_ =	swait.ge @!p1 [sflag:s3], $0x820  }
0x169: {  	s28 =	rddreg [dreg:$0x4];
	[sflag:s3] =	ssyncset.done @!p1 $0x0  }
0x16a: {  	[sflag:s3] =	ssyncadd.s32 @!p1 $0xFFFFF7E0;
	s25 =	sadd.s32 @!p1 s25, s28;
	s28 =	simm.s32 @!p1 $0x820  }
0x16b: {  	[tilespmem:s28], [sflag:$0x4] =	stream.linear.gather @!p1 [hbm4b:s25+s8], $0x820, $0x38;
	[tilespmem:$0x13DC0] =	vst v63  }
0x16c: {  	_ =	swait.ge @!p1 [sflag:s3], $0x820  }
0x16d: {  	s29 =	smov.u32 s26;
	[sflag:s3] =	ssyncset.done @!p1 $0x0  }
0x16e: {  	s28 =	simm.s32 @!p1 $0x1040;
	[sflag:s3] =	ssyncadd.s32 @!p1 $0xFFFFF7E0;
	s3 =	simm.s32 @!p1 $0x64  }
0x16f: {  	[tilespmem:s28], [sflag:$0x1] =	stream.indirect.gather @!p1 [hbm4b:s4+s3], $0x90, s8, s3, $0xb8;
	[tilespmem:$0x13DC0] =	vst v63  }
0x170: {  	s25 =	smov.u32 s29;
	s29 =	rddreg [dreg:$0x6]  }
0x171: {  	[tilespmem:s7], [sflag:$0x2] =	stream.indirect.gather [hbm4b:s4+s2], $0x90, s29, s2, $0xb8;
	[tilespmem:$0x13DC0] =	vst v63  }
0x172: {  	_ =	swait.ge [sflag:s9], $0x3840  }
0x173: {  	[sflag:s9] =	ssyncset.done $0x0  }
0x174: {  	[sflag:s9] =	ssyncadd.s32 $0xFFFFC7C0  }
0x175: {  	[spmem:s1] =	stream.indirect.scatter.add.f32 [tilespmem:s5], [sflag:$0x4], $0x90, s0, s2, $0xb8;
	[tilespmem:$0x13DC0] =	vst v63  }
0x176: {  	_ =	swait.ge [sflag:s31], $0x3840  }
0x177: {  	[sflag:s31] =	ssyncset.done $0x0  }
0x178: {  	s29 =	rddreg [dreg:$0x7];
	[sflag:s31] =	ssyncadd.s32 $0xFFFFC7C0  }
0x179: {  	[tilespmem:s5], [sflag:$0x1] =	stream.indirect.gather [hbm4b:s4+s2], $0x90, s29, s2, $0xb8;
	[tilespmem:$0x13DC0] =	vst v63  }
0x17a: {  	_ =	swait.ge [sflag:s10], $0x3840  }
0x17b: {  	[sflag:s10] =	ssyncset.done $0x0  }
0x17c: {  	s8 =	rddreg [dreg:$0x8];
	[sflag:s10] =	ssyncadd.s32 $0xFFFFC7C0  }
0x17d: {  	[spmem:s1] =	stream.indirect.scatter.add.f32 [tilespmem:s7], [sflag:$0x4], $0x90, s8, s2, $0xb8;
	[tilespmem:$0x13DC0] =	vst v63  }
0x17e: {  	_ =	swait.ge [sflag:s31], $0x3840  }
0x17f: {  	[sflag:s31] =	ssyncset.done $0x0  }
0x180: {  	s29 =	rddreg [dreg:$0x9];
	[sflag:s31] =	ssyncadd.s32 $0xFFFFC7C0  }
0x181: {  	[tilespmem:s7], [sflag:$0x2] =	stream.indirect.gather [hbm4b:s4+s2], $0x90, s29, s2, $0xb8;
	[tilespmem:$0x13DC0] =	vst v63  }
0x182: {  	_ =	swait.ge [sflag:s9], $0x3840  }
0x183: {  	[sflag:s9] =	ssyncset.done $0x0  }
0x184: {  	s8 =	rddreg [dreg:$0xa];
	[sflag:s9] =	ssyncadd.s32 $0xFFFFC7C0  }
0x185: {  	[spmem:s1] =	stream.indirect.scatter.add.f32 [tilespmem:s5], [sflag:$0x4], $0x90, s8, s2, $0xb8;
	[tilespmem:$0x13DC0] =	vst v63  }
0x186: {  	_ =	swait.ge [sflag:s31], $0x3840  }
0x187: {  	[sflag:s31] =	ssyncset.done $0x0  }
0x188: {  	s29 =	rddreg [dreg:$0xb];
	[sflag:s31] =	ssyncadd.s32 $0xFFFFC7C0  }
0x189: {  	[tilespmem:s5], [sflag:$0x1] =	stream.indirect.gather [hbm4b:s4+s2], $0x90, s29, s2, $0xb8;
	[tilespmem:$0x13DC0] =	vst v63  }
0x18a: {  	_ =	swait.ge [sflag:s10], $0x3840  }
0x18b: {  	[sflag:s10] =	ssyncset.done $0x0  }
0x18c: {  	s8 =	rddreg [dreg:$0xc];
	[sflag:s10] =	ssyncadd.s32 $0xFFFFC7C0  }
0x18d: {  	[spmem:s1] =	stream.indirect.scatter.add.f32 [tilespmem:s7], [sflag:$0x4], $0x90, s8, s2, $0xb8;
	[tilespmem:$0x13DC0] =	vst v63  }
0x18e: {  	_ =	swait.ge [sflag:s31], $0x3840  }
0x18f: {  	[sflag:s31] =	ssyncset.done $0x0  }
0x190: {  	s29 =	rddreg [dreg:$0xd];
	[sflag:s31] =	ssyncadd.s32 $0xFFFFC7C0  }
0x191: {  	[tilespmem:s7], [sflag:$0x2] =	stream.indirect.gather [hbm4b:s4+s2], $0x90, s29, s2, $0xb8;
	[tilespmem:$0x13DC0] =	vst v63  }
0x192: {  	_ =	swait.ge [sflag:s9], $0x3840  }
0x193: {  	[sflag:s9] =	ssyncset.done $0x0  }
0x194: {  	s8 =	rddreg [dreg:$0xe];
	[sflag:s9] =	ssyncadd.s32 $0xFFFFC7C0  }
0x195: {  	[spmem:s1] =	stream.indirect.scatter.add.f32 [tilespmem:s5], [sflag:$0x4], $0x90, s8, s2, $0xb8;
	[tilespmem:$0x13DC0] =	vst v63  }
0x196: {  	_ =	swait.ge [sflag:s31], $0x3840  }
0x197: {  	[sflag:s31] =	ssyncset.done $0x0  }
0x198: {  	s29 =	rddreg [dreg:$0xf];
	[sflag:s31] =	ssyncadd.s32 $0xFFFFC7C0  }
0x199: {  	[tilespmem:s5], [sflag:$0x1] =	stream.indirect.gather [hbm4b:s4+s2], $0x90, s29, s2, $0xb8;
	[tilespmem:$0x13DC0] =	vst v63  }
0x19a: {  	_ =	swait.ge [sflag:s10], $0x3840  }
0x19b: {  	[sflag:s10] =	ssyncset.done $0x0  }
0x19c: {  	s8 =	rddreg [dreg:$0x10];
	[sflag:s10] =	ssyncadd.s32 $0xFFFFC7C0  }
0x19d: {  	[spmem:s1] =	stream.indirect.scatter.add.f32 [tilespmem:s7], [sflag:$0x4], $0x90, s8, s2, $0xb8;
	[tilespmem:$0x13DC0] =	vst v63  }
0x19e: {  	_ =	swait.ge [sflag:s31], $0x3840  }
0x19f: {  	[sflag:s31] =	ssyncset.done $0x0  }
0x1a0: {  	s29 =	rddreg [dreg:$0x11];
	[sflag:s31] =	ssyncadd.s32 $0xFFFFC7C0  }
0x1a1: {  	[tilespmem:s7], [sflag:$0x2] =	stream.indirect.gather [hbm4b:s4+s2], $0x90, s29, s2, $0xb8;
	[tilespmem:$0x13DC0] =	vst v63  }
0x1a2: {  	_ =	swait.ge [sflag:s9], $0x3840  }
0x1a3: {  	[sflag:s9] =	ssyncset.done $0x0  }
0x1a4: {  	s8 =	rddreg [dreg:$0x12];
	[sflag:s9] =	ssyncadd.s32 $0xFFFFC7C0  }
0x1a5: {  	[spmem:s1] =	stream.indirect.scatter.add.f32 [tilespmem:s5], [sflag:$0x4], $0x90, s8, s2, $0xb8;
	[tilespmem:$0x13DC0] =	vst v63  }
0x1a6: {  	_ =	swait.ge [sflag:s31], $0x3840  }
0x1a7: {  	[sflag:s31] =	ssyncset.done $0x0  }
0x1a8: {  	s29 =	rddreg [dreg:$0x13];
	[sflag:s31] =	ssyncadd.s32 $0xFFFFC7C0  }
0x1a9: {  	[tilespmem:s5], [sflag:$0x1] =	stream.indirect.gather [hbm4b:s4+s2], $0x90, s29, s2, $0xb8;
	[tilespmem:$0x13DC0] =	vst v63  }
0x1aa: {  	_ =	swait.ge [sflag:s10], $0x3840  }
0x1ab: {  	[sflag:s10] =	ssyncset.done $0x0  }
0x1ac: {  	s8 =	rddreg [dreg:$0x14];
	[sflag:s10] =	ssyncadd.s32 $0xFFFFC7C0  }
0x1ad: {  	[spmem:s1] =	stream.indirect.scatter.add.f32 [tilespmem:s7], [sflag:$0x4], $0x90, s8, s2, $0xb8;
	[tilespmem:$0x13DC0] =	vst v63  }
0x1ae: {  	_ =	swait.ge [sflag:s31], $0x3840  }
0x1af: {  	[sflag:s31] =	ssyncset.done $0x0  }
0x1b0: {  	s29 =	rddreg [dreg:$0x15];
	[sflag:s31] =	ssyncadd.s32 $0xFFFFC7C0  }
0x1b1: {  	[tilespmem:s7], [sflag:$0x2] =	stream.indirect.gather [hbm4b:s4+s2], $0x90, s29, s2, $0xb8;
	[tilespmem:$0x13DC0] =	vst v63  }
0x1b2: {  	_ =	swait.ge [sflag:s9], $0x3840  }
0x1b3: {  	[sflag:s9] =	ssyncset.done $0x0  }
0x1b4: {  	s8 =	rddreg [dreg:$0x16];
	[sflag:s9] =	ssyncadd.s32 $0xFFFFC7C0  }
0x1b5: {  	[spmem:s1] =	stream.indirect.scatter.add.f32 [tilespmem:s5], [sflag:$0x4], $0x90, s8, s2, $0xb8;
	[tilespmem:$0x13DC0] =	vst v63  }
0x1b6: {  	_ =	swait.ge [sflag:s31], $0x3840  }
0x1b7: {  	[sflag:s31] =	ssyncset.done $0x0  }
0x1b8: {  	s29 =	rddreg [dreg:$0x17];
	[sflag:s31] =	ssyncadd.s32 $0xFFFFC7C0  }
0x1b9: {  	[tilespmem:s5], [sflag:$0x1] =	stream.indirect.gather [hbm4b:s4+s2], $0x90, s29, s2, $0xb8;
	[tilespmem:$0x13DC0] =	vst v63  }
0x1ba: {  	_ =	swait.ge [sflag:s10], $0x3840  }
0x1bb: {  	[sflag:s10] =	ssyncset.done $0x0  }
0x1bc: {  	s8 =	rddreg [dreg:$0x18];
	[sflag:s10] =	ssyncadd.s32 $0xFFFFC7C0  }
0x1bd: {  	[spmem:s1] =	stream.indirect.scatter.add.f32 [tilespmem:s7], [sflag:$0x4], $0x90, s8, s2, $0xb8;
	[tilespmem:$0x13DC0] =	vst v63  }
0x1be: {  	_ =	swait.ge [sflag:s31], $0x3840  }
0x1bf: {  	[sflag:s31] =	ssyncset.done $0x0  }
0x1c0: {  	s29 =	rddreg [dreg:$0x19];
	[sflag:s31] =	ssyncadd.s32 $0xFFFFC7C0  }
0x1c1: {  	[tilespmem:s7], [sflag:$0x2] =	stream.indirect.gather [hbm4b:s4+s2], $0x90, s29, s2, $0xb8;
	[tilespmem:$0x13DC0] =	vst v63  }
0x1c2: {  	_ =	swait.ge [sflag:s9], $0x3840  }
0x1c3: {  	[sflag:s9] =	ssyncset.done $0x0  }
0x1c4: {  	s8 =	rddreg [dreg:$0x1a];
	[sflag:s9] =	ssyncadd.s32 $0xFFFFC7C0  }
0x1c5: {  	[spmem:s1] =	stream.indirect.scatter.add.f32 [tilespmem:s5], [sflag:$0x4], $0x90, s8, s2, $0xb8;
	[tilespmem:$0x13DC0] =	vst v63  }
0x1c6: {  	_ =	swait.ge [sflag:s31], $0x3840  }
0x1c7: {  	[sflag:s31] =	ssyncset.done $0x0  }
0x1c8: {  	s29 =	rddreg [dreg:$0x1b];
	[sflag:s31] =	ssyncadd.s32 $0xFFFFC7C0  }
0x1c9: {  	[tilespmem:s5], [sflag:$0x1] =	stream.indirect.gather [hbm4b:s4+s2], $0x90, s29, s2, $0xb8;
	[tilespmem:$0x13DC0] =	vst v63  }
0x1ca: {  	_ =	swait.ge [sflag:s10], $0x3840  }
0x1cb: {  	[sflag:s10] =	ssyncset.done $0x0  }
0x1cc: {  	s8 =	rddreg [dreg:$0x1c];
	[sflag:s10] =	ssyncadd.s32 $0xFFFFC7C0  }
0x1cd: {  	[spmem:s1] =	stream.indirect.scatter.add.f32 [tilespmem:s7], [sflag:$0x4], $0x90, s8, s2, $0xb8;
	[tilespmem:$0x13DC0] =	vst v63  }
0x1ce: {  	_ =	swait.ge [sflag:s31], $0x3840  }
0x1cf: {  	[sflag:s31] =	ssyncset.done $0x0  }
0x1d0: {  	s29 =	rddreg [dreg:$0x1d];
	[sflag:s31] =	ssyncadd.s32 $0xFFFFC7C0  }
0x1d1: {  	[tilespmem:s7], [sflag:$0x2] =	stream.indirect.gather [hbm4b:s4+s2], $0x90, s29, s2, $0xb8;
	[tilespmem:$0x13DC0] =	vst v63  }
0x1d2: {  	_ =	swait.ge [sflag:s9], $0x3840  }
0x1d3: {  	[sflag:s9] =	ssyncset.done $0x0  }
0x1d4: {  	[sflag:s9] =	ssyncadd.s32 $0xFFFFC7C0  }
0x1d5: {  	[spmem:s1] =	stream.indirect.scatter.add.f32 [tilespmem:s5], [sflag:$0x4], $0x90, s11, s2, $0xb8;
	[tilespmem:$0x13DC0] =	vst v63  }
0x1d6: {  	_ =	swait.ge [sflag:s31], $0x3840  }
0x1d7: {  	[sflag:s31] =	ssyncset.done $0x0  }
0x1d8: {  	[sflag:s31] =	ssyncadd.s32 $0xFFFFC7C0  }
0x1d9: {  	[tilespmem:s5], [sflag:$0x1] =	stream.indirect.gather [hbm4b:s4+s2], $0x90, s12, s2, $0xb8;
	[tilespmem:$0x13DC0] =	vst v63  }
0x1da: {  	_ =	swait.ge [sflag:s10], $0x3840  }
0x1db: {  	[sflag:s10] =	ssyncset.done $0x0  }
0x1dc: {  	[sflag:s10] =	ssyncadd.s32 $0xFFFFC7C0  }
0x1dd: {  	[spmem:s1] =	stream.indirect.scatter.add.f32 [tilespmem:s7], [sflag:$0x4], $0x90, s13, s2, $0xb8;
	[tilespmem:$0x13DC0] =	vst v63  }
0x1de: {  	_ =	swait.ge [sflag:s31], $0x3840  }
0x1df: {  	[sflag:s31] =	ssyncset.done $0x0  }
0x1e0: {  	[sflag:s31] =	ssyncadd.s32 $0xFFFFC7C0  }
0x1e1: {  	[tilespmem:s7], [sflag:$0x2] =	stream.indirect.gather [hbm4b:s4+s2], $0x90, s14, s2, $0xb8;
	[tilespmem:$0x13DC0] =	vst v63  }
0x1e2: {  	_ =	swait.ge [sflag:s9], $0x3840  }
0x1e3: {  	[sflag:s9] =	ssyncset.done $0x0  }
0x1e4: {  	[sflag:s9] =	ssyncadd.s32 $0xFFFFC7C0  }
0x1e5: {  	[spmem:s1] =	stream.indirect.scatter.add.f32 [tilespmem:s5], [sflag:$0x4], $0x90, s15, s2, $0xb8;
	[tilespmem:$0x13DC0] =	vst v63  }
0x1e6: {  	_ =	swait.ge [sflag:s31], $0x3840  }
0x1e7: {  	[sflag:s31] =	ssyncset.done $0x0  }
0x1e8: {  	[sflag:s31] =	ssyncadd.s32 $0xFFFFC7C0  }
0x1e9: {  	[tilespmem:s5], [sflag:$0x1] =	stream.indirect.gather [hbm4b:s4+s2], $0x90, s16, s2, $0xb8;
	[tilespmem:$0x13DC0] =	vst v63  }
0x1ea: {  	_ =	swait.ge [sflag:s10], $0x3840  }
0x1eb: {  	[sflag:s10] =	ssyncset.done $0x0  }
0x1ec: {  	[sflag:s10] =	ssyncadd.s32 $0xFFFFC7C0  }
0x1ed: {  	[spmem:s1] =	stream.indirect.scatter.add.f32 [tilespmem:s7], [sflag:$0x4], $0x90, s17, s2, $0xb8;
	[tilespmem:$0x13DC0] =	vst v63  }
0x1ee: {  	_ =	swait.ge [sflag:s31], $0x3840  }
0x1ef: {  	[sflag:s31] =	ssyncset.done $0x0  }
0x1f0: {  	[sflag:s31] =	ssyncadd.s32 $0xFFFFC7C0  }
0x1f1: {  	[tilespmem:s7], [sflag:$0x2] =	stream.indirect.gather [hbm4b:s4+s2], $0x90, s18, s2, $0xb8;
	[tilespmem:$0x13DC0] =	vst v63  }
0x1f2: {  	_ =	swait.ge [sflag:s9], $0x3840  }
0x1f3: {  	[sflag:s9] =	ssyncset.done $0x0  }
0x1f4: {  	[sflag:s9] =	ssyncadd.s32 $0xFFFFC7C0  }
0x1f5: {  	[spmem:s1] =	stream.indirect.scatter.add.f32 [tilespmem:s5], [sflag:$0x4], $0x90, s19, s2, $0xb8;
	[tilespmem:$0x13DC0] =	vst v63  }
0x1f6: {  	_ =	swait.ge [sflag:s31], $0x3840  }
0x1f7: {  	[sflag:s31] =	ssyncset.done $0x0  }
0x1f8: {  	[sflag:s31] =	ssyncadd.s32 $0xFFFFC7C0  }
0x1f9: {  	[tilespmem:s5], [sflag:$0x1] =	stream.indirect.gather [hbm4b:s4+s2], $0x90, s20, s2, $0xb8;
	[tilespmem:$0x13DC0] =	vst v63  }
0x1fa: {  	_ =	swait.ge [sflag:s10], $0x3840  }
0x1fb: {  	[sflag:s10] =	ssyncset.done $0x0  }
0x1fc: {  	[sflag:s10] =	ssyncadd.s32 $0xFFFFC7C0  }
0x1fd: {  	[spmem:s1] =	stream.indirect.scatter.add.f32 [tilespmem:s7], [sflag:$0x4], $0x90, s21, s2, $0xb8;
	[tilespmem:$0x13DC0] =	vst v63  }
0x1fe: {  	_ =	swait.ge [sflag:s31], $0x3840  }
0x1ff: {  	[sflag:s31] =	ssyncset.done $0x0  }
0x200: {  	[sflag:s31] =	ssyncadd.s32 $0xFFFFC7C0  }
0x201: {  	[tilespmem:s7], [sflag:$0x2] =	stream.indirect.gather [hbm4b:s4+s2], $0x90, s22, s2, $0xb8;
	[tilespmem:$0x13DC0] =	vst v63  }
0x202: {  	_ =	swait.ge [sflag:s9], $0x3840  }
0x203: {  	[sflag:s9] =	ssyncset.done $0x0  }
0x204: {  	[sflag:s9] =	ssyncadd.s32 $0xFFFFC7C0  }
0x205: {  	[spmem:s1] =	stream.indirect.scatter.add.f32 [tilespmem:s5], [sflag:$0x4], $0x90, s23, s2, $0xb8;
	[tilespmem:$0x13DC0] =	vst v63  }
0x206: {  	_ =	swait.ge [sflag:s31], $0x3840  }
0x207: {  	[sflag:s31] =	ssyncset.done $0x0  }
0x208: {  	s26 =	sadd.s32 $0x104, s26;
	[sflag:s31] =	ssyncadd.s32 $0xFFFFC7C0  }
0x209: {  	p0 =	sne.s32 s26, $0x514;
	_ =	swait.ge [sflag:s10], $0x3840  }
.Ltmp1:
0x20a: {  	[sflag:s10] =	ssyncset.done $0x0;
	(pc) =	sbr.rel @p0 .LBB2_4-.Ltmp1, $4  }
0x20b: {  	[sflag:s10] =	ssyncadd.s32 $0xFFFFC7C0  }
0x20c: {  	[spmem:s1] =	stream.indirect.scatter.add.f32 [tilespmem:s7], [sflag:$0x4], $0x90, s24, s2, $0xb8;
	[tilespmem:$0x13DC0] =	vst v63  }
0x20d: {  	_ =	swait.ge [sflag:s31], $0x3840  }
0x20e: {  	s28 =	rddreg [dreg:$0x5];
	[sflag:s31] =	ssyncset.done $0x0  }
0x20f: {  	[sflag:s31] =	ssyncadd.s32 $0xFFFFC7C0;
	p0 =	seq.s32 s25, $0x0  }
0x210: {  	s3 =	sadd.s32 @!p0 s25, s28;
	s8 =	simm.s32 @!p0 $0x0;
	s26 =	simm.s32 @!p0 $0x4  }
0x211: {  	[tilespmem:s8], [sflag:$0x4] =	stream.linear.gather @!p0 [hbm4b:s3+s8], $0x820, $0x38;
	[tilespmem:$0x13DC0] =	vst v63  }
0x212: {  	_ =	swait.ge @!p0 [sflag:s26], $0x820  }
0x213: {  	s3 =	rddreg [dreg:$0x4];
	[sflag:s26] =	ssyncset.done @!p0 $0x0  }
0x214: {  	[sflag:s26] =	ssyncadd.s32 @!p0 $0xFFFFF7E0;
	s3 =	sadd.s32 @!p0 s25, s3;
	s25 =	simm.s32 @!p0 $0x820  }
0x215: {  	[tilespmem:s25], [sflag:$0x4] =	stream.linear.gather @!p0 [hbm4b:s3+s8], $0x820, $0x38;
	[tilespmem:$0x13DC0] =	vst v63  }
0x216: {  	_ =	swait.ge @!p0 [sflag:s26], $0x820  }
0x217: {  	[sflag:s26] =	ssyncset.done @!p0 $0x0  }
0x218: {  	s3 =	simm.s32 @!p0 $0x1040;
	s25 =	simm.s32 @!p0 $0x64;
	[sflag:s26] =	ssyncadd.s32 @!p0 $0xFFFFF7E0  }
0x219: {  	[tilespmem:s3], [sflag:$0x1] =	stream.indirect.gather @!p0 [hbm4b:s4+s25], $0x90, s8, s25, $0xb8;
	[tilespmem:$0x13DC0] =	vst v63  }
0x21a: {  	s29 =	rddreg [dreg:$0x6]  }
0x21b: {  	[tilespmem:s7], [sflag:$0x2] =	stream.indirect.gather [hbm4b:s4+s2], $0x90, s29, s2, $0xb8;
	[tilespmem:$0x13DC0] =	vst v63  }
0x21c: {  	_ =	swait.ge [sflag:s9], $0x3840  }
0x21d: {  	[sflag:s9] =	ssyncset.done $0x0  }
0x21e: {  	[sflag:s9] =	ssyncadd.s32 $0xFFFFC7C0  }
0x21f: {  	[spmem:s1] =	stream.indirect.scatter.add.f32 [tilespmem:s5], [sflag:$0x4], $0x90, s0, s2, $0xb8;
	[tilespmem:$0x13DC0] =	vst v63  }
0x220: {  	_ =	swait.ge [sflag:s31], $0x3840  }
0x221: {  	[sflag:s31] =	ssyncset.done $0x0  }
0x222: {  	s26 =	rddreg [dreg:$0x7];
	[sflag:s31] =	ssyncadd.s32 $0xFFFFC7C0  }
0x223: {  	[tilespmem:s5], [sflag:$0x1] =	stream.indirect.gather [hbm4b:s4+s2], $0x90, s26, s2, $0xb8;
	[tilespmem:$0x13DC0] =	vst v63  }
0x224: {  	_ =	swait.ge [sflag:s10], $0x3840  }
0x225: {  	[sflag:s10] =	ssyncset.done $0x0  }
0x226: {  	s29 =	rddreg [dreg:$0x8];
	[sflag:s10] =	ssyncadd.s32 $0xFFFFC7C0  }
0x227: {  	[spmem:s1] =	stream.indirect.scatter.add.f32 [tilespmem:s7], [sflag:$0x4], $0x90, s29, s2, $0xb8;
	[tilespmem:$0x13DC0] =	vst v63  }
0x228: {  	_ =	swait.ge [sflag:s31], $0x3840  }
0x229: {  	[sflag:s31] =	ssyncset.done $0x0  }
0x22a: {  	s8 =	rddreg [dreg:$0x9];
	[sflag:s31] =	ssyncadd.s32 $0xFFFFC7C0  }
0x22b: {  	[tilespmem:s7], [sflag:$0x2] =	stream.indirect.gather [hbm4b:s4+s2], $0x90, s8, s2, $0xb8;
	[tilespmem:$0x13DC0] =	vst v63  }
0x22c: {  	_ =	swait.ge [sflag:s9], $0x3840  }
0x22d: {  	[sflag:s9] =	ssyncset.done $0x0  }
0x22e: {  	s25 =	rddreg [dreg:$0xa];
	[sflag:s9] =	ssyncadd.s32 $0xFFFFC7C0  }
0x22f: {  	[spmem:s1] =	stream.indirect.scatter.add.f32 [tilespmem:s5], [sflag:$0x4], $0x90, s25, s2, $0xb8;
	[tilespmem:$0x13DC0] =	vst v63  }
0x230: {  	_ =	swait.ge [sflag:s31], $0x3840  }
0x231: {  	[sflag:s31] =	ssyncset.done $0x0  }
0x232: {  	s26 =	rddreg [dreg:$0xb];
	[sflag:s31] =	ssyncadd.s32 $0xFFFFC7C0  }
0x233: {  	[tilespmem:s5], [sflag:$0x1] =	stream.indirect.gather [hbm4b:s4+s2], $0x90, s26, s2, $0xb8;
	[tilespmem:$0x13DC0] =	vst v63  }
0x234: {  	_ =	swait.ge [sflag:s10], $0x3840  }
0x235: {  	[sflag:s10] =	ssyncset.done $0x0  }
0x236: {  	s29 =	rddreg [dreg:$0xc];
	[sflag:s10] =	ssyncadd.s32 $0xFFFFC7C0  }
0x237: {  	[spmem:s1] =	stream.indirect.scatter.add.f32 [tilespmem:s7], [sflag:$0x4], $0x90, s29, s2, $0xb8;
	[tilespmem:$0x13DC0] =	vst v63  }
0x238: {  	_ =	swait.ge [sflag:s31], $0x3840  }
0x239: {  	[sflag:s31] =	ssyncset.done $0x0  }
0x23a: {  	s8 =	rddreg [dreg:$0xd];
	[sflag:s31] =	ssyncadd.s32 $0xFFFFC7C0  }
0x23b: {  	[tilespmem:s7], [sflag:$0x2] =	stream.indirect.gather [hbm4b:s4+s2], $0x90, s8, s2, $0xb8;
	[tilespmem:$0x13DC0] =	vst v63  }
0x23c: {  	_ =	swait.ge [sflag:s9], $0x3840  }
0x23d: {  	[sflag:s9] =	ssyncset.done $0x0  }
0x23e: {  	s25 =	rddreg [dreg:$0xe];
	[sflag:s9] =	ssyncadd.s32 $0xFFFFC7C0  }
0x23f: {  	[spmem:s1] =	stream.indirect.scatter.add.f32 [tilespmem:s5], [sflag:$0x4], $0x90, s25, s2, $0xb8;
	[tilespmem:$0x13DC0] =	vst v63  }
0x240: {  	_ =	swait.ge [sflag:s31], $0x3840  }
0x241: {  	[sflag:s31] =	ssyncset.done $0x0  }
0x242: {  	s26 =	rddreg [dreg:$0xf];
	[sflag:s31] =	ssyncadd.s32 $0xFFFFC7C0  }
0x243: {  	[tilespmem:s5], [sflag:$0x1] =	stream.indirect.gather [hbm4b:s4+s2], $0x90, s26, s2, $0xb8;
	[tilespmem:$0x13DC0] =	vst v63  }
0x244: {  	_ =	swait.ge [sflag:s10], $0x3840  }
0x245: {  	[sflag:s10] =	ssyncset.done $0x0  }
0x246: {  	s29 =	rddreg [dreg:$0x10];
	[sflag:s10] =	ssyncadd.s32 $0xFFFFC7C0  }
0x247: {  	[spmem:s1] =	stream.indirect.scatter.add.f32 [tilespmem:s7], [sflag:$0x4], $0x90, s29, s2, $0xb8;
	[tilespmem:$0x13DC0] =	vst v63  }
0x248: {  	_ =	swait.ge [sflag:s31], $0x3840  }
0x249: {  	[sflag:s31] =	ssyncset.done $0x0  }
0x24a: {  	s8 =	rddreg [dreg:$0x11];
	[sflag:s31] =	ssyncadd.s32 $0xFFFFC7C0  }
0x24b: {  	[tilespmem:s7], [sflag:$0x2] =	stream.indirect.gather [hbm4b:s4+s2], $0x90, s8, s2, $0xb8;
	[tilespmem:$0x13DC0] =	vst v63  }
0x24c: {  	_ =	swait.ge [sflag:s9], $0x3840  }
0x24d: {  	[sflag:s9] =	ssyncset.done $0x0  }
0x24e: {  	s25 =	rddreg [dreg:$0x12];
	[sflag:s9] =	ssyncadd.s32 $0xFFFFC7C0  }
0x24f: {  	[spmem:s1] =	stream.indirect.scatter.add.f32 [tilespmem:s5], [sflag:$0x4], $0x90, s25, s2, $0xb8;
	[tilespmem:$0x13DC0] =	vst v63  }
0x250: {  	_ =	swait.ge [sflag:s31], $0x3840  }
0x251: {  	[sflag:s31] =	ssyncset.done $0x0  }
0x252: {  	s26 =	rddreg [dreg:$0x13];
	[sflag:s31] =	ssyncadd.s32 $0xFFFFC7C0  }
0x253: {  	[tilespmem:s5], [sflag:$0x1] =	stream.indirect.gather [hbm4b:s4+s2], $0x90, s26, s2, $0xb8;
	[tilespmem:$0x13DC0] =	vst v63  }
0x254: {  	_ =	swait.ge [sflag:s10], $0x3840  }
0x255: {  	[sflag:s10] =	ssyncset.done $0x0  }
0x256: {  	s29 =	rddreg [dreg:$0x14];
	[sflag:s10] =	ssyncadd.s32 $0xFFFFC7C0  }
0x257: {  	[spmem:s1] =	stream.indirect.scatter.add.f32 [tilespmem:s7], [sflag:$0x4], $0x90, s29, s2, $0xb8;
	[tilespmem:$0x13DC0] =	vst v63  }
0x258: {  	_ =	swait.ge [sflag:s31], $0x3840  }
0x259: {  	[sflag:s31] =	ssyncset.done $0x0  }
0x25a: {  	s8 =	rddreg [dreg:$0x15];
	[sflag:s31] =	ssyncadd.s32 $0xFFFFC7C0  }
0x25b: {  	[tilespmem:s7], [sflag:$0x2] =	stream.indirect.gather [hbm4b:s4+s2], $0x90, s8, s2, $0xb8;
	[tilespmem:$0x13DC0] =	vst v63  }
0x25c: {  	_ =	swait.ge [sflag:s9], $0x3840  }
0x25d: {  	[sflag:s9] =	ssyncset.done $0x0  }
0x25e: {  	s25 =	rddreg [dreg:$0x16];
	[sflag:s9] =	ssyncadd.s32 $0xFFFFC7C0  }
0x25f: {  	[spmem:s1] =	stream.indirect.scatter.add.f32 [tilespmem:s5], [sflag:$0x4], $0x90, s25, s2, $0xb8;
	[tilespmem:$0x13DC0] =	vst v63  }
0x260: {  	_ =	swait.ge [sflag:s31], $0x3840  }
0x261: {  	[sflag:s31] =	ssyncset.done $0x0  }
0x262: {  	s26 =	rddreg [dreg:$0x17];
	[sflag:s31] =	ssyncadd.s32 $0xFFFFC7C0  }
0x263: {  	[tilespmem:s5], [sflag:$0x1] =	stream.indirect.gather [hbm4b:s4+s2], $0x90, s26, s2, $0xb8;
	[tilespmem:$0x13DC0] =	vst v63  }
0x264: {  	_ =	swait.ge [sflag:s10], $0x3840  }
0x265: {  	[sflag:s10] =	ssyncset.done $0x0  }
0x266: {  	s29 =	rddreg [dreg:$0x18];
	[sflag:s10] =	ssyncadd.s32 $0xFFFFC7C0  }
0x267: {  	[spmem:s1] =	stream.indirect.scatter.add.f32 [tilespmem:s7], [sflag:$0x4], $0x90, s29, s2, $0xb8;
	[tilespmem:$0x13DC0] =	vst v63  }
0x268: {  	_ =	swait.ge [sflag:s31], $0x3840  }
0x269: {  	[sflag:s31] =	ssyncset.done $0x0  }
0x26a: {  	s8 =	rddreg [dreg:$0x19];
	[sflag:s31] =	ssyncadd.s32 $0xFFFFC7C0  }
0x26b: {  	[tilespmem:s7], [sflag:$0x2] =	stream.indirect.gather [hbm4b:s4+s2], $0x90, s8, s2, $0xb8;
	[tilespmem:$0x13DC0] =	vst v63  }
0x26c: {  	_ =	swait.ge [sflag:s9], $0x3840  }
0x26d: {  	[sflag:s9] =	ssyncset.done $0x0  }
0x26e: {  	s25 =	rddreg [dreg:$0x1a];
	[sflag:s9] =	ssyncadd.s32 $0xFFFFC7C0  }
0x26f: {  	[spmem:s1] =	stream.indirect.scatter.add.f32 [tilespmem:s5], [sflag:$0x4], $0x90, s25, s2, $0xb8;
	[tilespmem:$0x13DC0] =	vst v63  }
0x270: {  	_ =	swait.ge [sflag:s31], $0x3840  }
0x271: {  	[sflag:s31] =	ssyncset.done $0x0  }
0x272: {  	s26 =	rddreg [dreg:$0x1b];
	[sflag:s31] =	ssyncadd.s32 $0xFFFFC7C0  }
0x273: {  	[tilespmem:s5], [sflag:$0x1] =	stream.indirect.gather [hbm4b:s4+s2], $0x90, s26, s2, $0xb8;
	[tilespmem:$0x13DC0] =	vst v63  }
0x274: {  	_ =	swait.ge [sflag:s10], $0x3840  }
0x275: {  	[sflag:s10] =	ssyncset.done $0x0  }
0x276: {  	s29 =	rddreg [dreg:$0x1c];
	[sflag:s10] =	ssyncadd.s32 $0xFFFFC7C0  }
0x277: {  	[spmem:s1] =	stream.indirect.scatter.add.f32 [tilespmem:s7], [sflag:$0x4], $0x90, s29, s2, $0xb8;
	[tilespmem:$0x13DC0] =	vst v63  }
0x278: {  	_ =	swait.ge [sflag:s31], $0x3840  }
0x279: {  	[sflag:s31] =	ssyncset.done $0x0  }
0x27a: {  	s8 =	rddreg [dreg:$0x1d];
	[sflag:s31] =	ssyncadd.s32 $0xFFFFC7C0  }
0x27b: {  	[tilespmem:s7], [sflag:$0x2] =	stream.indirect.gather [hbm4b:s4+s2], $0x90, s8, s2, $0xb8;
	[tilespmem:$0x13DC0] =	vst v63  }
0x27c: {  	_ =	swait.ge [sflag:s9], $0x3840  }
0x27d: {  	[sflag:s9] =	ssyncset.done $0x0  }
0x27e: {  	[sflag:s9] =	ssyncadd.s32 $0xFFFFC7C0  }
0x27f: {  	[spmem:s1] =	stream.indirect.scatter.add.f32 [tilespmem:s5], [sflag:$0x4], $0x90, s11, s2, $0xb8;
	[tilespmem:$0x13DC0] =	vst v63  }
0x280: {  	_ =	swait.ge [sflag:s31], $0x3840  }
0x281: {  	[sflag:s31] =	ssyncset.done $0x0  }
0x282: {  	[sflag:s31] =	ssyncadd.s32 $0xFFFFC7C0  }
0x283: {  	[tilespmem:s5], [sflag:$0x1] =	stream.indirect.gather [hbm4b:s4+s2], $0x90, s12, s2, $0xb8;
	[tilespmem:$0x13DC0] =	vst v63  }
0x284: {  	_ =	swait.ge [sflag:s10], $0x3840  }
0x285: {  	[sflag:s10] =	ssyncset.done $0x0  }
0x286: {  	[sflag:s10] =	ssyncadd.s32 $0xFFFFC7C0  }
0x287: {  	[spmem:s1] =	stream.indirect.scatter.add.f32 [tilespmem:s7], [sflag:$0x4], $0x90, s13, s2, $0xb8;
	[tilespmem:$0x13DC0] =	vst v63  }
0x288: {  	_ =	swait.ge [sflag:s31], $0x3840  }
0x289: {  	[sflag:s31] =	ssyncset.done $0x0  }
0x28a: {  	[sflag:s31] =	ssyncadd.s32 $0xFFFFC7C0  }
0x28b: {  	[tilespmem:s7], [sflag:$0x2] =	stream.indirect.gather [hbm4b:s4+s2], $0x90, s14, s2, $0xb8;
	[tilespmem:$0x13DC0] =	vst v63  }
0x28c: {  	_ =	swait.ge [sflag:s9], $0x3840  }
0x28d: {  	[sflag:s9] =	ssyncset.done $0x0  }
0x28e: {  	[sflag:s9] =	ssyncadd.s32 $0xFFFFC7C0  }
0x28f: {  	[spmem:s1] =	stream.indirect.scatter.add.f32 [tilespmem:s5], [sflag:$0x4], $0x90, s15, s2, $0xb8;
	[tilespmem:$0x13DC0] =	vst v63  }
0x290: {  	_ =	swait.ge [sflag:s31], $0x3840  }
0x291: {  	[sflag:s31] =	ssyncset.done $0x0  }
0x292: {  	[sflag:s31] =	ssyncadd.s32 $0xFFFFC7C0  }
0x293: {  	[tilespmem:s5], [sflag:$0x1] =	stream.indirect.gather [hbm4b:s4+s2], $0x90, s16, s2, $0xb8;
	[tilespmem:$0x13DC0] =	vst v63  }
0x294: {  	_ =	swait.ge [sflag:s10], $0x3840  }
0x295: {  	[sflag:s10] =	ssyncset.done $0x0  }
0x296: {  	[sflag:s10] =	ssyncadd.s32 $0xFFFFC7C0  }
0x297: {  	[spmem:s1] =	stream.indirect.scatter.add.f32 [tilespmem:s7], [sflag:$0x4], $0x90, s17, s2, $0xb8;
	[tilespmem:$0x13DC0] =	vst v63  }
0x298: {  	_ =	swait.ge [sflag:s31], $0x3840  }
0x299: {  	[sflag:s31] =	ssyncset.done $0x0  }
0x29a: {  	[sflag:s31] =	ssyncadd.s32 $0xFFFFC7C0  }
0x29b: {  	[tilespmem:s7], [sflag:$0x2] =	stream.indirect.gather [hbm4b:s4+s2], $0x90, s18, s2, $0xb8;
	[tilespmem:$0x13DC0] =	vst v63  }
0x29c: {  	_ =	swait.ge [sflag:s9], $0x3840  }
0x29d: {  	[sflag:s9] =	ssyncset.done $0x0  }
0x29e: {  	[sflag:s9] =	ssyncadd.s32 $0xFFFFC7C0  }
0x29f: {  	[spmem:s1] =	stream.indirect.scatter.add.f32 [tilespmem:s5], [sflag:$0x4], $0x90, s19, s2, $0xb8;
	[tilespmem:$0x13DC0] =	vst v63  }
0x2a0: {  	_ =	swait.ge [sflag:s31], $0x3840  }
0x2a1: {  	[sflag:s31] =	ssyncset.done $0x0  }
0x2a2: {  	[sflag:s31] =	ssyncadd.s32 $0xFFFFC7C0  }
0x2a3: {  	[tilespmem:s5], [sflag:$0x1] =	stream.indirect.gather [hbm4b:s4+s2], $0x90, s20, s2, $0xb8;
	[tilespmem:$0x13DC0] =	vst v63  }
0x2a4: {  	_ =	swait.ge [sflag:s10], $0x3840  }
0x2a5: {  	[sflag:s10] =	ssyncset.done $0x0  }
0x2a6: {  	[sflag:s10] =	ssyncadd.s32 $0xFFFFC7C0  }
0x2a7: {  	[spmem:s1] =	stream.indirect.scatter.add.f32 [tilespmem:s7], [sflag:$0x4], $0x90, s21, s2, $0xb8;
	[tilespmem:$0x13DC0] =	vst v63  }
0x2a8: {  	_ =	swait.ge [sflag:s31], $0x3840  }
0x2a9: {  	[sflag:s31] =	ssyncset.done $0x0  }
0x2aa: {  	[sflag:s31] =	ssyncadd.s32 $0xFFFFC7C0  }
0x2ab: {  	[tilespmem:s7], [sflag:$0x2] =	stream.indirect.gather [hbm4b:s4+s2], $0x90, s22, s2, $0xb8;
	[tilespmem:$0x13DC0] =	vst v63  }
0x2ac: {  	_ =	swait.ge [sflag:s9], $0x3840  }
0x2ad: {  	[sflag:s9] =	ssyncset.done $0x0  }
0x2ae: {  	[sflag:s9] =	ssyncadd.s32 $0xFFFFC7C0  }
0x2af: {  	[spmem:s1] =	stream.indirect.scatter.add.f32 [tilespmem:s5], [sflag:$0x4], $0x90, s23, s2, $0xb8;
	[tilespmem:$0x13DC0] =	vst v63  }
0x2b0: {  	_ =	swait.ge [sflag:s31], $0x3840  }
0x2b1: {  	[sflag:s31] =	ssyncset.done $0x0  }
0x2b2: {  	[sflag:s31] =	ssyncadd.s32 $0xFFFFC7C0  }
0x2b3: {  	_ =	swait.ge [sflag:s10], $0x3840  }
0x2b4: {  	[sflag:s10] =	ssyncset.done $0x0  }
0x2b5: {  	[sflag:s10] =	ssyncadd.s32 $0xFFFFC7C0  }
0x2b6: {  	[spmem:s1] =	stream.indirect.scatter.add.f32 [tilespmem:s7], [sflag:$0x4], $0x90, s24, s2, $0xb8;
	[tilespmem:$0x13DC0] =	vst v63  }
0x2b7: {  	_ =	swait.ge [sflag:s31], $0x3840  }
0x2b8: {  	[sflag:s31] =	ssyncset.done $0x0  }
0x2b9: {  	[sflag:s31] =	ssyncadd.s32 $0xFFFFC7C0  }
0x2ba: {  	[bflag:$0x0] =	sbarrier.arrive $0xFFFF  }
0x2bb: {  	s28 =	sld [smem:$0x7FD]  }
0x2bc: {  	s25 =	stileid.u32;
	s29 =	sld [smem:$0x7E8]  }
0x2bd: {  	s3 =	sshll.u32 s25, $0x6  }
0x2be: {  	s3 =	sor.u32 $0x1C04, s3;
	s26 =	sshrl.u32 s28, $0x3  }
0x2bf: {  	[hbm:s29], [sflag:s3] =	dma.local [spmem:s26], $0x1680  }
0x2c0: {  	_ =	swait.ge [sflag:s31], $0x1680  }
0x2c1: {  	s29 =	sld [smem:$0x7E9]  }
0x2c2: {  	s26 =	rddreg [dreg:$0x1e]  }
0x2c3: {  	s25 =	sadd.s32 $0x1, s26  }
0x2c4: {  	p0 =	sne.s32 s25, s29  }
.Ltmp2:
0x2c5: {  	_ = 	snop;
	(pc) =	sbr.rel @p0 .LBB2_1-.Ltmp2, $3  }
0x2c6: {  	_ =	sdelay $0x1  }
0x2c7: {  	[sflag:s31] =	ssyncset.done $0x0  }
0x2c8: {  	[sflag:s31] =	ssyncadd.s32 $0xFFFFE980  }
0x2c9: {  	_ =	sfence.sel $0x180000  }
0x2ca: {  	[bflag:$0x0] =	sbarrier.arrive $0xFFFF  }
0x2cb: {  	_ =	strace $0x90000047  }
0x2cc: {  	s0 =	stileid.u32;
	[bflag:$0x2] =	sbarrier.arrive $0xFFFF  }
0x2cd: {  	p0 =	sne.s32 s0, $0x0;
	s0 =	rddreg [dreg:$0x3]  }
0x2ce: {  	s0 =	sadd.s32 @!p0 $0x100000, s0  }
0x2cf: {  	[sflag:s0] =	ssyncadd.tile.s32 @!p0 $0x1;
	_ =	shalt  }
.Lfunc_end2:
_tile_overlayer_lowered:
.L_overlay_start_2:
0x2d0: {  	(tag) =	ssettag $0x2  }
0x2d1: {  	s0 =	rddreg [dreg:$0x0];
	s2 =	stileid.u32  }
0x2d2: {  	s1 =	rddreg [dreg:$0x1];
	p0 =	sne.s32 s2, $0x0  }
0x2d3: {  	s3 =	rddreg [dreg:$0x2];
	[bflag:$0x3] =	sbarrier.arrive $0xFFFF;
	s2 =	simm.s32 @!p0 $0x1C04  }
0x2d4: {  	[timem:s3], [sflag:s2] =	dma.local @!p0 [hbm:s0], s1  }
0x2d5: {  	s0 =	simm.s32 @!p0 $0x4  }
0x2d6: {  	_ =	swait.ge @!p0 [sflag:s0], s1  }
0x2d7: {  	s1 =	ssub.s32 @!p0 $0x0, s1;
	[sflag:s0] =	ssyncset.done @!p0 $0x0  }
0x2d8: {  	[sflag:s0] =	ssyncadd.s32 @!p0 s1  }
0x2d9: {  	[bflag:$0x3] =	sbarrier.arrive $0xFFFF  }
0x2da: {  	_ =	shalt  }

// kernel: kernel.14.cloned.1.call-start
scs
__scs_entry_jumppad:
0x0: {  	(pc) =	sbr.rel $0x88, $3  }
0x1: {  	(tag) =	ssettag $0x0;
	lr =	simm.s32 $0x1  }
0x2: {  	[smem:$0x3F98] =	sst lr;
	_ =	strace $0xD0000000  }
0x3: {  	_ = 	snop  }
0x4: {  	_ = 	snop  }
0x5: {  	_ = 	snop  }
0x6: {  	_ = 	snop  }
0x7: {  	_ = 	snop  }
__scs_overlays_trampoline_lowered:
0x8: {  	[smem:$0x3FA7] =	sst s0  }
0x9: {  	[smem:$0x3FA8] =	sst s1  }
0xa: {  	[smem:$0x3FA9] =	sst s2  }
0xb: {  	[smem:$0x3FAA] =	sst s3  }
0xc: {  	[smem:$0x3FAB] =	sst s4  }
0xd: {  	[smem:$0x3FAC] =	sst s5  }
0xe: {  	[smem:$0x3FAD] =	sst s6  }
0xf: {  	[smem:$0x3FAE] =	sst s7  }
0x10: {  	[smem:$0x3FAF] =	sst s8  }
0x11: {  	[smem:$0x3FB0] =	sst s9;
	s0 =	simm.s32 @!p0 $0x0  }
0x12: {  	s1 =	sld [smem:$0x3F96];
	s0 =	simm.s32 @p0 $0x1  }
0x13: {  	[smem:$0x3FB1] =	sst s0;
	s0 =	simm.s32 @!p1 $0x0  }
0x14: {  	s2 =	sld [smem:$0x3F95];
	s0 =	simm.s32 @p1 $0x1  }
0x15: {  	[smem:$0x3FB2] =	sst s0;
	s0 =	simm.s32 @!p2 $0x0  }
0x16: {  	s3 =	sld [smem:$0x3FDB];
	s0 =	simm.s32 @p2 $0x1  }
0x17: {  	s4 =	simm.s32 $0x1BF5;
	[smem:$0x3FB4] =	sst s0  }
0x18: {  	s0 =	sld [smem:$0x3F97];
	_ =	swait.ge [sflag:s4], $0x0  }
0x19: {  	s7 =	sld [smem:$0x3F98]  }
0x1a: {  	s8 =	sadd.s32 $0xFFFFE003, lr  }
0x1b: {  	s9 =	sadd.s32 $0xFFFFFEF7, lr;
	s5 =	simm.s32 $0xFFFFFFFF;
	p2 =	slt.u32 s8, $0xFFFFF086  }
0x1c: {  	p1 =	slt.u32 s9, $0xF7A;
	s5 =	simm.s32 @!p2 $0x0  }
0x1d: {  	s5 =	simm.s32 @p1 $0x1;
	p0 =	seq.s32 s7, s2  }
0x1e: {  	s7 =	smul.u32 @!p0 $0xF7A, s2;
	p2 =	seq.s32 @!p0 s5, $0x0  }
0x1f: {  	s9 =	smul.u32 $0xF7A, s1;
	s8 =	simm.s32 @!p0 $0x1BF5;
	p2 =	por !p2, p0  }
0x20: {  	[sflag:s8] =	ssyncset.s32 @!p0 $0xFFFFF086;
	s6 =	sadd.s32 @!p0 s3, s7;
	s7 =	simm.s32 @!p0 $0x108  }
0x21: {  	s3 =	sadd.s32 s3, s9;
	s6 =	sadd.s32 @!p0 $0x88, s6;
	s7 =	simm.s32 @p2 $0x1082  }
0x22: {  	[simem:s7], [sflag:s8] =	dma.local @!p0 [hbm:s6], $0xF7A  }
0x23: {  	s9 =	sor.u32 $0xD0000000, s2;
	s6 =	simm.s32 $0x108;
	_ =	swait.ge @!p0 [sflag:s8], $0x0  }
0x24: {  	s3 =	sadd.s32 $0x88, s3;
	s6 =	simm.s32 @!p1 $0x1082;
	[sflag:s4] =	ssyncset.s32 $0xFFFFF086  }
0x25: {  	[simem:s6], [sflag:s4] =	dma.local [hbm:s3], $0xF7A  }
0x26: {  	[smem:$0x3F98] =	sst s1;
	(tag) =	ssettag s2;
	_ =	strace s9  }
0x27: {  	s1 =	sld [smem:$0x3FA8]  }
0x28: {  	s2 =	sld [smem:$0x3FA9]  }
0x29: {  	s4 =	sld [smem:$0x3FAB]  }
0x2a: {  	p0 =	seq.s32 s5, $0x0;
	s5 =	sld [smem:$0x3FAC]  }
0x2b: {  	s6 =	sld [smem:$0x3FAD]  }
0x2c: {  	s7 =	sld [smem:$0x3FAE]  }
0x2d: {  	s3 =	simm.s32 $0x108;
	s8 =	sld [smem:$0x3FAF]  }
0x2e: {  	s3 =	simm.s32 @!p0 $0x1082;
	s9 =	sld [smem:$0x3FB0]  }
0x2f: {  	lr =	sadd.s32 s0, s3;
	s0 =	sld [smem:$0x3FA7]  }
0x30: {  	s3 =	sld [smem:$0x3FAA]  }
0x31: {  	[smem:$0x3FB3] =	sst s10  }
0x32: {  	s10 =	sld [smem:$0x3FB1];
	_ =	sdelay $0x3  }
0x33: {  	p0 =	seq.s32 s10, $0x1;
	s10 =	sld [smem:$0x3FB3];
	_ =	sdelay $0x3  }
0x34: {  	[smem:$0x3FB3] =	sst s10  }
0x35: {  	s10 =	sld [smem:$0x3FB2];
	_ =	sdelay $0x3  }
0x36: {  	p1 =	seq.s32 s10, $0x1;
	s10 =	sld [smem:$0x3FB3];
	_ =	sdelay $0x3  }
0x37: {  	[smem:$0x3FB3] =	sst s10  }
0x38: {  	s10 =	sld [smem:$0x3FB4]  }
0x39: {  	_ = 	snop;
	(pc) =	sbr.ind lr, $3  }
0x3a: {  	_ = 	snop  }
0x3b: {  	_ = 	snop  }
0x3c: {  	p2 =	seq.s32 s10, $0x1;
	s10 =	sld [smem:$0x3FB3]  }
0x3d: {  	_ =	shalt  }
0x3e: {  	_ =	shalt  }
0x3f: {  	_ =	shalt  }
0x40: {  	_ =	shalt  }
0x41: {  	_ =	shalt  }
0x42: {  	_ =	shalt  }
0x43: {  	_ =	shalt  }
0x44: {  	_ =	shalt  }
0x45: {  	_ =	shalt  }
0x46: {  	_ =	shalt  }
0x47: {  	_ =	shalt  }
0x48: {  	_ =	shalt  }
0x49: {  	_ =	shalt  }
0x4a: {  	_ =	shalt  }
0x4b: {  	_ =	shalt  }
0x4c: {  	_ =	shalt  }
0x4d: {  	_ =	shalt  }
0x4e: {  	_ =	shalt  }
0x4f: {  	_ =	shalt  }
0x50: {  	_ =	shalt  }
0x51: {  	_ =	shalt  }
0x52: {  	_ =	shalt  }
0x53: {  	_ =	shalt  }
0x54: {  	_ =	shalt  }
0x55: {  	_ =	shalt  }
0x56: {  	_ =	shalt  }
0x57: {  	_ =	shalt  }
0x58: {  	_ =	shalt  }
0x59: {  	_ =	shalt  }
0x5a: {  	_ =	shalt  }
0x5b: {  	_ =	shalt  }
0x5c: {  	_ =	shalt  }
0x5d: {  	_ =	shalt  }
0x5e: {  	_ =	shalt  }
0x5f: {  	_ =	shalt  }
0x60: {  	_ =	shalt  }
0x61: {  	_ =	shalt  }
0x62: {  	_ =	shalt  }
0x63: {  	_ =	shalt  }
0x64: {  	_ =	shalt  }
0x65: {  	_ =	shalt  }
0x66: {  	_ =	shalt  }
0x67: {  	_ =	shalt  }
0x68: {  	_ =	shalt  }
0x69: {  	_ =	shalt  }
0x6a: {  	_ =	shalt  }
0x6b: {  	_ =	shalt  }
0x6c: {  	_ =	shalt  }
0x6d: {  	_ =	shalt  }
0x6e: {  	_ =	shalt  }
0x6f: {  	_ =	shalt  }
0x70: {  	_ =	shalt  }
0x71: {  	_ =	shalt  }
0x72: {  	_ =	shalt  }
0x73: {  	_ =	shalt  }
0x74: {  	_ =	shalt  }
0x75: {  	_ =	shalt  }
0x76: {  	_ =	shalt  }
0x77: {  	_ =	shalt  }
0x78: {  	_ =	shalt  }
0x79: {  	_ =	shalt  }
0x7a: {  	_ =	shalt  }
0x7b: {  	_ =	shalt  }
0x7c: {  	_ =	shalt  }
0x7d: {  	_ =	shalt  }
0x7e: {  	_ =	shalt  }
0x7f: {  	_ =	shalt  }
0x80: {  	_ =	shalt  }
0x81: {  	_ =	shalt  }
0x82: {  	_ =	shalt  }
0x83: {  	_ =	shalt  }
0x84: {  	_ =	shalt  }
0x85: {  	_ =	shalt  }
0x86: {  	_ =	shalt  }
0x87: {  	_ =	shalt  }
.Lfunc_end0:
.L_simem_size_0:
called_computation.1_lowered:
.L_overlay_start_0:
0x88: {  	s2 =	sld [smem:$0x3FD9]  }
0x89: {  	s3 =	sld [smem:$0x3FFE];
	_ =	sdelay $0x1  }
0x8a: {  	s1 =	srdreg.scid  }
0x8b: {  	s0 =	sand.u32 $0x1, s1  }
0x8c: {  	s17 =	sshll.u32 s0, $0xA;
	s2 =	sadd.s32 s3, s2  }
0x8d: {  	s2 =	sadd.s32 s2, s17  }
0x8e: {  	[smem:$0x3FBF] =	sst s2  }
0x8f: {  	_ = 	snop  }
0x90: {  	s2 =	sld [smem:$0x3FD0];
	(tm) =	ssettm $0x1  }
0x91: {  	s18 =	sld [smem:$0x3FFB];
	_ =	sdelay $0x3  }
0x92: {  	_ =	strace s18  }
0x93: {  	s3 =	sld [smem:$0x3FFC];
	_ =	sdelay $0x3  }
0x94: {  	_ =	strace s3  }
0x95: {  	s3 =	sld [smem:$0x3FFD];
	_ =	sdelay $0x3  }
0x96: {  	_ =	strace s3  }
0x97: {  	_ =	strace $0x8FFFFFFF  }
0x98: {  	s19 =	sld [smem:$0x3FDB];
	_ =	sdelay $0x1  }
0x99: {  	s4 =	simm.s32 $_scs_section_size  }
0x9a: {  	s5 =	simm.s32 $_size__tile_overlayer_lowered;
	s6 =	simm.s32 $_tile_overlayer_lowered  }
0x9b: {  	s22 =	simm.s32 $0x1BFF;
	s21 =	sshll.u32 s6, $0x1;
	s3 =	sadd.s32 s4, s19  }
0x9c: {  	s7 =	simm.s32 $0x0;
	s20 =	sshll.u32 s5, $0x1;
	s5 =	sadd.s32 s21, s3  }
0x9d: {  	[timem:s7], [sflag:s22] =	dma.local [hbm:s5], s20  }
0x9e: {  	_ =	swait.ge [sflag:s22], s20  }
0x9f: {  	s4 =	ssub.s32 $0x0, s20;
	[sflag:s22] =	ssyncset.done $0x0  }
0xa0: {  	[sflag:s22] =	ssyncadd.s32 s4;
	_ =	sdelay $0x1  }
0xa1: {  	s23 =	simm.s32 $0x1B8B  }
0xa2: {  	_ =	swait.ge [sflag:s23], $0x1  }
0xa3: {  	[sflag:s23] =	ssyncset.done $0x0  }
0xa4: {  	s25 =	simm.s32 $0x1B8E;
	s24 =	sld [smem:$0x3FFE];
	[sflag:s23] =	ssyncadd.s32 $0xFFFFFFFF  }
0xa5: {  	s26 =	simm.s32 $execute0_lowered;
	[smem:$0x3FD2] =	sst s25  }
0xa6: {  	s5 =	sshll.u32 s26, $0x1;
	_ =	strace $0x80000049;
	[dreg:$0x1] =	wrdreg $0xFFFFFFFF  }
0xa7: {  	s28 =	simm.s32 $_size_execute0_lowered;
	s3 =	sadd.s32 s3, s5;
	[dreg:$0x0] =	wrdreg $0x0  }
0xa8: {  	s5 =	sshll.u32 s28, $0x1;
	[dreg:$0x2] =	wrdreg s3  }
0xa9: {  	[dreg:$0x3] =	wrdreg s5  }
0xaa: {  	[dreg:$0x4] =	wrdreg $0xC0  }
0xab: {  	_ =	task [dreg:s7], $0x5FFFF  }
0xac: {  	[dreg:$0x1] =	wrdreg $0xFFFFFFFF  }
0xad: {  	[dreg:$0x0] =	wrdreg $0x60  }
0xae: {  	[dreg:$0x2] =	wrdreg s24  }
0xaf: {  	[dreg:$0x3] =	wrdreg s2  }
0xb0: {  	[dreg:$0x4] =	wrdreg $0x89C00  }
0xb1: {  	[dreg:$0x5] =	wrdreg $0x9  }
0xb2: {  	_ =	task.clear_ibuf [dreg:s7], $0x6FFFF;
	_ =	strace $0x90000049  }
0xb3: {  	s29 =	simm.s32 $0x9;
	_ =	strace $0x8000004B  }
0xb4: {  	_ =	swait.ge [sflag:s29], $0x1  }
0xb5: {  	[sflag:s29] =	ssyncadd.s32 $0xFFFFFFFF  }
0xb6: {  	_ =	strace $0x9000004B  }
0xb7: {  	_ =	sfence  }
0xb8: {  	s30 =	sld [smem:$0x0];
	_ =	sdelay $0x2  }
0xb9: {  	s31 =	sshll.u32 s1, $0xD;
	s1 =	sshrl.u32 s1, $0x2  }
0xba: {  	s3 =	sand.u32 $0x4000, s31;
	s1 =	sadd.s32 s1, s30  }
0xbb: {  	s0 =	sor.u32 s3, s0;
	s1 =	sshll.u32 s1, $0x11  }
0xbc: {  	s0 =	sor.u32 s1, s0  }
0xbd: {  	s0 =	sadd.s32 $0x8F2B, s0  }
0xbe: {  	[sflag:s0] =	ssyncadd.remote.s32 $0x1  }
0xbf: {  	_ =	sfence.sel $0xFFFF  }
0xc0: {  	[dreg:$0x0] =	wrdreg $0xFFFFFFFF;
	(pc) =	sbr.abs _section_cstart, $3  }
0xc1: {  	[dreg:$0x1] =	wrdreg $0xFFFFFFFF  }
0xc2: {  	_ =	task.clear_ibuf [dreg:s7], $0x2FFFF;
	_ =	strace $0x9FFFFFFF  }
0xc3: {  	(tm) =	ssettm $0x7FFFFFFF  }
tec
execute0_lowered:
.L_overlay_start_1:
0x0: {  	(tag) =	ssettag $0x1  }
0x1: {  	s0 =	rddreg [dreg:$0x0]  }
0x2: {  	s5 =	rddreg [dreg:$0x1]  }
0x3: {  	s1 =	srdreg.scid;
	s2 =	rddreg [dreg:$0x2];
	s7 =	simm.s32 $0x0  }
0x4: {  	s3 =	stileid.u32;
	s16 =	simm.s32 $0x68;
	[smem:$0x7FF] =	sst s7  }
0x5: {  	s17 =	simm.s32 $0xD0;
	_ =	strace $0x8000004A;
	[dreg:$0x6] =	wrdreg s16  }
0x6: {  	s18 =	simm.s32 $0x888;
	s20 =	simm.s32 $0x138;
	[dreg:$0x7] =	wrdreg s17  }
0x7: {  	s22 =	simm.s32 $0x8F0;
	s23 =	simm.s32 $0x1A0;
	[dreg:$0x8] =	wrdreg s18  }
0x8: {  	s24 =	simm.s32 $0x958;
	s25 =	simm.s32 $0x208;
	[dreg:$0x9] =	wrdreg s20  }
0x9: {  	s26 =	simm.s32 $0x9C0;
	s10 =	simm.s32 $0xA28;
	[dreg:$0xa] =	wrdreg s22  }
0xa: {  	s11 =	simm.s32 $0x2D8;
	s28 =	simm.s32 $0xEA0;
	[dreg:$0xb] =	wrdreg s23  }
0xb: {  	s29 =	simm.s32 $0x750;
	s30 =	simm.s32 $0xF08;
	[dreg:$0xc] =	wrdreg s24  }
0xc: {  	s31 =	simm.s32 $0x7B8;
	s6 =	smul.u32 $0x28A0, s3;
	[dreg:$0xd] =	wrdreg s25  }
0xd: {  	s1 =	sand.u32 $0x1, s1;
	s9 =	smul.u32 $0x2D00, s3;
	[dreg:$0xe] =	wrdreg s26  }
0xe: {  	s13 =	sadd.s32 $0x2C00, s0;
	s12 =	smul.u32 $0x5A000, s3;
	[dreg:$0x10] =	wrdreg s10  }
0xf: {  	s4 =	smul.u32 $0x28A00, s1;
	[dreg:$0x11] =	wrdreg s11;
	s16 =	simm.s32 $0xAF8  }
0x10: {  	s14 =	smul.u32 $0x2D000, s1;
	s17 =	simm.s32 $0x3A8;
	[dreg:$0x14] =	wrdreg s16  }
0x11: {  	s19 =	ssub.s32 $0x2, s1;
	s20 =	simm.s32 $0x410;
	[dreg:$0x15] =	wrdreg s17  }
0x12: {  	s1 =	sshll.u32 s1, $0x4;
	s22 =	simm.s32 $0x478;
	[dreg:$0x17] =	wrdreg s20  }
0x13: {  	s11 =	simm.s32 $0x4;
	s23 =	simm.s32 $0xC30;
	[dreg:$0x19] =	wrdreg s22  }
0x14: {  	s24 =	simm.s32 $0x4E0;
	s25 =	simm.s32 $0xC98;
	[dreg:$0x1a] =	wrdreg s23  }
0x15: {  	s26 =	simm.s32 $0x548;
	s21 =	sshrl.u32 s19, $0x1;
	[dreg:$0x1b] =	wrdreg s24  }
0x16: {  	s1 =	sor.u32 s3, s1;
	s3 =	simm.s32 $0x80C0;
	[dreg:$0x1c] =	wrdreg s25  }
0x17: {  	s16 =	simm.s32 $0x4880;
	s17 =	simm.s32 $0x1;
	[dreg:$0x1d] =	wrdreg s26  }
0x18: {  	s20 =	simm.s32 $0x5B0;
	s22 =	simm.s32 $0x618;
	s23 =	simm.s32 $0xDD0  }
0x19: {  	s24 =	simm.s32 $0x680;
	s25 =	simm.s32 $0xE38;
	s26 =	simm.s32 $0x6E8  }
0x1a: {  	s4 =	sadd.s32 s6, s4;
	s7 =	sadd.s32 s9, s14;
	s14 =	simm.s32 $0x340  }
0x1b: {  	s9 =	ssub.s32 s19, s21;
	s19 =	simm.s32 $0xB60;
	[dreg:$0x13] =	wrdreg s14  }
0x1c: {  	s1 =	smul.u32 $0x28A0, s1;
	s21 =	simm.s32 $0xBC8;
	[dreg:$0x16] =	wrdreg s19  }
0x1d: {  	s4 =	sshrl.u32 s4, $0x3;
	s18 =	smax.u32 s9, $0x1;
	[dreg:$0x18] =	wrdreg s21  }
0x1e: {  	s14 =	simm.s32 $0x1040;
	s19 =	simm.s32 $0xD00;
	s21 =	simm.s32 $0xD68  }
0x1f: {  	s8 =	sadd.s32 s4, s5;
	s15 =	sadd.s32 s4, s13;
	[smem:$0x7FD] =	sst s18  }
0x20: {  	s4 =	sadd.s32 $0xD000, s0;
	s1 =	sshrl.u32 s1, $0x3;
	[dreg:$0x4] =	wrdreg s8  }
0x21: {  	s0 =	sadd.s32 s7, s0;
	[dreg:$0x5] =	wrdreg s15;
	s6 =	sadd.s32 s13, s1  }
0x22: {  	s18 =	simm.s32 $0x2;
	s8 =	simm.s32 $0x270;
	[dreg:$0x1e] =	wrdreg s6  }
0x23: {  	s1 =	sadd.s32 s5, s1;
	s13 =	simm.s32 $0xA90;
	[dreg:$0xf] =	wrdreg s8  }
0x24: {  	s0 =	sadd.s32 $0x23800, s0;
	s15 =	sshrl.u32 s12, $0x2;
	[dreg:$0x1f] =	wrdreg s1  }
0x25: {  	s12 =	simm.s32 $0x820;
	s5 =	simm.s32 $0x0;
	[smem:$0x7FC] =	sst s0  }
0x26: {  	[dreg:$0x12] =	wrdreg s13;
	s8 =	sadd.s32 s15, s2;
	s13 =	simm.s32 $0x64  }
0x27: {  	v0 =	vimm.f32 $0.0e+00;
	s15 =	simm.s32 $0x3;
	s1 =	simm.s32 $0xF70;
	s0 =	simm.s32 $0xFD8  }
.LBB2_1:
0x28: {  	s6 =	simm.s32 $0x0;
	s7 =	simm.s32 $0x240  }
.LBB2_2:
0x29: {  	p0 =	sne.s32 s7, $0x21C0;
	[tilespmem:s6+$0x8140] =	vst v0  }
0x2a: {  	[tilespmem:s6+$0x80C0] =	vst v0  }
0x2b: {  	[tilespmem:s6+$0x80D0] =	vst v0  }
0x2c: {  	[tilespmem:s6+$0x80E0] =	vst v0  }
.Ltmp0:
0x2d: {  	[tilespmem:s6+$0x80F0] =	vst v0;
	(pc) =	sbr.rel @p0 .LBB2_2-.Ltmp0, $4  }
0x2e: {  	[tilespmem:s6+$0x8100] =	vst v0  }
0x2f: {  	[tilespmem:s6+$0x8110] =	vst v0  }
0x30: {  	[tilespmem:s6+$0x8120] =	vst v0  }
0x31: {  	[tilespmem:s6+$0x8130] =	vst v0;
	s6 =	sshra.s32 s7, $0x2;
	s7 =	sadd.s32 $0x240, s7  }
0x32: {  	[tilespmem:s6+$0x8140] =	vst v0  }
0x33: {  	[tilespmem:s6+$0x80C0] =	vst v0  }
0x34: {  	[tilespmem:s6+$0x80D0] =	vst v0  }
0x35: {  	[tilespmem:s6+$0x80E0] =	vst v0  }
0x36: {  	[tilespmem:s6+$0x80F0] =	vst v0  }
0x37: {  	[tilespmem:s6+$0x8100] =	vst v0  }
0x38: {  	[tilespmem:s6+$0x8110] =	vst v0  }
0x39: {  	[tilespmem:s6+$0x8120] =	vst v0  }
0x3a: {  	[smem:$0x7FB] =	sst s5;
	[tilespmem:s6+$0x8130] =	vst v0;
	s6 =	simm.s32 $0x2400;
	s7 =	sadd.s32 $0x0, s8  }
.LBB2_4:
0x3b: {  	[spmem:s7] =	stream.linear.scatter [tilespmem:s3], [sflag:$0x3], $0x900, $0x38;
	[tilespmem:$0x1F1C0] =	vst v63  }
0x3c: {  	s7 =	smov.u32 s6;
	p0 =	sne.s32 s6, $0x57C00  }
.Ltmp1:
0x3d: {  	s6 =	sadd.s32 $0x2400, s6;
	(pc) =	sbr.rel @p0 .LBB2_4-.Ltmp1, $3  }
0x3e: {  	_ =	sdelay $0x1  }
0x3f: {  	s7 =	sshra.s32 s7, $0x2  }
0x40: {  	s7 =	sadd.s32 s7, s8  }
0x41: {  	[spmem:s7] =	stream.linear.scatter [tilespmem:s3], [sflag:$0x3], $0x900, $0x38;
	[tilespmem:$0x1F1C0] =	vst v63  }
0x42: {  	s9 =	simm.s32 $0x0;
	s5 =	rddreg [dreg:$0x1e]  }
0x43: {  	[tilespmem:s9], [sflag:$0x4] =	stream.linear.gather [hbm4b:s5+s9], $0x820, $0x38;
	[tilespmem:$0x1F1C0] =	vst v63  }
0x44: {  	_ =	swait.ge [sflag:s11], $0x820  }
0x45: {  	[sflag:s11] =	ssyncset.done $0x0  }
0x46: {  	s10 =	rddreg [dreg:$0x1f];
	[sflag:s11] =	ssyncadd.s32 $0xFFFFF7E0  }
0x47: {  	[tilespmem:s12], [sflag:$0x4] =	stream.linear.gather [hbm4b:s10+s9], $0x820, $0x38;
	[tilespmem:$0x1F1C0] =	vst v63  }
0x48: {  	_ =	swait.ge [sflag:s11], $0x820  }
0x49: {  	[sflag:s11] =	ssyncset.done $0x0  }
0x4a: {  	[sflag:s11] =	ssyncadd.s32 $0xFFFFF7E0  }
0x4b: {  	[tilespmem:s14], [sflag:$0x1] =	stream.indirect.gather [hbm4b:s4+s13], $0x90, s9, s13, $0xb8;
	[tilespmem:$0x1F1C0] =	vst v63  }
0x4c: {  	_ =	swait.ge [sflag:s15], $0x900  }
0x4d: {  	s6 =	simm.s32 $0x27;
	[sflag:s15] =	ssyncset.done $0x0  }
.LBB2_6:
0x4e: {  	p0 =	sne.s32 s6, $0x1;
	s6 =	sadd.s32 $0xFFFFFFFF, s6;
	[sflag:s15] =	ssyncadd.s32 $0xFFFFF700  }
.Ltmp2:
0x4f: {  	(pc) =	sbr.rel @p0 .LBB2_6-.Ltmp2, $3  }
0x50: {  	_ =	sdelay $0x1  }
0x51: {  	_ =	swait.ge [sflag:s15], $0x900  }
0x52: {  	[sflag:s15] =	ssyncset.done $0x0  }
0x53: {  	[sflag:s15] =	ssyncadd.s32 $0xFFFFF700  }
0x54: {  	[bflag:$0x0] =	sbarrier.arrive $0xFFFF  }
0x55: {  	p0 =	por $0x1, $0x1;
	s6 =	rddreg [dreg:$0x5]  }
0x56: {  	s7 =	simm.s32 @!p0 $0x0;
	s9 =	simm.s32 @!p0 $0x4;
	s6 =	sadd.s32 @!p0 $0x0, s6  }
0x57: {  	[tilespmem:s7], [sflag:$0x4] =	stream.linear.gather @!p0 [hbm4b:s6+s7], $0x820, $0x38;
	[tilespmem:$0x1F1C0] =	vst v63  }
0x58: {  	_ =	swait.ge @!p0 [sflag:s9], $0x820  }
0x59: {  	s6 =	rddreg [dreg:$0x4];
	[sflag:s9] =	ssyncset.done @!p0 $0x0  }
0x5a: {  	s3 =	simm.s32 @!p0 $0x820;
	[sflag:s9] =	ssyncadd.s32 @!p0 $0xFFFFF7E0;
	s6 =	sadd.s32 @!p0 $0x0, s6  }
0x5b: {  	[tilespmem:s3], [sflag:$0x4] =	stream.linear.gather @!p0 [hbm4b:s6+s7], $0x820, $0x38;
	[tilespmem:$0x1F1C0] =	vst v63  }
0x5c: {  	_ =	swait.ge @!p0 [sflag:s9], $0x820  }
0x5d: {  	[sflag:s9] =	ssyncset.done @!p0 $0x0  }
0x5e: {  	s3 =	simm.s32 @!p0 $0x1040;
	s6 =	simm.s32 @!p0 $0x64;
	[sflag:s9] =	ssyncadd.s32 @!p0 $0xFFFFF7E0  }
0x5f: {  	[tilespmem:s3], [sflag:$0x1] =	stream.indirect.gather @!p0 [hbm4b:s4+s6], $0x90, s7, s6, $0xb8;
	[tilespmem:$0x1F1C0] =	vst v63  }
0x60: {  	s5 =	rddreg [dreg:$0x6]  }
0x61: {  	[tilespmem:s16], [sflag:$0x2] =	stream.indirect.gather [hbm4b:s4+s13], $0x90, s5, s13, $0xb8;
	[tilespmem:$0x1F1C0] =	vst v63  }
0x62: {  	_ =	swait.ge [sflag:s17], $0x3840  }
0x63: {  	[sflag:s17] =	ssyncset.done $0x0  }
0x64: {  	[sflag:s17] =	ssyncadd.s32 $0xFFFFC7C0  }
0x65: {  	[spmem:s2] =	stream.indirect.scatter.add.f32 [tilespmem:s14], [sflag:$0x4], $0x90, s12, s13, $0xb8;
	[tilespmem:$0x1F1C0] =	vst v63  }
0x66: {  	_ =	swait.ge [sflag:s11], $0x3840  }
0x67: {  	[sflag:s11] =	ssyncset.done $0x0  }
0x68: {  	s7 =	rddreg [dreg:$0x7];
	[sflag:s11] =	ssyncadd.s32 $0xFFFFC7C0  }
0x69: {  	[tilespmem:s14], [sflag:$0x1] =	stream.indirect.gather [hbm4b:s4+s13], $0x90, s7, s13, $0xb8;
	[tilespmem:$0x1F1C0] =	vst v63  }
0x6a: {  	_ =	swait.ge [sflag:s18], $0x3840  }
0x6b: {  	[sflag:s18] =	ssyncset.done $0x0  }
0x6c: {  	s9 =	rddreg [dreg:$0x8];
	[sflag:s18] =	ssyncadd.s32 $0xFFFFC7C0  }
0x6d: {  	[spmem:s2] =	stream.indirect.scatter.add.f32 [tilespmem:s16], [sflag:$0x4], $0x90, s9, s13, $0xb8;
	[tilespmem:$0x1F1C0] =	vst v63  }
0x6e: {  	_ =	swait.ge [sflag:s11], $0x3840  }
0x6f: {  	[sflag:s11] =	ssyncset.done $0x0  }
0x70: {  	s10 =	rddreg [dreg:$0x9];
	[sflag:s11] =	ssyncadd.s32 $0xFFFFC7C0  }
0x71: {  	[tilespmem:s16], [sflag:$0x2] =	stream.indirect.gather [hbm4b:s4+s13], $0x90, s10, s13, $0xb8;
	[tilespmem:$0x1F1C0] =	vst v63  }
0x72: {  	_ =	swait.ge [sflag:s17], $0x3840  }
0x73: {  	[sflag:s17] =	ssyncset.done $0x0  }
0x74: {  	s5 =	rddreg [dreg:$0xa];
	[sflag:s17] =	ssyncadd.s32 $0xFFFFC7C0  }
0x75: {  	[spmem:s2] =	stream.indirect.scatter.add.f32 [tilespmem:s14], [sflag:$0x4], $0x90, s5, s13, $0xb8;
	[tilespmem:$0x1F1C0] =	vst v63  }
0x76: {  	_ =	swait.ge [sflag:s11], $0x3840  }
0x77: {  	[sflag:s11] =	ssyncset.done $0x0  }
0x78: {  	s6 =	rddreg [dreg:$0xb];
	[sflag:s11] =	ssyncadd.s32 $0xFFFFC7C0  }
0x79: {  	[tilespmem:s14], [sflag:$0x1] =	stream.indirect.gather [hbm4b:s4+s13], $0x90, s6, s13, $0xb8;
	[tilespmem:$0x1F1C0] =	vst v63  }
0x7a: {  	_ =	swait.ge [sflag:s18], $0x3840  }
0x7b: {  	[sflag:s18] =	ssyncset.done $0x0  }
0x7c: {  	s7 =	rddreg [dreg:$0xc];
	[sflag:s18] =	ssyncadd.s32 $0xFFFFC7C0  }
0x7d: {  	[spmem:s2] =	stream.indirect.scatter.add.f32 [tilespmem:s16], [sflag:$0x4], $0x90, s7, s13, $0xb8;
	[tilespmem:$0x1F1C0] =	vst v63  }
0x7e: {  	_ =	swait.ge [sflag:s11], $0x3840  }
0x7f: {  	[sflag:s11] =	ssyncset.done $0x0  }
0x80: {  	s9 =	rddreg [dreg:$0xd];
	[sflag:s11] =	ssyncadd.s32 $0xFFFFC7C0  }
0x81: {  	[tilespmem:s16], [sflag:$0x2] =	stream.indirect.gather [hbm4b:s4+s13], $0x90, s9, s13, $0xb8;
	[tilespmem:$0x1F1C0] =	vst v63  }
0x82: {  	_ =	swait.ge [sflag:s17], $0x3840  }
0x83: {  	[sflag:s17] =	ssyncset.done $0x0  }
0x84: {  	s10 =	rddreg [dreg:$0xe];
	[sflag:s17] =	ssyncadd.s32 $0xFFFFC7C0  }
0x85: {  	[spmem:s2] =	stream.indirect.scatter.add.f32 [tilespmem:s14], [sflag:$0x4], $0x90, s10, s13, $0xb8;
	[tilespmem:$0x1F1C0] =	vst v63  }
0x86: {  	_ =	swait.ge [sflag:s11], $0x3840  }
0x87: {  	[sflag:s11] =	ssyncset.done $0x0  }
0x88: {  	s5 =	rddreg [dreg:$0xf];
	[sflag:s11] =	ssyncadd.s32 $0xFFFFC7C0  }
0x89: {  	[tilespmem:s14], [sflag:$0x1] =	stream.indirect.gather [hbm4b:s4+s13], $0x90, s5, s13, $0xb8;
	[tilespmem:$0x1F1C0] =	vst v63  }
0x8a: {  	_ =	swait.ge [sflag:s18], $0x3840  }
0x8b: {  	[sflag:s18] =	ssyncset.done $0x0  }
0x8c: {  	s6 =	rddreg [dreg:$0x10];
	[sflag:s18] =	ssyncadd.s32 $0xFFFFC7C0  }
0x8d: {  	[spmem:s2] =	stream.indirect.scatter.add.f32 [tilespmem:s16], [sflag:$0x4], $0x90, s6, s13, $0xb8;
	[tilespmem:$0x1F1C0] =	vst v63  }
0x8e: {  	_ =	swait.ge [sflag:s11], $0x3840  }
0x8f: {  	[sflag:s11] =	ssyncset.done $0x0  }
0x90: {  	s7 =	rddreg [dreg:$0x11];
	[sflag:s11] =	ssyncadd.s32 $0xFFFFC7C0  }
0x91: {  	[tilespmem:s16], [sflag:$0x2] =	stream.indirect.gather [hbm4b:s4+s13], $0x90, s7, s13, $0xb8;
	[tilespmem:$0x1F1C0] =	vst v63  }
0x92: {  	_ =	swait.ge [sflag:s17], $0x3840  }
0x93: {  	[sflag:s17] =	ssyncset.done $0x0  }
0x94: {  	s9 =	rddreg [dreg:$0x12];
	[sflag:s17] =	ssyncadd.s32 $0xFFFFC7C0  }
0x95: {  	[spmem:s2] =	stream.indirect.scatter.add.f32 [tilespmem:s14], [sflag:$0x4], $0x90, s9, s13, $0xb8;
	[tilespmem:$0x1F1C0] =	vst v63  }
0x96: {  	_ =	swait.ge [sflag:s11], $0x3840  }
0x97: {  	[sflag:s11] =	ssyncset.done $0x0  }
0x98: {  	s10 =	rddreg [dreg:$0x13];
	[sflag:s11] =	ssyncadd.s32 $0xFFFFC7C0  }
0x99: {  	[tilespmem:s14], [sflag:$0x1] =	stream.indirect.gather [hbm4b:s4+s13], $0x90, s10, s13, $0xb8;
	[tilespmem:$0x1F1C0] =	vst v63  }
0x9a: {  	_ =	swait.ge [sflag:s18], $0x3840  }
0x9b: {  	[sflag:s18] =	ssyncset.done $0x0  }
0x9c: {  	s5 =	rddreg [dreg:$0x14];
	[sflag:s18] =	ssyncadd.s32 $0xFFFFC7C0  }
0x9d: {  	[spmem:s2] =	stream.indirect.scatter.add.f32 [tilespmem:s16], [sflag:$0x4], $0x90, s5, s13, $0xb8;
	[tilespmem:$0x1F1C0] =	vst v63  }
0x9e: {  	_ =	swait.ge [sflag:s11], $0x3840  }
0x9f: {  	[sflag:s11] =	ssyncset.done $0x0  }
0xa0: {  	s6 =	rddreg [dreg:$0x15];
	[sflag:s11] =	ssyncadd.s32 $0xFFFFC7C0  }
0xa1: {  	[tilespmem:s16], [sflag:$0x2] =	stream.indirect.gather [hbm4b:s4+s13], $0x90, s6, s13, $0xb8;
	[tilespmem:$0x1F1C0] =	vst v63  }
0xa2: {  	_ =	swait.ge [sflag:s17], $0x3840  }
0xa3: {  	[sflag:s17] =	ssyncset.done $0x0  }
0xa4: {  	s7 =	rddreg [dreg:$0x16];
	[sflag:s17] =	ssyncadd.s32 $0xFFFFC7C0  }
0xa5: {  	[spmem:s2] =	stream.indirect.scatter.add.f32 [tilespmem:s14], [sflag:$0x4], $0x90, s7, s13, $0xb8;
	[tilespmem:$0x1F1C0] =	vst v63  }
0xa6: {  	_ =	swait.ge [sflag:s11], $0x3840  }
0xa7: {  	[sflag:s11] =	ssyncset.done $0x0  }
0xa8: {  	s9 =	rddreg [dreg:$0x17];
	[sflag:s11] =	ssyncadd.s32 $0xFFFFC7C0  }
0xa9: {  	[tilespmem:s14], [sflag:$0x1] =	stream.indirect.gather [hbm4b:s4+s13], $0x90, s9, s13, $0xb8;
	[tilespmem:$0x1F1C0] =	vst v63  }
0xaa: {  	_ =	swait.ge [sflag:s18], $0x3840  }
0xab: {  	[sflag:s18] =	ssyncset.done $0x0  }
0xac: {  	s10 =	rddreg [dreg:$0x18];
	[sflag:s18] =	ssyncadd.s32 $0xFFFFC7C0  }
0xad: {  	[spmem:s2] =	stream.indirect.scatter.add.f32 [tilespmem:s16], [sflag:$0x4], $0x90, s10, s13, $0xb8;
	[tilespmem:$0x1F1C0] =	vst v63  }
0xae: {  	_ =	swait.ge [sflag:s11], $0x3840  }
0xaf: {  	[sflag:s11] =	ssyncset.done $0x0  }
0xb0: {  	s5 =	rddreg [dreg:$0x19];
	[sflag:s11] =	ssyncadd.s32 $0xFFFFC7C0  }
0xb1: {  	[tilespmem:s16], [sflag:$0x2] =	stream.indirect.gather [hbm4b:s4+s13], $0x90, s5, s13, $0xb8;
	[tilespmem:$0x1F1C0] =	vst v63  }
0xb2: {  	_ =	swait.ge [sflag:s17], $0x3840  }
0xb3: {  	[sflag:s17] =	ssyncset.done $0x0  }
0xb4: {  	s6 =	rddreg [dreg:$0x1a];
	[sflag:s17] =	ssyncadd.s32 $0xFFFFC7C0  }
0xb5: {  	[spmem:s2] =	stream.indirect.scatter.add.f32 [tilespmem:s14], [sflag:$0x4], $0x90, s6, s13, $0xb8;
	[tilespmem:$0x1F1C0] =	vst v63  }
0xb6: {  	_ =	swait.ge [sflag:s11], $0x3840  }
0xb7: {  	[sflag:s11] =	ssyncset.done $0x0  }
0xb8: {  	s7 =	rddreg [dreg:$0x1b];
	[sflag:s11] =	ssyncadd.s32 $0xFFFFC7C0  }
0xb9: {  	[tilespmem:s14], [sflag:$0x1] =	stream.indirect.gather [hbm4b:s4+s13], $0x90, s7, s13, $0xb8;
	[tilespmem:$0x1F1C0] =	vst v63  }
0xba: {  	_ =	swait.ge [sflag:s18], $0x3840  }
0xbb: {  	[sflag:s18] =	ssyncset.done $0x0  }
0xbc: {  	s9 =	rddreg [dreg:$0x1c];
	[sflag:s18] =	ssyncadd.s32 $0xFFFFC7C0  }
0xbd: {  	[spmem:s2] =	stream.indirect.scatter.add.f32 [tilespmem:s16], [sflag:$0x4], $0x90, s9, s13, $0xb8;
	[tilespmem:$0x1F1C0] =	vst v63  }
0xbe: {  	_ =	swait.ge [sflag:s11], $0x3840  }
0xbf: {  	[sflag:s11] =	ssyncset.done $0x0  }
0xc0: {  	s10 =	rddreg [dreg:$0x1d];
	[sflag:s11] =	ssyncadd.s32 $0xFFFFC7C0  }
0xc1: {  	[tilespmem:s16], [sflag:$0x2] =	stream.indirect.gather [hbm4b:s4+s13], $0x90, s10, s13, $0xb8;
	[tilespmem:$0x1F1C0] =	vst v63  }
0xc2: {  	_ =	swait.ge [sflag:s17], $0x3840  }
0xc3: {  	[sflag:s17] =	ssyncset.done $0x0  }
0xc4: {  	[sflag:s17] =	ssyncadd.s32 $0xFFFFC7C0  }
0xc5: {  	[spmem:s2] =	stream.indirect.scatter.add.f32 [tilespmem:s14], [sflag:$0x4], $0x90, s19, s13, $0xb8;
	[tilespmem:$0x1F1C0] =	vst v63  }
0xc6: {  	_ =	swait.ge [sflag:s11], $0x3840  }
0xc7: {  	[sflag:s11] =	ssyncset.done $0x0  }
0xc8: {  	[sflag:s11] =	ssyncadd.s32 $0xFFFFC7C0  }
0xc9: {  	[tilespmem:s14], [sflag:$0x1] =	stream.indirect.gather [hbm4b:s4+s13], $0x90, s20, s13, $0xb8;
	[tilespmem:$0x1F1C0] =	vst v63  }
0xca: {  	_ =	swait.ge [sflag:s18], $0x3840  }
0xcb: {  	[sflag:s18] =	ssyncset.done $0x0  }
0xcc: {  	[sflag:s18] =	ssyncadd.s32 $0xFFFFC7C0  }
0xcd: {  	[spmem:s2] =	stream.indirect.scatter.add.f32 [tilespmem:s16], [sflag:$0x4], $0x90, s21, s13, $0xb8;
	[tilespmem:$0x1F1C0] =	vst v63  }
0xce: {  	_ =	swait.ge [sflag:s11], $0x3840  }
0xcf: {  	[sflag:s11] =	ssyncset.done $0x0  }
0xd0: {  	[sflag:s11] =	ssyncadd.s32 $0xFFFFC7C0  }
0xd1: {  	[tilespmem:s16], [sflag:$0x2] =	stream.indirect.gather [hbm4b:s4+s13], $0x90, s22, s13, $0xb8;
	[tilespmem:$0x1F1C0] =	vst v63  }
0xd2: {  	_ =	swait.ge [sflag:s17], $0x3840  }
0xd3: {  	[sflag:s17] =	ssyncset.done $0x0  }
0xd4: {  	[sflag:s17] =	ssyncadd.s32 $0xFFFFC7C0  }
0xd5: {  	[spmem:s2] =	stream.indirect.scatter.add.f32 [tilespmem:s14], [sflag:$0x4], $0x90, s23, s13, $0xb8;
	[tilespmem:$0x1F1C0] =	vst v63  }
0xd6: {  	_ =	swait.ge [sflag:s11], $0x3840  }
0xd7: {  	[sflag:s11] =	ssyncset.done $0x0  }
0xd8: {  	[sflag:s11] =	ssyncadd.s32 $0xFFFFC7C0  }
0xd9: {  	[tilespmem:s14], [sflag:$0x1] =	stream.indirect.gather [hbm4b:s4+s13], $0x90, s24, s13, $0xb8;
	[tilespmem:$0x1F1C0] =	vst v63  }
0xda: {  	_ =	swait.ge [sflag:s18], $0x3840  }
0xdb: {  	[sflag:s18] =	ssyncset.done $0x0  }
0xdc: {  	[sflag:s18] =	ssyncadd.s32 $0xFFFFC7C0  }
0xdd: {  	[spmem:s2] =	stream.indirect.scatter.add.f32 [tilespmem:s16], [sflag:$0x4], $0x90, s25, s13, $0xb8;
	[tilespmem:$0x1F1C0] =	vst v63  }
0xde: {  	_ =	swait.ge [sflag:s11], $0x3840  }
0xdf: {  	[sflag:s11] =	ssyncset.done $0x0  }
0xe0: {  	[sflag:s11] =	ssyncadd.s32 $0xFFFFC7C0  }
0xe1: {  	[tilespmem:s16], [sflag:$0x2] =	stream.indirect.gather [hbm4b:s4+s13], $0x90, s26, s13, $0xb8;
	[tilespmem:$0x1F1C0] =	vst v63  }
0xe2: {  	_ =	swait.ge [sflag:s17], $0x3840  }
0xe3: {  	[sflag:s17] =	ssyncset.done $0x0  }
0xe4: {  	[sflag:s17] =	ssyncadd.s32 $0xFFFFC7C0  }
0xe5: {  	[spmem:s2] =	stream.indirect.scatter.add.f32 [tilespmem:s14], [sflag:$0x4], $0x90, s28, s13, $0xb8;
	[tilespmem:$0x1F1C0] =	vst v63  }
0xe6: {  	_ =	swait.ge [sflag:s11], $0x3840  }
0xe7: {  	[sflag:s11] =	ssyncset.done $0x0  }
0xe8: {  	[sflag:s11] =	ssyncadd.s32 $0xFFFFC7C0  }
0xe9: {  	[tilespmem:s14], [sflag:$0x1] =	stream.indirect.gather [hbm4b:s4+s13], $0x90, s29, s13, $0xb8;
	[tilespmem:$0x1F1C0] =	vst v63  }
0xea: {  	_ =	swait.ge [sflag:s18], $0x3840  }
0xeb: {  	[sflag:s18] =	ssyncset.done $0x0  }
0xec: {  	[sflag:s18] =	ssyncadd.s32 $0xFFFFC7C0  }
0xed: {  	[spmem:s2] =	stream.indirect.scatter.add.f32 [tilespmem:s16], [sflag:$0x4], $0x90, s30, s13, $0xb8;
	[tilespmem:$0x1F1C0] =	vst v63  }
0xee: {  	_ =	swait.ge [sflag:s11], $0x3840  }
0xef: {  	[sflag:s11] =	ssyncset.done $0x0  }
0xf0: {  	[sflag:s11] =	ssyncadd.s32 $0xFFFFC7C0  }
0xf1: {  	[tilespmem:s16], [sflag:$0x2] =	stream.indirect.gather [hbm4b:s4+s13], $0x90, s31, s13, $0xb8;
	[tilespmem:$0x1F1C0] =	vst v63  }
0xf2: {  	_ =	swait.ge [sflag:s17], $0x3840  }
0xf3: {  	[sflag:s17] =	ssyncset.done $0x0  }
0xf4: {  	[sflag:s17] =	ssyncadd.s32 $0xFFFFC7C0  }
0xf5: {  	[spmem:s2] =	stream.indirect.scatter.add.f32 [tilespmem:s14], [sflag:$0x4], $0x90, s1, s13, $0xb8;
	[tilespmem:$0x1F1C0] =	vst v63  }
0xf6: {  	_ =	swait.ge [sflag:s11], $0x3840  }
0xf7: {  	[sflag:s11] =	ssyncset.done $0x0  }
0xf8: {  	[sflag:s11] =	ssyncadd.s32 $0xFFFFC7C0  }
0xf9: {  	_ =	swait.ge [sflag:s18], $0x3840  }
0xfa: {  	[sflag:s18] =	ssyncset.done $0x0  }
0xfb: {  	[sflag:s18] =	ssyncadd.s32 $0xFFFFC7C0  }
0xfc: {  	[spmem:s2] =	stream.indirect.scatter.add.f32 [tilespmem:s16], [sflag:$0x4], $0x90, s0, s13, $0xb8;
	[tilespmem:$0x1F1C0] =	vst v63  }
0xfd: {  	s6 =	simm.s32 $0x104;
	_ =	swait.ge [sflag:s11], $0x3840  }
0xfe: {  	s7 =	simm.s32 $0x208;
	s9 =	rddreg [dreg:$0x5];
	[sflag:s11] =	ssyncset.done $0x0  }
.LBB2_8:
0xff: {  	[sflag:s11] =	ssyncadd.s32 $0xFFFFC7C0;
	p1 =	seq.s32 s6, $0x0  }
0x100: {  	s9 =	sadd.s32 @!p1 s6, s9;
	s5 =	simm.s32 @!p1 $0x0;
	s10 =	simm.s32 @!p1 $0x4  }
0x101: {  	[tilespmem:s5], [sflag:$0x4] =	stream.linear.gather @!p1 [hbm4b:s9+s5], $0x820, $0x38;
	[tilespmem:$0x1F1C0] =	vst v63  }
0x102: {  	_ =	swait.ge @!p1 [sflag:s10], $0x820  }
0x103: {  	s9 =	rddreg [dreg:$0x4];
	[sflag:s10] =	ssyncset.done @!p1 $0x0  }
0x104: {  	[sflag:s10] =	ssyncadd.s32 @!p1 $0xFFFFF7E0;
	s6 =	sadd.s32 @!p1 s6, s9;
	s9 =	simm.s32 @!p1 $0x820  }
0x105: {  	[tilespmem:s9], [sflag:$0x4] =	stream.linear.gather @!p1 [hbm4b:s6+s5], $0x820, $0x38;
	[tilespmem:$0x1F1C0] =	vst v63  }
0x106: {  	s3 =	smov.u32 s7;
	_ =	swait.ge @!p1 [sflag:s10], $0x820  }
0x107: {  	s6 =	smov.u32 s3;
	[sflag:s10] =	ssyncset.done @!p1 $0x0  }
0x108: {  	s3 =	simm.s32 @!p1 $0x1040;
	s9 =	simm.s32 @!p1 $0x64;
	[sflag:s10] =	ssyncadd.s32 @!p1 $0xFFFFF7E0  }
0x109: {  	[tilespmem:s3], [sflag:$0x1] =	stream.indirect.gather @!p1 [hbm4b:s4+s9], $0x90, s5, s9, $0xb8;
	[tilespmem:$0x1F1C0] =	vst v63  }
0x10a: {  	s10 =	rddreg [dreg:$0x6]  }
0x10b: {  	[tilespmem:s16], [sflag:$0x2] =	stream.indirect.gather [hbm4b:s4+s13], $0x90, s10, s13, $0xb8;
	[tilespmem:$0x1F1C0] =	vst v63  }
0x10c: {  	_ =	swait.ge [sflag:s17], $0x3840  }
0x10d: {  	[sflag:s17] =	ssyncset.done $0x0  }
0x10e: {  	[sflag:s17] =	ssyncadd.s32 $0xFFFFC7C0  }
0x10f: {  	[spmem:s2] =	stream.indirect.scatter.add.f32 [tilespmem:s14], [sflag:$0x4], $0x90, s12, s13, $0xb8;
	[tilespmem:$0x1F1C0] =	vst v63  }
0x110: {  	_ =	swait.ge [sflag:s11], $0x3840  }
0x111: {  	[sflag:s11] =	ssyncset.done $0x0  }
0x112: {  	s9 =	rddreg [dreg:$0x7];
	[sflag:s11] =	ssyncadd.s32 $0xFFFFC7C0  }
0x113: {  	[tilespmem:s14], [sflag:$0x1] =	stream.indirect.gather [hbm4b:s4+s13], $0x90, s9, s13, $0xb8;
	[tilespmem:$0x1F1C0] =	vst v63  }
0x114: {  	_ =	swait.ge [sflag:s18], $0x3840  }
0x115: {  	[sflag:s18] =	ssyncset.done $0x0  }
0x116: {  	s10 =	rddreg [dreg:$0x8];
	[sflag:s18] =	ssyncadd.s32 $0xFFFFC7C0  }
0x117: {  	[spmem:s2] =	stream.indirect.scatter.add.f32 [tilespmem:s16], [sflag:$0x4], $0x90, s10, s13, $0xb8;
	[tilespmem:$0x1F1C0] =	vst v63  }
0x118: {  	_ =	swait.ge [sflag:s11], $0x3840  }
0x119: {  	[sflag:s11] =	ssyncset.done $0x0  }
0x11a: {  	s5 =	rddreg [dreg:$0x9];
	[sflag:s11] =	ssyncadd.s32 $0xFFFFC7C0  }
0x11b: {  	[tilespmem:s16], [sflag:$0x2] =	stream.indirect.gather [hbm4b:s4+s13], $0x90, s5, s13, $0xb8;
	[tilespmem:$0x1F1C0] =	vst v63  }
0x11c: {  	_ =	swait.ge [sflag:s17], $0x3840  }
0x11d: {  	[sflag:s17] =	ssyncset.done $0x0  }
0x11e: {  	s9 =	rddreg [dreg:$0xa];
	[sflag:s17] =	ssyncadd.s32 $0xFFFFC7C0  }
0x11f: {  	[spmem:s2] =	stream.indirect.scatter.add.f32 [tilespmem:s14], [sflag:$0x4], $0x90, s9, s13, $0xb8;
	[tilespmem:$0x1F1C0] =	vst v63  }
0x120: {  	_ =	swait.ge [sflag:s11], $0x3840  }
0x121: {  	[sflag:s11] =	ssyncset.done $0x0  }
0x122: {  	s10 =	rddreg [dreg:$0xb];
	[sflag:s11] =	ssyncadd.s32 $0xFFFFC7C0  }
0x123: {  	[tilespmem:s14], [sflag:$0x1] =	stream.indirect.gather [hbm4b:s4+s13], $0x90, s10, s13, $0xb8;
	[tilespmem:$0x1F1C0] =	vst v63  }
0x124: {  	_ =	swait.ge [sflag:s18], $0x3840  }
0x125: {  	[sflag:s18] =	ssyncset.done $0x0  }
0x126: {  	s5 =	rddreg [dreg:$0xc];
	[sflag:s18] =	ssyncadd.s32 $0xFFFFC7C0  }
0x127: {  	[spmem:s2] =	stream.indirect.scatter.add.f32 [tilespmem:s16], [sflag:$0x4], $0x90, s5, s13, $0xb8;
	[tilespmem:$0x1F1C0] =	vst v63  }
0x128: {  	_ =	swait.ge [sflag:s11], $0x3840  }
0x129: {  	[sflag:s11] =	ssyncset.done $0x0  }
0x12a: {  	s9 =	rddreg [dreg:$0xd];
	[sflag:s11] =	ssyncadd.s32 $0xFFFFC7C0  }
0x12b: {  	[tilespmem:s16], [sflag:$0x2] =	stream.indirect.gather [hbm4b:s4+s13], $0x90, s9, s13, $0xb8;
	[tilespmem:$0x1F1C0] =	vst v63  }
0x12c: {  	_ =	swait.ge [sflag:s17], $0x3840  }
0x12d: {  	[sflag:s17] =	ssyncset.done $0x0  }
0x12e: {  	s10 =	rddreg [dreg:$0xe];
	[sflag:s17] =	ssyncadd.s32 $0xFFFFC7C0  }
0x12f: {  	[spmem:s2] =	stream.indirect.scatter.add.f32 [tilespmem:s14], [sflag:$0x4], $0x90, s10, s13, $0xb8;
	[tilespmem:$0x1F1C0] =	vst v63  }
0x130: {  	_ =	swait.ge [sflag:s11], $0x3840  }
0x131: {  	[sflag:s11] =	ssyncset.done $0x0  }
0x132: {  	s5 =	rddreg [dreg:$0xf];
	[sflag:s11] =	ssyncadd.s32 $0xFFFFC7C0  }
0x133: {  	[tilespmem:s14], [sflag:$0x1] =	stream.indirect.gather [hbm4b:s4+s13], $0x90, s5, s13, $0xb8;
	[tilespmem:$0x1F1C0] =	vst v63  }
0x134: {  	_ =	swait.ge [sflag:s18], $0x3840  }
0x135: {  	[sflag:s18] =	ssyncset.done $0x0  }
0x136: {  	s9 =	rddreg [dreg:$0x10];
	[sflag:s18] =	ssyncadd.s32 $0xFFFFC7C0  }
0x137: {  	[spmem:s2] =	stream.indirect.scatter.add.f32 [tilespmem:s16], [sflag:$0x4], $0x90, s9, s13, $0xb8;
	[tilespmem:$0x1F1C0] =	vst v63  }
0x138: {  	_ =	swait.ge [sflag:s11], $0x3840  }
0x139: {  	[sflag:s11] =	ssyncset.done $0x0  }
0x13a: {  	s10 =	rddreg [dreg:$0x11];
	[sflag:s11] =	ssyncadd.s32 $0xFFFFC7C0  }
0x13b: {  	[tilespmem:s16], [sflag:$0x2] =	stream.indirect.gather [hbm4b:s4+s13], $0x90, s10, s13, $0xb8;
	[tilespmem:$0x1F1C0] =	vst v63  }
0x13c: {  	_ =	swait.ge [sflag:s17], $0x3840  }
0x13d: {  	[sflag:s17] =	ssyncset.done $0x0  }
0x13e: {  	s5 =	rddreg [dreg:$0x12];
	[sflag:s17] =	ssyncadd.s32 $0xFFFFC7C0  }
0x13f: {  	[spmem:s2] =	stream.indirect.scatter.add.f32 [tilespmem:s14], [sflag:$0x4], $0x90, s5, s13, $0xb8;
	[tilespmem:$0x1F1C0] =	vst v63  }
0x140: {  	_ =	swait.ge [sflag:s11], $0x3840  }
0x141: {  	[sflag:s11] =	ssyncset.done $0x0  }
0x142: {  	s9 =	rddreg [dreg:$0x13];
	[sflag:s11] =	ssyncadd.s32 $0xFFFFC7C0  }
0x143: {  	[tilespmem:s14], [sflag:$0x1] =	stream.indirect.gather [hbm4b:s4+s13], $0x90, s9, s13, $0xb8;
	[tilespmem:$0x1F1C0] =	vst v63  }
0x144: {  	_ =	swait.ge [sflag:s18], $0x3840  }
0x145: {  	[sflag:s18] =	ssyncset.done $0x0  }
0x146: {  	s10 =	rddreg [dreg:$0x14];
	[sflag:s18] =	ssyncadd.s32 $0xFFFFC7C0  }
0x147: {  	[spmem:s2] =	stream.indirect.scatter.add.f32 [tilespmem:s16], [sflag:$0x4], $0x90, s10, s13, $0xb8;
	[tilespmem:$0x1F1C0] =	vst v63  }
0x148: {  	_ =	swait.ge [sflag:s11], $0x3840  }
0x149: {  	[sflag:s11] =	ssyncset.done $0x0  }
0x14a: {  	s5 =	rddreg [dreg:$0x15];
	[sflag:s11] =	ssyncadd.s32 $0xFFFFC7C0  }
0x14b: {  	[tilespmem:s16], [sflag:$0x2] =	stream.indirect.gather [hbm4b:s4+s13], $0x90, s5, s13, $0xb8;
	[tilespmem:$0x1F1C0] =	vst v63  }
0x14c: {  	_ =	swait.ge [sflag:s17], $0x3840  }
0x14d: {  	[sflag:s17] =	ssyncset.done $0x0  }
0x14e: {  	s9 =	rddreg [dreg:$0x16];
	[sflag:s17] =	ssyncadd.s32 $0xFFFFC7C0  }
0x14f: {  	[spmem:s2] =	stream.indirect.scatter.add.f32 [tilespmem:s14], [sflag:$0x4], $0x90, s9, s13, $0xb8;
	[tilespmem:$0x1F1C0] =	vst v63  }
0x150: {  	_ =	swait.ge [sflag:s11], $0x3840  }
0x151: {  	[sflag:s11] =	ssyncset.done $0x0  }
0x152: {  	s10 =	rddreg [dreg:$0x17];
	[sflag:s11] =	ssyncadd.s32 $0xFFFFC7C0  }
0x153: {  	[tilespmem:s14], [sflag:$0x1] =	stream.indirect.gather [hbm4b:s4+s13], $0x90, s10, s13, $0xb8;
	[tilespmem:$0x1F1C0] =	vst v63  }
0x154: {  	_ =	swait.ge [sflag:s18], $0x3840  }
0x155: {  	[sflag:s18] =	ssyncset.done $0x0  }
0x156: {  	s5 =	rddreg [dreg:$0x18];
	[sflag:s18] =	ssyncadd.s32 $0xFFFFC7C0  }
0x157: {  	[spmem:s2] =	stream.indirect.scatter.add.f32 [tilespmem:s16], [sflag:$0x4], $0x90, s5, s13, $0xb8;
	[tilespmem:$0x1F1C0] =	vst v63  }
0x158: {  	_ =	swait.ge [sflag:s11], $0x3840  }
0x159: {  	[sflag:s11] =	ssyncset.done $0x0  }
0x15a: {  	s9 =	rddreg [dreg:$0x19];
	[sflag:s11] =	ssyncadd.s32 $0xFFFFC7C0  }
0x15b: {  	[tilespmem:s16], [sflag:$0x2] =	stream.indirect.gather [hbm4b:s4+s13], $0x90, s9, s13, $0xb8;
	[tilespmem:$0x1F1C0] =	vst v63  }
0x15c: {  	_ =	swait.ge [sflag:s17], $0x3840  }
0x15d: {  	[sflag:s17] =	ssyncset.done $0x0  }
0x15e: {  	s10 =	rddreg [dreg:$0x1a];
	[sflag:s17] =	ssyncadd.s32 $0xFFFFC7C0  }
0x15f: {  	[spmem:s2] =	stream.indirect.scatter.add.f32 [tilespmem:s14], [sflag:$0x4], $0x90, s10, s13, $0xb8;
	[tilespmem:$0x1F1C0] =	vst v63  }
0x160: {  	_ =	swait.ge [sflag:s11], $0x3840  }
0x161: {  	[sflag:s11] =	ssyncset.done $0x0  }
0x162: {  	s5 =	rddreg [dreg:$0x1b];
	[sflag:s11] =	ssyncadd.s32 $0xFFFFC7C0  }
0x163: {  	[tilespmem:s14], [sflag:$0x1] =	stream.indirect.gather [hbm4b:s4+s13], $0x90, s5, s13, $0xb8;
	[tilespmem:$0x1F1C0] =	vst v63  }
0x164: {  	_ =	swait.ge [sflag:s18], $0x3840  }
0x165: {  	[sflag:s18] =	ssyncset.done $0x0  }
0x166: {  	s9 =	rddreg [dreg:$0x1c];
	[sflag:s18] =	ssyncadd.s32 $0xFFFFC7C0  }
0x167: {  	[spmem:s2] =	stream.indirect.scatter.add.f32 [tilespmem:s16], [sflag:$0x4], $0x90, s9, s13, $0xb8;
	[tilespmem:$0x1F1C0] =	vst v63  }
0x168: {  	_ =	swait.ge [sflag:s11], $0x3840  }
0x169: {  	[sflag:s11] =	ssyncset.done $0x0  }
0x16a: {  	s10 =	rddreg [dreg:$0x1d];
	[sflag:s11] =	ssyncadd.s32 $0xFFFFC7C0  }
0x16b: {  	[tilespmem:s16], [sflag:$0x2] =	stream.indirect.gather [hbm4b:s4+s13], $0x90, s10, s13, $0xb8;
	[tilespmem:$0x1F1C0] =	vst v63  }
0x16c: {  	_ =	swait.ge [sflag:s17], $0x3840  }
0x16d: {  	[sflag:s17] =	ssyncset.done $0x0  }
0x16e: {  	[sflag:s17] =	ssyncadd.s32 $0xFFFFC7C0  }
0x16f: {  	[spmem:s2] =	stream.indirect.scatter.add.f32 [tilespmem:s14], [sflag:$0x4], $0x90, s19, s13, $0xb8;
	[tilespmem:$0x1F1C0] =	vst v63  }
0x170: {  	_ =	swait.ge [sflag:s11], $0x3840  }
0x171: {  	[sflag:s11] =	ssyncset.done $0x0  }
0x172: {  	[sflag:s11] =	ssyncadd.s32 $0xFFFFC7C0  }
0x173: {  	[tilespmem:s14], [sflag:$0x1] =	stream.indirect.gather [hbm4b:s4+s13], $0x90, s20, s13, $0xb8;
	[tilespmem:$0x1F1C0] =	vst v63  }
0x174: {  	_ =	swait.ge [sflag:s18], $0x3840  }
0x175: {  	[sflag:s18] =	ssyncset.done $0x0  }
0x176: {  	[sflag:s18] =	ssyncadd.s32 $0xFFFFC7C0  }
0x177: {  	[spmem:s2] =	stream.indirect.scatter.add.f32 [tilespmem:s16], [sflag:$0x4], $0x90, s21, s13, $0xb8;
	[tilespmem:$0x1F1C0] =	vst v63  }
0x178: {  	_ =	swait.ge [sflag:s11], $0x3840  }
0x179: {  	[sflag:s11] =	ssyncset.done $0x0  }
0x17a: {  	[sflag:s11] =	ssyncadd.s32 $0xFFFFC7C0  }
0x17b: {  	[tilespmem:s16], [sflag:$0x2] =	stream.indirect.gather [hbm4b:s4+s13], $0x90, s22, s13, $0xb8;
	[tilespmem:$0x1F1C0] =	vst v63  }
0x17c: {  	_ =	swait.ge [sflag:s17], $0x3840  }
0x17d: {  	[sflag:s17] =	ssyncset.done $0x0  }
0x17e: {  	[sflag:s17] =	ssyncadd.s32 $0xFFFFC7C0  }
0x17f: {  	[spmem:s2] =	stream.indirect.scatter.add.f32 [tilespmem:s14], [sflag:$0x4], $0x90, s23, s13, $0xb8;
	[tilespmem:$0x1F1C0] =	vst v63  }
0x180: {  	_ =	swait.ge [sflag:s11], $0x3840  }
0x181: {  	[sflag:s11] =	ssyncset.done $0x0  }
0x182: {  	[sflag:s11] =	ssyncadd.s32 $0xFFFFC7C0  }
0x183: {  	[tilespmem:s14], [sflag:$0x1] =	stream.indirect.gather [hbm4b:s4+s13], $0x90, s24, s13, $0xb8;
	[tilespmem:$0x1F1C0] =	vst v63  }
0x184: {  	_ =	swait.ge [sflag:s18], $0x3840  }
0x185: {  	[sflag:s18] =	ssyncset.done $0x0  }
0x186: {  	[sflag:s18] =	ssyncadd.s32 $0xFFFFC7C0  }
0x187: {  	[spmem:s2] =	stream.indirect.scatter.add.f32 [tilespmem:s16], [sflag:$0x4], $0x90, s25, s13, $0xb8;
	[tilespmem:$0x1F1C0] =	vst v63  }
0x188: {  	_ =	swait.ge [sflag:s11], $0x3840  }
0x189: {  	[sflag:s11] =	ssyncset.done $0x0  }
0x18a: {  	[sflag:s11] =	ssyncadd.s32 $0xFFFFC7C0  }
0x18b: {  	[tilespmem:s16], [sflag:$0x2] =	stream.indirect.gather [hbm4b:s4+s13], $0x90, s26, s13, $0xb8;
	[tilespmem:$0x1F1C0] =	vst v63  }
0x18c: {  	_ =	swait.ge [sflag:s17], $0x3840  }
0x18d: {  	[sflag:s17] =	ssyncset.done $0x0  }
0x18e: {  	[sflag:s17] =	ssyncadd.s32 $0xFFFFC7C0  }
0x18f: {  	[spmem:s2] =	stream.indirect.scatter.add.f32 [tilespmem:s14], [sflag:$0x4], $0x90, s28, s13, $0xb8;
	[tilespmem:$0x1F1C0] =	vst v63  }
0x190: {  	_ =	swait.ge [sflag:s11], $0x3840  }
0x191: {  	[sflag:s11] =	ssyncset.done $0x0  }
0x192: {  	[sflag:s11] =	ssyncadd.s32 $0xFFFFC7C0  }
0x193: {  	[tilespmem:s14], [sflag:$0x1] =	stream.indirect.gather [hbm4b:s4+s13], $0x90, s29, s13, $0xb8;
	[tilespmem:$0x1F1C0] =	vst v63  }
0x194: {  	_ =	swait.ge [sflag:s18], $0x3840  }
0x195: {  	[sflag:s18] =	ssyncset.done $0x0  }
0x196: {  	[sflag:s18] =	ssyncadd.s32 $0xFFFFC7C0  }
0x197: {  	[spmem:s2] =	stream.indirect.scatter.add.f32 [tilespmem:s16], [sflag:$0x4], $0x90, s30, s13, $0xb8;
	[tilespmem:$0x1F1C0] =	vst v63  }
0x198: {  	_ =	swait.ge [sflag:s11], $0x3840  }
0x199: {  	[sflag:s11] =	ssyncset.done $0x0  }
0x19a: {  	[sflag:s11] =	ssyncadd.s32 $0xFFFFC7C0  }
0x19b: {  	[tilespmem:s16], [sflag:$0x2] =	stream.indirect.gather [hbm4b:s4+s13], $0x90, s31, s13, $0xb8;
	[tilespmem:$0x1F1C0] =	vst v63  }
0x19c: {  	_ =	swait.ge [sflag:s17], $0x3840  }
0x19d: {  	[sflag:s17] =	ssyncset.done $0x0  }
0x19e: {  	[sflag:s17] =	ssyncadd.s32 $0xFFFFC7C0  }
0x19f: {  	[spmem:s2] =	stream.indirect.scatter.add.f32 [tilespmem:s14], [sflag:$0x4], $0x90, s1, s13, $0xb8;
	[tilespmem:$0x1F1C0] =	vst v63  }
0x1a0: {  	_ =	swait.ge [sflag:s11], $0x3840  }
0x1a1: {  	[sflag:s11] =	ssyncset.done $0x0  }
0x1a2: {  	s7 =	sadd.s32 $0x104, s7;
	[sflag:s11] =	ssyncadd.s32 $0xFFFFC7C0  }
0x1a3: {  	p0 =	sne.s32 s7, $0x514;
	_ =	swait.ge [sflag:s18], $0x3840  }
.Ltmp3:
0x1a4: {  	[sflag:s18] =	ssyncset.done $0x0;
	(pc) =	sbr.rel @p0 .LBB2_8-.Ltmp3, $4  }
0x1a5: {  	[sflag:s18] =	ssyncadd.s32 $0xFFFFC7C0  }
0x1a6: {  	[spmem:s2] =	stream.indirect.scatter.add.f32 [tilespmem:s16], [sflag:$0x4], $0x90, s0, s13, $0xb8;
	[tilespmem:$0x1F1C0] =	vst v63  }
0x1a7: {  	_ =	swait.ge [sflag:s11], $0x3840  }
0x1a8: {  	s9 =	rddreg [dreg:$0x5];
	[sflag:s11] =	ssyncset.done $0x0  }
0x1a9: {  	[sflag:s11] =	ssyncadd.s32 $0xFFFFC7C0;
	p0 =	seq.s32 s6, $0x0  }
0x1aa: {  	s3 =	sadd.s32 @!p0 s6, s9;
	s5 =	simm.s32 @!p0 $0x0;
	s7 =	simm.s32 @!p0 $0x4  }
0x1ab: {  	[tilespmem:s5], [sflag:$0x4] =	stream.linear.gather @!p0 [hbm4b:s3+s5], $0x820, $0x38;
	[tilespmem:$0x1F1C0] =	vst v63  }
0x1ac: {  	_ =	swait.ge @!p0 [sflag:s7], $0x820  }
0x1ad: {  	s3 =	rddreg [dreg:$0x4];
	[sflag:s7] =	ssyncset.done @!p0 $0x0  }
0x1ae: {  	[sflag:s7] =	ssyncadd.s32 @!p0 $0xFFFFF7E0;
	s3 =	sadd.s32 @!p0 s6, s3;
	s6 =	simm.s32 @!p0 $0x820  }
0x1af: {  	[tilespmem:s6], [sflag:$0x4] =	stream.linear.gather @!p0 [hbm4b:s3+s5], $0x820, $0x38;
	[tilespmem:$0x1F1C0] =	vst v63  }
0x1b0: {  	_ =	swait.ge @!p0 [sflag:s7], $0x820  }
0x1b1: {  	[sflag:s7] =	ssyncset.done @!p0 $0x0  }
0x1b2: {  	s3 =	simm.s32 @!p0 $0x1040;
	s6 =	simm.s32 @!p0 $0x64;
	[sflag:s7] =	ssyncadd.s32 @!p0 $0xFFFFF7E0  }
0x1b3: {  	[tilespmem:s3], [sflag:$0x1] =	stream.indirect.gather @!p0 [hbm4b:s4+s6], $0x90, s5, s6, $0xb8;
	[tilespmem:$0x1F1C0] =	vst v63  }
0x1b4: {  	s10 =	rddreg [dreg:$0x6]  }
0x1b5: {  	[tilespmem:s16], [sflag:$0x2] =	stream.indirect.gather [hbm4b:s4+s13], $0x90, s10, s13, $0xb8;
	[tilespmem:$0x1F1C0] =	vst v63  }
0x1b6: {  	_ =	swait.ge [sflag:s17], $0x3840  }
0x1b7: {  	[sflag:s17] =	ssyncset.done $0x0  }
0x1b8: {  	[sflag:s17] =	ssyncadd.s32 $0xFFFFC7C0  }
0x1b9: {  	[spmem:s2] =	stream.indirect.scatter.add.f32 [tilespmem:s14], [sflag:$0x4], $0x90, s12, s13, $0xb8;
	[tilespmem:$0x1F1C0] =	vst v63  }
0x1ba: {  	_ =	swait.ge [sflag:s11], $0x3840  }
0x1bb: {  	[sflag:s11] =	ssyncset.done $0x0  }
0x1bc: {  	s7 =	rddreg [dreg:$0x7];
	[sflag:s11] =	ssyncadd.s32 $0xFFFFC7C0  }
0x1bd: {  	[tilespmem:s14], [sflag:$0x1] =	stream.indirect.gather [hbm4b:s4+s13], $0x90, s7, s13, $0xb8;
	[tilespmem:$0x1F1C0] =	vst v63  }
0x1be: {  	_ =	swait.ge [sflag:s18], $0x3840  }
0x1bf: {  	[sflag:s18] =	ssyncset.done $0x0  }
0x1c0: {  	s9 =	rddreg [dreg:$0x8];
	[sflag:s18] =	ssyncadd.s32 $0xFFFFC7C0  }
0x1c1: {  	[spmem:s2] =	stream.indirect.scatter.add.f32 [tilespmem:s16], [sflag:$0x4], $0x90, s9, s13, $0xb8;
	[tilespmem:$0x1F1C0] =	vst v63  }
0x1c2: {  	_ =	swait.ge [sflag:s11], $0x3840  }
0x1c3: {  	[sflag:s11] =	ssyncset.done $0x0  }
0x1c4: {  	s10 =	rddreg [dreg:$0x9];
	[sflag:s11] =	ssyncadd.s32 $0xFFFFC7C0  }
0x1c5: {  	[tilespmem:s16], [sflag:$0x2] =	stream.indirect.gather [hbm4b:s4+s13], $0x90, s10, s13, $0xb8;
	[tilespmem:$0x1F1C0] =	vst v63  }
0x1c6: {  	_ =	swait.ge [sflag:s17], $0x3840  }
0x1c7: {  	[sflag:s17] =	ssyncset.done $0x0  }
0x1c8: {  	s5 =	rddreg [dreg:$0xa];
	[sflag:s17] =	ssyncadd.s32 $0xFFFFC7C0  }
0x1c9: {  	[spmem:s2] =	stream.indirect.scatter.add.f32 [tilespmem:s14], [sflag:$0x4], $0x90, s5, s13, $0xb8;
	[tilespmem:$0x1F1C0] =	vst v63  }
0x1ca: {  	_ =	swait.ge [sflag:s11], $0x3840  }
0x1cb: {  	[sflag:s11] =	ssyncset.done $0x0  }
0x1cc: {  	s6 =	rddreg [dreg:$0xb];
	[sflag:s11] =	ssyncadd.s32 $0xFFFFC7C0  }
0x1cd: {  	[tilespmem:s14], [sflag:$0x1] =	stream.indirect.gather [hbm4b:s4+s13], $0x90, s6, s13, $0xb8;
	[tilespmem:$0x1F1C0] =	vst v63  }
0x1ce: {  	_ =	swait.ge [sflag:s18], $0x3840  }
0x1cf: {  	[sflag:s18] =	ssyncset.done $0x0  }
0x1d0: {  	s7 =	rddreg [dreg:$0xc];
	[sflag:s18] =	ssyncadd.s32 $0xFFFFC7C0  }
0x1d1: {  	[spmem:s2] =	stream.indirect.scatter.add.f32 [tilespmem:s16], [sflag:$0x4], $0x90, s7, s13, $0xb8;
	[tilespmem:$0x1F1C0] =	vst v63  }
0x1d2: {  	_ =	swait.ge [sflag:s11], $0x3840  }
0x1d3: {  	[sflag:s11] =	ssyncset.done $0x0  }
0x1d4: {  	s9 =	rddreg [dreg:$0xd];
	[sflag:s11] =	ssyncadd.s32 $0xFFFFC7C0  }
0x1d5: {  	[tilespmem:s16], [sflag:$0x2] =	stream.indirect.gather [hbm4b:s4+s13], $0x90, s9, s13, $0xb8;
	[tilespmem:$0x1F1C0] =	vst v63  }
0x1d6: {  	_ =	swait.ge [sflag:s17], $0x3840  }
0x1d7: {  	[sflag:s17] =	ssyncset.done $0x0  }
0x1d8: {  	s10 =	rddreg [dreg:$0xe];
	[sflag:s17] =	ssyncadd.s32 $0xFFFFC7C0  }
0x1d9: {  	[spmem:s2] =	stream.indirect.scatter.add.f32 [tilespmem:s14], [sflag:$0x4], $0x90, s10, s13, $0xb8;
	[tilespmem:$0x1F1C0] =	vst v63  }
0x1da: {  	_ =	swait.ge [sflag:s11], $0x3840  }
0x1db: {  	[sflag:s11] =	ssyncset.done $0x0  }
0x1dc: {  	s5 =	rddreg [dreg:$0xf];
	[sflag:s11] =	ssyncadd.s32 $0xFFFFC7C0  }
0x1dd: {  	[tilespmem:s14], [sflag:$0x1] =	stream.indirect.gather [hbm4b:s4+s13], $0x90, s5, s13, $0xb8;
	[tilespmem:$0x1F1C0] =	vst v63  }
0x1de: {  	_ =	swait.ge [sflag:s18], $0x3840  }
0x1df: {  	[sflag:s18] =	ssyncset.done $0x0  }
0x1e0: {  	s6 =	rddreg [dreg:$0x10];
	[sflag:s18] =	ssyncadd.s32 $0xFFFFC7C0  }
0x1e1: {  	[spmem:s2] =	stream.indirect.scatter.add.f32 [tilespmem:s16], [sflag:$0x4], $0x90, s6, s13, $0xb8;
	[tilespmem:$0x1F1C0] =	vst v63  }
0x1e2: {  	_ =	swait.ge [sflag:s11], $0x3840  }
0x1e3: {  	[sflag:s11] =	ssyncset.done $0x0  }
0x1e4: {  	s7 =	rddreg [dreg:$0x11];
	[sflag:s11] =	ssyncadd.s32 $0xFFFFC7C0  }
0x1e5: {  	[tilespmem:s16], [sflag:$0x2] =	stream.indirect.gather [hbm4b:s4+s13], $0x90, s7, s13, $0xb8;
	[tilespmem:$0x1F1C0] =	vst v63  }
0x1e6: {  	_ =	swait.ge [sflag:s17], $0x3840  }
0x1e7: {  	[sflag:s17] =	ssyncset.done $0x0  }
0x1e8: {  	s9 =	rddreg [dreg:$0x12];
	[sflag:s17] =	ssyncadd.s32 $0xFFFFC7C0  }
0x1e9: {  	[spmem:s2] =	stream.indirect.scatter.add.f32 [tilespmem:s14], [sflag:$0x4], $0x90, s9, s13, $0xb8;
	[tilespmem:$0x1F1C0] =	vst v63  }
0x1ea: {  	_ =	swait.ge [sflag:s11], $0x3840  }
0x1eb: {  	[sflag:s11] =	ssyncset.done $0x0  }
0x1ec: {  	s10 =	rddreg [dreg:$0x13];
	[sflag:s11] =	ssyncadd.s32 $0xFFFFC7C0  }
0x1ed: {  	[tilespmem:s14], [sflag:$0x1] =	stream.indirect.gather [hbm4b:s4+s13], $0x90, s10, s13, $0xb8;
	[tilespmem:$0x1F1C0] =	vst v63  }
0x1ee: {  	_ =	swait.ge [sflag:s18], $0x3840  }
0x1ef: {  	[sflag:s18] =	ssyncset.done $0x0  }
0x1f0: {  	s5 =	rddreg [dreg:$0x14];
	[sflag:s18] =	ssyncadd.s32 $0xFFFFC7C0  }
0x1f1: {  	[spmem:s2] =	stream.indirect.scatter.add.f32 [tilespmem:s16], [sflag:$0x4], $0x90, s5, s13, $0xb8;
	[tilespmem:$0x1F1C0] =	vst v63  }
0x1f2: {  	_ =	swait.ge [sflag:s11], $0x3840  }
0x1f3: {  	[sflag:s11] =	ssyncset.done $0x0  }
0x1f4: {  	s6 =	rddreg [dreg:$0x15];
	[sflag:s11] =	ssyncadd.s32 $0xFFFFC7C0  }
0x1f5: {  	[tilespmem:s16], [sflag:$0x2] =	stream.indirect.gather [hbm4b:s4+s13], $0x90, s6, s13, $0xb8;
	[tilespmem:$0x1F1C0] =	vst v63  }
0x1f6: {  	_ =	swait.ge [sflag:s17], $0x3840  }
0x1f7: {  	[sflag:s17] =	ssyncset.done $0x0  }
0x1f8: {  	s7 =	rddreg [dreg:$0x16];
	[sflag:s17] =	ssyncadd.s32 $0xFFFFC7C0  }
0x1f9: {  	[spmem:s2] =	stream.indirect.scatter.add.f32 [tilespmem:s14], [sflag:$0x4], $0x90, s7, s13, $0xb8;
	[tilespmem:$0x1F1C0] =	vst v63  }
0x1fa: {  	_ =	swait.ge [sflag:s11], $0x3840  }
0x1fb: {  	[sflag:s11] =	ssyncset.done $0x0  }
0x1fc: {  	s9 =	rddreg [dreg:$0x17];
	[sflag:s11] =	ssyncadd.s32 $0xFFFFC7C0  }
0x1fd: {  	[tilespmem:s14], [sflag:$0x1] =	stream.indirect.gather [hbm4b:s4+s13], $0x90, s9, s13, $0xb8;
	[tilespmem:$0x1F1C0] =	vst v63  }
0x1fe: {  	_ =	swait.ge [sflag:s18], $0x3840  }
0x1ff: {  	[sflag:s18] =	ssyncset.done $0x0  }
0x200: {  	s10 =	rddreg [dreg:$0x18];
	[sflag:s18] =	ssyncadd.s32 $0xFFFFC7C0  }
0x201: {  	[spmem:s2] =	stream.indirect.scatter.add.f32 [tilespmem:s16], [sflag:$0x4], $0x90, s10, s13, $0xb8;
	[tilespmem:$0x1F1C0] =	vst v63  }
0x202: {  	_ =	swait.ge [sflag:s11], $0x3840  }
0x203: {  	[sflag:s11] =	ssyncset.done $0x0  }
0x204: {  	s5 =	rddreg [dreg:$0x19];
	[sflag:s11] =	ssyncadd.s32 $0xFFFFC7C0  }
0x205: {  	[tilespmem:s16], [sflag:$0x2] =	stream.indirect.gather [hbm4b:s4+s13], $0x90, s5, s13, $0xb8;
	[tilespmem:$0x1F1C0] =	vst v63  }
0x206: {  	_ =	swait.ge [sflag:s17], $0x3840  }
0x207: {  	[sflag:s17] =	ssyncset.done $0x0  }
0x208: {  	s6 =	rddreg [dreg:$0x1a];
	[sflag:s17] =	ssyncadd.s32 $0xFFFFC7C0  }
0x209: {  	[spmem:s2] =	stream.indirect.scatter.add.f32 [tilespmem:s14], [sflag:$0x4], $0x90, s6, s13, $0xb8;
	[tilespmem:$0x1F1C0] =	vst v63  }
0x20a: {  	_ =	swait.ge [sflag:s11], $0x3840  }
0x20b: {  	[sflag:s11] =	ssyncset.done $0x0  }
0x20c: {  	s7 =	rddreg [dreg:$0x1b];
	[sflag:s11] =	ssyncadd.s32 $0xFFFFC7C0  }
0x20d: {  	[tilespmem:s14], [sflag:$0x1] =	stream.indirect.gather [hbm4b:s4+s13], $0x90, s7, s13, $0xb8;
	[tilespmem:$0x1F1C0] =	vst v63  }
0x20e: {  	_ =	swait.ge [sflag:s18], $0x3840  }
0x20f: {  	[sflag:s18] =	ssyncset.done $0x0  }
0x210: {  	s9 =	rddreg [dreg:$0x1c];
	[sflag:s18] =	ssyncadd.s32 $0xFFFFC7C0  }
0x211: {  	[spmem:s2] =	stream.indirect.scatter.add.f32 [tilespmem:s16], [sflag:$0x4], $0x90, s9, s13, $0xb8;
	[tilespmem:$0x1F1C0] =	vst v63  }
0x212: {  	_ =	swait.ge [sflag:s11], $0x3840  }
0x213: {  	[sflag:s11] =	ssyncset.done $0x0  }
0x214: {  	s10 =	rddreg [dreg:$0x1d];
	[sflag:s11] =	ssyncadd.s32 $0xFFFFC7C0  }
0x215: {  	[tilespmem:s16], [sflag:$0x2] =	stream.indirect.gather [hbm4b:s4+s13], $0x90, s10, s13, $0xb8;
	[tilespmem:$0x1F1C0] =	vst v63  }
0x216: {  	_ =	swait.ge [sflag:s17], $0x3840  }
0x217: {  	[sflag:s17] =	ssyncset.done $0x0  }
0x218: {  	[sflag:s17] =	ssyncadd.s32 $0xFFFFC7C0  }
0x219: {  	[spmem:s2] =	stream.indirect.scatter.add.f32 [tilespmem:s14], [sflag:$0x4], $0x90, s19, s13, $0xb8;
	[tilespmem:$0x1F1C0] =	vst v63  }
0x21a: {  	_ =	swait.ge [sflag:s11], $0x3840  }
0x21b: {  	[sflag:s11] =	ssyncset.done $0x0  }
0x21c: {  	[sflag:s11] =	ssyncadd.s32 $0xFFFFC7C0  }
0x21d: {  	[tilespmem:s14], [sflag:$0x1] =	stream.indirect.gather [hbm4b:s4+s13], $0x90, s20, s13, $0xb8;
	[tilespmem:$0x1F1C0] =	vst v63  }
0x21e: {  	_ =	swait.ge [sflag:s18], $0x3840  }
0x21f: {  	[sflag:s18] =	ssyncset.done $0x0  }
0x220: {  	[sflag:s18] =	ssyncadd.s32 $0xFFFFC7C0  }
0x221: {  	[spmem:s2] =	stream.indirect.scatter.add.f32 [tilespmem:s16], [sflag:$0x4], $0x90, s21, s13, $0xb8;
	[tilespmem:$0x1F1C0] =	vst v63  }
0x222: {  	_ =	swait.ge [sflag:s11], $0x3840  }
0x223: {  	[sflag:s11] =	ssyncset.done $0x0  }
0x224: {  	[sflag:s11] =	ssyncadd.s32 $0xFFFFC7C0  }
0x225: {  	[tilespmem:s16], [sflag:$0x2] =	stream.indirect.gather [hbm4b:s4+s13], $0x90, s22, s13, $0xb8;
	[tilespmem:$0x1F1C0] =	vst v63  }
0x226: {  	_ =	swait.ge [sflag:s17], $0x3840  }
0x227: {  	[sflag:s17] =	ssyncset.done $0x0  }
0x228: {  	[sflag:s17] =	ssyncadd.s32 $0xFFFFC7C0  }
0x229: {  	[spmem:s2] =	stream.indirect.scatter.add.f32 [tilespmem:s14], [sflag:$0x4], $0x90, s23, s13, $0xb8;
	[tilespmem:$0x1F1C0] =	vst v63  }
0x22a: {  	_ =	swait.ge [sflag:s11], $0x3840  }
0x22b: {  	[sflag:s11] =	ssyncset.done $0x0  }
0x22c: {  	[sflag:s11] =	ssyncadd.s32 $0xFFFFC7C0  }
0x22d: {  	[tilespmem:s14], [sflag:$0x1] =	stream.indirect.gather [hbm4b:s4+s13], $0x90, s24, s13, $0xb8;
	[tilespmem:$0x1F1C0] =	vst v63  }
0x22e: {  	_ =	swait.ge [sflag:s18], $0x3840  }
0x22f: {  	[sflag:s18] =	ssyncset.done $0x0  }
0x230: {  	[sflag:s18] =	ssyncadd.s32 $0xFFFFC7C0  }
0x231: {  	[spmem:s2] =	stream.indirect.scatter.add.f32 [tilespmem:s16], [sflag:$0x4], $0x90, s25, s13, $0xb8;
	[tilespmem:$0x1F1C0] =	vst v63  }
0x232: {  	_ =	swait.ge [sflag:s11], $0x3840  }
0x233: {  	[sflag:s11] =	ssyncset.done $0x0  }
0x234: {  	[sflag:s11] =	ssyncadd.s32 $0xFFFFC7C0  }
0x235: {  	[tilespmem:s16], [sflag:$0x2] =	stream.indirect.gather [hbm4b:s4+s13], $0x90, s26, s13, $0xb8;
	[tilespmem:$0x1F1C0] =	vst v63  }
0x236: {  	_ =	swait.ge [sflag:s17], $0x3840  }
0x237: {  	[sflag:s17] =	ssyncset.done $0x0  }
0x238: {  	[sflag:s17] =	ssyncadd.s32 $0xFFFFC7C0  }
0x239: {  	[spmem:s2] =	stream.indirect.scatter.add.f32 [tilespmem:s14], [sflag:$0x4], $0x90, s28, s13, $0xb8;
	[tilespmem:$0x1F1C0] =	vst v63  }
0x23a: {  	_ =	swait.ge [sflag:s11], $0x3840  }
0x23b: {  	[sflag:s11] =	ssyncset.done $0x0  }
0x23c: {  	[sflag:s11] =	ssyncadd.s32 $0xFFFFC7C0  }
0x23d: {  	[tilespmem:s14], [sflag:$0x1] =	stream.indirect.gather [hbm4b:s4+s13], $0x90, s29, s13, $0xb8;
	[tilespmem:$0x1F1C0] =	vst v63  }
0x23e: {  	_ =	swait.ge [sflag:s18], $0x3840  }
0x23f: {  	[sflag:s18] =	ssyncset.done $0x0  }
0x240: {  	[sflag:s18] =	ssyncadd.s32 $0xFFFFC7C0  }
0x241: {  	[spmem:s2] =	stream.indirect.scatter.add.f32 [tilespmem:s16], [sflag:$0x4], $0x90, s30, s13, $0xb8;
	[tilespmem:$0x1F1C0] =	vst v63  }
0x242: {  	_ =	swait.ge [sflag:s11], $0x3840  }
0x243: {  	[sflag:s11] =	ssyncset.done $0x0  }
0x244: {  	[sflag:s11] =	ssyncadd.s32 $0xFFFFC7C0  }
0x245: {  	[tilespmem:s16], [sflag:$0x2] =	stream.indirect.gather [hbm4b:s4+s13], $0x90, s31, s13, $0xb8;
	[tilespmem:$0x1F1C0] =	vst v63  }
0x246: {  	_ =	swait.ge [sflag:s17], $0x3840  }
0x247: {  	[sflag:s17] =	ssyncset.done $0x0  }
0x248: {  	[sflag:s17] =	ssyncadd.s32 $0xFFFFC7C0  }
0x249: {  	[spmem:s2] =	stream.indirect.scatter.add.f32 [tilespmem:s14], [sflag:$0x4], $0x90, s1, s13, $0xb8;
	[tilespmem:$0x1F1C0] =	vst v63  }
0x24a: {  	_ =	swait.ge [sflag:s11], $0x3840  }
0x24b: {  	[sflag:s11] =	ssyncset.done $0x0  }
0x24c: {  	[sflag:s11] =	ssyncadd.s32 $0xFFFFC7C0  }
0x24d: {  	_ =	swait.ge [sflag:s18], $0x3840  }
0x24e: {  	[sflag:s18] =	ssyncset.done $0x0  }
0x24f: {  	[sflag:s18] =	ssyncadd.s32 $0xFFFFC7C0  }
0x250: {  	[spmem:s2] =	stream.indirect.scatter.add.f32 [tilespmem:s16], [sflag:$0x4], $0x90, s0, s13, $0xb8;
	[tilespmem:$0x1F1C0] =	vst v63  }
0x251: {  	_ =	swait.ge [sflag:s11], $0x3840  }
0x252: {  	[sflag:s11] =	ssyncset.done $0x0  }
0x253: {  	[sflag:s11] =	ssyncadd.s32 $0xFFFFC7C0  }
0x254: {  	[bflag:$0x0] =	sbarrier.arrive $0xFFFF  }
0x255: {  	s5 =	stileid.u32;
	s7 =	sld [smem:$0x7FC]  }
0x256: {  	s3 =	sshll.u32 s5, $0x6  }
0x257: {  	s3 =	sor.u32 $0x1C04, s3;
	s6 =	sshrl.u32 s8, $0x3  }
0x258: {  	[hbm:s7], [sflag:s3] =	dma.local [spmem:s6], $0x2D00  }
0x259: {  	_ =	swait.ge [sflag:s11], $0x2D00  }
0x25a: {  	s9 =	sld [smem:$0x7FB]  }
0x25b: {  	s10 =	sld [smem:$0x7FD];
	_ =	sdelay $0x1  }
0x25c: {  	s5 =	sadd.s32 $0x1, s9  }
0x25d: {  	p0 =	sne.s32 s5, s10  }
.Ltmp4:
0x25e: {  	_ = 	snop;
	(pc) =	sbr.rel @p0 .LBB2_1-.Ltmp4, $3  }
0x25f: {  	_ =	sdelay $0x1  }
0x260: {  	[sflag:s11] =	ssyncset.done $0x0  }
0x261: {  	s3 =	simm.s32 $0x80C0;
	[sflag:s11] =	ssyncadd.s32 $0xFFFFD300  }
0x262: {  	_ =	sfence.sel $0x180000  }
0x263: {  	[bflag:$0x0] =	sbarrier.arrive $0xFFFF  }
0x264: {  	_ =	strace $0x9000004A  }
0x265: {  	s0 =	stileid.u32;
	[bflag:$0x2] =	sbarrier.arrive $0xFFFF  }
0x266: {  	p0 =	sne.s32 s0, $0x0;
	s0 =	rddreg [dreg:$0x3]  }
0x267: {  	s0 =	sadd.s32 @!p0 $0x100000, s0  }
0x268: {  	[sflag:s0] =	ssyncadd.tile.s32 @!p0 $0x1;
	_ =	shalt  }
.Lfunc_end2:
_tile_overlayer_lowered:
.L_overlay_start_2:
0x269: {  	(tag) =	ssettag $0x2  }
0x26a: {  	s0 =	rddreg [dreg:$0x0];
	s2 =	stileid.u32  }
0x26b: {  	s1 =	rddreg [dreg:$0x1];
	p0 =	sne.s32 s2, $0x0  }
0x26c: {  	s3 =	rddreg [dreg:$0x2];
	[bflag:$0x3] =	sbarrier.arrive $0xFFFF;
	s2 =	simm.s32 @!p0 $0x1C04  }
0x26d: {  	[timem:s3], [sflag:s2] =	dma.local @!p0 [hbm:s0], s1  }
0x26e: {  	s0 =	simm.s32 @!p0 $0x4  }
0x26f: {  	_ =	swait.ge @!p0 [sflag:s0], s1  }
0x270: {  	s1 =	ssub.s32 @!p0 $0x0, s1;
	[sflag:s0] =	ssyncset.done @!p0 $0x0  }
0x271: {  	[sflag:s0] =	ssyncadd.s32 @!p0 s1  }
0x272: {  	[bflag:$0x3] =	sbarrier.arrive $0xFFFF  }
0x273: {  	_ =	shalt  }

// kernel: kernel.17.cloned.1.call-start
scs
__scs_entry_jumppad:
0x0: {  	(pc) =	sbr.rel $0x88, $3  }
0x1: {  	(tag) =	ssettag $0x0;
	lr =	simm.s32 $0x1  }
0x2: {  	[smem:$0x3F98] =	sst lr;
	_ =	strace $0xD0000000  }
0x3: {  	_ = 	snop  }
0x4: {  	_ = 	snop  }
0x5: {  	_ = 	snop  }
0x6: {  	_ = 	snop  }
0x7: {  	_ = 	snop  }
__scs_overlays_trampoline_lowered:
0x8: {  	[smem:$0x3FA7] =	sst s0  }
0x9: {  	[smem:$0x3FA8] =	sst s1  }
0xa: {  	[smem:$0x3FA9] =	sst s2  }
0xb: {  	[smem:$0x3FAA] =	sst s3  }
0xc: {  	[smem:$0x3FAB] =	sst s4  }
0xd: {  	[smem:$0x3FAC] =	sst s5  }
0xe: {  	[smem:$0x3FAD] =	sst s6  }
0xf: {  	[smem:$0x3FAE] =	sst s7  }
0x10: {  	[smem:$0x3FAF] =	sst s8  }
0x11: {  	[smem:$0x3FB0] =	sst s9;
	s0 =	simm.s32 @!p0 $0x0  }
0x12: {  	s1 =	sld [smem:$0x3F96];
	s0 =	simm.s32 @p0 $0x1  }
0x13: {  	[smem:$0x3FB1] =	sst s0;
	s0 =	simm.s32 @!p1 $0x0  }
0x14: {  	s2 =	sld [smem:$0x3F95];
	s0 =	simm.s32 @p1 $0x1  }
0x15: {  	[smem:$0x3FB2] =	sst s0;
	s0 =	simm.s32 @!p2 $0x0  }
0x16: {  	s3 =	sld [smem:$0x3FDB];
	s0 =	simm.s32 @p2 $0x1  }
0x17: {  	s4 =	simm.s32 $0x1BF5;
	[smem:$0x3FB4] =	sst s0  }
0x18: {  	s0 =	sld [smem:$0x3F97];
	_ =	swait.ge [sflag:s4], $0x0  }
0x19: {  	s7 =	sld [smem:$0x3F98]  }
0x1a: {  	s8 =	sadd.s32 $0xFFFFE003, lr  }
0x1b: {  	s9 =	sadd.s32 $0xFFFFFEF7, lr;
	s5 =	simm.s32 $0xFFFFFFFF;
	p2 =	slt.u32 s8, $0xFFFFF086  }
0x1c: {  	p1 =	slt.u32 s9, $0xF7A;
	s5 =	simm.s32 @!p2 $0x0  }
0x1d: {  	s5 =	simm.s32 @p1 $0x1;
	p0 =	seq.s32 s7, s2  }
0x1e: {  	s7 =	smul.u32 @!p0 $0xF7A, s2;
	p2 =	seq.s32 @!p0 s5, $0x0  }
0x1f: {  	s9 =	smul.u32 $0xF7A, s1;
	s8 =	simm.s32 @!p0 $0x1BF5;
	p2 =	por !p2, p0  }
0x20: {  	[sflag:s8] =	ssyncset.s32 @!p0 $0xFFFFF086;
	s6 =	sadd.s32 @!p0 s3, s7;
	s7 =	simm.s32 @!p0 $0x108  }
0x21: {  	s3 =	sadd.s32 s3, s9;
	s6 =	sadd.s32 @!p0 $0x88, s6;
	s7 =	simm.s32 @p2 $0x1082  }
0x22: {  	[simem:s7], [sflag:s8] =	dma.local @!p0 [hbm:s6], $0xF7A  }
0x23: {  	s9 =	sor.u32 $0xD0000000, s2;
	s6 =	simm.s32 $0x108;
	_ =	swait.ge @!p0 [sflag:s8], $0x0  }
0x24: {  	s3 =	sadd.s32 $0x88, s3;
	s6 =	simm.s32 @!p1 $0x1082;
	[sflag:s4] =	ssyncset.s32 $0xFFFFF086  }
0x25: {  	[simem:s6], [sflag:s4] =	dma.local [hbm:s3], $0xF7A  }
0x26: {  	[smem:$0x3F98] =	sst s1;
	(tag) =	ssettag s2;
	_ =	strace s9  }
0x27: {  	s1 =	sld [smem:$0x3FA8]  }
0x28: {  	s2 =	sld [smem:$0x3FA9]  }
0x29: {  	s4 =	sld [smem:$0x3FAB]  }
0x2a: {  	p0 =	seq.s32 s5, $0x0;
	s5 =	sld [smem:$0x3FAC]  }
0x2b: {  	s6 =	sld [smem:$0x3FAD]  }
0x2c: {  	s7 =	sld [smem:$0x3FAE]  }
0x2d: {  	s3 =	simm.s32 $0x108;
	s8 =	sld [smem:$0x3FAF]  }
0x2e: {  	s3 =	simm.s32 @!p0 $0x1082;
	s9 =	sld [smem:$0x3FB0]  }
0x2f: {  	lr =	sadd.s32 s0, s3;
	s0 =	sld [smem:$0x3FA7]  }
0x30: {  	s3 =	sld [smem:$0x3FAA]  }
0x31: {  	[smem:$0x3FB3] =	sst s10  }
0x32: {  	s10 =	sld [smem:$0x3FB1];
	_ =	sdelay $0x3  }
0x33: {  	p0 =	seq.s32 s10, $0x1;
	s10 =	sld [smem:$0x3FB3];
	_ =	sdelay $0x3  }
0x34: {  	[smem:$0x3FB3] =	sst s10  }
0x35: {  	s10 =	sld [smem:$0x3FB2];
	_ =	sdelay $0x3  }
0x36: {  	p1 =	seq.s32 s10, $0x1;
	s10 =	sld [smem:$0x3FB3];
	_ =	sdelay $0x3  }
0x37: {  	[smem:$0x3FB3] =	sst s10  }
0x38: {  	s10 =	sld [smem:$0x3FB4]  }
0x39: {  	_ = 	snop;
	(pc) =	sbr.ind lr, $3  }
0x3a: {  	_ = 	snop  }
0x3b: {  	_ = 	snop  }
0x3c: {  	p2 =	seq.s32 s10, $0x1;
	s10 =	sld [smem:$0x3FB3]  }
0x3d: {  	_ =	shalt  }
0x3e: {  	_ =	shalt  }
0x3f: {  	_ =	shalt  }
0x40: {  	_ =	shalt  }
0x41: {  	_ =	shalt  }
0x42: {  	_ =	shalt  }
0x43: {  	_ =	shalt  }
0x44: {  	_ =	shalt  }
0x45: {  	_ =	shalt  }
0x46: {  	_ =	shalt  }
0x47: {  	_ =	shalt  }
0x48: {  	_ =	shalt  }
0x49: {  	_ =	shalt  }
0x4a: {  	_ =	shalt  }
0x4b: {  	_ =	shalt  }
0x4c: {  	_ =	shalt  }
0x4d: {  	_ =	shalt  }
0x4e: {  	_ =	shalt  }
0x4f: {  	_ =	shalt  }
0x50: {  	_ =	shalt  }
0x51: {  	_ =	shalt  }
0x52: {  	_ =	shalt  }
0x53: {  	_ =	shalt  }
0x54: {  	_ =	shalt  }
0x55: {  	_ =	shalt  }
0x56: {  	_ =	shalt  }
0x57: {  	_ =	shalt  }
0x58: {  	_ =	shalt  }
0x59: {  	_ =	shalt  }
0x5a: {  	_ =	shalt  }
0x5b: {  	_ =	shalt  }
0x5c: {  	_ =	shalt  }
0x5d: {  	_ =	shalt  }
0x5e: {  	_ =	shalt  }
0x5f: {  	_ =	shalt  }
0x60: {  	_ =	shalt  }
0x61: {  	_ =	shalt  }
0x62: {  	_ =	shalt  }
0x63: {  	_ =	shalt  }
0x64: {  	_ =	shalt  }
0x65: {  	_ =	shalt  }
0x66: {  	_ =	shalt  }
0x67: {  	_ =	shalt  }
0x68: {  	_ =	shalt  }
0x69: {  	_ =	shalt  }
0x6a: {  	_ =	shalt  }
0x6b: {  	_ =	shalt  }
0x6c: {  	_ =	shalt  }
0x6d: {  	_ =	shalt  }
0x6e: {  	_ =	shalt  }
0x6f: {  	_ =	shalt  }
0x70: {  	_ =	shalt  }
0x71: {  	_ =	shalt  }
0x72: {  	_ =	shalt  }
0x73: {  	_ =	shalt  }
0x74: {  	_ =	shalt  }
0x75: {  	_ =	shalt  }
0x76: {  	_ =	shalt  }
0x77: {  	_ =	shalt  }
0x78: {  	_ =	shalt  }
0x79: {  	_ =	shalt  }
0x7a: {  	_ =	shalt  }
0x7b: {  	_ =	shalt  }
0x7c: {  	_ =	shalt  }
0x7d: {  	_ =	shalt  }
0x7e: {  	_ =	shalt  }
0x7f: {  	_ =	shalt  }
0x80: {  	_ =	shalt  }
0x81: {  	_ =	shalt  }
0x82: {  	_ =	shalt  }
0x83: {  	_ =	shalt  }
0x84: {  	_ =	shalt  }
0x85: {  	_ =	shalt  }
0x86: {  	_ =	shalt  }
0x87: {  	_ =	shalt  }
.Lfunc_end0:
.L_simem_size_0:
called_computation.2_lowered:
.L_overlay_start_0:
0x88: {  	s2 =	sld [smem:$0x3FD9]  }
0x89: {  	s3 =	sld [smem:$0x3FFE];
	_ =	sdelay $0x1  }
0x8a: {  	s1 =	srdreg.scid  }
0x8b: {  	s0 =	sand.u32 $0x1, s1  }
0x8c: {  	s16 =	sshll.u32 s0, $0xA;
	s2 =	sadd.s32 s3, s2  }
0x8d: {  	s2 =	sadd.s32 s2, s16  }
0x8e: {  	[smem:$0x3FBF] =	sst s2  }
0x8f: {  	_ = 	snop  }
0x90: {  	(tm) =	ssettm $0x1  }
0x91: {  	s17 =	sld [smem:$0x3FFB];
	_ =	sdelay $0x3  }
0x92: {  	_ =	strace s17  }
0x93: {  	s2 =	sld [smem:$0x3FFC];
	_ =	sdelay $0x3  }
0x94: {  	_ =	strace s2  }
0x95: {  	s2 =	sld [smem:$0x3FFD];
	_ =	sdelay $0x3  }
0x96: {  	_ =	strace s2  }
0x97: {  	_ =	strace $0x8FFFFFFF  }
0x98: {  	s18 =	sld [smem:$0x3FDB];
	_ =	sdelay $0x1  }
0x99: {  	s19 =	simm.s32 $_scs_section_size  }
0x9a: {  	s4 =	simm.s32 $_size__tile_overlayer_lowered;
	s5 =	simm.s32 $_tile_overlayer_lowered  }
0x9b: {  	s22 =	simm.s32 $0x1BFF;
	s21 =	sshll.u32 s5, $0x1;
	s2 =	sadd.s32 s19, s18  }
0x9c: {  	s6 =	simm.s32 $0x0;
	s20 =	sshll.u32 s4, $0x1;
	s4 =	sadd.s32 s21, s2  }
0x9d: {  	[timem:s6], [sflag:s22] =	dma.local [hbm:s4], s20  }
0x9e: {  	_ =	swait.ge [sflag:s22], s20  }
0x9f: {  	s3 =	ssub.s32 $0x0, s20;
	[sflag:s22] =	ssyncset.done $0x0  }
0xa0: {  	[sflag:s22] =	ssyncadd.s32 s3;
	_ =	sdelay $0x1  }
0xa1: {  	s23 =	simm.s32 $0x1B8B  }
0xa2: {  	_ =	swait.ge [sflag:s23], $0x1  }
0xa3: {  	[sflag:s23] =	ssyncset.done $0x0  }
0xa4: {  	s25 =	simm.s32 $0x1B8E;
	s24 =	sld [smem:$0x3FFE];
	[sflag:s23] =	ssyncadd.s32 $0xFFFFFFFF  }
0xa5: {  	s26 =	simm.s32 $execute0_lowered;
	[smem:$0x3FD2] =	sst s25  }
0xa6: {  	s4 =	sshll.u32 s26, $0x1;
	_ =	strace $0x8000004C;
	[dreg:$0x1] =	wrdreg $0xFFFFFFFF  }
0xa7: {  	s28 =	simm.s32 $_size_execute0_lowered;
	s2 =	sadd.s32 s2, s4;
	[dreg:$0x0] =	wrdreg $0x0  }
0xa8: {  	s4 =	sshll.u32 s28, $0x1;
	[dreg:$0x2] =	wrdreg s2  }
0xa9: {  	[dreg:$0x3] =	wrdreg s4  }
0xaa: {  	[dreg:$0x4] =	wrdreg $0xC0  }
0xab: {  	_ =	task [dreg:s6], $0x5FFFF  }
0xac: {  	[dreg:$0x1] =	wrdreg $0xFFFFFFFF  }
0xad: {  	[dreg:$0x0] =	wrdreg $0x60  }
0xae: {  	[dreg:$0x2] =	wrdreg s24  }
0xaf: {  	[dreg:$0x3] =	wrdreg $0xB0C00  }
0xb0: {  	[dreg:$0x4] =	wrdreg $0x9  }
0xb1: {  	_ =	task.clear_ibuf [dreg:s6], $0x5FFFF;
	_ =	strace $0x9000004C  }
0xb2: {  	s29 =	simm.s32 $0x9;
	_ =	strace $0x8000004E  }
0xb3: {  	_ =	swait.ge [sflag:s29], $0x1  }
0xb4: {  	[sflag:s29] =	ssyncadd.s32 $0xFFFFFFFF  }
0xb5: {  	_ =	strace $0x9000004E  }
0xb6: {  	_ =	sfence  }
0xb7: {  	s30 =	sld [smem:$0x0];
	_ =	sdelay $0x2  }
0xb8: {  	s31 =	sshll.u32 s1, $0xD;
	s1 =	sshrl.u32 s1, $0x2  }
0xb9: {  	s3 =	sand.u32 $0x4000, s31;
	s1 =	sadd.s32 s1, s30  }
0xba: {  	s0 =	sor.u32 s3, s0;
	s1 =	sshll.u32 s1, $0x11  }
0xbb: {  	s0 =	sor.u32 s1, s0  }
0xbc: {  	s0 =	sadd.s32 $0x8F2B, s0  }
0xbd: {  	[sflag:s0] =	ssyncadd.remote.s32 $0x1  }
0xbe: {  	_ =	sfence.sel $0xFFFF  }
0xbf: {  	[dreg:$0x0] =	wrdreg $0xFFFFFFFF;
	(pc) =	sbr.abs _section_cstart, $3  }
0xc0: {  	[dreg:$0x1] =	wrdreg $0xFFFFFFFF  }
0xc1: {  	_ =	task.clear_ibuf [dreg:s6], $0x2FFFF;
	_ =	strace $0x9FFFFFFF  }
0xc2: {  	(tm) =	ssettm $0x7FFFFFFF  }
0xc3: {  	_ =	shalt  }
tec
execute0_lowered:
.L_overlay_start_1:
0x0: {  	(tag) =	ssettag $0x1  }
0x1: {  	s0 =	srdreg.scid;
	s1 =	rddreg [dreg:$0x0]  }
0x2: {  	s8 =	stileid.u32;
	s2 =	rddreg [dreg:$0x1]  }
0x3: {  	s30 =	simm.s32 $0xADC0;
	s0 =	sand.u32 $0x1, s0;
	s7 =	smul.u32 $0x780, s8  }
0x4: {  	s3 =	sshll.u32 s0, $0x4;
	s6 =	smul.u32 $0x7800, s0;
	s0 =	ssub.s32 $0x2, s0  }
0x5: {  	s4 =	sor.u32 s8, s3;
	s3 =	simm.s32 $0x0;
	s8 =	smul.u32 $0xF000, s8  }
0x6: {  	s14 =	sshrl.u32 s0, $0x1;
	s5 =	smul.u32 $0x500, s4;
	[smem:$0x7FF] =	sst s3  }
0x7: {  	s4 =	sadd.s32 $0x2C00, s1;
	s6 =	sadd.s32 s7, s6;
	s0 =	ssub.s32 s0, s14  }
0x8: {  	_ =	strace $0x8000004D;
	s0 =	smax.u32 s0, $0x1;
	s5 =	sadd.s32 s5, s1  }
0x9: {  	s15 =	sshrl.u32 s8, $0x2;
	[dreg:$0x6] =	wrdreg s0;
	s16 =	sadd.s32 $0x87800, s5  }
0xa: {  	s1 =	sadd.s32 s6, s1;
	s5 =	sadd.s32 $0x7D800, s5;
	[dreg:$0x3] =	wrdreg s16  }
0xb: {  	s7 =	sadd.s32 s15, s2;
	s1 =	sadd.s32 $0x11C00, s1;
	[dreg:$0x4] =	wrdreg s5  }
0xc: {  	s31 =	simm.s32 $0x6;
	s17 =	sadd.s32 $0x300, s7;
	[dreg:$0x5] =	wrdreg s1  }
0xd: {  	s9 =	simm.s32 $0x9650;
	s18 =	sadd.s32 $0x600, s7;
	[dreg:$0x7] =	wrdreg s17  }
0xe: {  	s10 =	simm.s32 $0x1;
	s19 =	sadd.s32 $0x900, s7;
	[dreg:$0x8] =	wrdreg s18  }
0xf: {  	s11 =	simm.s32 $0x2;
	s20 =	sadd.s32 $0xC00, s7;
	[dreg:$0x9] =	wrdreg s19  }
0x10: {  	s12 =	simm.s32 $0x3;
	s21 =	sadd.s32 $0xF00, s7;
	[dreg:$0xa] =	wrdreg s20  }
0x11: {  	s13 =	simm.s32 $0x4;
	s22 =	sadd.s32 $0x1200, s7;
	[dreg:$0xb] =	wrdreg s21  }
0x12: {  	s14 =	simm.s32 $0x0;
	s23 =	sadd.s32 $0x1500, s7;
	[dreg:$0xc] =	wrdreg s22  }
0x13: {  	s8 =	simm.s32 $0x5;
	s24 =	sadd.s32 $0x1800, s7;
	[dreg:$0xd] =	wrdreg s23  }
0x14: {  	s0 =	simm.s32 $0x7D;
	s25 =	sadd.s32 $0x1B00, s7;
	[dreg:$0xe] =	wrdreg s24  }
0x15: {  	s6 =	simm.s32 $0x7EE0;
	s26 =	sadd.s32 $0x1E00, s7;
	[dreg:$0xf] =	wrdreg s25  }
0x16: {  	s28 =	sadd.s32 $0x3600, s7;
	s29 =	sadd.s32 $0x3900, s7;
	[dreg:$0x10] =	wrdreg s26  }
0x17: {  	s20 =	sadd.s32 $0x2100, s7;
	s21 =	sadd.s32 $0x2400, s7;
	s22 =	sadd.s32 $0x2700, s7  }
0x18: {  	s23 =	sadd.s32 $0x2A00, s7;
	s24 =	sadd.s32 $0x2D00, s7;
	s25 =	sadd.s32 $0x3000, s7  }
0x19: {  	v0 =	vimm.f32 $0.0e+00;
	s26 =	sadd.s32 $0x3300, s7;
	s1 =	simm.s32 $0x5000;
	s5 =	simm.s32 $0x6770  }
.LBB2_1:
0x1a: {  	[tilespmem:$0xADC0] =	vst v0  }
0x1b: {  	[tilespmem:$0xADD0] =	vst v0  }
0x1c: {  	[tilespmem:$0xADE0] =	vst v0  }
0x1d: {  	[tilespmem:$0xADF0] =	vst v0  }
0x1e: {  	[tilespmem:$0xAE00] =	vst v0  }
0x1f: {  	[tilespmem:$0xAE10] =	vst v0  }
0x20: {  	[tilespmem:$0xAE20] =	vst v0  }
0x21: {  	[tilespmem:$0xAE30] =	vst v0  }
0x22: {  	[tilespmem:$0xAE40] =	vst v0  }
0x23: {  	[tilespmem:$0xAE50] =	vst v0  }
0x24: {  	[tilespmem:$0xAE60] =	vst v0  }
0x25: {  	[tilespmem:$0xAE70] =	vst v0  }
0x26: {  	[tilespmem:$0xAE80] =	vst v0  }
0x27: {  	[tilespmem:$0xAE90] =	vst v0  }
0x28: {  	[tilespmem:$0xAEA0] =	vst v0  }
0x29: {  	[tilespmem:$0xAEB0] =	vst v0  }
0x2a: {  	[tilespmem:$0xAEC0] =	vst v0  }
0x2b: {  	[tilespmem:$0xAED0] =	vst v0  }
0x2c: {  	[tilespmem:$0xAEE0] =	vst v0  }
0x2d: {  	[tilespmem:$0xAEF0] =	vst v0  }
0x2e: {  	[tilespmem:$0xAF00] =	vst v0  }
0x2f: {  	[tilespmem:$0xAF10] =	vst v0  }
0x30: {  	[tilespmem:$0xAF20] =	vst v0  }
0x31: {  	[tilespmem:$0xAF30] =	vst v0  }
0x32: {  	[tilespmem:$0xAF40] =	vst v0  }
0x33: {  	[tilespmem:$0xAF50] =	vst v0  }
0x34: {  	[tilespmem:$0xAF60] =	vst v0  }
0x35: {  	[tilespmem:$0xAF70] =	vst v0  }
0x36: {  	[tilespmem:$0xAF80] =	vst v0  }
0x37: {  	[tilespmem:$0xAF90] =	vst v0  }
0x38: {  	[tilespmem:$0xAFA0] =	vst v0  }
0x39: {  	[tilespmem:$0xAFB0] =	vst v0  }
0x3a: {  	[tilespmem:$0xAFC0] =	vst v0  }
0x3b: {  	[tilespmem:$0xAFD0] =	vst v0  }
0x3c: {  	[tilespmem:$0xAFE0] =	vst v0  }
0x3d: {  	[tilespmem:$0xAFF0] =	vst v0  }
0x3e: {  	[tilespmem:$0xB000] =	vst v0  }
0x3f: {  	[tilespmem:$0xB010] =	vst v0  }
0x40: {  	[tilespmem:$0xB020] =	vst v0  }
0x41: {  	[tilespmem:$0xB030] =	vst v0  }
0x42: {  	[tilespmem:$0xB040] =	vst v0  }
0x43: {  	[tilespmem:$0xB050] =	vst v0  }
0x44: {  	[tilespmem:$0xB060] =	vst v0  }
0x45: {  	[tilespmem:$0xB070] =	vst v0  }
0x46: {  	[tilespmem:$0xB080] =	vst v0  }
0x47: {  	[tilespmem:$0xB090] =	vst v0  }
0x48: {  	[tilespmem:$0xB0A0] =	vst v0  }
0x49: {  	[tilespmem:$0xB0B0] =	vst v0  }
0x4a: {  	[spmem:s7] =	stream.linear.scatter [tilespmem:s30], [sflag:$0x5], $0x300, $0x38;
	[tilespmem:$0xECC0] =	vst v63  }
0x4b: {  	s15 =	rddreg [dreg:$0x7]  }
0x4c: {  	[spmem:s15] =	stream.linear.scatter [tilespmem:s30], [sflag:$0x5], $0x300, $0x38;
	[tilespmem:$0xECC0] =	vst v63  }
0x4d: {  	s19 =	rddreg [dreg:$0x8]  }
0x4e: {  	[spmem:s19] =	stream.linear.scatter [tilespmem:s30], [sflag:$0x5], $0x300, $0x38;
	[tilespmem:$0xECC0] =	vst v63  }
0x4f: {  	s16 =	rddreg [dreg:$0x9]  }
0x50: {  	[spmem:s16] =	stream.linear.scatter [tilespmem:s30], [sflag:$0x5], $0x300, $0x38;
	[tilespmem:$0xECC0] =	vst v63  }
0x51: {  	s17 =	rddreg [dreg:$0xa]  }
0x52: {  	[spmem:s17] =	stream.linear.scatter [tilespmem:s30], [sflag:$0x5], $0x300, $0x38;
	[tilespmem:$0xECC0] =	vst v63  }
0x53: {  	s18 =	rddreg [dreg:$0xb]  }
0x54: {  	[spmem:s18] =	stream.linear.scatter [tilespmem:s30], [sflag:$0x5], $0x300, $0x38;
	[tilespmem:$0xECC0] =	vst v63  }
0x55: {  	s19 =	rddreg [dreg:$0xc]  }
0x56: {  	[spmem:s19] =	stream.linear.scatter [tilespmem:s30], [sflag:$0x5], $0x300, $0x38;
	[tilespmem:$0xECC0] =	vst v63  }
0x57: {  	s16 =	rddreg [dreg:$0xd]  }
0x58: {  	[spmem:s16] =	stream.linear.scatter [tilespmem:s30], [sflag:$0x5], $0x300, $0x38;
	[tilespmem:$0xECC0] =	vst v63  }
0x59: {  	s17 =	rddreg [dreg:$0xe]  }
0x5a: {  	[spmem:s17] =	stream.linear.scatter [tilespmem:s30], [sflag:$0x5], $0x300, $0x38;
	[tilespmem:$0xECC0] =	vst v63  }
0x5b: {  	s18 =	rddreg [dreg:$0xf]  }
0x5c: {  	[spmem:s18] =	stream.linear.scatter [tilespmem:s30], [sflag:$0x5], $0x300, $0x38;
	[tilespmem:$0xECC0] =	vst v63  }
0x5d: {  	s19 =	rddreg [dreg:$0x10]  }
0x5e: {  	[spmem:s19] =	stream.linear.scatter [tilespmem:s30], [sflag:$0x5], $0x300, $0x38;
	[tilespmem:$0xECC0] =	vst v63  }
0x5f: {  	_ = 	snop  }
0x60: {  	[spmem:s20] =	stream.linear.scatter [tilespmem:s30], [sflag:$0x5], $0x300, $0x38;
	[tilespmem:$0xECC0] =	vst v63  }
0x61: {  	_ = 	snop  }
0x62: {  	[spmem:s21] =	stream.linear.scatter [tilespmem:s30], [sflag:$0x5], $0x300, $0x38;
	[tilespmem:$0xECC0] =	vst v63  }
0x63: {  	_ = 	snop  }
0x64: {  	[spmem:s22] =	stream.linear.scatter [tilespmem:s30], [sflag:$0x5], $0x300, $0x38;
	[tilespmem:$0xECC0] =	vst v63  }
0x65: {  	_ = 	snop  }
0x66: {  	[spmem:s23] =	stream.linear.scatter [tilespmem:s30], [sflag:$0x5], $0x300, $0x38;
	[tilespmem:$0xECC0] =	vst v63  }
0x67: {  	_ = 	snop  }
0x68: {  	[spmem:s24] =	stream.linear.scatter [tilespmem:s30], [sflag:$0x5], $0x300, $0x38;
	[tilespmem:$0xECC0] =	vst v63  }
0x69: {  	_ = 	snop  }
0x6a: {  	[spmem:s25] =	stream.linear.scatter [tilespmem:s30], [sflag:$0x5], $0x300, $0x38;
	[tilespmem:$0xECC0] =	vst v63  }
0x6b: {  	_ = 	snop  }
0x6c: {  	[spmem:s26] =	stream.linear.scatter [tilespmem:s30], [sflag:$0x5], $0x300, $0x38;
	[tilespmem:$0xECC0] =	vst v63  }
0x6d: {  	_ = 	snop  }
0x6e: {  	[spmem:s28] =	stream.linear.scatter [tilespmem:s30], [sflag:$0x5], $0x300, $0x38;
	[tilespmem:$0xECC0] =	vst v63  }
0x6f: {  	_ = 	snop  }
0x70: {  	[spmem:s29] =	stream.linear.scatter [tilespmem:s30], [sflag:$0x5], $0x300, $0x38;
	[tilespmem:$0xECC0] =	vst v63  }
0x71: {  	s16 =	rddreg [dreg:$0x3]  }
0x72: {  	[tilespmem:s3], [sflag:$0x6] =	stream.linear.gather [hbm4b:s16+s3], $0x2800, $0x38;
	[tilespmem:$0xECC0] =	vst v63  }
0x73: {  	_ =	swait.ge [sflag:s31], $0x2800  }
0x74: {  	[sflag:s31] =	ssyncset.done $0x0  }
0x75: {  	s16 =	simm.s32 $0x2800;
	s17 =	rddreg [dreg:$0x4];
	[sflag:s31] =	ssyncadd.s32 $0xFFFFD800  }
0x76: {  	[tilespmem:s16], [sflag:$0x6] =	stream.linear.gather [hbm4b:s17+s3], $0x2800, $0x38;
	[tilespmem:$0xECC0] =	vst v63  }
0x77: {  	_ =	swait.ge [sflag:s31], $0x2800  }
0x78: {  	[sflag:s31] =	ssyncset.done $0x0  }
0x79: {  	[sflag:s31] =	ssyncadd.s32 $0xFFFFD800  }
0x7a: {  	[tilespmem:s1], [sflag:$0x1] =	stream.indirect.gather [hbm4b:s4+s0], $0x30, s3, s0, $0xb8;
	[tilespmem:$0xECC0] =	vst v63  }
0x7b: {  	s18 =	simm.s32 $0x80  }
0x7c: {  	[tilespmem:s5], [sflag:$0x2] =	stream.indirect.gather [hbm4b:s4+s0], $0x30, s18, s0, $0xb8;
	[tilespmem:$0xECC0] =	vst v63  }
0x7d: {  	s19 =	simm.s32 $0x100  }
0x7e: {  	[tilespmem:s6], [sflag:$0x3] =	stream.indirect.gather [hbm4b:s4+s0], $0x30, s19, s0, $0xb8;
	[tilespmem:$0xECC0] =	vst v63  }
0x7f: {  	_ =	swait.ge [sflag:s8], $0x300  }
0x80: {  	[sflag:s8] =	ssyncset.done $0x0  }
0x81: {  	[sflag:s8] =	ssyncadd.s32 $0xFFFFFD00  }
0x82: {  	_ =	swait.ge [sflag:s8], $0x300  }
0x83: {  	[sflag:s8] =	ssyncset.done $0x0  }
0x84: {  	[sflag:s8] =	ssyncadd.s32 $0xFFFFFD00  }
0x85: {  	_ =	swait.ge [sflag:s8], $0x300  }
0x86: {  	[sflag:s8] =	ssyncset.done $0x0  }
0x87: {  	[sflag:s8] =	ssyncadd.s32 $0xFFFFFD00  }
0x88: {  	_ =	swait.ge [sflag:s8], $0x300  }
0x89: {  	[sflag:s8] =	ssyncset.done $0x0  }
0x8a: {  	[sflag:s8] =	ssyncadd.s32 $0xFFFFFD00  }
0x8b: {  	_ =	swait.ge [sflag:s8], $0x300  }
0x8c: {  	[sflag:s8] =	ssyncset.done $0x0  }
0x8d: {  	[sflag:s8] =	ssyncadd.s32 $0xFFFFFD00  }
0x8e: {  	_ =	swait.ge [sflag:s8], $0x300  }
0x8f: {  	[sflag:s8] =	ssyncset.done $0x0  }
0x90: {  	[sflag:s8] =	ssyncadd.s32 $0xFFFFFD00  }
0x91: {  	_ =	swait.ge [sflag:s8], $0x300  }
0x92: {  	[sflag:s8] =	ssyncset.done $0x0  }
0x93: {  	[sflag:s8] =	ssyncadd.s32 $0xFFFFFD00  }
0x94: {  	_ =	swait.ge [sflag:s8], $0x300  }
0x95: {  	[sflag:s8] =	ssyncset.done $0x0  }
0x96: {  	[sflag:s8] =	ssyncadd.s32 $0xFFFFFD00  }
0x97: {  	_ =	swait.ge [sflag:s8], $0x300  }
0x98: {  	[sflag:s8] =	ssyncset.done $0x0  }
0x99: {  	[sflag:s8] =	ssyncadd.s32 $0xFFFFFD00  }
0x9a: {  	_ =	swait.ge [sflag:s8], $0x300  }
0x9b: {  	[sflag:s8] =	ssyncset.done $0x0  }
0x9c: {  	[sflag:s8] =	ssyncadd.s32 $0xFFFFFD00  }
0x9d: {  	_ =	swait.ge [sflag:s8], $0x300  }
0x9e: {  	[sflag:s8] =	ssyncset.done $0x0  }
0x9f: {  	[sflag:s8] =	ssyncadd.s32 $0xFFFFFD00  }
0xa0: {  	_ =	swait.ge [sflag:s8], $0x300  }
0xa1: {  	[sflag:s8] =	ssyncset.done $0x0  }
0xa2: {  	[sflag:s8] =	ssyncadd.s32 $0xFFFFFD00  }
0xa3: {  	_ =	swait.ge [sflag:s8], $0x300  }
0xa4: {  	[sflag:s8] =	ssyncset.done $0x0  }
0xa5: {  	[sflag:s8] =	ssyncadd.s32 $0xFFFFFD00  }
0xa6: {  	_ =	swait.ge [sflag:s8], $0x300  }
0xa7: {  	[sflag:s8] =	ssyncset.done $0x0  }
0xa8: {  	[sflag:s8] =	ssyncadd.s32 $0xFFFFFD00  }
0xa9: {  	_ =	swait.ge [sflag:s8], $0x300  }
0xaa: {  	[sflag:s8] =	ssyncset.done $0x0  }
0xab: {  	[sflag:s8] =	ssyncadd.s32 $0xFFFFFD00  }
0xac: {  	_ =	swait.ge [sflag:s8], $0x300  }
0xad: {  	[sflag:s8] =	ssyncset.done $0x0  }
0xae: {  	[sflag:s8] =	ssyncadd.s32 $0xFFFFFD00  }
0xaf: {  	_ =	swait.ge [sflag:s8], $0x300  }
0xb0: {  	[sflag:s8] =	ssyncset.done $0x0  }
0xb1: {  	[sflag:s8] =	ssyncadd.s32 $0xFFFFFD00  }
0xb2: {  	_ =	swait.ge [sflag:s8], $0x300  }
0xb3: {  	[sflag:s8] =	ssyncset.done $0x0  }
0xb4: {  	[sflag:s8] =	ssyncadd.s32 $0xFFFFFD00  }
0xb5: {  	_ =	swait.ge [sflag:s8], $0x300  }
0xb6: {  	[sflag:s8] =	ssyncset.done $0x0  }
0xb7: {  	[sflag:s8] =	ssyncadd.s32 $0xFFFFFD00  }
0xb8: {  	_ =	swait.ge [sflag:s8], $0x300  }
0xb9: {  	[sflag:s8] =	ssyncset.done $0x0  }
0xba: {  	[sflag:s8] =	ssyncadd.s32 $0xFFFFFD00  }
0xbb: {  	s16 =	simm.s32 $0x180;
	[bflag:$0x0] =	sbarrier.arrive $0xFFFF  }
0xbc: {  	[tilespmem:s9], [sflag:$0x4] =	stream.indirect.gather [hbm4b:s4+s0], $0x30, s16, s0, $0xb8;
	[tilespmem:$0xECC0] =	vst v63  }
0xbd: {  	_ =	swait.ge [sflag:s10], $0x1770  }
0xbe: {  	[sflag:s10] =	ssyncset.done $0x0  }
0xbf: {  	s17 =	simm.s32 $0x2800;
	[sflag:s10] =	ssyncadd.s32 $0xFFFFE890  }
0xc0: {  	[spmem:s2] =	stream.indirect.scatter.add.f32 [tilespmem:s1], [sflag:$0x6], $0x30, s17, s0, $0xb8;
	[tilespmem:$0xECC0] =	vst v63  }
0xc1: {  	_ =	swait.ge [sflag:s31], $0x1770  }
0xc2: {  	[sflag:s31] =	ssyncset.done $0x0  }
0xc3: {  	s18 =	simm.s32 $0x200;
	[sflag:s31] =	ssyncadd.s32 $0xFFFFE890  }
0xc4: {  	[tilespmem:s1], [sflag:$0x1] =	stream.indirect.gather [hbm4b:s4+s0], $0x30, s18, s0, $0xb8;
	[tilespmem:$0xECC0] =	vst v63  }
0xc5: {  	_ =	swait.ge [sflag:s11], $0x1770  }
0xc6: {  	[sflag:s11] =	ssyncset.done $0x0  }
0xc7: {  	s19 =	simm.s32 $0x2880;
	[sflag:s11] =	ssyncadd.s32 $0xFFFFE890  }
0xc8: {  	[spmem:s2] =	stream.indirect.scatter.add.f32 [tilespmem:s5], [sflag:$0x6], $0x30, s19, s0, $0xb8;
	[tilespmem:$0xECC0] =	vst v63  }
0xc9: {  	_ =	swait.ge [sflag:s31], $0x1770  }
0xca: {  	[sflag:s31] =	ssyncset.done $0x0  }
0xcb: {  	s16 =	simm.s32 $0x280;
	[sflag:s31] =	ssyncadd.s32 $0xFFFFE890  }
0xcc: {  	[tilespmem:s5], [sflag:$0x2] =	stream.indirect.gather [hbm4b:s4+s0], $0x30, s16, s0, $0xb8;
	[tilespmem:$0xECC0] =	vst v63  }
0xcd: {  	_ =	swait.ge [sflag:s12], $0x1770  }
0xce: {  	[sflag:s12] =	ssyncset.done $0x0  }
0xcf: {  	s17 =	simm.s32 $0x2900;
	[sflag:s12] =	ssyncadd.s32 $0xFFFFE890  }
0xd0: {  	[spmem:s2] =	stream.indirect.scatter.add.f32 [tilespmem:s6], [sflag:$0x6], $0x30, s17, s0, $0xb8;
	[tilespmem:$0xECC0] =	vst v63  }
0xd1: {  	_ =	swait.ge [sflag:s31], $0x1770  }
0xd2: {  	[sflag:s31] =	ssyncset.done $0x0  }
0xd3: {  	s18 =	simm.s32 $0x300;
	[sflag:s31] =	ssyncadd.s32 $0xFFFFE890  }
0xd4: {  	[tilespmem:s6], [sflag:$0x3] =	stream.indirect.gather [hbm4b:s4+s0], $0x30, s18, s0, $0xb8;
	[tilespmem:$0xECC0] =	vst v63  }
0xd5: {  	_ =	swait.ge [sflag:s13], $0x1770  }
0xd6: {  	[sflag:s13] =	ssyncset.done $0x0  }
0xd7: {  	s19 =	simm.s32 $0x2980;
	[sflag:s13] =	ssyncadd.s32 $0xFFFFE890  }
0xd8: {  	[spmem:s2] =	stream.indirect.scatter.add.f32 [tilespmem:s9], [sflag:$0x6], $0x30, s19, s0, $0xb8;
	[tilespmem:$0xECC0] =	vst v63  }
0xd9: {  	_ =	swait.ge [sflag:s31], $0x1770  }
0xda: {  	s15 =	simm.s32 $0x200;
	s16 =	simm.s32 $0x1000;
	[sflag:s31] =	ssyncset.done $0x0  }
.LBB2_2:
0xdb: {  	s19 =	sadd.s32 $0x180, s15  }
0xdc: {  	[sflag:s31] =	ssyncadd.s32 $0xFFFFE890;
	s17 =	smov.u32 s16;
	s18 =	sadd.s32 $0x800, s16  }
0xdd: {  	[tilespmem:s9], [sflag:$0x4] =	stream.indirect.gather [hbm4b:s4+s0], $0x30, s19, s0, $0xb8;
	[tilespmem:$0xECC0] =	vst v63  }
0xde: {  	p0 =	sne.s32 s16, $0x9000;
	_ =	swait.ge [sflag:s10], $0x1770  }
0xdf: {  	[sflag:s10] =	ssyncset.done $0x0  }
0xe0: {  	s16 =	sadd.s32 $0x2800, s15;
	[sflag:s10] =	ssyncadd.s32 $0xFFFFE890  }
0xe1: {  	[spmem:s2] =	stream.indirect.scatter.add.f32 [tilespmem:s1], [sflag:$0x6], $0x30, s16, s0, $0xb8;
	[tilespmem:$0xECC0] =	vst v63  }
0xe2: {  	_ =	swait.ge [sflag:s31], $0x1770  }
0xe3: {  	[sflag:s31] =	ssyncset.done $0x0  }
0xe4: {  	s16 =	sadd.s32 $0x200, s15;
	[sflag:s31] =	ssyncadd.s32 $0xFFFFE890  }
0xe5: {  	[tilespmem:s1], [sflag:$0x1] =	stream.indirect.gather [hbm4b:s4+s0], $0x30, s16, s0, $0xb8;
	[tilespmem:$0xECC0] =	vst v63  }
0xe6: {  	_ =	swait.ge [sflag:s11], $0x1770  }
0xe7: {  	[sflag:s11] =	ssyncset.done $0x0  }
0xe8: {  	s16 =	sadd.s32 $0x2880, s15;
	[sflag:s11] =	ssyncadd.s32 $0xFFFFE890  }
0xe9: {  	[spmem:s2] =	stream.indirect.scatter.add.f32 [tilespmem:s5], [sflag:$0x6], $0x30, s16, s0, $0xb8;
	[tilespmem:$0xECC0] =	vst v63  }
0xea: {  	_ =	swait.ge [sflag:s31], $0x1770  }
0xeb: {  	[sflag:s31] =	ssyncset.done $0x0  }
0xec: {  	s16 =	sadd.s32 $0x280, s15;
	[sflag:s31] =	ssyncadd.s32 $0xFFFFE890  }
0xed: {  	[tilespmem:s5], [sflag:$0x2] =	stream.indirect.gather [hbm4b:s4+s0], $0x30, s16, s0, $0xb8;
	[tilespmem:$0xECC0] =	vst v63  }
0xee: {  	_ =	swait.ge [sflag:s12], $0x1770  }
0xef: {  	[sflag:s12] =	ssyncset.done $0x0  }
0xf0: {  	s16 =	sadd.s32 $0x2900, s15;
	[sflag:s12] =	ssyncadd.s32 $0xFFFFE890  }
0xf1: {  	[spmem:s2] =	stream.indirect.scatter.add.f32 [tilespmem:s6], [sflag:$0x6], $0x30, s16, s0, $0xb8;
	[tilespmem:$0xECC0] =	vst v63  }
0xf2: {  	_ =	swait.ge [sflag:s31], $0x1770  }
0xf3: {  	[sflag:s31] =	ssyncset.done $0x0  }
0xf4: {  	s16 =	sadd.s32 $0x300, s15;
	[sflag:s31] =	ssyncadd.s32 $0xFFFFE890  }
0xf5: {  	[tilespmem:s6], [sflag:$0x3] =	stream.indirect.gather [hbm4b:s4+s0], $0x30, s16, s0, $0xb8;
	[tilespmem:$0xECC0] =	vst v63  }
0xf6: {  	_ =	swait.ge [sflag:s13], $0x1770  }
.Ltmp0:
0xf7: {  	[sflag:s13] =	ssyncset.done $0x0;
	(pc) =	sbr.rel @p0 .LBB2_2-.Ltmp0, $4  }
0xf8: {  	s15 =	sadd.s32 $0x2980, s15;
	[sflag:s13] =	ssyncadd.s32 $0xFFFFE890  }
0xf9: {  	[spmem:s2] =	stream.indirect.scatter.add.f32 [tilespmem:s9], [sflag:$0x6], $0x30, s15, s0, $0xb8;
	[tilespmem:$0xECC0] =	vst v63  }
0xfa: {  	_ =	swait.ge [sflag:s31], $0x1770  }
0xfb: {  	s16 =	smov.u32 s18;
	s15 =	sshra.s32 s17, $0x2;
	[sflag:s31] =	ssyncset.done $0x0  }
0xfc: {  	s16 =	sadd.s32 $0x180, s15;
	[sflag:s31] =	ssyncadd.s32 $0xFFFFE890  }
0xfd: {  	[tilespmem:s9], [sflag:$0x4] =	stream.indirect.gather [hbm4b:s4+s0], $0x30, s16, s0, $0xb8;
	[tilespmem:$0xECC0] =	vst v63  }
0xfe: {  	_ =	swait.ge [sflag:s10], $0x1770  }
0xff: {  	[sflag:s10] =	ssyncset.done $0x0  }
0x100: {  	s19 =	sadd.s32 $0x2800, s15;
	[sflag:s10] =	ssyncadd.s32 $0xFFFFE890  }
0x101: {  	[spmem:s2] =	stream.indirect.scatter.add.f32 [tilespmem:s1], [sflag:$0x6], $0x30, s19, s0, $0xb8;
	[tilespmem:$0xECC0] =	vst v63  }
0x102: {  	_ =	swait.ge [sflag:s31], $0x1770  }
0x103: {  	[sflag:s31] =	ssyncset.done $0x0  }
0x104: {  	s17 =	sadd.s32 $0x200, s15;
	[sflag:s31] =	ssyncadd.s32 $0xFFFFE890  }
0x105: {  	[tilespmem:s1], [sflag:$0x1] =	stream.indirect.gather [hbm4b:s4+s0], $0x30, s17, s0, $0xb8;
	[tilespmem:$0xECC0] =	vst v63  }
0x106: {  	_ =	swait.ge [sflag:s11], $0x1770  }
0x107: {  	[sflag:s11] =	ssyncset.done $0x0  }
0x108: {  	s18 =	sadd.s32 $0x2880, s15;
	[sflag:s11] =	ssyncadd.s32 $0xFFFFE890  }
0x109: {  	[spmem:s2] =	stream.indirect.scatter.add.f32 [tilespmem:s5], [sflag:$0x6], $0x30, s18, s0, $0xb8;
	[tilespmem:$0xECC0] =	vst v63  }
0x10a: {  	_ =	swait.ge [sflag:s31], $0x1770  }
0x10b: {  	[sflag:s31] =	ssyncset.done $0x0  }
0x10c: {  	s19 =	sadd.s32 $0x280, s15;
	[sflag:s31] =	ssyncadd.s32 $0xFFFFE890  }
0x10d: {  	[tilespmem:s5], [sflag:$0x2] =	stream.indirect.gather [hbm4b:s4+s0], $0x30, s19, s0, $0xb8;
	[tilespmem:$0xECC0] =	vst v63  }
0x10e: {  	_ =	swait.ge [sflag:s12], $0x1770  }
0x10f: {  	[sflag:s12] =	ssyncset.done $0x0  }
0x110: {  	s17 =	sadd.s32 $0x2900, s15;
	[sflag:s12] =	ssyncadd.s32 $0xFFFFE890  }
0x111: {  	[spmem:s2] =	stream.indirect.scatter.add.f32 [tilespmem:s6], [sflag:$0x6], $0x30, s17, s0, $0xb8;
	[tilespmem:$0xECC0] =	vst v63  }
0x112: {  	_ =	swait.ge [sflag:s31], $0x1770  }
0x113: {  	[sflag:s31] =	ssyncset.done $0x0  }
0x114: {  	s18 =	sadd.s32 $0x300, s15;
	[sflag:s31] =	ssyncadd.s32 $0xFFFFE890  }
0x115: {  	[tilespmem:s6], [sflag:$0x3] =	stream.indirect.gather [hbm4b:s4+s0], $0x30, s18, s0, $0xb8;
	[tilespmem:$0xECC0] =	vst v63  }
0x116: {  	_ =	swait.ge [sflag:s13], $0x1770  }
0x117: {  	[sflag:s13] =	ssyncset.done $0x0  }
0x118: {  	s19 =	sadd.s32 $0x2980, s15;
	[sflag:s13] =	ssyncadd.s32 $0xFFFFE890  }
0x119: {  	[spmem:s2] =	stream.indirect.scatter.add.f32 [tilespmem:s9], [sflag:$0x6], $0x30, s19, s0, $0xb8;
	[tilespmem:$0xECC0] =	vst v63  }
0x11a: {  	_ =	swait.ge [sflag:s31], $0x1770  }
0x11b: {  	[sflag:s31] =	ssyncset.done $0x0  }
0x11c: {  	s16 =	simm.s32 $0x2780;
	[sflag:s31] =	ssyncadd.s32 $0xFFFFE890  }
0x11d: {  	[tilespmem:s9], [sflag:$0x4] =	stream.indirect.gather [hbm4b:s4+s0], $0x30, s16, s0, $0xb8;
	[tilespmem:$0xECC0] =	vst v63  }
0x11e: {  	_ =	swait.ge [sflag:s10], $0x1770  }
0x11f: {  	[sflag:s10] =	ssyncset.done $0x0  }
0x120: {  	s17 =	simm.s32 $0x4E00;
	[sflag:s10] =	ssyncadd.s32 $0xFFFFE890  }
0x121: {  	[spmem:s2] =	stream.indirect.scatter.add.f32 [tilespmem:s1], [sflag:$0x6], $0x30, s17, s0, $0xb8;
	[tilespmem:$0xECC0] =	vst v63  }
0x122: {  	_ =	swait.ge [sflag:s31], $0x1770  }
0x123: {  	[sflag:s31] =	ssyncset.done $0x0  }
0x124: {  	[sflag:s31] =	ssyncadd.s32 $0xFFFFE890  }
0x125: {  	_ =	swait.ge [sflag:s11], $0x1770  }
0x126: {  	[sflag:s11] =	ssyncset.done $0x0  }
0x127: {  	s18 =	simm.s32 $0x4E80;
	[sflag:s11] =	ssyncadd.s32 $0xFFFFE890  }
0x128: {  	[spmem:s2] =	stream.indirect.scatter.add.f32 [tilespmem:s5], [sflag:$0x6], $0x30, s18, s0, $0xb8;
	[tilespmem:$0xECC0] =	vst v63  }
0x129: {  	_ =	swait.ge [sflag:s31], $0x1770  }
0x12a: {  	[sflag:s31] =	ssyncset.done $0x0  }
0x12b: {  	[sflag:s31] =	ssyncadd.s32 $0xFFFFE890  }
0x12c: {  	_ =	swait.ge [sflag:s12], $0x1770  }
0x12d: {  	[sflag:s12] =	ssyncset.done $0x0  }
0x12e: {  	s19 =	simm.s32 $0x4F00;
	[sflag:s12] =	ssyncadd.s32 $0xFFFFE890  }
0x12f: {  	[spmem:s2] =	stream.indirect.scatter.add.f32 [tilespmem:s6], [sflag:$0x6], $0x30, s19, s0, $0xb8;
	[tilespmem:$0xECC0] =	vst v63  }
0x130: {  	_ =	swait.ge [sflag:s31], $0x1770  }
0x131: {  	[sflag:s31] =	ssyncset.done $0x0  }
0x132: {  	[sflag:s31] =	ssyncadd.s32 $0xFFFFE890  }
0x133: {  	_ =	swait.ge [sflag:s13], $0x1770  }
0x134: {  	[sflag:s13] =	ssyncset.done $0x0  }
0x135: {  	s16 =	simm.s32 $0x4F80;
	[sflag:s13] =	ssyncadd.s32 $0xFFFFE890  }
0x136: {  	[spmem:s2] =	stream.indirect.scatter.add.f32 [tilespmem:s9], [sflag:$0x6], $0x30, s16, s0, $0xb8;
	[tilespmem:$0xECC0] =	vst v63  }
0x137: {  	_ =	swait.ge [sflag:s31], $0x1770  }
0x138: {  	[sflag:s31] =	ssyncset.done $0x0  }
0x139: {  	s17 =	stileid.u32;
	[sflag:s31] =	ssyncadd.s32 $0xFFFFE890  }
0x13a: {  	s15 =	sshll.u32 s17, $0x6;
	[bflag:$0x0] =	sbarrier.arrive $0xFFFF  }
0x13b: {  	s15 =	sor.u32 $0x1C06, s15;
	s18 =	sshrl.u32 s7, $0x3;
	s17 =	rddreg [dreg:$0x5]  }
0x13c: {  	[hbm:s17], [sflag:s15] =	dma.local [spmem:s18], $0x780  }
0x13d: {  	_ =	swait.ge [sflag:s31], $0x780  }
0x13e: {  	s14 =	sadd.s32 $0x1, s14;
	s19 =	rddreg [dreg:$0x6]  }
0x13f: {  	p0 =	sne.s32 s14, s19  }
.Ltmp1:
0x140: {  	_ = 	snop;
	(pc) =	sbr.rel @p0 .LBB2_1-.Ltmp1, $3  }
0x141: {  	_ =	sdelay $0x1  }
0x142: {  	[sflag:s31] =	ssyncset.done $0x0  }
0x143: {  	[sflag:s31] =	ssyncadd.s32 $0xFFFFF880  }
0x144: {  	_ =	sfence.sel $0x180000  }
0x145: {  	[bflag:$0x0] =	sbarrier.arrive $0xFFFF  }
0x146: {  	_ =	strace $0x9000004D  }
0x147: {  	s0 =	stileid.u32;
	[bflag:$0x2] =	sbarrier.arrive $0xFFFF  }
0x148: {  	p0 =	sne.s32 s0, $0x0;
	s0 =	rddreg [dreg:$0x2]  }
0x149: {  	s0 =	sadd.s32 @!p0 $0x100000, s0  }
0x14a: {  	[sflag:s0] =	ssyncadd.tile.s32 @!p0 $0x1;
	_ =	shalt  }
.Lfunc_end2:
_tile_overlayer_lowered:
.L_overlay_start_2:
0x14b: {  	(tag) =	ssettag $0x2  }
0x14c: {  	s0 =	rddreg [dreg:$0x0];
	s2 =	stileid.u32  }
0x14d: {  	s1 =	rddreg [dreg:$0x1];
	p0 =	sne.s32 s2, $0x0  }
0x14e: {  	s3 =	rddreg [dreg:$0x2];
	[bflag:$0x3] =	sbarrier.arrive $0xFFFF;
	s2 =	simm.s32 @!p0 $0x1C06  }
0x14f: {  	[timem:s3], [sflag:s2] =	dma.local @!p0 [hbm:s0], s1  }
0x150: {  	s0 =	simm.s32 @!p0 $0x6  }
0x151: {  	_ =	swait.ge @!p0 [sflag:s0], s1  }
0x152: {  	s1 =	ssub.s32 @!p0 $0x0, s1;
	[sflag:s0] =	ssyncset.done @!p0 $0x0  }
0x153: {  	[sflag:s0] =	ssyncadd.s32 @!p0 s1  }
0x154: {  	[bflag:$0x3] =	sbarrier.arrive $0xFFFF  }
0x155: {  	_ =	shalt  }

// kernel: kernel.20.cloned.1.call-start
scs
__scs_entry_jumppad:
0x0: {  	(pc) =	sbr.rel $0x88, $3  }
0x1: {  	(tag) =	ssettag $0x0;
	lr =	simm.s32 $0x1  }
0x2: {  	[smem:$0x3F98] =	sst lr;
	_ =	strace $0xD0000000  }
0x3: {  	_ = 	snop  }
0x4: {  	_ = 	snop  }
0x5: {  	_ = 	snop  }
0x6: {  	_ = 	snop  }
0x7: {  	_ = 	snop  }
__scs_overlays_trampoline_lowered:
0x8: {  	[smem:$0x3FA7] =	sst s0  }
0x9: {  	[smem:$0x3FA8] =	sst s1  }
0xa: {  	[smem:$0x3FA9] =	sst s2  }
0xb: {  	[smem:$0x3FAA] =	sst s3  }
0xc: {  	[smem:$0x3FAB] =	sst s4  }
0xd: {  	[smem:$0x3FAC] =	sst s5  }
0xe: {  	[smem:$0x3FAD] =	sst s6  }
0xf: {  	[smem:$0x3FAE] =	sst s7  }
0x10: {  	[smem:$0x3FAF] =	sst s8  }
0x11: {  	[smem:$0x3FB0] =	sst s9;
	s0 =	simm.s32 @!p0 $0x0  }
0x12: {  	s1 =	sld [smem:$0x3F96];
	s0 =	simm.s32 @p0 $0x1  }
0x13: {  	[smem:$0x3FB1] =	sst s0;
	s0 =	simm.s32 @!p1 $0x0  }
0x14: {  	s2 =	sld [smem:$0x3F95];
	s0 =	simm.s32 @p1 $0x1  }
0x15: {  	[smem:$0x3FB2] =	sst s0;
	s0 =	simm.s32 @!p2 $0x0  }
0x16: {  	s3 =	sld [smem:$0x3FDB];
	s0 =	simm.s32 @p2 $0x1  }
0x17: {  	s4 =	simm.s32 $0x1BF5;
	[smem:$0x3FB4] =	sst s0  }
0x18: {  	s0 =	sld [smem:$0x3F97];
	_ =	swait.ge [sflag:s4], $0x0  }
0x19: {  	s7 =	sld [smem:$0x3F98]  }
0x1a: {  	s8 =	sadd.s32 $0xFFFFE003, lr  }
0x1b: {  	s9 =	sadd.s32 $0xFFFFFEF7, lr;
	s5 =	simm.s32 $0xFFFFFFFF;
	p2 =	slt.u32 s8, $0xFFFFF086  }
0x1c: {  	p1 =	slt.u32 s9, $0xF7A;
	s5 =	simm.s32 @!p2 $0x0  }
0x1d: {  	s5 =	simm.s32 @p1 $0x1;
	p0 =	seq.s32 s7, s2  }
0x1e: {  	s7 =	smul.u32 @!p0 $0xF7A, s2;
	p2 =	seq.s32 @!p0 s5, $0x0  }
0x1f: {  	s9 =	smul.u32 $0xF7A, s1;
	s8 =	simm.s32 @!p0 $0x1BF5;
	p2 =	por !p2, p0  }
0x20: {  	[sflag:s8] =	ssyncset.s32 @!p0 $0xFFFFF086;
	s6 =	sadd.s32 @!p0 s3, s7;
	s7 =	simm.s32 @!p0 $0x108  }
0x21: {  	s3 =	sadd.s32 s3, s9;
	s6 =	sadd.s32 @!p0 $0x88, s6;
	s7 =	simm.s32 @p2 $0x1082  }
0x22: {  	[simem:s7], [sflag:s8] =	dma.local @!p0 [hbm:s6], $0xF7A  }
0x23: {  	s9 =	sor.u32 $0xD0000000, s2;
	s6 =	simm.s32 $0x108;
	_ =	swait.ge @!p0 [sflag:s8], $0x0  }
0x24: {  	s3 =	sadd.s32 $0x88, s3;
	s6 =	simm.s32 @!p1 $0x1082;
	[sflag:s4] =	ssyncset.s32 $0xFFFFF086  }
0x25: {  	[simem:s6], [sflag:s4] =	dma.local [hbm:s3], $0xF7A  }
0x26: {  	[smem:$0x3F98] =	sst s1;
	(tag) =	ssettag s2;
	_ =	strace s9  }
0x27: {  	s1 =	sld [smem:$0x3FA8]  }
0x28: {  	s2 =	sld [smem:$0x3FA9]  }
0x29: {  	s4 =	sld [smem:$0x3FAB]  }
0x2a: {  	p0 =	seq.s32 s5, $0x0;
	s5 =	sld [smem:$0x3FAC]  }
0x2b: {  	s6 =	sld [smem:$0x3FAD]  }
0x2c: {  	s7 =	sld [smem:$0x3FAE]  }
0x2d: {  	s3 =	simm.s32 $0x108;
	s8 =	sld [smem:$0x3FAF]  }
0x2e: {  	s3 =	simm.s32 @!p0 $0x1082;
	s9 =	sld [smem:$0x3FB0]  }
0x2f: {  	lr =	sadd.s32 s0, s3;
	s0 =	sld [smem:$0x3FA7]  }
0x30: {  	s3 =	sld [smem:$0x3FAA]  }
0x31: {  	[smem:$0x3FB3] =	sst s10  }
0x32: {  	s10 =	sld [smem:$0x3FB1];
	_ =	sdelay $0x3  }
0x33: {  	p0 =	seq.s32 s10, $0x1;
	s10 =	sld [smem:$0x3FB3];
	_ =	sdelay $0x3  }
0x34: {  	[smem:$0x3FB3] =	sst s10  }
0x35: {  	s10 =	sld [smem:$0x3FB2];
	_ =	sdelay $0x3  }
0x36: {  	p1 =	seq.s32 s10, $0x1;
	s10 =	sld [smem:$0x3FB3];
	_ =	sdelay $0x3  }
0x37: {  	[smem:$0x3FB3] =	sst s10  }
0x38: {  	s10 =	sld [smem:$0x3FB4]  }
0x39: {  	_ = 	snop;
	(pc) =	sbr.ind lr, $3  }
0x3a: {  	_ = 	snop  }
0x3b: {  	_ = 	snop  }
0x3c: {  	p2 =	seq.s32 s10, $0x1;
	s10 =	sld [smem:$0x3FB3]  }
0x3d: {  	_ =	shalt  }
0x3e: {  	_ =	shalt  }
0x3f: {  	_ =	shalt  }
0x40: {  	_ =	shalt  }
0x41: {  	_ =	shalt  }
0x42: {  	_ =	shalt  }
0x43: {  	_ =	shalt  }
0x44: {  	_ =	shalt  }
0x45: {  	_ =	shalt  }
0x46: {  	_ =	shalt  }
0x47: {  	_ =	shalt  }
0x48: {  	_ =	shalt  }
0x49: {  	_ =	shalt  }
0x4a: {  	_ =	shalt  }
0x4b: {  	_ =	shalt  }
0x4c: {  	_ =	shalt  }
0x4d: {  	_ =	shalt  }
0x4e: {  	_ =	shalt  }
0x4f: {  	_ =	shalt  }
0x50: {  	_ =	shalt  }
0x51: {  	_ =	shalt  }
0x52: {  	_ =	shalt  }
0x53: {  	_ =	shalt  }
0x54: {  	_ =	shalt  }
0x55: {  	_ =	shalt  }
0x56: {  	_ =	shalt  }
0x57: {  	_ =	shalt  }
0x58: {  	_ =	shalt  }
0x59: {  	_ =	shalt  }
0x5a: {  	_ =	shalt  }
0x5b: {  	_ =	shalt  }
0x5c: {  	_ =	shalt  }
0x5d: {  	_ =	shalt  }
0x5e: {  	_ =	shalt  }
0x5f: {  	_ =	shalt  }
0x60: {  	_ =	shalt  }
0x61: {  	_ =	shalt  }
0x62: {  	_ =	shalt  }
0x63: {  	_ =	shalt  }
0x64: {  	_ =	shalt  }
0x65: {  	_ =	shalt  }
0x66: {  	_ =	shalt  }
0x67: {  	_ =	shalt  }
0x68: {  	_ =	shalt  }
0x69: {  	_ =	shalt  }
0x6a: {  	_ =	shalt  }
0x6b: {  	_ =	shalt  }
0x6c: {  	_ =	shalt  }
0x6d: {  	_ =	shalt  }
0x6e: {  	_ =	shalt  }
0x6f: {  	_ =	shalt  }
0x70: {  	_ =	shalt  }
0x71: {  	_ =	shalt  }
0x72: {  	_ =	shalt  }
0x73: {  	_ =	shalt  }
0x74: {  	_ =	shalt  }
0x75: {  	_ =	shalt  }
0x76: {  	_ =	shalt  }
0x77: {  	_ =	shalt  }
0x78: {  	_ =	shalt  }
0x79: {  	_ =	shalt  }
0x7a: {  	_ =	shalt  }
0x7b: {  	_ =	shalt  }
0x7c: {  	_ =	shalt  }
0x7d: {  	_ =	shalt  }
0x7e: {  	_ =	shalt  }
0x7f: {  	_ =	shalt  }
0x80: {  	_ =	shalt  }
0x81: {  	_ =	shalt  }
0x82: {  	_ =	shalt  }
0x83: {  	_ =	shalt  }
0x84: {  	_ =	shalt  }
0x85: {  	_ =	shalt  }
0x86: {  	_ =	shalt  }
0x87: {  	_ =	shalt  }
.Lfunc_end0:
.L_simem_size_0:
called_computation.3_lowered:
.L_overlay_start_0:
0x88: {  	s2 =	sld [smem:$0x3FD9]  }
0x89: {  	s3 =	sld [smem:$0x3FFE];
	_ =	sdelay $0x1  }
0x8a: {  	s1 =	srdreg.scid  }
0x8b: {  	s0 =	sand.u32 $0x1, s1  }
0x8c: {  	s17 =	sshll.u32 s0, $0xA;
	s2 =	sadd.s32 s3, s2  }
0x8d: {  	s2 =	sadd.s32 s2, s17  }
0x8e: {  	[smem:$0x3FBF] =	sst s2  }
0x8f: {  	_ = 	snop  }
0x90: {  	s2 =	sld [smem:$0x3FD0];
	(tm) =	ssettm $0x1  }
0x91: {  	s18 =	sld [smem:$0x3FFB];
	_ =	sdelay $0x3  }
0x92: {  	_ =	strace s18  }
0x93: {  	s3 =	sld [smem:$0x3FFC];
	_ =	sdelay $0x3  }
0x94: {  	_ =	strace s3  }
0x95: {  	s3 =	sld [smem:$0x3FFD];
	_ =	sdelay $0x3  }
0x96: {  	_ =	strace s3  }
0x97: {  	_ =	strace $0x8FFFFFFF  }
0x98: {  	s19 =	sld [smem:$0x3FDB];
	_ =	sdelay $0x1  }
0x99: {  	s4 =	simm.s32 $_scs_section_size  }
0x9a: {  	s5 =	simm.s32 $_size__tile_overlayer_lowered;
	s6 =	simm.s32 $_tile_overlayer_lowered  }
0x9b: {  	s22 =	simm.s32 $0x1BFF;
	s21 =	sshll.u32 s6, $0x1;
	s3 =	sadd.s32 s4, s19  }
0x9c: {  	s7 =	simm.s32 $0x0;
	s20 =	sshll.u32 s5, $0x1;
	s5 =	sadd.s32 s21, s3  }
0x9d: {  	[timem:s7], [sflag:s22] =	dma.local [hbm:s5], s20  }
0x9e: {  	_ =	swait.ge [sflag:s22], s20  }
0x9f: {  	s4 =	ssub.s32 $0x0, s20;
	[sflag:s22] =	ssyncset.done $0x0  }
0xa0: {  	[sflag:s22] =	ssyncadd.s32 s4;
	_ =	sdelay $0x1  }
0xa1: {  	s23 =	simm.s32 $0x1B8B  }
0xa2: {  	_ =	swait.ge [sflag:s23], $0x1  }
0xa3: {  	[sflag:s23] =	ssyncset.done $0x0  }
0xa4: {  	s25 =	simm.s32 $0x1B8E;
	s24 =	sld [smem:$0x3FFE];
	[sflag:s23] =	ssyncadd.s32 $0xFFFFFFFF  }
0xa5: {  	s26 =	simm.s32 $execute0_lowered;
	[smem:$0x3FD2] =	sst s25  }
0xa6: {  	s5 =	sshll.u32 s26, $0x1;
	_ =	strace $0x8000004F;
	[dreg:$0x1] =	wrdreg $0xFFFFFFFF  }
0xa7: {  	s28 =	simm.s32 $_size_execute0_lowered;
	s3 =	sadd.s32 s3, s5;
	[dreg:$0x0] =	wrdreg $0x0  }
0xa8: {  	s5 =	sshll.u32 s28, $0x1;
	[dreg:$0x2] =	wrdreg s3  }
0xa9: {  	[dreg:$0x3] =	wrdreg s5  }
0xaa: {  	[dreg:$0x4] =	wrdreg $0xC0  }
0xab: {  	_ =	task [dreg:s7], $0x5FFFF  }
0xac: {  	[dreg:$0x1] =	wrdreg $0xFFFFFFFF  }
0xad: {  	[dreg:$0x0] =	wrdreg $0x60  }
0xae: {  	[dreg:$0x2] =	wrdreg s2  }
0xaf: {  	[dreg:$0x3] =	wrdreg s24  }
0xb0: {  	[dreg:$0x4] =	wrdreg $0xB0C00  }
0xb1: {  	[dreg:$0x5] =	wrdreg $0x9  }
0xb2: {  	_ =	task.clear_ibuf [dreg:s7], $0x6FFFF;
	_ =	strace $0x9000004F  }
0xb3: {  	s29 =	simm.s32 $0x9;
	_ =	strace $0x80000051  }
0xb4: {  	_ =	swait.ge [sflag:s29], $0x1  }
0xb5: {  	[sflag:s29] =	ssyncadd.s32 $0xFFFFFFFF  }
0xb6: {  	_ =	strace $0x90000051  }
0xb7: {  	_ =	sfence  }
0xb8: {  	s30 =	sld [smem:$0x0];
	_ =	sdelay $0x2  }
0xb9: {  	s31 =	sshll.u32 s1, $0xD;
	s1 =	sshrl.u32 s1, $0x2  }
0xba: {  	s3 =	sand.u32 $0x4000, s31;
	s1 =	sadd.s32 s1, s30  }
0xbb: {  	s0 =	sor.u32 s3, s0;
	s1 =	sshll.u32 s1, $0x11  }
0xbc: {  	s0 =	sor.u32 s1, s0  }
0xbd: {  	s0 =	sadd.s32 $0x8F2B, s0  }
0xbe: {  	[sflag:s0] =	ssyncadd.remote.s32 $0x1  }
0xbf: {  	_ =	sfence.sel $0xFFFF  }
0xc0: {  	[dreg:$0x0] =	wrdreg $0xFFFFFFFF;
	(pc) =	sbr.abs _section_cstart, $3  }
0xc1: {  	[dreg:$0x1] =	wrdreg $0xFFFFFFFF  }
0xc2: {  	_ =	task.clear_ibuf [dreg:s7], $0x2FFFF;
	_ =	strace $0x9FFFFFFF  }
0xc3: {  	(tm) =	ssettm $0x7FFFFFFF  }
tec
execute0_lowered:
.L_overlay_start_1:
0x0: {  	(tag) =	ssettag $0x1  }
0x1: {  	s1 =	rddreg [dreg:$0x0]  }
0x2: {  	s0 =	rddreg [dreg:$0x1]  }
0x3: {  	s2 =	rddreg [dreg:$0x2];
	s3 =	srdreg.scid;
	s4 =	simm.s32 $0x0  }
0x4: {  	s11 =	simm.s32 $0x6;
	s13 =	simm.s32 $0x7D;
	s14 =	simm.s32 $0x5000  }
0x5: {  	s16 =	simm.s32 $0x6770;
	s18 =	simm.s32 $0x7EE0;
	s19 =	simm.s32 $0x5  }
0x6: {  	s20 =	simm.s32 $0x9650;
	s21 =	simm.s32 $0x1;
	s22 =	simm.s32 $0x2  }
0x7: {  	s23 =	simm.s32 $0x3;
	s24 =	simm.s32 $0x4;
	s28 =	simm.s32 $0x4E80  }
0x8: {  	s29 =	simm.s32 $0x4F00;
	s30 =	simm.s32 $0x4F80;
	s5 =	sand.u32 $0x1, s3  }
0x9: {  	s31 =	simm.s32 $0x0;
	s3 =	stileid.u32;
	s7 =	smul.u32 $0xF000, s5  }
0xa: {  	[smem:$0x7FF] =	sst s4;
	s6 =	sshll.u32 s5, $0x4;
	s8 =	smul.u32 $0xF00, s3  }
0xb: {  	s5 =	ssub.s32 $0x2, s5;
	s9 =	smul.u32 $0x1E000, s3;
	s6 =	sor.u32 s3, s6  }
0xc: {  	_ =	strace $0x80000050;
	s25 =	sshrl.u32 s5, $0x1;
	s6 =	smul.u32 $0x500, s6  }
0xd: {  	s7 =	sadd.s32 s8, s7;
	s10 =	ssub.s32 s5, s25;
	s26 =	sshrl.u32 s9, $0x2  }
0xe: {  	s8 =	sadd.s32 s26, s2;
	s9 =	smax.u32 s10, $0x1;
	s10 =	simm.s32 $0xADC0  }
0xf: {  	s26 =	simm.s32 $0x4E00;
	s6 =	sadd.s32 s6, s0;
	s0 =	sadd.s32 s7, s0  }
0x10: {  	v0 =	vimm.f32 $0.0e+00;
	s5 =	sadd.s32 $0x7D800, s6;
	s6 =	sadd.s32 $0x87800, s6;
	s7 =	sadd.s32 $0x2C00, s0  }
.LBB2_1:
0x11: {  	[tilespmem:$0xADC0] =	vst v0  }
0x12: {  	[tilespmem:$0xADD0] =	vst v0  }
0x13: {  	[tilespmem:$0xADE0] =	vst v0  }
0x14: {  	[tilespmem:$0xADF0] =	vst v0  }
0x15: {  	[tilespmem:$0xAE00] =	vst v0  }
0x16: {  	[tilespmem:$0xAE10] =	vst v0  }
0x17: {  	[tilespmem:$0xAE20] =	vst v0  }
0x18: {  	[tilespmem:$0xAE30] =	vst v0  }
0x19: {  	[tilespmem:$0xAE40] =	vst v0  }
0x1a: {  	[tilespmem:$0xAE50] =	vst v0  }
0x1b: {  	[tilespmem:$0xAE60] =	vst v0  }
0x1c: {  	[tilespmem:$0xAE70] =	vst v0  }
0x1d: {  	[tilespmem:$0xAE80] =	vst v0  }
0x1e: {  	[tilespmem:$0xAE90] =	vst v0  }
0x1f: {  	[tilespmem:$0xAEA0] =	vst v0  }
0x20: {  	[tilespmem:$0xAEB0] =	vst v0  }
0x21: {  	[tilespmem:$0xAEC0] =	vst v0  }
0x22: {  	[tilespmem:$0xAED0] =	vst v0  }
0x23: {  	[tilespmem:$0xAEE0] =	vst v0  }
0x24: {  	[tilespmem:$0xAEF0] =	vst v0  }
0x25: {  	[tilespmem:$0xAF00] =	vst v0  }
0x26: {  	[tilespmem:$0xAF10] =	vst v0  }
0x27: {  	[tilespmem:$0xAF20] =	vst v0  }
0x28: {  	[tilespmem:$0xAF30] =	vst v0  }
0x29: {  	[tilespmem:$0xAF40] =	vst v0  }
0x2a: {  	[tilespmem:$0xAF50] =	vst v0  }
0x2b: {  	[tilespmem:$0xAF60] =	vst v0  }
0x2c: {  	[tilespmem:$0xAF70] =	vst v0  }
0x2d: {  	[tilespmem:$0xAF80] =	vst v0  }
0x2e: {  	[tilespmem:$0xAF90] =	vst v0  }
0x2f: {  	[tilespmem:$0xAFA0] =	vst v0  }
0x30: {  	[tilespmem:$0xAFB0] =	vst v0  }
0x31: {  	[tilespmem:$0xAFC0] =	vst v0  }
0x32: {  	[tilespmem:$0xAFD0] =	vst v0  }
0x33: {  	[tilespmem:$0xAFE0] =	vst v0  }
0x34: {  	[tilespmem:$0xAFF0] =	vst v0  }
0x35: {  	[tilespmem:$0xB000] =	vst v0  }
0x36: {  	[tilespmem:$0xB010] =	vst v0  }
0x37: {  	[tilespmem:$0xB020] =	vst v0  }
0x38: {  	[tilespmem:$0xB030] =	vst v0  }
0x39: {  	[tilespmem:$0xB040] =	vst v0  }
0x3a: {  	[tilespmem:$0xB050] =	vst v0  }
0x3b: {  	[tilespmem:$0xB060] =	vst v0  }
0x3c: {  	[tilespmem:$0xB070] =	vst v0  }
0x3d: {  	[tilespmem:$0xB080] =	vst v0  }
0x3e: {  	[tilespmem:$0xB090] =	vst v0  }
0x3f: {  	[tilespmem:$0xB0A0] =	vst v0  }
0x40: {  	[tilespmem:$0xB0B0] =	vst v0;
	s0 =	simm.s32 $0xC00;
	s12 =	sadd.s32 $0x0, s8  }
.LBB2_2:
0x41: {  	[spmem:s12] =	stream.linear.scatter [tilespmem:s10], [sflag:$0x5], $0x300, $0x38;
	[tilespmem:$0x128C0] =	vst v63  }
0x42: {  	s12 =	smov.u32 s0;
	p0 =	sne.s32 s0, $0x1D400  }
.Ltmp0:
0x43: {  	s0 =	sadd.s32 $0xC00, s0;
	(pc) =	sbr.rel @p0 .LBB2_2-.Ltmp0, $3  }
0x44: {  	_ =	sdelay $0x1  }
0x45: {  	s12 =	sshra.s32 s12, $0x2  }
0x46: {  	s12 =	sadd.s32 s12, s8  }
0x47: {  	[spmem:s12] =	stream.linear.scatter [tilespmem:s10], [sflag:$0x5], $0x300, $0x38;
	[tilespmem:$0x128C0] =	vst v63  }
0x48: {  	_ = 	snop  }
0x49: {  	[tilespmem:s4], [sflag:$0x6] =	stream.linear.gather [hbm4b:s5+s4], $0x2800, $0x38;
	[tilespmem:$0x128C0] =	vst v63  }
0x4a: {  	_ =	swait.ge [sflag:s11], $0x2800  }
0x4b: {  	[sflag:s11] =	ssyncset.done $0x0  }
0x4c: {  	s0 =	simm.s32 $0x2800;
	[sflag:s11] =	ssyncadd.s32 $0xFFFFD800  }
0x4d: {  	[tilespmem:s0], [sflag:$0x6] =	stream.linear.gather [hbm4b:s6+s4], $0x2800, $0x38;
	[tilespmem:$0x128C0] =	vst v63  }
0x4e: {  	_ =	swait.ge [sflag:s11], $0x2800  }
0x4f: {  	[sflag:s11] =	ssyncset.done $0x0  }
0x50: {  	[sflag:s11] =	ssyncadd.s32 $0xFFFFD800  }
0x51: {  	[tilespmem:s14], [sflag:$0x1] =	stream.indirect.gather [hbm4b:s1+s13], $0x30, s4, s13, $0xb8;
	[tilespmem:$0x128C0] =	vst v63  }
0x52: {  	s17 =	simm.s32 $0x80  }
0x53: {  	[tilespmem:s16], [sflag:$0x2] =	stream.indirect.gather [hbm4b:s1+s13], $0x30, s17, s13, $0xb8;
	[tilespmem:$0x128C0] =	vst v63  }
0x54: {  	s25 =	simm.s32 $0x100  }
0x55: {  	[tilespmem:s18], [sflag:$0x3] =	stream.indirect.gather [hbm4b:s1+s13], $0x30, s25, s13, $0xb8;
	[tilespmem:$0x128C0] =	vst v63  }
0x56: {  	_ =	swait.ge [sflag:s19], $0x300  }
0x57: {  	s0 =	simm.s32 $0x27;
	[sflag:s19] =	ssyncset.done $0x0  }
.LBB2_4:
0x58: {  	p0 =	sne.s32 s0, $0x1;
	s0 =	sadd.s32 $0xFFFFFFFF, s0;
	[sflag:s19] =	ssyncadd.s32 $0xFFFFFD00  }
.Ltmp1:
0x59: {  	(pc) =	sbr.rel @p0 .LBB2_4-.Ltmp1, $3  }
0x5a: {  	_ =	sdelay $0x1  }
0x5b: {  	_ =	swait.ge [sflag:s19], $0x300  }
0x5c: {  	[sflag:s19] =	ssyncset.done $0x0  }
0x5d: {  	[sflag:s19] =	ssyncadd.s32 $0xFFFFFD00  }
0x5e: {  	s0 =	simm.s32 $0x180;
	[bflag:$0x0] =	sbarrier.arrive $0xFFFF  }
0x5f: {  	[tilespmem:s20], [sflag:$0x4] =	stream.indirect.gather [hbm4b:s1+s13], $0x30, s0, s13, $0xb8;
	[tilespmem:$0x128C0] =	vst v63  }
0x60: {  	_ =	swait.ge [sflag:s21], $0x1770  }
0x61: {  	[sflag:s21] =	ssyncset.done $0x0  }
0x62: {  	s15 =	simm.s32 $0x2800;
	[sflag:s21] =	ssyncadd.s32 $0xFFFFE890  }
0x63: {  	[spmem:s2] =	stream.indirect.scatter.add.f32 [tilespmem:s14], [sflag:$0x6], $0x30, s15, s13, $0xb8;
	[tilespmem:$0x128C0] =	vst v63  }
0x64: {  	_ =	swait.ge [sflag:s11], $0x1770  }
0x65: {  	[sflag:s11] =	ssyncset.done $0x0  }
0x66: {  	s17 =	simm.s32 $0x200;
	[sflag:s11] =	ssyncadd.s32 $0xFFFFE890  }
0x67: {  	[tilespmem:s14], [sflag:$0x1] =	stream.indirect.gather [hbm4b:s1+s13], $0x30, s17, s13, $0xb8;
	[tilespmem:$0x128C0] =	vst v63  }
0x68: {  	_ =	swait.ge [sflag:s22], $0x1770  }
0x69: {  	[sflag:s22] =	ssyncset.done $0x0  }
0x6a: {  	s25 =	simm.s32 $0x2880;
	[sflag:s22] =	ssyncadd.s32 $0xFFFFE890  }
0x6b: {  	[spmem:s2] =	stream.indirect.scatter.add.f32 [tilespmem:s16], [sflag:$0x6], $0x30, s25, s13, $0xb8;
	[tilespmem:$0x128C0] =	vst v63  }
0x6c: {  	_ =	swait.ge [sflag:s11], $0x1770  }
0x6d: {  	[sflag:s11] =	ssyncset.done $0x0  }
0x6e: {  	s12 =	simm.s32 $0x280;
	[sflag:s11] =	ssyncadd.s32 $0xFFFFE890  }
0x6f: {  	[tilespmem:s16], [sflag:$0x2] =	stream.indirect.gather [hbm4b:s1+s13], $0x30, s12, s13, $0xb8;
	[tilespmem:$0x128C0] =	vst v63  }
0x70: {  	_ =	swait.ge [sflag:s23], $0x1770  }
0x71: {  	[sflag:s23] =	ssyncset.done $0x0  }
0x72: {  	s15 =	simm.s32 $0x2900;
	[sflag:s23] =	ssyncadd.s32 $0xFFFFE890  }
0x73: {  	[spmem:s2] =	stream.indirect.scatter.add.f32 [tilespmem:s18], [sflag:$0x6], $0x30, s15, s13, $0xb8;
	[tilespmem:$0x128C0] =	vst v63  }
0x74: {  	_ =	swait.ge [sflag:s11], $0x1770  }
0x75: {  	[sflag:s11] =	ssyncset.done $0x0  }
0x76: {  	s17 =	simm.s32 $0x300;
	[sflag:s11] =	ssyncadd.s32 $0xFFFFE890  }
0x77: {  	[tilespmem:s18], [sflag:$0x3] =	stream.indirect.gather [hbm4b:s1+s13], $0x30, s17, s13, $0xb8;
	[tilespmem:$0x128C0] =	vst v63  }
0x78: {  	_ =	swait.ge [sflag:s24], $0x1770  }
0x79: {  	[sflag:s24] =	ssyncset.done $0x0  }
0x7a: {  	s25 =	simm.s32 $0x2980;
	[sflag:s24] =	ssyncadd.s32 $0xFFFFE890  }
0x7b: {  	[spmem:s2] =	stream.indirect.scatter.add.f32 [tilespmem:s20], [sflag:$0x6], $0x30, s25, s13, $0xb8;
	[tilespmem:$0x128C0] =	vst v63  }
0x7c: {  	_ =	swait.ge [sflag:s11], $0x1770  }
0x7d: {  	s0 =	simm.s32 $0x200;
	s12 =	simm.s32 $0x1000;
	[sflag:s11] =	ssyncset.done $0x0  }
.LBB2_6:
0x7e: {  	s25 =	sadd.s32 $0x180, s0  }
0x7f: {  	[sflag:s11] =	ssyncadd.s32 $0xFFFFE890;
	s15 =	smov.u32 s12;
	s17 =	sadd.s32 $0x800, s12  }
0x80: {  	[tilespmem:s20], [sflag:$0x4] =	stream.indirect.gather [hbm4b:s1+s13], $0x30, s25, s13, $0xb8;
	[tilespmem:$0x128C0] =	vst v63  }
0x81: {  	p0 =	sne.s32 s12, $0x9000;
	_ =	swait.ge [sflag:s21], $0x1770  }
0x82: {  	[sflag:s21] =	ssyncset.done $0x0  }
0x83: {  	s12 =	sadd.s32 $0x2800, s0;
	[sflag:s21] =	ssyncadd.s32 $0xFFFFE890  }
0x84: {  	[spmem:s2] =	stream.indirect.scatter.add.f32 [tilespmem:s14], [sflag:$0x6], $0x30, s12, s13, $0xb8;
	[tilespmem:$0x128C0] =	vst v63  }
0x85: {  	_ =	swait.ge [sflag:s11], $0x1770  }
0x86: {  	[sflag:s11] =	ssyncset.done $0x0  }
0x87: {  	s12 =	sadd.s32 $0x200, s0;
	[sflag:s11] =	ssyncadd.s32 $0xFFFFE890  }
0x88: {  	[tilespmem:s14], [sflag:$0x1] =	stream.indirect.gather [hbm4b:s1+s13], $0x30, s12, s13, $0xb8;
	[tilespmem:$0x128C0] =	vst v63  }
0x89: {  	_ =	swait.ge [sflag:s22], $0x1770  }
0x8a: {  	[sflag:s22] =	ssyncset.done $0x0  }
0x8b: {  	s12 =	sadd.s32 $0x2880, s0;
	[sflag:s22] =	ssyncadd.s32 $0xFFFFE890  }
0x8c: {  	[spmem:s2] =	stream.indirect.scatter.add.f32 [tilespmem:s16], [sflag:$0x6], $0x30, s12, s13, $0xb8;
	[tilespmem:$0x128C0] =	vst v63  }
0x8d: {  	_ =	swait.ge [sflag:s11], $0x1770  }
0x8e: {  	[sflag:s11] =	ssyncset.done $0x0  }
0x8f: {  	s12 =	sadd.s32 $0x280, s0;
	[sflag:s11] =	ssyncadd.s32 $0xFFFFE890  }
0x90: {  	[tilespmem:s16], [sflag:$0x2] =	stream.indirect.gather [hbm4b:s1+s13], $0x30, s12, s13, $0xb8;
	[tilespmem:$0x128C0] =	vst v63  }
0x91: {  	_ =	swait.ge [sflag:s23], $0x1770  }
0x92: {  	[sflag:s23] =	ssyncset.done $0x0  }
0x93: {  	s12 =	sadd.s32 $0x2900, s0;
	[sflag:s23] =	ssyncadd.s32 $0xFFFFE890  }
0x94: {  	[spmem:s2] =	stream.indirect.scatter.add.f32 [tilespmem:s18], [sflag:$0x6], $0x30, s12, s13, $0xb8;
	[tilespmem:$0x128C0] =	vst v63  }
0x95: {  	_ =	swait.ge [sflag:s11], $0x1770  }
0x96: {  	[sflag:s11] =	ssyncset.done $0x0  }
0x97: {  	s12 =	sadd.s32 $0x300, s0;
	[sflag:s11] =	ssyncadd.s32 $0xFFFFE890  }
0x98: {  	[tilespmem:s18], [sflag:$0x3] =	stream.indirect.gather [hbm4b:s1+s13], $0x30, s12, s13, $0xb8;
	[tilespmem:$0x128C0] =	vst v63  }
0x99: {  	_ =	swait.ge [sflag:s24], $0x1770  }
.Ltmp2:
0x9a: {  	[sflag:s24] =	ssyncset.done $0x0;
	(pc) =	sbr.rel @p0 .LBB2_6-.Ltmp2, $4  }
0x9b: {  	s0 =	sadd.s32 $0x2980, s0;
	[sflag:s24] =	ssyncadd.s32 $0xFFFFE890  }
0x9c: {  	[spmem:s2] =	stream.indirect.scatter.add.f32 [tilespmem:s20], [sflag:$0x6], $0x30, s0, s13, $0xb8;
	[tilespmem:$0x128C0] =	vst v63  }
0x9d: {  	_ =	swait.ge [sflag:s11], $0x1770  }
0x9e: {  	s12 =	smov.u32 s17;
	s0 =	sshra.s32 s15, $0x2;
	[sflag:s11] =	ssyncset.done $0x0  }
0x9f: {  	s12 =	sadd.s32 $0x180, s0;
	[sflag:s11] =	ssyncadd.s32 $0xFFFFE890  }
0xa0: {  	[tilespmem:s20], [sflag:$0x4] =	stream.indirect.gather [hbm4b:s1+s13], $0x30, s12, s13, $0xb8;
	[tilespmem:$0x128C0] =	vst v63  }
0xa1: {  	_ =	swait.ge [sflag:s21], $0x1770  }
0xa2: {  	[sflag:s21] =	ssyncset.done $0x0  }
0xa3: {  	s15 =	sadd.s32 $0x2800, s0;
	[sflag:s21] =	ssyncadd.s32 $0xFFFFE890  }
0xa4: {  	[spmem:s2] =	stream.indirect.scatter.add.f32 [tilespmem:s14], [sflag:$0x6], $0x30, s15, s13, $0xb8;
	[tilespmem:$0x128C0] =	vst v63  }
0xa5: {  	_ =	swait.ge [sflag:s11], $0x1770  }
0xa6: {  	[sflag:s11] =	ssyncset.done $0x0  }
0xa7: {  	s17 =	sadd.s32 $0x200, s0;
	[sflag:s11] =	ssyncadd.s32 $0xFFFFE890  }
0xa8: {  	[tilespmem:s14], [sflag:$0x1] =	stream.indirect.gather [hbm4b:s1+s13], $0x30, s17, s13, $0xb8;
	[tilespmem:$0x128C0] =	vst v63  }
0xa9: {  	_ =	swait.ge [sflag:s22], $0x1770  }
0xaa: {  	[sflag:s22] =	ssyncset.done $0x0  }
0xab: {  	s25 =	sadd.s32 $0x2880, s0;
	[sflag:s22] =	ssyncadd.s32 $0xFFFFE890  }
0xac: {  	[spmem:s2] =	stream.indirect.scatter.add.f32 [tilespmem:s16], [sflag:$0x6], $0x30, s25, s13, $0xb8;
	[tilespmem:$0x128C0] =	vst v63  }
0xad: {  	_ =	swait.ge [sflag:s11], $0x1770  }
0xae: {  	[sflag:s11] =	ssyncset.done $0x0  }
0xaf: {  	s15 =	sadd.s32 $0x280, s0;
	[sflag:s11] =	ssyncadd.s32 $0xFFFFE890  }
0xb0: {  	[tilespmem:s16], [sflag:$0x2] =	stream.indirect.gather [hbm4b:s1+s13], $0x30, s15, s13, $0xb8;
	[tilespmem:$0x128C0] =	vst v63  }
0xb1: {  	_ =	swait.ge [sflag:s23], $0x1770  }
0xb2: {  	[sflag:s23] =	ssyncset.done $0x0  }
0xb3: {  	s17 =	sadd.s32 $0x2900, s0;
	[sflag:s23] =	ssyncadd.s32 $0xFFFFE890  }
0xb4: {  	[spmem:s2] =	stream.indirect.scatter.add.f32 [tilespmem:s18], [sflag:$0x6], $0x30, s17, s13, $0xb8;
	[tilespmem:$0x128C0] =	vst v63  }
0xb5: {  	_ =	swait.ge [sflag:s11], $0x1770  }
0xb6: {  	[sflag:s11] =	ssyncset.done $0x0  }
0xb7: {  	s25 =	sadd.s32 $0x300, s0;
	[sflag:s11] =	ssyncadd.s32 $0xFFFFE890  }
0xb8: {  	[tilespmem:s18], [sflag:$0x3] =	stream.indirect.gather [hbm4b:s1+s13], $0x30, s25, s13, $0xb8;
	[tilespmem:$0x128C0] =	vst v63  }
0xb9: {  	_ =	swait.ge [sflag:s24], $0x1770  }
0xba: {  	[sflag:s24] =	ssyncset.done $0x0  }
0xbb: {  	s12 =	sadd.s32 $0x2980, s0;
	[sflag:s24] =	ssyncadd.s32 $0xFFFFE890  }
0xbc: {  	[spmem:s2] =	stream.indirect.scatter.add.f32 [tilespmem:s20], [sflag:$0x6], $0x30, s12, s13, $0xb8;
	[tilespmem:$0x128C0] =	vst v63  }
0xbd: {  	_ =	swait.ge [sflag:s11], $0x1770  }
0xbe: {  	[sflag:s11] =	ssyncset.done $0x0  }
0xbf: {  	s15 =	simm.s32 $0x2780;
	[sflag:s11] =	ssyncadd.s32 $0xFFFFE890  }
0xc0: {  	[tilespmem:s20], [sflag:$0x4] =	stream.indirect.gather [hbm4b:s1+s13], $0x30, s15, s13, $0xb8;
	[tilespmem:$0x128C0] =	vst v63  }
0xc1: {  	_ =	swait.ge [sflag:s21], $0x1770  }
0xc2: {  	[sflag:s21] =	ssyncset.done $0x0  }
0xc3: {  	[sflag:s21] =	ssyncadd.s32 $0xFFFFE890  }
0xc4: {  	[spmem:s2] =	stream.indirect.scatter.add.f32 [tilespmem:s14], [sflag:$0x6], $0x30, s26, s13, $0xb8;
	[tilespmem:$0x128C0] =	vst v63  }
0xc5: {  	_ =	swait.ge [sflag:s11], $0x1770  }
0xc6: {  	[sflag:s11] =	ssyncset.done $0x0  }
0xc7: {  	[sflag:s11] =	ssyncadd.s32 $0xFFFFE890  }
0xc8: {  	_ =	swait.ge [sflag:s22], $0x1770  }
0xc9: {  	[sflag:s22] =	ssyncset.done $0x0  }
0xca: {  	[sflag:s22] =	ssyncadd.s32 $0xFFFFE890  }
0xcb: {  	[spmem:s2] =	stream.indirect.scatter.add.f32 [tilespmem:s16], [sflag:$0x6], $0x30, s28, s13, $0xb8;
	[tilespmem:$0x128C0] =	vst v63  }
0xcc: {  	_ =	swait.ge [sflag:s11], $0x1770  }
0xcd: {  	[sflag:s11] =	ssyncset.done $0x0  }
0xce: {  	[sflag:s11] =	ssyncadd.s32 $0xFFFFE890  }
0xcf: {  	_ =	swait.ge [sflag:s23], $0x1770  }
0xd0: {  	[sflag:s23] =	ssyncset.done $0x0  }
0xd1: {  	[sflag:s23] =	ssyncadd.s32 $0xFFFFE890  }
0xd2: {  	[spmem:s2] =	stream.indirect.scatter.add.f32 [tilespmem:s18], [sflag:$0x6], $0x30, s29, s13, $0xb8;
	[tilespmem:$0x128C0] =	vst v63  }
0xd3: {  	_ =	swait.ge [sflag:s11], $0x1770  }
0xd4: {  	[sflag:s11] =	ssyncset.done $0x0  }
0xd5: {  	[sflag:s11] =	ssyncadd.s32 $0xFFFFE890  }
0xd6: {  	_ =	swait.ge [sflag:s24], $0x1770  }
0xd7: {  	[sflag:s24] =	ssyncset.done $0x0  }
0xd8: {  	[sflag:s24] =	ssyncadd.s32 $0xFFFFE890  }
0xd9: {  	[spmem:s2] =	stream.indirect.scatter.add.f32 [tilespmem:s20], [sflag:$0x6], $0x30, s30, s13, $0xb8;
	[tilespmem:$0x128C0] =	vst v63  }
0xda: {  	_ =	swait.ge [sflag:s11], $0x1770  }
0xdb: {  	s31 =	sadd.s32 $0x1, s31;
	s17 =	sshll.u32 s3, $0x6;
	[sflag:s11] =	ssyncset.done $0x0  }
0xdc: {  	p0 =	sne.s32 s31, s9;
	s0 =	sor.u32 $0x1C06, s17;
	[sflag:s11] =	ssyncadd.s32 $0xFFFFE890  }
.Ltmp3:
0xdd: {  	s25 =	sshrl.u32 s8, $0x3;
	[bflag:$0x0] =	sbarrier.arrive $0xFFFF;
	(pc) =	sbr.rel @p0 .LBB2_1-.Ltmp3, $4  }
0xde: {  	[hbm:s7], [sflag:s0] =	dma.local [spmem:s25], $0xF00  }
0xdf: {  	_ =	swait.ge [sflag:s11], $0xF00  }
0xe0: {  	[sflag:s11] =	ssyncset.done $0x0  }
0xe1: {  	[sflag:s11] =	ssyncadd.s32 $0xFFFFF100  }
0xe2: {  	_ =	sfence.sel $0x180000  }
0xe3: {  	[bflag:$0x0] =	sbarrier.arrive $0xFFFF  }
0xe4: {  	_ =	strace $0x90000050  }
0xe5: {  	[bflag:$0x2] =	sbarrier.arrive $0xFFFF  }
0xe6: {  	p0 =	sne.s32 s3, $0x0;
	s0 =	rddreg [dreg:$0x3]  }
0xe7: {  	s0 =	sadd.s32 @!p0 $0x100000, s0  }
0xe8: {  	[sflag:s0] =	ssyncadd.tile.s32 @!p0 $0x1;
	_ =	shalt  }
.Lfunc_end2:
_tile_overlayer_lowered:
.L_overlay_start_2:
0xe9: {  	(tag) =	ssettag $0x2  }
0xea: {  	s0 =	rddreg [dreg:$0x0];
	s2 =	stileid.u32  }
0xeb: {  	s1 =	rddreg [dreg:$0x1];
	p0 =	sne.s32 s2, $0x0  }
0xec: {  	s3 =	rddreg [dreg:$0x2];
	[bflag:$0x3] =	sbarrier.arrive $0xFFFF;
	s2 =	simm.s32 @!p0 $0x1C06  }
0xed: {  	[timem:s3], [sflag:s2] =	dma.local @!p0 [hbm:s0], s1  }
0xee: {  	s0 =	simm.s32 @!p0 $0x6  }
0xef: {  	_ =	swait.ge @!p0 [sflag:s0], s1  }
0xf0: {  	s1 =	ssub.s32 @!p0 $0x0, s1;
	[sflag:s0] =	ssyncset.done @!p0 $0x0  }
0xf1: {  	[sflag:s0] =	ssyncadd.s32 @!p0 s1  }
0xf2: {  	[bflag:$0x3] =	sbarrier.arrive $0xFFFF  }
0xf3: {  	_ =	shalt  }

</sc_bundles>
